<compile_context>
chip_gen: v7x
topology: tpu7x:2x2x1
jax: 0.10.2.dev20260603
libtpu: 0.0.44.dev20260713+nightly
codegen_flags: <defaults>
</compile_context>

<pallas_src>
import functools
import math

import jax
import jax.numpy as jnp
from jax import lax
from jax.experimental import pallas as pl
from jax.experimental.pallas import tpu as pltpu
from jax.experimental.pallas import tpu_sc as plsc

AVG_NUM_NEIGHBORS = 32.0

NC = 2
NS = 16
NW = NC * NS


CHUNK_A = 100


def _sc_gather_attrs(n_edges, n_nodes, d_attr):
    epw = n_edges // NW
    nchunk = epw // CHUNK_A
    stage_rows = 40
    n_stage = n_nodes // stage_rows
    stage_iters = -(-n_stage // NS)
    mesh = plsc.VectorSubcoreMesh(core_axis_name="c", subcore_axis_name="s")

    @functools.partial(
        pl.kernel,
        out_type=jax.ShapeDtypeStruct((n_edges, d_attr), jnp.float32),
        mesh=mesh,
        scratch_types=[
            pltpu.VMEM_SHARED((n_nodes, d_attr), jnp.float32),
            pltpu.VMEM((nchunk, CHUNK_A), jnp.int32),
            pltpu.VMEM((stage_rows, d_attr), jnp.float32),
            pltpu.VMEM((2, CHUNK_A, d_attr), jnp.float32),
            pltpu.SemaphoreType.DMA,
            pltpu.SemaphoreType.DMA,
        ],
        compiler_params=pltpu.CompilerParams(use_tc_tiling_on_sc=False),
    )
    def k(attrs_hbm, sidx_hbm, g_hbm, attrs_sh, idx_v, stage_v, rows_v, w0, w1):
        cid = lax.axis_index("c")
        sid = lax.axis_index("s")
        wid = sid * NC + cid
        base = wid * nchunk
        wsem = [w0, w1]

        for kk in range(stage_iters):
            c = kk * NS + sid

            @pl.when(c < n_stage)
            def _():
                pltpu.sync_copy(attrs_hbm.at[pl.ds(c * stage_rows, stage_rows)],
                                stage_v)
                pltpu.sync_copy(stage_v,
                                attrs_sh.at[pl.ds(c * stage_rows, stage_rows)])
        plsc.subcore_barrier()

        pltpu.sync_copy(sidx_hbm.at[wid], idx_v)

        def wcopy(jj, b):
            return pltpu.make_async_copy(
                rows_v.at[b],
                g_hbm.at[pl.ds((base + jj) * CHUNK_A, CHUNK_A)], wsem[b])

        def step(j2, _):
            for b in range(2):
                j = j2 * 2 + b
                @pl.when(j2 > 0)
                def _():
                    wcopy(j - 2, b).wait()
                pltpu.sync_copy(attrs_sh.at[idx_v.at[j]], rows_v.at[b])
                wcopy(j, b).start()
            return 0

        lax.fori_loop(0, nchunk // 2, step, 0)
        wcopy(nchunk - 2, 0).wait()
        wcopy(nchunk - 1, 1).wait()

    return k


CHUNK_B = 40
ROW_GRP = 5


def _sc_scatter(n_edges, n_nodes, d_feat):
    epw = n_edges // NW
    nchunk = epw // CHUNK_B
    dump_chunk = 40
    n_dump = n_nodes // dump_chunk
    dump_iters = -(-n_dump // NS)
    mesh = plsc.VectorSubcoreMesh(core_axis_name="c", subcore_axis_name="s")

    @functools.partial(
        pl.kernel,
        out_type=jax.ShapeDtypeStruct((NC, n_nodes, d_feat), jnp.float32),
        mesh=mesh,
        scratch_types=[
            pltpu.VMEM_SHARED((n_nodes, d_feat), jnp.float32),
            pltpu.VMEM((nchunk, CHUNK_B), jnp.int32),
            pltpu.VMEM((nchunk, CHUNK_B), jnp.int32),
            pltpu.VMEM((2, CHUNK_B, d_feat), jnp.float32),
            pltpu.VMEM((2, CHUNK_B, d_feat), jnp.float32),
            pltpu.VMEM((CHUNK_B, d_feat), jnp.float32),
            pltpu.SemaphoreType.DMA,
            pltpu.SemaphoreType.DMA,
            pltpu.SemaphoreType.DMA,
            pltpu.SemaphoreType.DMA,
            pltpu.SemaphoreType.DMA,
        ],
        compiler_params=pltpu.CompilerParams(use_tc_tiling_on_sc=False),
    )
    def k(nf_hbm, tp_hbm, sidx_hbm, ridx_hbm, out_hbm,
          msg_sh, sidx_v, ridx_v, nf_b, tp_b, mji, g0, g1, t0, t1, ssem):
        cid = lax.axis_index("c")
        sid = lax.axis_index("s")
        wid = sid * NC + cid
        base = wid * nchunk
        gsem = [g0, g1]
        tsem = [t0, t1]

        def gcopy(jj, b):
            return pltpu.make_async_copy(nf_hbm.at[sidx_v.at[jj]],
                                         nf_b.at[b], gsem[b])

        def tcopy(jj, b):
            return pltpu.make_async_copy(
                tp_hbm.at[pl.ds((base + jj) * CHUNK_B, CHUNK_B)], tp_b.at[b],
                tsem[b])

        def scopy(jj):
            return pltpu.make_async_copy(mji, msg_sh.at[ridx_v.at[jj]], ssem)

        def zrow(i, _):
            for t in range(d_feat // 16):
                mji[i, pl.ds(t * 16, 16)] = jnp.zeros((16,), jnp.float32)
            return 0

        lax.fori_loop(0, dump_chunk, zrow, 0)
        for kk in range(dump_iters):
            c = kk * NS + sid

            @pl.when(c < n_dump)
            def _():
                pltpu.sync_copy(mji.at[pl.ds(0, dump_chunk)],
                                msg_sh.at[pl.ds(c * dump_chunk, dump_chunk)])
        plsc.subcore_barrier()

        pltpu.sync_copy(sidx_hbm.at[wid], sidx_v)
        pltpu.sync_copy(ridx_hbm.at[wid], ridx_v)

        gcopy(0, 0).start()
        tcopy(0, 0).start()
        gcopy(1, 1).start()
        tcopy(1, 1).start()

        def step(j2, _):
            for b in range(2):
                j = j2 * 2 + b
                gcopy(j, b).wait()
                tcopy(j, b).wait()
                if b == 1:
                    scopy(j - 1).wait()
                else:
                    @pl.when(j2 > 0)
                    def _():
                        scopy(j - 1).wait()

                def rows(i5, _):
                    for r in range(ROW_GRP):
                        i = i5 * ROW_GRP + r
                        for t in range(d_feat // 16):
                            s = pl.ds(t * 16, 16)
                            mji[i, s] = tp_b[b, i, s] * nf_b[b, i, s]
                    return 0

                lax.fori_loop(0, CHUNK_B // ROW_GRP, rows, 0)
                scopy(j).start(add=True)

                @pl.when(j2 * 2 + b + 2 < nchunk)
                def _():
                    gcopy(j + 2, b).start()
                    tcopy(j + 2, b).start()
            return 0

        lax.fori_loop(0, nchunk // 2, step, 0)
        scopy(nchunk - 1).wait()
        plsc.subcore_barrier()

        for kk in range(dump_iters):
            c = kk * NS + sid

            @pl.when(c < n_dump)
            def _():
                r0 = c * dump_chunk
                pltpu.sync_copy(msg_sh.at[pl.ds(r0, dump_chunk)],
                                out_hbm.at[cid, pl.ds(r0, dump_chunk)])

    return k


def _tc_mlp_body(g_ref, ef_ref, ea_ref, w1t_ref, w1b_ref, b1_ref, w2_ref,
                 b2_ref, out_ref):
    bf = jnp.bfloat16
    x = (jnp.dot(g_ref[...].astype(bf), w1t_ref[...].astype(bf),
                 preferred_element_type=jnp.float32)
         + jnp.dot(ef_ref[...].astype(bf), w1b_ref[...].astype(bf),
                   preferred_element_type=jnp.float32)
         + b1_ref[...])
    h = jnp.maximum(x, 0.0)
    tp = jnp.dot(h.astype(bf), w2_ref[...].astype(bf),
                 preferred_element_type=jnp.float32) + b2_ref[...]
    out_ref[...] = tp * ea_ref[...]


def _tc_mlp(g16, edge_feats, edge_attrs, w1t, w1b, b1, w2, b2, blk_e):
    n_edges, d_attr = g16.shape
    d_edge = edge_feats.shape[1]
    d_feat = w2.shape[1]
    grid = (n_edges // blk_e,)
    return pl.pallas_call(
        _tc_mlp_body,
        grid=grid,
        in_specs=[
            pl.BlockSpec((blk_e, d_attr), lambda i: (i, 0)),
            pl.BlockSpec((blk_e, d_edge), lambda i: (i, 0)),
            pl.BlockSpec((blk_e, 1), lambda i: (i, 0)),
            pl.BlockSpec((d_attr, d_attr + d_edge), lambda i: (0, 0)),
            pl.BlockSpec((d_edge, d_attr + d_edge), lambda i: (0, 0)),
            pl.BlockSpec((1, d_attr + d_edge), lambda i: (0, 0)),
            pl.BlockSpec((d_attr + d_edge, d_feat), lambda i: (0, 0)),
            pl.BlockSpec((1, d_feat), lambda i: (0, 0)),
        ],
        out_specs=pl.BlockSpec((blk_e, d_feat), lambda i: (i, 0)),
        out_shape=jax.ShapeDtypeStruct((n_edges, d_feat), jnp.float32),
    )(g16, edge_feats, edge_attrs, w1t, w1b, b1, w2, b2)


def _tc_out_body(p_ref, attr_ref, wlin_ref, wskip_ref, out_ref, *, d_attr,
                 n_part, s1, s2):
    bf = jnp.bfloat16
    msg = p_ref[0]
    for q in range(1, n_part):
        msg = msg + p_ref[q]
    m = jnp.dot(msg.astype(bf), wlin_ref[...].astype(bf),
                preferred_element_type=jnp.float32) * s1
    mb = m.astype(bf)
    acc = jnp.dot(mb, wskip_ref[0].astype(bf),
                  preferred_element_type=jnp.float32) * attr_ref[:, 0:1]
    for v in range(1, d_attr):
        acc = acc + jnp.dot(mb, wskip_ref[v].astype(bf),
                            preferred_element_type=jnp.float32) \
            * attr_ref[:, v:v + 1]
    out_ref[...] = acc * s2


def _tc_out(partials, node_attrs, w_lin, w_skip_t, blk_n):
    n_part, n_nodes, d_feat = partials.shape
    d_attr = node_attrs.shape[1]
    s1 = 1.0 / (math.sqrt(float(d_feat)) * AVG_NUM_NEIGHBORS)
    s2 = 1.0 / math.sqrt(float(d_feat * d_attr))
    grid = (n_nodes // blk_n,)
    body = functools.partial(_tc_out_body, d_attr=d_attr, n_part=n_part,
                             s1=s1, s2=s2)
    return pl.pallas_call(
        body,
        grid=grid,
        in_specs=[
            pl.BlockSpec((n_part, blk_n, d_feat), lambda i: (0, i, 0)),
            pl.BlockSpec((blk_n, d_attr), lambda i: (i, 0)),
            pl.BlockSpec((d_feat, d_feat), lambda i: (0, 0)),
            pl.BlockSpec((d_attr, d_feat, d_feat), lambda i: (0, 0, 0)),
        ],
        out_specs=pl.BlockSpec((blk_n, d_feat), lambda i: (i, 0)),
        out_shape=jax.ShapeDtypeStruct((n_nodes, d_feat), jnp.float32),
    )(partials, node_attrs, w_lin, w_skip_t)


def kernel(node_attrs, node_feats, edge_attrs, edge_feats, edge_index,
           W1, b1, W2, b2, W_lin, W_skip):
    n_nodes, d_attr = node_attrs.shape
    d_feat = node_feats.shape[1]
    n_edges = edge_feats.shape[0]

    sender = edge_index[0].astype(jnp.int32)
    receiver = edge_index[1].astype(jnp.int32)

    epw = n_edges // NW
    sender_a = sender.reshape(NW, epw // CHUNK_A, CHUNK_A)
    sender_b = sender.reshape(NW, epw // CHUNK_B, CHUNK_B)
    receiver_b = receiver.reshape(NW, epw // CHUNK_B, CHUNK_B)

    g16 = _sc_gather_attrs(n_edges, n_nodes, d_attr)(node_attrs, sender_a)

    tp = _tc_mlp(g16, edge_feats, edge_attrs,
                 W1[:d_attr], W1[d_attr:], b1.reshape(1, -1), W2,
                 b2.reshape(1, -1), blk_e=4000)

    partials = _sc_scatter(n_edges, n_nodes, d_feat)(
        node_feats, tp, sender_b, receiver_b)

    w_skip_t = jnp.transpose(W_skip, (1, 0, 2))
    return _tc_out(partials, node_attrs, W_lin, w_skip_t, blk_n=1000)

# --- scband reference (transcript-rebuilt; emitter-appended) ---
"""Pipeline reference for scband-nonlinear-interaction-block-74045236183686 (READ-ONLY COPY).

The authoritative reference and input builder live on the scoring server;
editing this copy changes nothing except your own understanding.
"""

import jax, jax.numpy as jnp
import numpy as np

N_NODES = 10000
N_EDGES = 320000
D_FEAT = 128
D_ATTR = 16
D_EDGE = 16
MLP_IN = D_ATTR + D_EDGE  # 32
AVG_NUM_NEIGHBORS = 32.0


def setup_inputs(seed: int = 0) -> dict:
    key = jax.random.key(seed)
    ks = [jax.random.fold_in(key, i) for i in range(12)]
    node_attrs = jax.random.uniform(ks[0], (N_NODES, D_ATTR), dtype=jnp.float32)
    node_feats = jax.random.normal(ks[1], (N_NODES, D_FEAT), dtype=jnp.float32)
    edge_attrs = jax.random.normal(ks[2], (N_EDGES, 1), dtype=jnp.float32)
    edge_feats = jax.random.normal(ks[3], (N_EDGES, D_EDGE), dtype=jnp.float32)
    edge_index = jax.random.randint(ks[4], (2, N_EDGES), 0, N_NODES, dtype=jnp.int64 if jax.config.jax_enable_x64 else jnp.int32)
    # MLP producing per-edge tensor-product weights (orthogonal-init approximated by scaled normal)
    W1 = jax.random.normal(ks[5], (MLP_IN, MLP_IN), dtype=jnp.float32) / jnp.sqrt(MLP_IN)
    b1 = jnp.zeros((MLP_IN,), dtype=jnp.float32)
    W2 = jax.random.normal(ks[6], (MLP_IN, D_FEAT), dtype=jnp.float32) / jnp.sqrt(MLP_IN)
    b2 = jnp.zeros((D_FEAT,), dtype=jnp.float32)
    # o3.Linear on 128x0e -> 128x0e: plain dense with 1/sqrt(fan_in) normalization applied in forward
    W_lin = jax.random.normal(ks[7], (D_FEAT, D_FEAT), dtype=jnp.float32)
    # FullyConnectedTensorProduct(128x0e, 16x0e -> 128x0e): weight [u, v, w]
    W_skip = jax.random.normal(ks[8], (D_FEAT, D_ATTR, D_FEAT), dtype=jnp.float32)
    return {
        "node_attrs": node_attrs,
        "node_feats": node_feats,
        "edge_attrs": edge_attrs,
        "edge_feats": edge_feats,
        "edge_index": edge_index,
        "W1": W1, "b1": b1, "W2": W2, "b2": b2,
        "W_lin": W_lin, "W_skip": W_skip,
    }


def reference(node_attrs, node_feats, edge_attrs, edge_feats, edge_index, W1, b1, W2, b2, W_lin, W_skip):
    sender = edge_index[0]
    receiver = edge_index[1]
    num_nodes = node_feats.shape[0]
    # conv_tp_weights MLP on [node_attrs[sender] || edge_feats]
    h = jnp.concatenate([jnp.take(node_attrs, sender, axis=0), edge_feats], axis=-1)
    h = jax.nn.relu(h @ W1 + b1)
    tp_weights = h @ W2 + b2  # [E, 128]
    # conv_tp: 128x0e (x) 1x0e -> 128x0e, 'uvu' with external weights -> elementwise product
    mji = jnp.take(node_feats, sender, axis=0) * edge_attrs * tp_weights  # [E, 128]
    # scatter_sum over receiver
    message = jax.ops.segment_sum(mji, receiver, num_segments=num_nodes)  # [N, 128]
    # o3.Linear (1/sqrt(fan_in) normalization) then divide by avg_num_neighbors
    message = (message @ W_lin) / jnp.sqrt(float(D_FEAT)) / AVG_NUM_NEIGHBORS
    # skip_tp: FullyConnectedTensorProduct(128x0e, 16x0e -> 128x0e), alpha = 1/sqrt(mul_u*mul_v)
    out = jnp.einsum('nu,nv,uvw->nw', message, node_attrs, W_skip) / jnp.sqrt(float(D_FEAT * D_ATTR))
    return out

if __name__ == "__main__":
    import jax
    _d = setup_inputs()
    print(jax.jit(kernel)(*tuple(_d.values())))

</pallas_src>

<mosaic_0001>
#map = affine_map<(d0, d1) -> (0, 0)>
#map1 = affine_map<(d0, d1) -> (0, 0, 0)>
module attributes {stable_mosaic.version = 14 : i64} {
  func.func @k(%arg0: i32, %arg1: i32, %arg2: memref<10000x16xf32, #tpu.memory_space<hbm>>, %arg3: memref<32x100x100xi32, #tpu.memory_space<hbm>>, %arg4: memref<320000x16xf32, #tpu.memory_space<hbm>>, %arg5: memref<10000x16xf32, #tpu.memory_space<vmem_shared>>, %arg6: memref<100x100xi32, #tpu.memory_space<vmem>>, %arg7: memref<40x16xf32, #tpu.memory_space<vmem>>, %arg8: memref<2x100x16xf32, #tpu.memory_space<vmem>>, %arg9: memref<!tpu.dma_semaphore, #tpu.memory_space<semaphore_mem>>, %arg10: memref<!tpu.dma_semaphore, #tpu.memory_space<semaphore_mem>>) attributes {dimension_semantics = [#tpu.dimension_semantics<core_parallel>, #tpu.dimension_semantics<subcore_parallel>], iteration_bounds = array<i64: 2, 16>, scalar_prefetch = 0 : i64, scratch_operands = 6 : i64, tpu.core_type = #tpu.core_type<sc_vector_subcore>, window_params = [{transform_indices = #map}, {transform_indices = #map1}, {transform_indices = #map}]} {
    %mul3A = arith.constant 2 : i32
    %mul3A_0 = arith.muli %arg1, %mul3A : i32
    %add3A = arith.addi %mul3A_0, %arg0 : i32
    %mul3A_1 = arith.constant 100 : i32
    %mul3A_2 = arith.muli %add3A, %mul3A_1 : i32
    %add3A_3 = arith.constant 0 : i32
    %add3A_4 = arith.addi %add3A_3, %arg1 : i32
    %lt3A = arith.constant 250 : i32
    %lt3A_5 = arith.cmpi slt, %add3A_4, %lt3A : i32
    %convert_element_type3A = arith.extui %lt3A_5 : i1 to i32
    %cond3A = arith.constant 0 : i32
    %cond3A_6 = arith.cmpi ne, %convert_element_type3A, %cond3A : i32
    scf.if %cond3A_6 {
      %mul3A_151 = arith.constant 40 : i32
      %mul3A_152 = arith.muli %add3A_4, %mul3A_151 : i32
      "tpu.region"() ({
        %run_scoped3A = tpu.sem_alloc : memref<!tpu.dma_semaphore, #tpu.memory_space<semaphore_mem>>
        %dma_start3A = arith.constant 0 : i32
        %dma_start3A_155 = tpu.memref_slice %arg2[%mul3A_152, %dma_start3A] : memref<10000x16xf32, #tpu.memory_space<hbm>> -> memref<40x16xf32, #tpu.memory_space<hbm>>
        %dma_start3A_156 = arith.constant 0 : i32
        %dma_start3A_157 = tpu.memref_slice %arg2[%mul3A_152, %dma_start3A_156] : memref<10000x16xf32, #tpu.memory_space<hbm>> -> memref<40x16xf32, #tpu.memory_space<hbm>>
        tpu.enqueue_dma source(%dma_start3A_157 : memref<40x16xf32, #tpu.memory_space<hbm>>) target(%arg7 : memref<40x16xf32, #tpu.memory_space<vmem>>) target_semaphore(%run_scoped3A : memref<!tpu.dma_semaphore, #tpu.memory_space<semaphore_mem>>)
        %dma_wait3A_158 = arith.constant 0 : i32
        %dma_wait3A_159 = tpu.memref_slice %arg2[%mul3A_152, %dma_wait3A_158] : memref<10000x16xf32, #tpu.memory_space<hbm>> -> memref<40x16xf32, #tpu.memory_space<hbm>>
        %dma_wait3A_160 = arith.constant 0 : i32
        %dma_wait3A_161 = tpu.memref_slice %arg2[%mul3A_152, %dma_wait3A_160] : memref<10000x16xf32, #tpu.memory_space<hbm>> -> memref<40x16xf32, #tpu.memory_space<hbm>>
        tpu.wait_dma2 semaphore(%run_scoped3A : memref<!tpu.dma_semaphore, #tpu.memory_space<semaphore_mem>>) src(%dma_wait3A_161 : memref<40x16xf32, #tpu.memory_space<hbm>>) dst(%arg7 : memref<40x16xf32, #tpu.memory_space<vmem>>)
        tpu.yield
      }) : () -> ()
      %mul3A_153 = arith.constant 40 : i32
      %mul3A_154 = arith.muli %add3A_4, %mul3A_153 : i32
      "tpu.region"() ({
        %run_scoped3A = tpu.sem_alloc : memref<!tpu.dma_semaphore, #tpu.memory_space<semaphore_mem>>
        %dma_start3A = arith.constant 0 : i32
        %dma_start3A_155 = tpu.memref_slice %arg5[%mul3A_154, %dma_start3A] : memref<10000x16xf32, #tpu.memory_space<vmem_shared>> -> memref<40x16xf32, #tpu.memory_space<vmem_shared>>
        %dma_start3A_156 = arith.constant 0 : i32
        %dma_start3A_157 = tpu.memref_slice %arg5[%mul3A_154, %dma_start3A_156] : memref<10000x16xf32, #tpu.memory_space<vmem_shared>> -> memref<40x16xf32, #tpu.memory_space<vmem_shared>>
        tpu.enqueue_dma source(%arg7 : memref<40x16xf32, #tpu.memory_space<vmem>>) target(%dma_start3A_157 : memref<40x16xf32, #tpu.memory_space<vmem_shared>>) target_semaphore(%run_scoped3A : memref<!tpu.dma_semaphore, #tpu.memory_space<semaphore_mem>>)
        %dma_wait3A_158 = arith.constant 0 : i32
        %dma_wait3A_159 = tpu.memref_slice %arg5[%mul3A_154, %dma_wait3A_158] : memref<10000x16xf32, #tpu.memory_space<vmem_shared>> -> memref<40x16xf32, #tpu.memory_space<vmem_shared>>
        %dma_wait3A_160 = arith.constant 0 : i32
        %dma_wait3A_161 = tpu.memref_slice %arg5[%mul3A_154, %dma_wait3A_160] : memref<10000x16xf32, #tpu.memory_space<vmem_shared>> -> memref<40x16xf32, #tpu.memory_space<vmem_shared>>
        tpu.wait_dma2 semaphore(%run_scoped3A : memref<!tpu.dma_semaphore, #tpu.memory_space<semaphore_mem>>) src(%arg7 : memref<40x16xf32, #tpu.memory_space<vmem>>) dst(%dma_wait3A_161 : memref<40x16xf32, #tpu.memory_space<vmem_shared>>)
        tpu.yield
      }) : () -> ()
    } else {
    }
    %add3A_7 = arith.constant 16 : i32
    %add3A_8 = arith.addi %add3A_7, %arg1 : i32
    %lt3A_9 = arith.constant 250 : i32
    %lt3A_10 = arith.cmpi slt, %add3A_8, %lt3A_9 : i32
    %convert_element_type3A_11 = arith.extui %lt3A_10 : i1 to i32
    %cond3A_12 = arith.constant 0 : i32
    %cond3A_13 = arith.cmpi ne, %convert_element_type3A_11, %cond3A_12 : i32
    scf.if %cond3A_13 {
      %mul3A_151 = arith.constant 40 : i32
      %mul3A_152 = arith.muli %add3A_8, %mul3A_151 : i32
      "tpu.region"() ({
        %run_scoped3A = tpu.sem_alloc : memref<!tpu.dma_semaphore, #tpu.memory_space<semaphore_mem>>
        %dma_start3A = arith.constant 0 : i32
        %dma_start3A_155 = tpu.memref_slice %arg2[%mul3A_152, %dma_start3A] : memref<10000x16xf32, #tpu.memory_space<hbm>> -> memref<40x16xf32, #tpu.memory_space<hbm>>
        %dma_start3A_156 = arith.constant 0 : i32
        %dma_start3A_157 = tpu.memref_slice %arg2[%mul3A_152, %dma_start3A_156] : memref<10000x16xf32, #tpu.memory_space<hbm>> -> memref<40x16xf32, #tpu.memory_space<hbm>>
        tpu.enqueue_dma source(%dma_start3A_157 : memref<40x16xf32, #tpu.memory_space<hbm>>) target(%arg7 : memref<40x16xf32, #tpu.memory_space<vmem>>) target_semaphore(%run_scoped3A : memref<!tpu.dma_semaphore, #tpu.memory_space<semaphore_mem>>)
        %dma_wait3A_158 = arith.constant 0 : i32
        %dma_wait3A_159 = tpu.memref_slice %arg2[%mul3A_152, %dma_wait3A_158] : memref<10000x16xf32, #tpu.memory_space<hbm>> -> memref<40x16xf32, #tpu.memory_space<hbm>>
        %dma_wait3A_160 = arith.constant 0 : i32
        %dma_wait3A_161 = tpu.memref_slice %arg2[%mul3A_152, %dma_wait3A_160] : memref<10000x16xf32, #tpu.memory_space<hbm>> -> memref<40x16xf32, #tpu.memory_space<hbm>>
        tpu.wait_dma2 semaphore(%run_scoped3A : memref<!tpu.dma_semaphore, #tpu.memory_space<semaphore_mem>>) src(%dma_wait3A_161 : memref<40x16xf32, #tpu.memory_space<hbm>>) dst(%arg7 : memref<40x16xf32, #tpu.memory_space<vmem>>)
        tpu.yield
      }) : () -> ()
      %mul3A_153 = arith.constant 40 : i32
      %mul3A_154 = arith.muli %add3A_8, %mul3A_153 : i32
      "tpu.region"() ({
        %run_scoped3A = tpu.sem_alloc : memref<!tpu.dma_semaphore, #tpu.memory_space<semaphore_mem>>
        %dma_start3A = arith.constant 0 : i32
        %dma_start3A_155 = tpu.memref_slice %arg5[%mul3A_154, %dma_start3A] : memref<10000x16xf32, #tpu.memory_space<vmem_shared>> -> memref<40x16xf32, #tpu.memory_space<vmem_shared>>
        %dma_start3A_156 = arith.constant 0 : i32
        %dma_start3A_157 = tpu.memref_slice %arg5[%mul3A_154, %dma_start3A_156] : memref<10000x16xf32, #tpu.memory_space<vmem_shared>> -> memref<40x16xf32, #tpu.memory_space<vmem_shared>>
        tpu.enqueue_dma source(%arg7 : memref<40x16xf32, #tpu.memory_space<vmem>>) target(%dma_start3A_157 : memref<40x16xf32, #tpu.memory_space<vmem_shared>>) target_semaphore(%run_scoped3A : memref<!tpu.dma_semaphore, #tpu.memory_space<semaphore_mem>>)
        %dma_wait3A_158 = arith.constant 0 : i32
        %dma_wait3A_159 = tpu.memref_slice %arg5[%mul3A_154, %dma_wait3A_158] : memref<10000x16xf32, #tpu.memory_space<vmem_shared>> -> memref<40x16xf32, #tpu.memory_space<vmem_shared>>
        %dma_wait3A_160 = arith.constant 0 : i32
        %dma_wait3A_161 = tpu.memref_slice %arg5[%mul3A_154, %dma_wait3A_160] : memref<10000x16xf32, #tpu.memory_space<vmem_shared>> -> memref<40x16xf32, #tpu.memory_space<vmem_shared>>
        tpu.wait_dma2 semaphore(%run_scoped3A : memref<!tpu.dma_semaphore, #tpu.memory_space<semaphore_mem>>) src(%arg7 : memref<40x16xf32, #tpu.memory_space<vmem>>) dst(%dma_wait3A_161 : memref<40x16xf32, #tpu.memory_space<vmem_shared>>)
        tpu.yield
      }) : () -> ()
    } else {
    }
    %add3A_14 = arith.constant 32 : i32
    %add3A_15 = arith.addi %add3A_14, %arg1 : i32
    %lt3A_16 = arith.constant 250 : i32
    %lt3A_17 = arith.cmpi slt, %add3A_15, %lt3A_16 : i32
    %convert_element_type3A_18 = arith.extui %lt3A_17 : i1 to i32
    %cond3A_19 = arith.constant 0 : i32
    %cond3A_20 = arith.cmpi ne, %convert_element_type3A_18, %cond3A_19 : i32
    scf.if %cond3A_20 {
      %mul3A_151 = arith.constant 40 : i32
      %mul3A_152 = arith.muli %add3A_15, %mul3A_151 : i32
      "tpu.region"() ({
        %run_scoped3A = tpu.sem_alloc : memref<!tpu.dma_semaphore, #tpu.memory_space<semaphore_mem>>
        %dma_start3A = arith.constant 0 : i32
        %dma_start3A_155 = tpu.memref_slice %arg2[%mul3A_152, %dma_start3A] : memref<10000x16xf32, #tpu.memory_space<hbm>> -> memref<40x16xf32, #tpu.memory_space<hbm>>
        %dma_start3A_156 = arith.constant 0 : i32
        %dma_start3A_157 = tpu.memref_slice %arg2[%mul3A_152, %dma_start3A_156] : memref<10000x16xf32, #tpu.memory_space<hbm>> -> memref<40x16xf32, #tpu.memory_space<hbm>>
        tpu.enqueue_dma source(%dma_start3A_157 : memref<40x16xf32, #tpu.memory_space<hbm>>) target(%arg7 : memref<40x16xf32, #tpu.memory_space<vmem>>) target_semaphore(%run_scoped3A : memref<!tpu.dma_semaphore, #tpu.memory_space<semaphore_mem>>)
        %dma_wait3A_158 = arith.constant 0 : i32
        %dma_wait3A_159 = tpu.memref_slice %arg2[%mul3A_152, %dma_wait3A_158] : memref<10000x16xf32, #tpu.memory_space<hbm>> -> memref<40x16xf32, #tpu.memory_space<hbm>>
        %dma_wait3A_160 = arith.constant 0 : i32
        %dma_wait3A_161 = tpu.memref_slice %arg2[%mul3A_152, %dma_wait3A_160] : memref<10000x16xf32, #tpu.memory_space<hbm>> -> memref<40x16xf32, #tpu.memory_space<hbm>>
        tpu.wait_dma2 semaphore(%run_scoped3A : memref<!tpu.dma_semaphore, #tpu.memory_space<semaphore_mem>>) src(%dma_wait3A_161 : memref<40x16xf32, #tpu.memory_space<hbm>>) dst(%arg7 : memref<40x16xf32, #tpu.memory_space<vmem>>)
        tpu.yield
      }) : () -> ()
      %mul3A_153 = arith.constant 40 : i32
      %mul3A_154 = arith.muli %add3A_15, %mul3A_153 : i32
      "tpu.region"() ({
        %run_scoped3A = tpu.sem_alloc : memref<!tpu.dma_semaphore, #tpu.memory_space<semaphore_mem>>
        %dma_start3A = arith.constant 0 : i32
        %dma_start3A_155 = tpu.memref_slice %arg5[%mul3A_154, %dma_start3A] : memref<10000x16xf32, #tpu.memory_space<vmem_shared>> -> memref<40x16xf32, #tpu.memory_space<vmem_shared>>
        %dma_start3A_156 = arith.constant 0 : i32
        %dma_start3A_157 = tpu.memref_slice %arg5[%mul3A_154, %dma_start3A_156] : memref<10000x16xf32, #tpu.memory_space<vmem_shared>> -> memref<40x16xf32, #tpu.memory_space<vmem_shared>>
        tpu.enqueue_dma source(%arg7 : memref<40x16xf32, #tpu.memory_space<vmem>>) target(%dma_start3A_157 : memref<40x16xf32, #tpu.memory_space<vmem_shared>>) target_semaphore(%run_scoped3A : memref<!tpu.dma_semaphore, #tpu.memory_space<semaphore_mem>>)
        %dma_wait3A_158 = arith.constant 0 : i32
        %dma_wait3A_159 = tpu.memref_slice %arg5[%mul3A_154, %dma_wait3A_158] : memref<10000x16xf32, #tpu.memory_space<vmem_shared>> -> memref<40x16xf32, #tpu.memory_space<vmem_shared>>
        %dma_wait3A_160 = arith.constant 0 : i32
        %dma_wait3A_161 = tpu.memref_slice %arg5[%mul3A_154, %dma_wait3A_160] : memref<10000x16xf32, #tpu.memory_space<vmem_shared>> -> memref<40x16xf32, #tpu.memory_space<vmem_shared>>
        tpu.wait_dma2 semaphore(%run_scoped3A : memref<!tpu.dma_semaphore, #tpu.memory_space<semaphore_mem>>) src(%arg7 : memref<40x16xf32, #tpu.memory_space<vmem>>) dst(%dma_wait3A_161 : memref<40x16xf32, #tpu.memory_space<vmem_shared>>)
        tpu.yield
      }) : () -> ()
    } else {
    }
    %add3A_21 = arith.constant 48 : i32
    %add3A_22 = arith.addi %add3A_21, %arg1 : i32
    %lt3A_23 = arith.constant 250 : i32
    %lt3A_24 = arith.cmpi slt, %add3A_22, %lt3A_23 : i32
    %convert_element_type3A_25 = arith.extui %lt3A_24 : i1 to i32
    %cond3A_26 = arith.constant 0 : i32
    %cond3A_27 = arith.cmpi ne, %convert_element_type3A_25, %cond3A_26 : i32
    scf.if %cond3A_27 {
      %mul3A_151 = arith.constant 40 : i32
      %mul3A_152 = arith.muli %add3A_22, %mul3A_151 : i32
      "tpu.region"() ({
        %run_scoped3A = tpu.sem_alloc : memref<!tpu.dma_semaphore, #tpu.memory_space<semaphore_mem>>
        %dma_start3A = arith.constant 0 : i32
        %dma_start3A_155 = tpu.memref_slice %arg2[%mul3A_152, %dma_start3A] : memref<10000x16xf32, #tpu.memory_space<hbm>> -> memref<40x16xf32, #tpu.memory_space<hbm>>
        %dma_start3A_156 = arith.constant 0 : i32
        %dma_start3A_157 = tpu.memref_slice %arg2[%mul3A_152, %dma_start3A_156] : memref<10000x16xf32, #tpu.memory_space<hbm>> -> memref<40x16xf32, #tpu.memory_space<hbm>>
        tpu.enqueue_dma source(%dma_start3A_157 : memref<40x16xf32, #tpu.memory_space<hbm>>) target(%arg7 : memref<40x16xf32, #tpu.memory_space<vmem>>) target_semaphore(%run_scoped3A : memref<!tpu.dma_semaphore, #tpu.memory_space<semaphore_mem>>)
        %dma_wait3A_158 = arith.constant 0 : i32
        %dma_wait3A_159 = tpu.memref_slice %arg2[%mul3A_152, %dma_wait3A_158] : memref<10000x16xf32, #tpu.memory_space<hbm>> -> memref<40x16xf32, #tpu.memory_space<hbm>>
        %dma_wait3A_160 = arith.constant 0 : i32
        %dma_wait3A_161 = tpu.memref_slice %arg2[%mul3A_152, %dma_wait3A_160] : memref<10000x16xf32, #tpu.memory_space<hbm>> -> memref<40x16xf32, #tpu.memory_space<hbm>>
        tpu.wait_dma2 semaphore(%run_scoped3A : memref<!tpu.dma_semaphore, #tpu.memory_space<semaphore_mem>>) src(%dma_wait3A_161 : memref<40x16xf32, #tpu.memory_space<hbm>>) dst(%arg7 : memref<40x16xf32, #tpu.memory_space<vmem>>)
        tpu.yield
      }) : () -> ()
      %mul3A_153 = arith.constant 40 : i32
      %mul3A_154 = arith.muli %add3A_22, %mul3A_153 : i32
      "tpu.region"() ({
        %run_scoped3A = tpu.sem_alloc : memref<!tpu.dma_semaphore, #tpu.memory_space<semaphore_mem>>
        %dma_start3A = arith.constant 0 : i32
        %dma_start3A_155 = tpu.memref_slice %arg5[%mul3A_154, %dma_start3A] : memref<10000x16xf32, #tpu.memory_space<vmem_shared>> -> memref<40x16xf32, #tpu.memory_space<vmem_shared>>
        %dma_start3A_156 = arith.constant 0 : i32
        %dma_start3A_157 = tpu.memref_slice %arg5[%mul3A_154, %dma_start3A_156] : memref<10000x16xf32, #tpu.memory_space<vmem_shared>> -> memref<40x16xf32, #tpu.memory_space<vmem_shared>>
        tpu.enqueue_dma source(%arg7 : memref<40x16xf32, #tpu.memory_space<vmem>>) target(%dma_start3A_157 : memref<40x16xf32, #tpu.memory_space<vmem_shared>>) target_semaphore(%run_scoped3A : memref<!tpu.dma_semaphore, #tpu.memory_space<semaphore_mem>>)
        %dma_wait3A_158 = arith.constant 0 : i32
        %dma_wait3A_159 = tpu.memref_slice %arg5[%mul3A_154, %dma_wait3A_158] : memref<10000x16xf32, #tpu.memory_space<vmem_shared>> -> memref<40x16xf32, #tpu.memory_space<vmem_shared>>
        %dma_wait3A_160 = arith.constant 0 : i32
        %dma_wait3A_161 = tpu.memref_slice %arg5[%mul3A_154, %dma_wait3A_160] : memref<10000x16xf32, #tpu.memory_space<vmem_shared>> -> memref<40x16xf32, #tpu.memory_space<vmem_shared>>
        tpu.wait_dma2 semaphore(%run_scoped3A : memref<!tpu.dma_semaphore, #tpu.memory_space<semaphore_mem>>) src(%arg7 : memref<40x16xf32, #tpu.memory_space<vmem>>) dst(%dma_wait3A_161 : memref<40x16xf32, #tpu.memory_space<vmem_shared>>)
        tpu.yield
      }) : () -> ()
    } else {
    }
    %add3A_28 = arith.constant 64 : i32
    %add3A_29 = arith.addi %add3A_28, %arg1 : i32
    %lt3A_30 = arith.constant 250 : i32
    %lt3A_31 = arith.cmpi slt, %add3A_29, %lt3A_30 : i32
    %convert_element_type3A_32 = arith.extui %lt3A_31 : i1 to i32
    %cond3A_33 = arith.constant 0 : i32
    %cond3A_34 = arith.cmpi ne, %convert_element_type3A_32, %cond3A_33 : i32
    scf.if %cond3A_34 {
      %mul3A_151 = arith.constant 40 : i32
      %mul3A_152 = arith.muli %add3A_29, %mul3A_151 : i32
      "tpu.region"() ({
        %run_scoped3A = tpu.sem_alloc : memref<!tpu.dma_semaphore, #tpu.memory_space<semaphore_mem>>
        %dma_start3A = arith.constant 0 : i32
        %dma_start3A_155 = tpu.memref_slice %arg2[%mul3A_152, %dma_start3A] : memref<10000x16xf32, #tpu.memory_space<hbm>> -> memref<40x16xf32, #tpu.memory_space<hbm>>
        %dma_start3A_156 = arith.constant 0 : i32
        %dma_start3A_157 = tpu.memref_slice %arg2[%mul3A_152, %dma_start3A_156] : memref<10000x16xf32, #tpu.memory_space<hbm>> -> memref<40x16xf32, #tpu.memory_space<hbm>>
        tpu.enqueue_dma source(%dma_start3A_157 : memref<40x16xf32, #tpu.memory_space<hbm>>) target(%arg7 : memref<40x16xf32, #tpu.memory_space<vmem>>) target_semaphore(%run_scoped3A : memref<!tpu.dma_semaphore, #tpu.memory_space<semaphore_mem>>)
        %dma_wait3A_158 = arith.constant 0 : i32
        %dma_wait3A_159 = tpu.memref_slice %arg2[%mul3A_152, %dma_wait3A_158] : memref<10000x16xf32, #tpu.memory_space<hbm>> -> memref<40x16xf32, #tpu.memory_space<hbm>>
        %dma_wait3A_160 = arith.constant 0 : i32
        %dma_wait3A_161 = tpu.memref_slice %arg2[%mul3A_152, %dma_wait3A_160] : memref<10000x16xf32, #tpu.memory_space<hbm>> -> memref<40x16xf32, #tpu.memory_space<hbm>>
        tpu.wait_dma2 semaphore(%run_scoped3A : memref<!tpu.dma_semaphore, #tpu.memory_space<semaphore_mem>>) src(%dma_wait3A_161 : memref<40x16xf32, #tpu.memory_space<hbm>>) dst(%arg7 : memref<40x16xf32, #tpu.memory_space<vmem>>)
        tpu.yield
      }) : () -> ()
      %mul3A_153 = arith.constant 40 : i32
      %mul3A_154 = arith.muli %add3A_29, %mul3A_153 : i32
      "tpu.region"() ({
        %run_scoped3A = tpu.sem_alloc : memref<!tpu.dma_semaphore, #tpu.memory_space<semaphore_mem>>
        %dma_start3A = arith.constant 0 : i32
        %dma_start3A_155 = tpu.memref_slice %arg5[%mul3A_154, %dma_start3A] : memref<10000x16xf32, #tpu.memory_space<vmem_shared>> -> memref<40x16xf32, #tpu.memory_space<vmem_shared>>
        %dma_start3A_156 = arith.constant 0 : i32
        %dma_start3A_157 = tpu.memref_slice %arg5[%mul3A_154, %dma_start3A_156] : memref<10000x16xf32, #tpu.memory_space<vmem_shared>> -> memref<40x16xf32, #tpu.memory_space<vmem_shared>>
        tpu.enqueue_dma source(%arg7 : memref<40x16xf32, #tpu.memory_space<vmem>>) target(%dma_start3A_157 : memref<40x16xf32, #tpu.memory_space<vmem_shared>>) target_semaphore(%run_scoped3A : memref<!tpu.dma_semaphore, #tpu.memory_space<semaphore_mem>>)
        %dma_wait3A_158 = arith.constant 0 : i32
        %dma_wait3A_159 = tpu.memref_slice %arg5[%mul3A_154, %dma_wait3A_158] : memref<10000x16xf32, #tpu.memory_space<vmem_shared>> -> memref<40x16xf32, #tpu.memory_space<vmem_shared>>
        %dma_wait3A_160 = arith.constant 0 : i32
        %dma_wait3A_161 = tpu.memref_slice %arg5[%mul3A_154, %dma_wait3A_160] : memref<10000x16xf32, #tpu.memory_space<vmem_shared>> -> memref<40x16xf32, #tpu.memory_space<vmem_shared>>
        tpu.wait_dma2 semaphore(%run_scoped3A : memref<!tpu.dma_semaphore, #tpu.memory_space<semaphore_mem>>) src(%arg7 : memref<40x16xf32, #tpu.memory_space<vmem>>) dst(%dma_wait3A_161 : memref<40x16xf32, #tpu.memory_space<vmem_shared>>)
        tpu.yield
      }) : () -> ()
    } else {
    }
    %add3A_35 = arith.constant 80 : i32
    %add3A_36 = arith.addi %add3A_35, %arg1 : i32
    %lt3A_37 = arith.constant 250 : i32
    %lt3A_38 = arith.cmpi slt, %add3A_36, %lt3A_37 : i32
    %convert_element_type3A_39 = arith.extui %lt3A_38 : i1 to i32
    %cond3A_40 = arith.constant 0 : i32
    %cond3A_41 = arith.cmpi ne, %convert_element_type3A_39, %cond3A_40 : i32
    scf.if %cond3A_41 {
      %mul3A_151 = arith.constant 40 : i32
      %mul3A_152 = arith.muli %add3A_36, %mul3A_151 : i32
      "tpu.region"() ({
        %run_scoped3A = tpu.sem_alloc : memref<!tpu.dma_semaphore, #tpu.memory_space<semaphore_mem>>
        %dma_start3A = arith.constant 0 : i32
        %dma_start3A_155 = tpu.memref_slice %arg2[%mul3A_152, %dma_start3A] : memref<10000x16xf32, #tpu.memory_space<hbm>> -> memref<40x16xf32, #tpu.memory_space<hbm>>
        %dma_start3A_156 = arith.constant 0 : i32
        %dma_start3A_157 = tpu.memref_slice %arg2[%mul3A_152, %dma_start3A_156] : memref<10000x16xf32, #tpu.memory_space<hbm>> -> memref<40x16xf32, #tpu.memory_space<hbm>>
        tpu.enqueue_dma source(%dma_start3A_157 : memref<40x16xf32, #tpu.memory_space<hbm>>) target(%arg7 : memref<40x16xf32, #tpu.memory_space<vmem>>) target_semaphore(%run_scoped3A : memref<!tpu.dma_semaphore, #tpu.memory_space<semaphore_mem>>)
        %dma_wait3A_158 = arith.constant 0 : i32
        %dma_wait3A_159 = tpu.memref_slice %arg2[%mul3A_152, %dma_wait3A_158] : memref<10000x16xf32, #tpu.memory_space<hbm>> -> memref<40x16xf32, #tpu.memory_space<hbm>>
        %dma_wait3A_160 = arith.constant 0 : i32
        %dma_wait3A_161 = tpu.memref_slice %arg2[%mul3A_152, %dma_wait3A_160] : memref<10000x16xf32, #tpu.memory_space<hbm>> -> memref<40x16xf32, #tpu.memory_space<hbm>>
        tpu.wait_dma2 semaphore(%run_scoped3A : memref<!tpu.dma_semaphore, #tpu.memory_space<semaphore_mem>>) src(%dma_wait3A_161 : memref<40x16xf32, #tpu.memory_space<hbm>>) dst(%arg7 : memref<40x16xf32, #tpu.memory_space<vmem>>)
        tpu.yield
      }) : () -> ()
      %mul3A_153 = arith.constant 40 : i32
      %mul3A_154 = arith.muli %add3A_36, %mul3A_153 : i32
      "tpu.region"() ({
        %run_scoped3A = tpu.sem_alloc : memref<!tpu.dma_semaphore, #tpu.memory_space<semaphore_mem>>
        %dma_start3A = arith.constant 0 : i32
        %dma_start3A_155 = tpu.memref_slice %arg5[%mul3A_154, %dma_start3A] : memref<10000x16xf32, #tpu.memory_space<vmem_shared>> -> memref<40x16xf32, #tpu.memory_space<vmem_shared>>
        %dma_start3A_156 = arith.constant 0 : i32
        %dma_start3A_157 = tpu.memref_slice %arg5[%mul3A_154, %dma_start3A_156] : memref<10000x16xf32, #tpu.memory_space<vmem_shared>> -> memref<40x16xf32, #tpu.memory_space<vmem_shared>>
        tpu.enqueue_dma source(%arg7 : memref<40x16xf32, #tpu.memory_space<vmem>>) target(%dma_start3A_157 : memref<40x16xf32, #tpu.memory_space<vmem_shared>>) target_semaphore(%run_scoped3A : memref<!tpu.dma_semaphore, #tpu.memory_space<semaphore_mem>>)
        %dma_wait3A_158 = arith.constant 0 : i32
        %dma_wait3A_159 = tpu.memref_slice %arg5[%mul3A_154, %dma_wait3A_158] : memref<10000x16xf32, #tpu.memory_space<vmem_shared>> -> memref<40x16xf32, #tpu.memory_space<vmem_shared>>
        %dma_wait3A_160 = arith.constant 0 : i32
        %dma_wait3A_161 = tpu.memref_slice %arg5[%mul3A_154, %dma_wait3A_160] : memref<10000x16xf32, #tpu.memory_space<vmem_shared>> -> memref<40x16xf32, #tpu.memory_space<vmem_shared>>
        tpu.wait_dma2 semaphore(%run_scoped3A : memref<!tpu.dma_semaphore, #tpu.memory_space<semaphore_mem>>) src(%arg7 : memref<40x16xf32, #tpu.memory_space<vmem>>) dst(%dma_wait3A_161 : memref<40x16xf32, #tpu.memory_space<vmem_shared>>)
        tpu.yield
      }) : () -> ()
    } else {
    }
    %add3A_42 = arith.constant 96 : i32
    %add3A_43 = arith.addi %add3A_42, %arg1 : i32
    %lt3A_44 = arith.constant 250 : i32
    %lt3A_45 = arith.cmpi slt, %add3A_43, %lt3A_44 : i32
    %convert_element_type3A_46 = arith.extui %lt3A_45 : i1 to i32
    %cond3A_47 = arith.constant 0 : i32
    %cond3A_48 = arith.cmpi ne, %convert_element_type3A_46, %cond3A_47 : i32
    scf.if %cond3A_48 {
      %mul3A_151 = arith.constant 40 : i32
      %mul3A_152 = arith.muli %add3A_43, %mul3A_151 : i32
      "tpu.region"() ({
        %run_scoped3A = tpu.sem_alloc : memref<!tpu.dma_semaphore, #tpu.memory_space<semaphore_mem>>
        %dma_start3A = arith.constant 0 : i32
        %dma_start3A_155 = tpu.memref_slice %arg2[%mul3A_152, %dma_start3A] : memref<10000x16xf32, #tpu.memory_space<hbm>> -> memref<40x16xf32, #tpu.memory_space<hbm>>
        %dma_start3A_156 = arith.constant 0 : i32
        %dma_start3A_157 = tpu.memref_slice %arg2[%mul3A_152, %dma_start3A_156] : memref<10000x16xf32, #tpu.memory_space<hbm>> -> memref<40x16xf32, #tpu.memory_space<hbm>>
        tpu.enqueue_dma source(%dma_start3A_157 : memref<40x16xf32, #tpu.memory_space<hbm>>) target(%arg7 : memref<40x16xf32, #tpu.memory_space<vmem>>) target_semaphore(%run_scoped3A : memref<!tpu.dma_semaphore, #tpu.memory_space<semaphore_mem>>)
        %dma_wait3A_158 = arith.constant 0 : i32
        %dma_wait3A_159 = tpu.memref_slice %arg2[%mul3A_152, %dma_wait3A_158] : memref<10000x16xf32, #tpu.memory_space<hbm>> -> memref<40x16xf32, #tpu.memory_space<hbm>>
        %dma_wait3A_160 = arith.constant 0 : i32
        %dma_wait3A_161 = tpu.memref_slice %arg2[%mul3A_152, %dma_wait3A_160] : memref<10000x16xf32, #tpu.memory_space<hbm>> -> memref<40x16xf32, #tpu.memory_space<hbm>>
        tpu.wait_dma2 semaphore(%run_scoped3A : memref<!tpu.dma_semaphore, #tpu.memory_space<semaphore_mem>>) src(%dma_wait3A_161 : memref<40x16xf32, #tpu.memory_space<hbm>>) dst(%arg7 : memref<40x16xf32, #tpu.memory_space<vmem>>)
        tpu.yield
      }) : () -> ()
      %mul3A_153 = arith.constant 40 : i32
      %mul3A_154 = arith.muli %add3A_43, %mul3A_153 : i32
      "tpu.region"() ({
        %run_scoped3A = tpu.sem_alloc : memref<!tpu.dma_semaphore, #tpu.memory_space<semaphore_mem>>
        %dma_start3A = arith.constant 0 : i32
        %dma_start3A_155 = tpu.memref_slice %arg5[%mul3A_154, %dma_start3A] : memref<10000x16xf32, #tpu.memory_space<vmem_shared>> -> memref<40x16xf32, #tpu.memory_space<vmem_shared>>
        %dma_start3A_156 = arith.constant 0 : i32
        %dma_start3A_157 = tpu.memref_slice %arg5[%mul3A_154, %dma_start3A_156] : memref<10000x16xf32, #tpu.memory_space<vmem_shared>> -> memref<40x16xf32, #tpu.memory_space<vmem_shared>>
        tpu.enqueue_dma source(%arg7 : memref<40x16xf32, #tpu.memory_space<vmem>>) target(%dma_start3A_157 : memref<40x16xf32, #tpu.memory_space<vmem_shared>>) target_semaphore(%run_scoped3A : memref<!tpu.dma_semaphore, #tpu.memory_space<semaphore_mem>>)
        %dma_wait3A_158 = arith.constant 0 : i32
        %dma_wait3A_159 = tpu.memref_slice %arg5[%mul3A_154, %dma_wait3A_158] : memref<10000x16xf32, #tpu.memory_space<vmem_shared>> -> memref<40x16xf32, #tpu.memory_space<vmem_shared>>
        %dma_wait3A_160 = arith.constant 0 : i32
        %dma_wait3A_161 = tpu.memref_slice %arg5[%mul3A_154, %dma_wait3A_160] : memref<10000x16xf32, #tpu.memory_space<vmem_shared>> -> memref<40x16xf32, #tpu.memory_space<vmem_shared>>
        tpu.wait_dma2 semaphore(%run_scoped3A : memref<!tpu.dma_semaphore, #tpu.memory_space<semaphore_mem>>) src(%arg7 : memref<40x16xf32, #tpu.memory_space<vmem>>) dst(%dma_wait3A_161 : memref<40x16xf32, #tpu.memory_space<vmem_shared>>)
        tpu.yield
      }) : () -> ()
    } else {
    }
    %add3A_49 = arith.constant 112 : i32
    %add3A_50 = arith.addi %add3A_49, %arg1 : i32
    %lt3A_51 = arith.constant 250 : i32
    %lt3A_52 = arith.cmpi slt, %add3A_50, %lt3A_51 : i32
    %convert_element_type3A_53 = arith.extui %lt3A_52 : i1 to i32
    %cond3A_54 = arith.constant 0 : i32
    %cond3A_55 = arith.cmpi ne, %convert_element_type3A_53, %cond3A_54 : i32
    scf.if %cond3A_55 {
      %mul3A_151 = arith.constant 40 : i32
      %mul3A_152 = arith.muli %add3A_50, %mul3A_151 : i32
      "tpu.region"() ({
        %run_scoped3A = tpu.sem_alloc : memref<!tpu.dma_semaphore, #tpu.memory_space<semaphore_mem>>
        %dma_start3A = arith.constant 0 : i32
        %dma_start3A_155 = tpu.memref_slice %arg2[%mul3A_152, %dma_start3A] : memref<10000x16xf32, #tpu.memory_space<hbm>> -> memref<40x16xf32, #tpu.memory_space<hbm>>
        %dma_start3A_156 = arith.constant 0 : i32
        %dma_start3A_157 = tpu.memref_slice %arg2[%mul3A_152, %dma_start3A_156] : memref<10000x16xf32, #tpu.memory_space<hbm>> -> memref<40x16xf32, #tpu.memory_space<hbm>>
        tpu.enqueue_dma source(%dma_start3A_157 : memref<40x16xf32, #tpu.memory_space<hbm>>) target(%arg7 : memref<40x16xf32, #tpu.memory_space<vmem>>) target_semaphore(%run_scoped3A : memref<!tpu.dma_semaphore, #tpu.memory_space<semaphore_mem>>)
        %dma_wait3A_158 = arith.constant 0 : i32
        %dma_wait3A_159 = tpu.memref_slice %arg2[%mul3A_152, %dma_wait3A_158] : memref<10000x16xf32, #tpu.memory_space<hbm>> -> memref<40x16xf32, #tpu.memory_space<hbm>>
        %dma_wait3A_160 = arith.constant 0 : i32
        %dma_wait3A_161 = tpu.memref_slice %arg2[%mul3A_152, %dma_wait3A_160] : memref<10000x16xf32, #tpu.memory_space<hbm>> -> memref<40x16xf32, #tpu.memory_space<hbm>>
        tpu.wait_dma2 semaphore(%run_scoped3A : memref<!tpu.dma_semaphore, #tpu.memory_space<semaphore_mem>>) src(%dma_wait3A_161 : memref<40x16xf32, #tpu.memory_space<hbm>>) dst(%arg7 : memref<40x16xf32, #tpu.memory_space<vmem>>)
        tpu.yield
      }) : () -> ()
      %mul3A_153 = arith.constant 40 : i32
      %mul3A_154 = arith.muli %add3A_50, %mul3A_153 : i32
      "tpu.region"() ({
        %run_scoped3A = tpu.sem_alloc : memref<!tpu.dma_semaphore, #tpu.memory_space<semaphore_mem>>
        %dma_start3A = arith.constant 0 : i32
        %dma_start3A_155 = tpu.memref_slice %arg5[%mul3A_154, %dma_start3A] : memref<10000x16xf32, #tpu.memory_space<vmem_shared>> -> memref<40x16xf32, #tpu.memory_space<vmem_shared>>
        %dma_start3A_156 = arith.constant 0 : i32
        %dma_start3A_157 = tpu.memref_slice %arg5[%mul3A_154, %dma_start3A_156] : memref<10000x16xf32, #tpu.memory_space<vmem_shared>> -> memref<40x16xf32, #tpu.memory_space<vmem_shared>>
        tpu.enqueue_dma source(%arg7 : memref<40x16xf32, #tpu.memory_space<vmem>>) target(%dma_start3A_157 : memref<40x16xf32, #tpu.memory_space<vmem_shared>>) target_semaphore(%run_scoped3A : memref<!tpu.dma_semaphore, #tpu.memory_space<semaphore_mem>>)
        %dma_wait3A_158 = arith.constant 0 : i32
        %dma_wait3A_159 = tpu.memref_slice %arg5[%mul3A_154, %dma_wait3A_158] : memref<10000x16xf32, #tpu.memory_space<vmem_shared>> -> memref<40x16xf32, #tpu.memory_space<vmem_shared>>
        %dma_wait3A_160 = arith.constant 0 : i32
        %dma_wait3A_161 = tpu.memref_slice %arg5[%mul3A_154, %dma_wait3A_160] : memref<10000x16xf32, #tpu.memory_space<vmem_shared>> -> memref<40x16xf32, #tpu.memory_space<vmem_shared>>
        tpu.wait_dma2 semaphore(%run_scoped3A : memref<!tpu.dma_semaphore, #tpu.memory_space<semaphore_mem>>) src(%arg7 : memref<40x16xf32, #tpu.memory_space<vmem>>) dst(%dma_wait3A_161 : memref<40x16xf32, #tpu.memory_space<vmem_shared>>)
        tpu.yield
      }) : () -> ()
    } else {
    }
    %add3A_56 = arith.constant 128 : i32
    %add3A_57 = arith.addi %add3A_56, %arg1 : i32
    %lt3A_58 = arith.constant 250 : i32
    %lt3A_59 = arith.cmpi slt, %add3A_57, %lt3A_58 : i32
    %convert_element_type3A_60 = arith.extui %lt3A_59 : i1 to i32
    %cond3A_61 = arith.constant 0 : i32
    %cond3A_62 = arith.cmpi ne, %convert_element_type3A_60, %cond3A_61 : i32
    scf.if %cond3A_62 {
      %mul3A_151 = arith.constant 40 : i32
      %mul3A_152 = arith.muli %add3A_57, %mul3A_151 : i32
      "tpu.region"() ({
        %run_scoped3A = tpu.sem_alloc : memref<!tpu.dma_semaphore, #tpu.memory_space<semaphore_mem>>
        %dma_start3A = arith.constant 0 : i32
        %dma_start3A_155 = tpu.memref_slice %arg2[%mul3A_152, %dma_start3A] : memref<10000x16xf32, #tpu.memory_space<hbm>> -> memref<40x16xf32, #tpu.memory_space<hbm>>
        %dma_start3A_156 = arith.constant 0 : i32
        %dma_start3A_157 = tpu.memref_slice %arg2[%mul3A_152, %dma_start3A_156] : memref<10000x16xf32, #tpu.memory_space<hbm>> -> memref<40x16xf32, #tpu.memory_space<hbm>>
        tpu.enqueue_dma source(%dma_start3A_157 : memref<40x16xf32, #tpu.memory_space<hbm>>) target(%arg7 : memref<40x16xf32, #tpu.memory_space<vmem>>) target_semaphore(%run_scoped3A : memref<!tpu.dma_semaphore, #tpu.memory_space<semaphore_mem>>)
        %dma_wait3A_158 = arith.constant 0 : i32
        %dma_wait3A_159 = tpu.memref_slice %arg2[%mul3A_152, %dma_wait3A_158] : memref<10000x16xf32, #tpu.memory_space<hbm>> -> memref<40x16xf32, #tpu.memory_space<hbm>>
        %dma_wait3A_160 = arith.constant 0 : i32
        %dma_wait3A_161 = tpu.memref_slice %arg2[%mul3A_152, %dma_wait3A_160] : memref<10000x16xf32, #tpu.memory_space<hbm>> -> memref<40x16xf32, #tpu.memory_space<hbm>>
        tpu.wait_dma2 semaphore(%run_scoped3A : memref<!tpu.dma_semaphore, #tpu.memory_space<semaphore_mem>>) src(%dma_wait3A_161 : memref<40x16xf32, #tpu.memory_space<hbm>>) dst(%arg7 : memref<40x16xf32, #tpu.memory_space<vmem>>)
        tpu.yield
      }) : () -> ()
      %mul3A_153 = arith.constant 40 : i32
      %mul3A_154 = arith.muli %add3A_57, %mul3A_153 : i32
      "tpu.region"() ({
        %run_scoped3A = tpu.sem_alloc : memref<!tpu.dma_semaphore, #tpu.memory_space<semaphore_mem>>
        %dma_start3A = arith.constant 0 : i32
        %dma_start3A_155 = tpu.memref_slice %arg5[%mul3A_154, %dma_start3A] : memref<10000x16xf32, #tpu.memory_space<vmem_shared>> -> memref<40x16xf32, #tpu.memory_space<vmem_shared>>
        %dma_start3A_156 = arith.constant 0 : i32
        %dma_start3A_157 = tpu.memref_slice %arg5[%mul3A_154, %dma_start3A_156] : memref<10000x16xf32, #tpu.memory_space<vmem_shared>> -> memref<40x16xf32, #tpu.memory_space<vmem_shared>>
        tpu.enqueue_dma source(%arg7 : memref<40x16xf32, #tpu.memory_space<vmem>>) target(%dma_start3A_157 : memref<40x16xf32, #tpu.memory_space<vmem_shared>>) target_semaphore(%run_scoped3A : memref<!tpu.dma_semaphore, #tpu.memory_space<semaphore_mem>>)
        %dma_wait3A_158 = arith.constant 0 : i32
        %dma_wait3A_159 = tpu.memref_slice %arg5[%mul3A_154, %dma_wait3A_158] : memref<10000x16xf32, #tpu.memory_space<vmem_shared>> -> memref<40x16xf32, #tpu.memory_space<vmem_shared>>
        %dma_wait3A_160 = arith.constant 0 : i32
        %dma_wait3A_161 = tpu.memref_slice %arg5[%mul3A_154, %dma_wait3A_160] : memref<10000x16xf32, #tpu.memory_space<vmem_shared>> -> memref<40x16xf32, #tpu.memory_space<vmem_shared>>
        tpu.wait_dma2 semaphore(%run_scoped3A : memref<!tpu.dma_semaphore, #tpu.memory_space<semaphore_mem>>) src(%arg7 : memref<40x16xf32, #tpu.memory_space<vmem>>) dst(%dma_wait3A_161 : memref<40x16xf32, #tpu.memory_space<vmem_shared>>)
        tpu.yield
      }) : () -> ()
    } else {
    }
    %add3A_63 = arith.constant 144 : i32
    %add3A_64 = arith.addi %add3A_63, %arg1 : i32
    %lt3A_65 = arith.constant 250 : i32
    %lt3A_66 = arith.cmpi slt, %add3A_64, %lt3A_65 : i32
    %convert_element_type3A_67 = arith.extui %lt3A_66 : i1 to i32
    %cond3A_68 = arith.constant 0 : i32
    %cond3A_69 = arith.cmpi ne, %convert_element_type3A_67, %cond3A_68 : i32
    scf.if %cond3A_69 {
      %mul3A_151 = arith.constant 40 : i32
      %mul3A_152 = arith.muli %add3A_64, %mul3A_151 : i32
      "tpu.region"() ({
        %run_scoped3A = tpu.sem_alloc : memref<!tpu.dma_semaphore, #tpu.memory_space<semaphore_mem>>
        %dma_start3A = arith.constant 0 : i32
        %dma_start3A_155 = tpu.memref_slice %arg2[%mul3A_152, %dma_start3A] : memref<10000x16xf32, #tpu.memory_space<hbm>> -> memref<40x16xf32, #tpu.memory_space<hbm>>
        %dma_start3A_156 = arith.constant 0 : i32
        %dma_start3A_157 = tpu.memref_slice %arg2[%mul3A_152, %dma_start3A_156] : memref<10000x16xf32, #tpu.memory_space<hbm>> -> memref<40x16xf32, #tpu.memory_space<hbm>>
        tpu.enqueue_dma source(%dma_start3A_157 : memref<40x16xf32, #tpu.memory_space<hbm>>) target(%arg7 : memref<40x16xf32, #tpu.memory_space<vmem>>) target_semaphore(%run_scoped3A : memref<!tpu.dma_semaphore, #tpu.memory_space<semaphore_mem>>)
        %dma_wait3A_158 = arith.constant 0 : i32
        %dma_wait3A_159 = tpu.memref_slice %arg2[%mul3A_152, %dma_wait3A_158] : memref<10000x16xf32, #tpu.memory_space<hbm>> -> memref<40x16xf32, #tpu.memory_space<hbm>>
        %dma_wait3A_160 = arith.constant 0 : i32
        %dma_wait3A_161 = tpu.memref_slice %arg2[%mul3A_152, %dma_wait3A_160] : memref<10000x16xf32, #tpu.memory_space<hbm>> -> memref<40x16xf32, #tpu.memory_space<hbm>>
        tpu.wait_dma2 semaphore(%run_scoped3A : memref<!tpu.dma_semaphore, #tpu.memory_space<semaphore_mem>>) src(%dma_wait3A_161 : memref<40x16xf32, #tpu.memory_space<hbm>>) dst(%arg7 : memref<40x16xf32, #tpu.memory_space<vmem>>)
        tpu.yield
      }) : () -> ()
      %mul3A_153 = arith.constant 40 : i32
      %mul3A_154 = arith.muli %add3A_64, %mul3A_153 : i32
      "tpu.region"() ({
        %run_scoped3A = tpu.sem_alloc : memref<!tpu.dma_semaphore, #tpu.memory_space<semaphore_mem>>
        %dma_start3A = arith.constant 0 : i32
        %dma_start3A_155 = tpu.memref_slice %arg5[%mul3A_154, %dma_start3A] : memref<10000x16xf32, #tpu.memory_space<vmem_shared>> -> memref<40x16xf32, #tpu.memory_space<vmem_shared>>
        %dma_start3A_156 = arith.constant 0 : i32
        %dma_start3A_157 = tpu.memref_slice %arg5[%mul3A_154, %dma_start3A_156] : memref<10000x16xf32, #tpu.memory_space<vmem_shared>> -> memref<40x16xf32, #tpu.memory_space<vmem_shared>>
        tpu.enqueue_dma source(%arg7 : memref<40x16xf32, #tpu.memory_space<vmem>>) target(%dma_start3A_157 : memref<40x16xf32, #tpu.memory_space<vmem_shared>>) target_semaphore(%run_scoped3A : memref<!tpu.dma_semaphore, #tpu.memory_space<semaphore_mem>>)
        %dma_wait3A_158 = arith.constant 0 : i32
        %dma_wait3A_159 = tpu.memref_slice %arg5[%mul3A_154, %dma_wait3A_158] : memref<10000x16xf32, #tpu.memory_space<vmem_shared>> -> memref<40x16xf32, #tpu.memory_space<vmem_shared>>
        %dma_wait3A_160 = arith.constant 0 : i32
        %dma_wait3A_161 = tpu.memref_slice %arg5[%mul3A_154, %dma_wait3A_160] : memref<10000x16xf32, #tpu.memory_space<vmem_shared>> -> memref<40x16xf32, #tpu.memory_space<vmem_shared>>
        tpu.wait_dma2 semaphore(%run_scoped3A : memref<!tpu.dma_semaphore, #tpu.memory_space<semaphore_mem>>) src(%arg7 : memref<40x16xf32, #tpu.memory_space<vmem>>) dst(%dma_wait3A_161 : memref<40x16xf32, #tpu.memory_space<vmem_shared>>)
        tpu.yield
      }) : () -> ()
    } else {
    }
    %add3A_70 = arith.constant 160 : i32
    %add3A_71 = arith.addi %add3A_70, %arg1 : i32
    %lt3A_72 = arith.constant 250 : i32
    %lt3A_73 = arith.cmpi slt, %add3A_71, %lt3A_72 : i32
    %convert_element_type3A_74 = arith.extui %lt3A_73 : i1 to i32
    %cond3A_75 = arith.constant 0 : i32
    %cond3A_76 = arith.cmpi ne, %convert_element_type3A_74, %cond3A_75 : i32
    scf.if %cond3A_76 {
      %mul3A_151 = arith.constant 40 : i32
      %mul3A_152 = arith.muli %add3A_71, %mul3A_151 : i32
      "tpu.region"() ({
        %run_scoped3A = tpu.sem_alloc : memref<!tpu.dma_semaphore, #tpu.memory_space<semaphore_mem>>
        %dma_start3A = arith.constant 0 : i32
        %dma_start3A_155 = tpu.memref_slice %arg2[%mul3A_152, %dma_start3A] : memref<10000x16xf32, #tpu.memory_space<hbm>> -> memref<40x16xf32, #tpu.memory_space<hbm>>
        %dma_start3A_156 = arith.constant 0 : i32
        %dma_start3A_157 = tpu.memref_slice %arg2[%mul3A_152, %dma_start3A_156] : memref<10000x16xf32, #tpu.memory_space<hbm>> -> memref<40x16xf32, #tpu.memory_space<hbm>>
        tpu.enqueue_dma source(%dma_start3A_157 : memref<40x16xf32, #tpu.memory_space<hbm>>) target(%arg7 : memref<40x16xf32, #tpu.memory_space<vmem>>) target_semaphore(%run_scoped3A : memref<!tpu.dma_semaphore, #tpu.memory_space<semaphore_mem>>)
        %dma_wait3A_158 = arith.constant 0 : i32
        %dma_wait3A_159 = tpu.memref_slice %arg2[%mul3A_152, %dma_wait3A_158] : memref<10000x16xf32, #tpu.memory_space<hbm>> -> memref<40x16xf32, #tpu.memory_space<hbm>>
        %dma_wait3A_160 = arith.constant 0 : i32
        %dma_wait3A_161 = tpu.memref_slice %arg2[%mul3A_152, %dma_wait3A_160] : memref<10000x16xf32, #tpu.memory_space<hbm>> -> memref<40x16xf32, #tpu.memory_space<hbm>>
        tpu.wait_dma2 semaphore(%run_scoped3A : memref<!tpu.dma_semaphore, #tpu.memory_space<semaphore_mem>>) src(%dma_wait3A_161 : memref<40x16xf32, #tpu.memory_space<hbm>>) dst(%arg7 : memref<40x16xf32, #tpu.memory_space<vmem>>)
        tpu.yield
      }) : () -> ()
      %mul3A_153 = arith.constant 40 : i32
      %mul3A_154 = arith.muli %add3A_71, %mul3A_153 : i32
      "tpu.region"() ({
        %run_scoped3A = tpu.sem_alloc : memref<!tpu.dma_semaphore, #tpu.memory_space<semaphore_mem>>
        %dma_start3A = arith.constant 0 : i32
        %dma_start3A_155 = tpu.memref_slice %arg5[%mul3A_154, %dma_start3A] : memref<10000x16xf32, #tpu.memory_space<vmem_shared>> -> memref<40x16xf32, #tpu.memory_space<vmem_shared>>
        %dma_start3A_156 = arith.constant 0 : i32
        %dma_start3A_157 = tpu.memref_slice %arg5[%mul3A_154, %dma_start3A_156] : memref<10000x16xf32, #tpu.memory_space<vmem_shared>> -> memref<40x16xf32, #tpu.memory_space<vmem_shared>>
        tpu.enqueue_dma source(%arg7 : memref<40x16xf32, #tpu.memory_space<vmem>>) target(%dma_start3A_157 : memref<40x16xf32, #tpu.memory_space<vmem_shared>>) target_semaphore(%run_scoped3A : memref<!tpu.dma_semaphore, #tpu.memory_space<semaphore_mem>>)
        %dma_wait3A_158 = arith.constant 0 : i32
        %dma_wait3A_159 = tpu.memref_slice %arg5[%mul3A_154, %dma_wait3A_158] : memref<10000x16xf32, #tpu.memory_space<vmem_shared>> -> memref<40x16xf32, #tpu.memory_space<vmem_shared>>
        %dma_wait3A_160 = arith.constant 0 : i32
        %dma_wait3A_161 = tpu.memref_slice %arg5[%mul3A_154, %dma_wait3A_160] : memref<10000x16xf32, #tpu.memory_space<vmem_shared>> -> memref<40x16xf32, #tpu.memory_space<vmem_shared>>
        tpu.wait_dma2 semaphore(%run_scoped3A : memref<!tpu.dma_semaphore, #tpu.memory_space<semaphore_mem>>) src(%arg7 : memref<40x16xf32, #tpu.memory_space<vmem>>) dst(%dma_wait3A_161 : memref<40x16xf32, #tpu.memory_space<vmem_shared>>)
        tpu.yield
      }) : () -> ()
    } else {
    }
    %add3A_77 = arith.constant 176 : i32
    %add3A_78 = arith.addi %add3A_77, %arg1 : i32
    %lt3A_79 = arith.constant 250 : i32
    %lt3A_80 = arith.cmpi slt, %add3A_78, %lt3A_79 : i32
    %convert_element_type3A_81 = arith.extui %lt3A_80 : i1 to i32
    %cond3A_82 = arith.constant 0 : i32
    %cond3A_83 = arith.cmpi ne, %convert_element_type3A_81, %cond3A_82 : i32
    scf.if %cond3A_83 {
      %mul3A_151 = arith.constant 40 : i32
      %mul3A_152 = arith.muli %add3A_78, %mul3A_151 : i32
      "tpu.region"() ({
        %run_scoped3A = tpu.sem_alloc : memref<!tpu.dma_semaphore, #tpu.memory_space<semaphore_mem>>
        %dma_start3A = arith.constant 0 : i32
        %dma_start3A_155 = tpu.memref_slice %arg2[%mul3A_152, %dma_start3A] : memref<10000x16xf32, #tpu.memory_space<hbm>> -> memref<40x16xf32, #tpu.memory_space<hbm>>
        %dma_start3A_156 = arith.constant 0 : i32
        %dma_start3A_157 = tpu.memref_slice %arg2[%mul3A_152, %dma_start3A_156] : memref<10000x16xf32, #tpu.memory_space<hbm>> -> memref<40x16xf32, #tpu.memory_space<hbm>>
        tpu.enqueue_dma source(%dma_start3A_157 : memref<40x16xf32, #tpu.memory_space<hbm>>) target(%arg7 : memref<40x16xf32, #tpu.memory_space<vmem>>) target_semaphore(%run_scoped3A : memref<!tpu.dma_semaphore, #tpu.memory_space<semaphore_mem>>)
        %dma_wait3A_158 = arith.constant 0 : i32
        %dma_wait3A_159 = tpu.memref_slice %arg2[%mul3A_152, %dma_wait3A_158] : memref<10000x16xf32, #tpu.memory_space<hbm>> -> memref<40x16xf32, #tpu.memory_space<hbm>>
        %dma_wait3A_160 = arith.constant 0 : i32
        %dma_wait3A_161 = tpu.memref_slice %arg2[%mul3A_152, %dma_wait3A_160] : memref<10000x16xf32, #tpu.memory_space<hbm>> -> memref<40x16xf32, #tpu.memory_space<hbm>>
        tpu.wait_dma2 semaphore(%run_scoped3A : memref<!tpu.dma_semaphore, #tpu.memory_space<semaphore_mem>>) src(%dma_wait3A_161 : memref<40x16xf32, #tpu.memory_space<hbm>>) dst(%arg7 : memref<40x16xf32, #tpu.memory_space<vmem>>)
        tpu.yield
      }) : () -> ()
      %mul3A_153 = arith.constant 40 : i32
      %mul3A_154 = arith.muli %add3A_78, %mul3A_153 : i32
      "tpu.region"() ({
        %run_scoped3A = tpu.sem_alloc : memref<!tpu.dma_semaphore, #tpu.memory_space<semaphore_mem>>
        %dma_start3A = arith.constant 0 : i32
        %dma_start3A_155 = tpu.memref_slice %arg5[%mul3A_154, %dma_start3A] : memref<10000x16xf32, #tpu.memory_space<vmem_shared>> -> memref<40x16xf32, #tpu.memory_space<vmem_shared>>
        %dma_start3A_156 = arith.constant 0 : i32
        %dma_start3A_157 = tpu.memref_slice %arg5[%mul3A_154, %dma_start3A_156] : memref<10000x16xf32, #tpu.memory_space<vmem_shared>> -> memref<40x16xf32, #tpu.memory_space<vmem_shared>>
        tpu.enqueue_dma source(%arg7 : memref<40x16xf32, #tpu.memory_space<vmem>>) target(%dma_start3A_157 : memref<40x16xf32, #tpu.memory_space<vmem_shared>>) target_semaphore(%run_scoped3A : memref<!tpu.dma_semaphore, #tpu.memory_space<semaphore_mem>>)
        %dma_wait3A_158 = arith.constant 0 : i32
        %dma_wait3A_159 = tpu.memref_slice %arg5[%mul3A_154, %dma_wait3A_158] : memref<10000x16xf32, #tpu.memory_space<vmem_shared>> -> memref<40x16xf32, #tpu.memory_space<vmem_shared>>
        %dma_wait3A_160 = arith.constant 0 : i32
        %dma_wait3A_161 = tpu.memref_slice %arg5[%mul3A_154, %dma_wait3A_160] : memref<10000x16xf32, #tpu.memory_space<vmem_shared>> -> memref<40x16xf32, #tpu.memory_space<vmem_shared>>
        tpu.wait_dma2 semaphore(%run_scoped3A : memref<!tpu.dma_semaphore, #tpu.memory_space<semaphore_mem>>) src(%arg7 : memref<40x16xf32, #tpu.memory_space<vmem>>) dst(%dma_wait3A_161 : memref<40x16xf32, #tpu.memory_space<vmem_shared>>)
        tpu.yield
      }) : () -> ()
    } else {
    }
    %add3A_84 = arith.constant 192 : i32
    %add3A_85 = arith.addi %add3A_84, %arg1 : i32
    %lt3A_86 = arith.constant 250 : i32
    %lt3A_87 = arith.cmpi slt, %add3A_85, %lt3A_86 : i32
    %convert_element_type3A_88 = arith.extui %lt3A_87 : i1 to i32
    %cond3A_89 = arith.constant 0 : i32
    %cond3A_90 = arith.cmpi ne, %convert_element_type3A_88, %cond3A_89 : i32
    scf.if %cond3A_90 {
      %mul3A_151 = arith.constant 40 : i32
      %mul3A_152 = arith.muli %add3A_85, %mul3A_151 : i32
      "tpu.region"() ({
        %run_scoped3A = tpu.sem_alloc : memref<!tpu.dma_semaphore, #tpu.memory_space<semaphore_mem>>
        %dma_start3A = arith.constant 0 : i32
        %dma_start3A_155 = tpu.memref_slice %arg2[%mul3A_152, %dma_start3A] : memref<10000x16xf32, #tpu.memory_space<hbm>> -> memref<40x16xf32, #tpu.memory_space<hbm>>
        %dma_start3A_156 = arith.constant 0 : i32
        %dma_start3A_157 = tpu.memref_slice %arg2[%mul3A_152, %dma_start3A_156] : memref<10000x16xf32, #tpu.memory_space<hbm>> -> memref<40x16xf32, #tpu.memory_space<hbm>>
        tpu.enqueue_dma source(%dma_start3A_157 : memref<40x16xf32, #tpu.memory_space<hbm>>) target(%arg7 : memref<40x16xf32, #tpu.memory_space<vmem>>) target_semaphore(%run_scoped3A : memref<!tpu.dma_semaphore, #tpu.memory_space<semaphore_mem>>)
        %dma_wait3A_158 = arith.constant 0 : i32
        %dma_wait3A_159 = tpu.memref_slice %arg2[%mul3A_152, %dma_wait3A_158] : memref<10000x16xf32, #tpu.memory_space<hbm>> -> memref<40x16xf32, #tpu.memory_space<hbm>>
        %dma_wait3A_160 = arith.constant 0 : i32
        %dma_wait3A_161 = tpu.memref_slice %arg2[%mul3A_152, %dma_wait3A_160] : memref<10000x16xf32, #tpu.memory_space<hbm>> -> memref<40x16xf32, #tpu.memory_space<hbm>>
        tpu.wait_dma2 semaphore(%run_scoped3A : memref<!tpu.dma_semaphore, #tpu.memory_space<semaphore_mem>>) src(%dma_wait3A_161 : memref<40x16xf32, #tpu.memory_space<hbm>>) dst(%arg7 : memref<40x16xf32, #tpu.memory_space<vmem>>)
        tpu.yield
      }) : () -> ()
      %mul3A_153 = arith.constant 40 : i32
      %mul3A_154 = arith.muli %add3A_85, %mul3A_153 : i32
      "tpu.region"() ({
        %run_scoped3A = tpu.sem_alloc : memref<!tpu.dma_semaphore, #tpu.memory_space<semaphore_mem>>
        %dma_start3A = arith.constant 0 : i32
        %dma_start3A_155 = tpu.memref_slice %arg5[%mul3A_154, %dma_start3A] : memref<10000x16xf32, #tpu.memory_space<vmem_shared>> -> memref<40x16xf32, #tpu.memory_space<vmem_shared>>
        %dma_start3A_156 = arith.constant 0 : i32
        %dma_start3A_157 = tpu.memref_slice %arg5[%mul3A_154, %dma_start3A_156] : memref<10000x16xf32, #tpu.memory_space<vmem_shared>> -> memref<40x16xf32, #tpu.memory_space<vmem_shared>>
        tpu.enqueue_dma source(%arg7 : memref<40x16xf32, #tpu.memory_space<vmem>>) target(%dma_start3A_157 : memref<40x16xf32, #tpu.memory_space<vmem_shared>>) target_semaphore(%run_scoped3A : memref<!tpu.dma_semaphore, #tpu.memory_space<semaphore_mem>>)
        %dma_wait3A_158 = arith.constant 0 : i32
        %dma_wait3A_159 = tpu.memref_slice %arg5[%mul3A_154, %dma_wait3A_158] : memref<10000x16xf32, #tpu.memory_space<vmem_shared>> -> memref<40x16xf32, #tpu.memory_space<vmem_shared>>
        %dma_wait3A_160 = arith.constant 0 : i32
        %dma_wait3A_161 = tpu.memref_slice %arg5[%mul3A_154, %dma_wait3A_160] : memref<10000x16xf32, #tpu.memory_space<vmem_shared>> -> memref<40x16xf32, #tpu.memory_space<vmem_shared>>
        tpu.wait_dma2 semaphore(%run_scoped3A : memref<!tpu.dma_semaphore, #tpu.memory_space<semaphore_mem>>) src(%arg7 : memref<40x16xf32, #tpu.memory_space<vmem>>) dst(%dma_wait3A_161 : memref<40x16xf32, #tpu.memory_space<vmem_shared>>)
        tpu.yield
      }) : () -> ()
    } else {
    }
    %add3A_91 = arith.constant 208 : i32
    %add3A_92 = arith.addi %add3A_91, %arg1 : i32
    %lt3A_93 = arith.constant 250 : i32
    %lt3A_94 = arith.cmpi slt, %add3A_92, %lt3A_93 : i32
    %convert_element_type3A_95 = arith.extui %lt3A_94 : i1 to i32
    %cond3A_96 = arith.constant 0 : i32
    %cond3A_97 = arith.cmpi ne, %convert_element_type3A_95, %cond3A_96 : i32
    scf.if %cond3A_97 {
      %mul3A_151 = arith.constant 40 : i32
      %mul3A_152 = arith.muli %add3A_92, %mul3A_151 : i32
      "tpu.region"() ({
        %run_scoped3A = tpu.sem_alloc : memref<!tpu.dma_semaphore, #tpu.memory_space<semaphore_mem>>
        %dma_start3A = arith.constant 0 : i32
        %dma_start3A_155 = tpu.memref_slice %arg2[%mul3A_152, %dma_start3A] : memref<10000x16xf32, #tpu.memory_space<hbm>> -> memref<40x16xf32, #tpu.memory_space<hbm>>
        %dma_start3A_156 = arith.constant 0 : i32
        %dma_start3A_157 = tpu.memref_slice %arg2[%mul3A_152, %dma_start3A_156] : memref<10000x16xf32, #tpu.memory_space<hbm>> -> memref<40x16xf32, #tpu.memory_space<hbm>>
        tpu.enqueue_dma source(%dma_start3A_157 : memref<40x16xf32, #tpu.memory_space<hbm>>) target(%arg7 : memref<40x16xf32, #tpu.memory_space<vmem>>) target_semaphore(%run_scoped3A : memref<!tpu.dma_semaphore, #tpu.memory_space<semaphore_mem>>)
        %dma_wait3A_158 = arith.constant 0 : i32
        %dma_wait3A_159 = tpu.memref_slice %arg2[%mul3A_152, %dma_wait3A_158] : memref<10000x16xf32, #tpu.memory_space<hbm>> -> memref<40x16xf32, #tpu.memory_space<hbm>>
        %dma_wait3A_160 = arith.constant 0 : i32
        %dma_wait3A_161 = tpu.memref_slice %arg2[%mul3A_152, %dma_wait3A_160] : memref<10000x16xf32, #tpu.memory_space<hbm>> -> memref<40x16xf32, #tpu.memory_space<hbm>>
        tpu.wait_dma2 semaphore(%run_scoped3A : memref<!tpu.dma_semaphore, #tpu.memory_space<semaphore_mem>>) src(%dma_wait3A_161 : memref<40x16xf32, #tpu.memory_space<hbm>>) dst(%arg7 : memref<40x16xf32, #tpu.memory_space<vmem>>)
        tpu.yield
      }) : () -> ()
      %mul3A_153 = arith.constant 40 : i32
      %mul3A_154 = arith.muli %add3A_92, %mul3A_153 : i32
      "tpu.region"() ({
        %run_scoped3A = tpu.sem_alloc : memref<!tpu.dma_semaphore, #tpu.memory_space<semaphore_mem>>
        %dma_start3A = arith.constant 0 : i32
        %dma_start3A_155 = tpu.memref_slice %arg5[%mul3A_154, %dma_start3A] : memref<10000x16xf32, #tpu.memory_space<vmem_shared>> -> memref<40x16xf32, #tpu.memory_space<vmem_shared>>
        %dma_start3A_156 = arith.constant 0 : i32
        %dma_start3A_157 = tpu.memref_slice %arg5[%mul3A_154, %dma_start3A_156] : memref<10000x16xf32, #tpu.memory_space<vmem_shared>> -> memref<40x16xf32, #tpu.memory_space<vmem_shared>>
        tpu.enqueue_dma source(%arg7 : memref<40x16xf32, #tpu.memory_space<vmem>>) target(%dma_start3A_157 : memref<40x16xf32, #tpu.memory_space<vmem_shared>>) target_semaphore(%run_scoped3A : memref<!tpu.dma_semaphore, #tpu.memory_space<semaphore_mem>>)
        %dma_wait3A_158 = arith.constant 0 : i32
        %dma_wait3A_159 = tpu.memref_slice %arg5[%mul3A_154, %dma_wait3A_158] : memref<10000x16xf32, #tpu.memory_space<vmem_shared>> -> memref<40x16xf32, #tpu.memory_space<vmem_shared>>
        %dma_wait3A_160 = arith.constant 0 : i32
        %dma_wait3A_161 = tpu.memref_slice %arg5[%mul3A_154, %dma_wait3A_160] : memref<10000x16xf32, #tpu.memory_space<vmem_shared>> -> memref<40x16xf32, #tpu.memory_space<vmem_shared>>
        tpu.wait_dma2 semaphore(%run_scoped3A : memref<!tpu.dma_semaphore, #tpu.memory_space<semaphore_mem>>) src(%arg7 : memref<40x16xf32, #tpu.memory_space<vmem>>) dst(%dma_wait3A_161 : memref<40x16xf32, #tpu.memory_space<vmem_shared>>)
        tpu.yield
      }) : () -> ()
    } else {
    }
    %add3A_98 = arith.constant 224 : i32
    %add3A_99 = arith.addi %add3A_98, %arg1 : i32
    %lt3A_100 = arith.constant 250 : i32
    %lt3A_101 = arith.cmpi slt, %add3A_99, %lt3A_100 : i32
    %convert_element_type3A_102 = arith.extui %lt3A_101 : i1 to i32
    %cond3A_103 = arith.constant 0 : i32
    %cond3A_104 = arith.cmpi ne, %convert_element_type3A_102, %cond3A_103 : i32
    scf.if %cond3A_104 {
      %mul3A_151 = arith.constant 40 : i32
      %mul3A_152 = arith.muli %add3A_99, %mul3A_151 : i32
      "tpu.region"() ({
        %run_scoped3A = tpu.sem_alloc : memref<!tpu.dma_semaphore, #tpu.memory_space<semaphore_mem>>
        %dma_start3A = arith.constant 0 : i32
        %dma_start3A_155 = tpu.memref_slice %arg2[%mul3A_152, %dma_start3A] : memref<10000x16xf32, #tpu.memory_space<hbm>> -> memref<40x16xf32, #tpu.memory_space<hbm>>
        %dma_start3A_156 = arith.constant 0 : i32
        %dma_start3A_157 = tpu.memref_slice %arg2[%mul3A_152, %dma_start3A_156] : memref<10000x16xf32, #tpu.memory_space<hbm>> -> memref<40x16xf32, #tpu.memory_space<hbm>>
        tpu.enqueue_dma source(%dma_start3A_157 : memref<40x16xf32, #tpu.memory_space<hbm>>) target(%arg7 : memref<40x16xf32, #tpu.memory_space<vmem>>) target_semaphore(%run_scoped3A : memref<!tpu.dma_semaphore, #tpu.memory_space<semaphore_mem>>)
        %dma_wait3A_158 = arith.constant 0 : i32
        %dma_wait3A_159 = tpu.memref_slice %arg2[%mul3A_152, %dma_wait3A_158] : memref<10000x16xf32, #tpu.memory_space<hbm>> -> memref<40x16xf32, #tpu.memory_space<hbm>>
        %dma_wait3A_160 = arith.constant 0 : i32
        %dma_wait3A_161 = tpu.memref_slice %arg2[%mul3A_152, %dma_wait3A_160] : memref<10000x16xf32, #tpu.memory_space<hbm>> -> memref<40x16xf32, #tpu.memory_space<hbm>>
        tpu.wait_dma2 semaphore(%run_scoped3A : memref<!tpu.dma_semaphore, #tpu.memory_space<semaphore_mem>>) src(%dma_wait3A_161 : memref<40x16xf32, #tpu.memory_space<hbm>>) dst(%arg7 : memref<40x16xf32, #tpu.memory_space<vmem>>)
        tpu.yield
      }) : () -> ()
      %mul3A_153 = arith.constant 40 : i32
      %mul3A_154 = arith.muli %add3A_99, %mul3A_153 : i32
      "tpu.region"() ({
        %run_scoped3A = tpu.sem_alloc : memref<!tpu.dma_semaphore, #tpu.memory_space<semaphore_mem>>
        %dma_start3A = arith.constant 0 : i32
        %dma_start3A_155 = tpu.memref_slice %arg5[%mul3A_154, %dma_start3A] : memref<10000x16xf32, #tpu.memory_space<vmem_shared>> -> memref<40x16xf32, #tpu.memory_space<vmem_shared>>
        %dma_start3A_156 = arith.constant 0 : i32
        %dma_start3A_157 = tpu.memref_slice %arg5[%mul3A_154, %dma_start3A_156] : memref<10000x16xf32, #tpu.memory_space<vmem_shared>> -> memref<40x16xf32, #tpu.memory_space<vmem_shared>>
        tpu.enqueue_dma source(%arg7 : memref<40x16xf32, #tpu.memory_space<vmem>>) target(%dma_start3A_157 : memref<40x16xf32, #tpu.memory_space<vmem_shared>>) target_semaphore(%run_scoped3A : memref<!tpu.dma_semaphore, #tpu.memory_space<semaphore_mem>>)
        %dma_wait3A_158 = arith.constant 0 : i32
        %dma_wait3A_159 = tpu.memref_slice %arg5[%mul3A_154, %dma_wait3A_158] : memref<10000x16xf32, #tpu.memory_space<vmem_shared>> -> memref<40x16xf32, #tpu.memory_space<vmem_shared>>
        %dma_wait3A_160 = arith.constant 0 : i32
        %dma_wait3A_161 = tpu.memref_slice %arg5[%mul3A_154, %dma_wait3A_160] : memref<10000x16xf32, #tpu.memory_space<vmem_shared>> -> memref<40x16xf32, #tpu.memory_space<vmem_shared>>
        tpu.wait_dma2 semaphore(%run_scoped3A : memref<!tpu.dma_semaphore, #tpu.memory_space<semaphore_mem>>) src(%arg7 : memref<40x16xf32, #tpu.memory_space<vmem>>) dst(%dma_wait3A_161 : memref<40x16xf32, #tpu.memory_space<vmem_shared>>)
        tpu.yield
      }) : () -> ()
    } else {
    }
    %add3A_105 = arith.constant 240 : i32
    %add3A_106 = arith.addi %add3A_105, %arg1 : i32
    %lt3A_107 = arith.constant 250 : i32
    %lt3A_108 = arith.cmpi slt, %add3A_106, %lt3A_107 : i32
    %convert_element_type3A_109 = arith.extui %lt3A_108 : i1 to i32
    %cond3A_110 = arith.constant 0 : i32
    %cond3A_111 = arith.cmpi ne, %convert_element_type3A_109, %cond3A_110 : i32
    scf.if %cond3A_111 {
      %mul3A_151 = arith.constant 40 : i32
      %mul3A_152 = arith.muli %add3A_106, %mul3A_151 : i32
      "tpu.region"() ({
        %run_scoped3A = tpu.sem_alloc : memref<!tpu.dma_semaphore, #tpu.memory_space<semaphore_mem>>
        %dma_start3A = arith.constant 0 : i32
        %dma_start3A_155 = tpu.memref_slice %arg2[%mul3A_152, %dma_start3A] : memref<10000x16xf32, #tpu.memory_space<hbm>> -> memref<40x16xf32, #tpu.memory_space<hbm>>
        %dma_start3A_156 = arith.constant 0 : i32
        %dma_start3A_157 = tpu.memref_slice %arg2[%mul3A_152, %dma_start3A_156] : memref<10000x16xf32, #tpu.memory_space<hbm>> -> memref<40x16xf32, #tpu.memory_space<hbm>>
        tpu.enqueue_dma source(%dma_start3A_157 : memref<40x16xf32, #tpu.memory_space<hbm>>) target(%arg7 : memref<40x16xf32, #tpu.memory_space<vmem>>) target_semaphore(%run_scoped3A : memref<!tpu.dma_semaphore, #tpu.memory_space<semaphore_mem>>)
        %dma_wait3A_158 = arith.constant 0 : i32
        %dma_wait3A_159 = tpu.memref_slice %arg2[%mul3A_152, %dma_wait3A_158] : memref<10000x16xf32, #tpu.memory_space<hbm>> -> memref<40x16xf32, #tpu.memory_space<hbm>>
        %dma_wait3A_160 = arith.constant 0 : i32
        %dma_wait3A_161 = tpu.memref_slice %arg2[%mul3A_152, %dma_wait3A_160] : memref<10000x16xf32, #tpu.memory_space<hbm>> -> memref<40x16xf32, #tpu.memory_space<hbm>>
        tpu.wait_dma2 semaphore(%run_scoped3A : memref<!tpu.dma_semaphore, #tpu.memory_space<semaphore_mem>>) src(%dma_wait3A_161 : memref<40x16xf32, #tpu.memory_space<hbm>>) dst(%arg7 : memref<40x16xf32, #tpu.memory_space<vmem>>)
        tpu.yield
      }) : () -> ()
      %mul3A_153 = arith.constant 40 : i32
      %mul3A_154 = arith.muli %add3A_106, %mul3A_153 : i32
      "tpu.region"() ({
        %run_scoped3A = tpu.sem_alloc : memref<!tpu.dma_semaphore, #tpu.memory_space<semaphore_mem>>
        %dma_start3A = arith.constant 0 : i32
        %dma_start3A_155 = tpu.memref_slice %arg5[%mul3A_154, %dma_start3A] : memref<10000x16xf32, #tpu.memory_space<vmem_shared>> -> memref<40x16xf32, #tpu.memory_space<vmem_shared>>
        %dma_start3A_156 = arith.constant 0 : i32
        %dma_start3A_157 = tpu.memref_slice %arg5[%mul3A_154, %dma_start3A_156] : memref<10000x16xf32, #tpu.memory_space<vmem_shared>> -> memref<40x16xf32, #tpu.memory_space<vmem_shared>>
        tpu.enqueue_dma source(%arg7 : memref<40x16xf32, #tpu.memory_space<vmem>>) target(%dma_start3A_157 : memref<40x16xf32, #tpu.memory_space<vmem_shared>>) target_semaphore(%run_scoped3A : memref<!tpu.dma_semaphore, #tpu.memory_space<semaphore_mem>>)
        %dma_wait3A_158 = arith.constant 0 : i32
        %dma_wait3A_159 = tpu.memref_slice %arg5[%mul3A_154, %dma_wait3A_158] : memref<10000x16xf32, #tpu.memory_space<vmem_shared>> -> memref<40x16xf32, #tpu.memory_space<vmem_shared>>
        %dma_wait3A_160 = arith.constant 0 : i32
        %dma_wait3A_161 = tpu.memref_slice %arg5[%mul3A_154, %dma_wait3A_160] : memref<10000x16xf32, #tpu.memory_space<vmem_shared>> -> memref<40x16xf32, #tpu.memory_space<vmem_shared>>
        tpu.wait_dma2 semaphore(%run_scoped3A : memref<!tpu.dma_semaphore, #tpu.memory_space<semaphore_mem>>) src(%arg7 : memref<40x16xf32, #tpu.memory_space<vmem>>) dst(%dma_wait3A_161 : memref<40x16xf32, #tpu.memory_space<vmem_shared>>)
        tpu.yield
      }) : () -> ()
    } else {
    }
    %barrier3A = arith.constant 0 : index
    tpu.barrier barrier_id(%barrier3A)
    "tpu.region"() ({
      %run_scoped3A = tpu.sem_alloc : memref<!tpu.dma_semaphore, #tpu.memory_space<semaphore_mem>>
      %dma_start3A = arith.constant 0 : i32
      %dma_start3A_151 = arith.constant 0 : i32
      %dma_start3A_152 = tpu.memref_slice %arg3[%add3A, %dma_start3A, %dma_start3A_151] : memref<32x100x100xi32, #tpu.memory_space<hbm>> -> memref<1x100x100xi32, #tpu.memory_space<hbm>>
      %dma_start3A_153 = tpu.memref_squeeze %dma_start3A_152 : memref<1x100x100xi32, #tpu.memory_space<hbm>> -> memref<100x100xi32, #tpu.memory_space<hbm>>
      %dma_start3A_154 = arith.constant 0 : i32
      %dma_start3A_155 = arith.constant 0 : i32
      %dma_start3A_156 = tpu.memref_slice %arg3[%add3A, %dma_start3A_154, %dma_start3A_155] : memref<32x100x100xi32, #tpu.memory_space<hbm>> -> memref<1x100x100xi32, #tpu.memory_space<hbm>>
      %dma_start3A_157 = tpu.memref_squeeze %dma_start3A_156 : memref<1x100x100xi32, #tpu.memory_space<hbm>> -> memref<100x100xi32, #tpu.memory_space<hbm>>
      tpu.enqueue_dma source(%dma_start3A_157 : memref<100x100xi32, #tpu.memory_space<hbm>>) target(%arg6 : memref<100x100xi32, #tpu.memory_space<vmem>>) target_semaphore(%run_scoped3A : memref<!tpu.dma_semaphore, #tpu.memory_space<semaphore_mem>>)
      %dma_wait3A_158 = arith.constant 0 : i32
      %dma_wait3A_159 = arith.constant 0 : i32
      %dma_wait3A_160 = tpu.memref_slice %arg3[%add3A, %dma_wait3A_158, %dma_wait3A_159] : memref<32x100x100xi32, #tpu.memory_space<hbm>> -> memref<1x100x100xi32, #tpu.memory_space<hbm>>
      %dma_wait3A_161 = tpu.memref_squeeze %dma_wait3A_160 : memref<1x100x100xi32, #tpu.memory_space<hbm>> -> memref<100x100xi32, #tpu.memory_space<hbm>>
      %dma_wait3A_162 = arith.constant 0 : i32
      %dma_wait3A_163 = arith.constant 0 : i32
      %dma_wait3A_164 = tpu.memref_slice %arg3[%add3A, %dma_wait3A_162, %dma_wait3A_163] : memref<32x100x100xi32, #tpu.memory_space<hbm>> -> memref<1x100x100xi32, #tpu.memory_space<hbm>>
      %dma_wait3A_165 = tpu.memref_squeeze %dma_wait3A_164 : memref<1x100x100xi32, #tpu.memory_space<hbm>> -> memref<100x100xi32, #tpu.memory_space<hbm>>
      tpu.wait_dma2 semaphore(%run_scoped3A : memref<!tpu.dma_semaphore, #tpu.memory_space<semaphore_mem>>) src(%dma_wait3A_165 : memref<100x100xi32, #tpu.memory_space<hbm>>) dst(%arg6 : memref<100x100xi32, #tpu.memory_space<vmem>>)
      tpu.yield
    }) : () -> ()
    %scan3A = arith.constant 0 : i32
    %scan3A_112 = arith.constant 0 : i32
    %scan3A_113 = arith.constant 50 : i32
    %scan3A_114 = arith.addi %scan3A_112, %scan3A_113 : i32
    %scan3A_115 = arith.constant 1 : i32
    %scan3A_116 = scf.for %scan3A_151 = %scan3A_112 to %scan3A_114 step %scan3A_115 iter_args(%scan3A_152 = %scan3A) -> (i32)  : i32 {
      %mul3A_153 = arith.constant 2 : i32
      %mul3A_154 = arith.muli %scan3A_151, %mul3A_153 : i32
      %add3A_155 = arith.constant 0 : i32
      %add3A_156 = arith.addi %mul3A_154, %add3A_155 : i32
      %gt3A = arith.constant 0 : i32
      %gt3A_157 = arith.cmpi sgt, %scan3A_151, %gt3A : i32
      %convert_element_type3A_158 = arith.extui %gt3A_157 : i1 to i32
      %cond3A_159 = arith.constant 0 : i32
      %cond3A_160 = arith.cmpi ne, %convert_element_type3A_158, %cond3A_159 : i32
      scf.if %cond3A_160 {
        %sub3A = arith.constant 2 : i32
        %sub3A_203 = arith.subi %add3A_156, %sub3A : i32
        %add3A_204 = arith.addi %mul3A_2, %sub3A_203 : i32
        %mul3A_205 = arith.constant 100 : i32
        %mul3A_206 = arith.muli %add3A_204, %mul3A_205 : i32
        %dma_wait3A_207 = arith.constant 0 : i32
        %dma_wait3A_208 = arith.constant 0 : i32
        %dma_wait3A_209 = arith.constant 0 : i32
        %dma_wait3A_210 = tpu.memref_slice %arg8[%dma_wait3A_207, %dma_wait3A_208, %dma_wait3A_209] : memref<2x100x16xf32, #tpu.memory_space<vmem>> -> memref<1x100x16xf32, #tpu.memory_space<vmem>>
        %dma_wait3A_211 = tpu.memref_squeeze %dma_wait3A_210 : memref<1x100x16xf32, #tpu.memory_space<vmem>> -> memref<100x16xf32, #tpu.memory_space<vmem>>
        %dma_wait3A_212 = arith.constant 0 : i32
        %dma_wait3A_213 = tpu.memref_slice %arg4[%mul3A_206, %dma_wait3A_212] : memref<320000x16xf32, #tpu.memory_space<hbm>> -> memref<100x16xf32, #tpu.memory_space<hbm>>
        %dma_wait3A_214 = arith.constant 0 : i32
        %dma_wait3A_215 = tpu.memref_slice %arg4[%mul3A_206, %dma_wait3A_214] : memref<320000x16xf32, #tpu.memory_space<hbm>> -> memref<100x16xf32, #tpu.memory_space<hbm>>
        %dma_wait3A_216 = arith.constant 0 : i32
        %dma_wait3A_217 = arith.constant 0 : i32
        %dma_wait3A_218 = tpu.memref_slice %arg8[%dma_wait3A_207, %dma_wait3A_216, %dma_wait3A_217] : memref<2x100x16xf32, #tpu.memory_space<vmem>> -> memref<1x100x16xf32, #tpu.memory_space<vmem>>
        %dma_wait3A_219 = tpu.memref_squeeze %dma_wait3A_218 : memref<1x100x16xf32, #tpu.memory_space<vmem>> -> memref<100x16xf32, #tpu.memory_space<vmem>>
        tpu.wait_dma2 semaphore(%arg9 : memref<!tpu.dma_semaphore, #tpu.memory_space<semaphore_mem>>) src(%dma_wait3A_219 : memref<100x16xf32, #tpu.memory_space<vmem>>) dst(%dma_wait3A_215 : memref<100x16xf32, #tpu.memory_space<hbm>>)
      } else {
      }
      %run_scoped3A = arith.constant 0 : i32
      "tpu.region"() ({
        %run_scoped3A_203 = tpu.sem_alloc : memref<!tpu.dma_semaphore, #tpu.memory_space<semaphore_mem>>
        %dma_start3A_204 = arith.constant 0 : i32
        %dma_start3A_205 = arith.constant 0 : i32
        %dma_start3A_206 = tpu.memref_slice %arg8[%run_scoped3A, %dma_start3A_204, %dma_start3A_205] : memref<2x100x16xf32, #tpu.memory_space<vmem>> -> memref<1x100x16xf32, #tpu.memory_space<vmem>>
        %dma_start3A_207 = tpu.memref_squeeze %dma_start3A_206 : memref<1x100x16xf32, #tpu.memory_space<vmem>> -> memref<100x16xf32, #tpu.memory_space<vmem>>
        %dma_start3A_208 = arith.constant 0 : i32
        %dma_start3A_209 = tpu.memref_slice %arg6[%add3A_156, %dma_start3A_208] : memref<100x100xi32, #tpu.memory_space<vmem>> -> memref<1x100xi32, #tpu.memory_space<vmem>>
        %dma_start3A_210 = tpu.memref_squeeze %dma_start3A_209 : memref<1x100xi32, #tpu.memory_space<vmem>> -> memref<100xi32, #tpu.memory_space<vmem>>
        %dma_start3A_211 = arith.constant 0 : i32
        %dma_start3A_212 = arith.constant 0 : i32
        %dma_start3A_213 = tpu.memref_slice %arg5[%dma_start3A_211, %dma_start3A_212] : memref<10000x16xf32, #tpu.memory_space<vmem_shared>> -> memref<10000x16xf32, #tpu.memory_space<vmem_shared>>
        tpu.enqueue_indirect_dma source(%dma_start3A_213 : memref<10000x16xf32, #tpu.memory_space<vmem_shared>>) target(%dma_start3A_207 : memref<100x16xf32, #tpu.memory_space<vmem>>) offsets(%dma_start3A_210 : memref<100xi32, #tpu.memory_space<vmem>>) semaphore(%run_scoped3A_203 : memref<!tpu.dma_semaphore, #tpu.memory_space<semaphore_mem>>)
        %dma_wait3A_214 = arith.constant 0 : i32
        %dma_wait3A_215 = arith.constant 0 : i32
        %dma_wait3A_216 = tpu.memref_slice %arg8[%run_scoped3A, %dma_wait3A_214, %dma_wait3A_215] : memref<2x100x16xf32, #tpu.memory_space<vmem>> -> memref<1x100x16xf32, #tpu.memory_space<vmem>>
        %dma_wait3A_217 = tpu.memref_squeeze %dma_wait3A_216 : memref<1x100x16xf32, #tpu.memory_space<vmem>> -> memref<100x16xf32, #tpu.memory_space<vmem>>
        %dma_wait3A_218 = arith.constant 0 : i32
        %dma_wait3A_219 = tpu.memref_slice %arg6[%add3A_156, %dma_wait3A_218] : memref<100x100xi32, #tpu.memory_space<vmem>> -> memref<1x100xi32, #tpu.memory_space<vmem>>
        %dma_wait3A_220 = tpu.memref_squeeze %dma_wait3A_219 : memref<1x100xi32, #tpu.memory_space<vmem>> -> memref<100xi32, #tpu.memory_space<vmem>>
        %dma_wait3A_221 = arith.constant 0 : i32
        %dma_wait3A_222 = arith.constant 0 : i32
        %dma_wait3A_223 = tpu.memref_slice %arg5[%dma_wait3A_221, %dma_wait3A_222] : memref<10000x16xf32, #tpu.memory_space<vmem_shared>> -> memref<10000x16xf32, #tpu.memory_space<vmem_shared>>
        tpu.wait_indirect_dma semaphore(%run_scoped3A_203 : memref<!tpu.dma_semaphore, #tpu.memory_space<semaphore_mem>>) src(%dma_wait3A_223 : memref<10000x16xf32, #tpu.memory_space<vmem_shared>>) dst(%dma_wait3A_217 : memref<100x16xf32, #tpu.memory_space<vmem>>)
        tpu.yield
      }) : () -> ()
      %add3A_161 = arith.addi %mul3A_2, %add3A_156 : i32
      %mul3A_162 = arith.constant 100 : i32
      %mul3A_163 = arith.muli %add3A_161, %mul3A_162 : i32
      %dma_start3A = arith.constant 0 : i32
      %dma_start3A_164 = arith.constant 0 : i32
      %dma_start3A_165 = arith.constant 0 : i32
      %dma_start3A_166 = tpu.memref_slice %arg8[%dma_start3A, %dma_start3A_164, %dma_start3A_165] : memref<2x100x16xf32, #tpu.memory_space<vmem>> -> memref<1x100x16xf32, #tpu.memory_space<vmem>>
      %dma_start3A_167 = tpu.memref_squeeze %dma_start3A_166 : memref<1x100x16xf32, #tpu.memory_space<vmem>> -> memref<100x16xf32, #tpu.memory_space<vmem>>
      %dma_start3A_168 = arith.constant 0 : i32
      %dma_start3A_169 = tpu.memref_slice %arg4[%mul3A_163, %dma_start3A_168] : memref<320000x16xf32, #tpu.memory_space<hbm>> -> memref<100x16xf32, #tpu.memory_space<hbm>>
      %dma_start3A_170 = arith.constant 0 : i32
      %dma_start3A_171 = tpu.memref_slice %arg4[%mul3A_163, %dma_start3A_170] : memref<320000x16xf32, #tpu.memory_space<hbm>> -> memref<100x16xf32, #tpu.memory_space<hbm>>
      %dma_start3A_172 = arith.constant 0 : i32
      %dma_start3A_173 = arith.constant 0 : i32
      %dma_start3A_174 = tpu.memref_slice %arg8[%dma_start3A, %dma_start3A_172, %dma_start3A_173] : memref<2x100x16xf32, #tpu.memory_space<vmem>> -> memref<1x100x16xf32, #tpu.memory_space<vmem>>
      %dma_start3A_175 = tpu.memref_squeeze %dma_start3A_174 : memref<1x100x16xf32, #tpu.memory_space<vmem>> -> memref<100x16xf32, #tpu.memory_space<vmem>>
      tpu.enqueue_dma source(%dma_start3A_175 : memref<100x16xf32, #tpu.memory_space<vmem>>) target(%dma_start3A_171 : memref<100x16xf32, #tpu.memory_space<hbm>>) target_semaphore(%arg9 : memref<!tpu.dma_semaphore, #tpu.memory_space<semaphore_mem>>)
      %mul3A_176 = arith.constant 2 : i32
      %mul3A_177 = arith.muli %scan3A_151, %mul3A_176 : i32
      %add3A_178 = arith.constant 1 : i32
      %add3A_179 = arith.addi %mul3A_177, %add3A_178 : i32
      %gt3A_180 = arith.constant 0 : i32
      %gt3A_181 = arith.cmpi sgt, %scan3A_151, %gt3A_180 : i32
      %convert_element_type3A_182 = arith.extui %gt3A_181 : i1 to i32
      %cond3A_183 = arith.constant 0 : i32
      %cond3A_184 = arith.cmpi ne, %convert_element_type3A_182, %cond3A_183 : i32
      scf.if %cond3A_184 {
        %sub3A = arith.constant 2 : i32
        %sub3A_203 = arith.subi %add3A_179, %sub3A : i32
        %add3A_204 = arith.addi %mul3A_2, %sub3A_203 : i32
        %mul3A_205 = arith.constant 100 : i32
        %mul3A_206 = arith.muli %add3A_204, %mul3A_205 : i32
        %dma_wait3A_207 = arith.constant 1 : i32
        %dma_wait3A_208 = arith.constant 0 : i32
        %dma_wait3A_209 = arith.constant 0 : i32
        %dma_wait3A_210 = tpu.memref_slice %arg8[%dma_wait3A_207, %dma_wait3A_208, %dma_wait3A_209] : memref<2x100x16xf32, #tpu.memory_space<vmem>> -> memref<1x100x16xf32, #tpu.memory_space<vmem>>
        %dma_wait3A_211 = tpu.memref_squeeze %dma_wait3A_210 : memref<1x100x16xf32, #tpu.memory_space<vmem>> -> memref<100x16xf32, #tpu.memory_space<vmem>>
        %dma_wait3A_212 = arith.constant 0 : i32
        %dma_wait3A_213 = tpu.memref_slice %arg4[%mul3A_206, %dma_wait3A_212] : memref<320000x16xf32, #tpu.memory_space<hbm>> -> memref<100x16xf32, #tpu.memory_space<hbm>>
        %dma_wait3A_214 = arith.constant 0 : i32
        %dma_wait3A_215 = tpu.memref_slice %arg4[%mul3A_206, %dma_wait3A_214] : memref<320000x16xf32, #tpu.memory_space<hbm>> -> memref<100x16xf32, #tpu.memory_space<hbm>>
        %dma_wait3A_216 = arith.constant 0 : i32
        %dma_wait3A_217 = arith.constant 0 : i32
        %dma_wait3A_218 = tpu.memref_slice %arg8[%dma_wait3A_207, %dma_wait3A_216, %dma_wait3A_217] : memref<2x100x16xf32, #tpu.memory_space<vmem>> -> memref<1x100x16xf32, #tpu.memory_space<vmem>>
        %dma_wait3A_219 = tpu.memref_squeeze %dma_wait3A_218 : memref<1x100x16xf32, #tpu.memory_space<vmem>> -> memref<100x16xf32, #tpu.memory_space<vmem>>
        tpu.wait_dma2 semaphore(%arg10 : memref<!tpu.dma_semaphore, #tpu.memory_space<semaphore_mem>>) src(%dma_wait3A_219 : memref<100x16xf32, #tpu.memory_space<vmem>>) dst(%dma_wait3A_215 : memref<100x16xf32, #tpu.memory_space<hbm>>)
      } else {
      }
      %run_scoped3A_185 = arith.constant 1 : i32
      "tpu.region"() ({
        %run_scoped3A_203 = tpu.sem_alloc : memref<!tpu.dma_semaphore, #tpu.memory_space<semaphore_mem>>
        %dma_start3A_204 = arith.constant 0 : i32
        %dma_start3A_205 = arith.constant 0 : i32
        %dma_start3A_206 = tpu.memref_slice %arg8[%run_scoped3A_185, %dma_start3A_204, %dma_start3A_205] : memref<2x100x16xf32, #tpu.memory_space<vmem>> -> memref<1x100x16xf32, #tpu.memory_space<vmem>>
        %dma_start3A_207 = tpu.memref_squeeze %dma_start3A_206 : memref<1x100x16xf32, #tpu.memory_space<vmem>> -> memref<100x16xf32, #tpu.memory_space<vmem>>
        %dma_start3A_208 = arith.constant 0 : i32
        %dma_start3A_209 = tpu.memref_slice %arg6[%add3A_179, %dma_start3A_208] : memref<100x100xi32, #tpu.memory_space<vmem>> -> memref<1x100xi32, #tpu.memory_space<vmem>>
        %dma_start3A_210 = tpu.memref_squeeze %dma_start3A_209 : memref<1x100xi32, #tpu.memory_space<vmem>> -> memref<100xi32, #tpu.memory_space<vmem>>
        %dma_start3A_211 = arith.constant 0 : i32
        %dma_start3A_212 = arith.constant 0 : i32
        %dma_start3A_213 = tpu.memref_slice %arg5[%dma_start3A_211, %dma_start3A_212] : memref<10000x16xf32, #tpu.memory_space<vmem_shared>> -> memref<10000x16xf32, #tpu.memory_space<vmem_shared>>
        tpu.enqueue_indirect_dma source(%dma_start3A_213 : memref<10000x16xf32, #tpu.memory_space<vmem_shared>>) target(%dma_start3A_207 : memref<100x16xf32, #tpu.memory_space<vmem>>) offsets(%dma_start3A_210 : memref<100xi32, #tpu.memory_space<vmem>>) semaphore(%run_scoped3A_203 : memref<!tpu.dma_semaphore, #tpu.memory_space<semaphore_mem>>)
        %dma_wait3A_214 = arith.constant 0 : i32
        %dma_wait3A_215 = arith.constant 0 : i32
        %dma_wait3A_216 = tpu.memref_slice %arg8[%run_scoped3A_185, %dma_wait3A_214, %dma_wait3A_215] : memref<2x100x16xf32, #tpu.memory_space<vmem>> -> memref<1x100x16xf32, #tpu.memory_space<vmem>>
        %dma_wait3A_217 = tpu.memref_squeeze %dma_wait3A_216 : memref<1x100x16xf32, #tpu.memory_space<vmem>> -> memref<100x16xf32, #tpu.memory_space<vmem>>
        %dma_wait3A_218 = arith.constant 0 : i32
        %dma_wait3A_219 = tpu.memref_slice %arg6[%add3A_179, %dma_wait3A_218] : memref<100x100xi32, #tpu.memory_space<vmem>> -> memref<1x100xi32, #tpu.memory_space<vmem>>
        %dma_wait3A_220 = tpu.memref_squeeze %dma_wait3A_219 : memref<1x100xi32, #tpu.memory_space<vmem>> -> memref<100xi32, #tpu.memory_space<vmem>>
        %dma_wait3A_221 = arith.constant 0 : i32
        %dma_wait3A_222 = arith.constant 0 : i32
        %dma_wait3A_223 = tpu.memref_slice %arg5[%dma_wait3A_221, %dma_wait3A_222] : memref<10000x16xf32, #tpu.memory_space<vmem_shared>> -> memref<10000x16xf32, #tpu.memory_space<vmem_shared>>
        tpu.wait_indirect_dma semaphore(%run_scoped3A_203 : memref<!tpu.dma_semaphore, #tpu.memory_space<semaphore_mem>>) src(%dma_wait3A_223 : memref<10000x16xf32, #tpu.memory_space<vmem_shared>>) dst(%dma_wait3A_217 : memref<100x16xf32, #tpu.memory_space<vmem>>)
        tpu.yield
      }) : () -> ()
      %add3A_186 = arith.addi %mul3A_2, %add3A_179 : i32
      %mul3A_187 = arith.constant 100 : i32
      %mul3A_188 = arith.muli %add3A_186, %mul3A_187 : i32
      %dma_start3A_189 = arith.constant 1 : i32
      %dma_start3A_190 = arith.constant 0 : i32
      %dma_start3A_191 = arith.constant 0 : i32
      %dma_start3A_192 = tpu.memref_slice %arg8[%dma_start3A_189, %dma_start3A_190, %dma_start3A_191] : memref<2x100x16xf32, #tpu.memory_space<vmem>> -> memref<1x100x16xf32, #tpu.memory_space<vmem>>
      %dma_start3A_193 = tpu.memref_squeeze %dma_start3A_192 : memref<1x100x16xf32, #tpu.memory_space<vmem>> -> memref<100x16xf32, #tpu.memory_space<vmem>>
      %dma_start3A_194 = arith.constant 0 : i32
      %dma_start3A_195 = tpu.memref_slice %arg4[%mul3A_188, %dma_start3A_194] : memref<320000x16xf32, #tpu.memory_space<hbm>> -> memref<100x16xf32, #tpu.memory_space<hbm>>
      %dma_start3A_196 = arith.constant 0 : i32
      %dma_start3A_197 = tpu.memref_slice %arg4[%mul3A_188, %dma_start3A_196] : memref<320000x16xf32, #tpu.memory_space<hbm>> -> memref<100x16xf32, #tpu.memory_space<hbm>>
      %dma_start3A_198 = arith.constant 0 : i32
      %dma_start3A_199 = arith.constant 0 : i32
      %dma_start3A_200 = tpu.memref_slice %arg8[%dma_start3A_189, %dma_start3A_198, %dma_start3A_199] : memref<2x100x16xf32, #tpu.memory_space<vmem>> -> memref<1x100x16xf32, #tpu.memory_space<vmem>>
      %dma_start3A_201 = tpu.memref_squeeze %dma_start3A_200 : memref<1x100x16xf32, #tpu.memory_space<vmem>> -> memref<100x16xf32, #tpu.memory_space<vmem>>
      tpu.enqueue_dma source(%dma_start3A_201 : memref<100x16xf32, #tpu.memory_space<vmem>>) target(%dma_start3A_197 : memref<100x16xf32, #tpu.memory_space<hbm>>) target_semaphore(%arg10 : memref<!tpu.dma_semaphore, #tpu.memory_space<semaphore_mem>>)
      %scan3A_202 = arith.constant 0 : i32
      scf.yield %scan3A_202 : i32
    }
    %scan3A_117 = arith.constant 50 : i32
    %add3A_118 = arith.constant 98 : i32
    %add3A_119 = arith.addi %mul3A_2, %add3A_118 : i32
    %mul3A_120 = arith.constant 100 : i32
    %mul3A_121 = arith.muli %add3A_119, %mul3A_120 : i32
    %dma_wait3A = arith.constant 0 : i32
    %dma_wait3A_122 = arith.constant 0 : i32
    %dma_wait3A_123 = arith.constant 0 : i32
    %dma_wait3A_124 = tpu.memref_slice %arg8[%dma_wait3A, %dma_wait3A_122, %dma_wait3A_123] : memref<2x100x16xf32, #tpu.memory_space<vmem>> -> memref<1x100x16xf32, #tpu.memory_space<vmem>>
    %dma_wait3A_125 = tpu.memref_squeeze %dma_wait3A_124 : memref<1x100x16xf32, #tpu.memory_space<vmem>> -> memref<100x16xf32, #tpu.memory_space<vmem>>
    %dma_wait3A_126 = arith.constant 0 : i32
    %dma_wait3A_127 = tpu.memref_slice %arg4[%mul3A_121, %dma_wait3A_126] : memref<320000x16xf32, #tpu.memory_space<hbm>> -> memref<100x16xf32, #tpu.memory_space<hbm>>
    %dma_wait3A_128 = arith.constant 0 : i32
    %dma_wait3A_129 = tpu.memref_slice %arg4[%mul3A_121, %dma_wait3A_128] : memref<320000x16xf32, #tpu.memory_space<hbm>> -> memref<100x16xf32, #tpu.memory_space<hbm>>
    %dma_wait3A_130 = arith.constant 0 : i32
    %dma_wait3A_131 = arith.constant 0 : i32
    %dma_wait3A_132 = tpu.memref_slice %arg8[%dma_wait3A, %dma_wait3A_130, %dma_wait3A_131] : memref<2x100x16xf32, #tpu.memory_space<vmem>> -> memref<1x100x16xf32, #tpu.memory_space<vmem>>
    %dma_wait3A_133 = tpu.memref_squeeze %dma_wait3A_132 : memref<1x100x16xf32, #tpu.memory_space<vmem>> -> memref<100x16xf32, #tpu.memory_space<vmem>>
    tpu.wait_dma2 semaphore(%arg9 : memref<!tpu.dma_semaphore, #tpu.memory_space<semaphore_mem>>) src(%dma_wait3A_133 : memref<100x16xf32, #tpu.memory_space<vmem>>) dst(%dma_wait3A_129 : memref<100x16xf32, #tpu.memory_space<hbm>>)
    %add3A_134 = arith.constant 99 : i32
    %add3A_135 = arith.addi %mul3A_2, %add3A_134 : i32
    %mul3A_136 = arith.constant 100 : i32
    %mul3A_137 = arith.muli %add3A_135, %mul3A_136 : i32
    %dma_wait3A_138 = arith.constant 1 : i32
    %dma_wait3A_139 = arith.constant 0 : i32
    %dma_wait3A_140 = arith.constant 0 : i32
    %dma_wait3A_141 = tpu.memref_slice %arg8[%dma_wait3A_138, %dma_wait3A_139, %dma_wait3A_140] : memref<2x100x16xf32, #tpu.memory_space<vmem>> -> memref<1x100x16xf32, #tpu.memory_space<vmem>>
    %dma_wait3A_142 = tpu.memref_squeeze %dma_wait3A_141 : memref<1x100x16xf32, #tpu.memory_space<vmem>> -> memref<100x16xf32, #tpu.memory_space<vmem>>
    %dma_wait3A_143 = arith.constant 0 : i32
    %dma_wait3A_144 = tpu.memref_slice %arg4[%mul3A_137, %dma_wait3A_143] : memref<320000x16xf32, #tpu.memory_space<hbm>> -> memref<100x16xf32, #tpu.memory_space<hbm>>
    %dma_wait3A_145 = arith.constant 0 : i32
    %dma_wait3A_146 = tpu.memref_slice %arg4[%mul3A_137, %dma_wait3A_145] : memref<320000x16xf32, #tpu.memory_space<hbm>> -> memref<100x16xf32, #tpu.memory_space<hbm>>
    %dma_wait3A_147 = arith.constant 0 : i32
    %dma_wait3A_148 = arith.constant 0 : i32
    %dma_wait3A_149 = tpu.memref_slice %arg8[%dma_wait3A_138, %dma_wait3A_147, %dma_wait3A_148] : memref<2x100x16xf32, #tpu.memory_space<vmem>> -> memref<1x100x16xf32, #tpu.memory_space<vmem>>
    %dma_wait3A_150 = tpu.memref_squeeze %dma_wait3A_149 : memref<1x100x16xf32, #tpu.memory_space<vmem>> -> memref<100x16xf32, #tpu.memory_space<vmem>>
    tpu.wait_dma2 semaphore(%arg10 : memref<!tpu.dma_semaphore, #tpu.memory_space<semaphore_mem>>) src(%dma_wait3A_150 : memref<100x16xf32, #tpu.memory_space<vmem>>) dst(%dma_wait3A_146 : memref<100x16xf32, #tpu.memory_space<hbm>>)
    return
  }
}

#map = affine_map<(d0, d1) -> (0, 0)>
#map1 = affine_map<(d0, d1) -> (0, 0, 0)>
module attributes {stable_mosaic.version = 14 : i64} {
  func.func @k(%arg0: i32, %arg1: i32, %arg2: memref<10000x128xf32, #tpu.memory_space<hbm>>, %arg3: memref<320000x128xf32, #tpu.memory_space<hbm>>, %arg4: memref<32x250x40xi32, #tpu.memory_space<hbm>>, %arg5: memref<32x250x40xi32, #tpu.memory_space<hbm>>, %arg6: memref<2x10000x128xf32, #tpu.memory_space<hbm>>, %arg7: memref<10000x128xf32, #tpu.memory_space<vmem_shared>>, %arg8: memref<250x40xi32, #tpu.memory_space<vmem>>, %arg9: memref<250x40xi32, #tpu.memory_space<vmem>>, %arg10: memref<2x40x128xf32, #tpu.memory_space<vmem>>, %arg11: memref<2x40x128xf32, #tpu.memory_space<vmem>>, %arg12: memref<40x128xf32, #tpu.memory_space<vmem>>, %arg13: memref<!tpu.dma_semaphore, #tpu.memory_space<semaphore_mem>>, %arg14: memref<!tpu.dma_semaphore, #tpu.memory_space<semaphore_mem>>, %arg15: memref<!tpu.dma_semaphore, #tpu.memory_space<semaphore_mem>>, %arg16: memref<!tpu.dma_semaphore, #tpu.memory_space<semaphore_mem>>, %arg17: memref<!tpu.dma_semaphore, #tpu.memory_space<semaphore_mem>>) attributes {dimension_semantics = [#tpu.dimension_semantics<core_parallel>, #tpu.dimension_semantics<subcore_parallel>], iteration_bounds = array<i64: 2, 16>, scalar_prefetch = 0 : i64, scratch_operands = 11 : i64, tpu.core_type = #tpu.core_type<sc_vector_subcore>, window_params = [{transform_indices = #map}, {transform_indices = #map}, {transform_indices = #map1}, {transform_indices = #map1}, {transform_indices = #map1}]} {
    %mul3A = arith.constant 2 : i32
    %mul3A_0 = arith.muli %arg1, %mul3A : i32
    %add3A = arith.addi %mul3A_0, %arg0 : i32
    %mul3A_1 = arith.constant 250 : i32
    %mul3A_2 = arith.muli %add3A, %mul3A_1 : i32
    %scan3A = arith.constant 0 : i32
    %scan3A_3 = arith.constant 0 : i32
    %scan3A_4 = arith.constant 40 : i32
    %scan3A_5 = arith.addi %scan3A_3, %scan3A_4 : i32
    %scan3A_6 = arith.constant 1 : i32
    %scan3A_7 = scf.for %scan3A_301 = %scan3A_3 to %scan3A_5 step %scan3A_6 iter_args(%scan3A_302 = %scan3A) -> (i32)  : i32 {
      %broadcast_in_dim3A = arith.constant 0.000000e+00 : f32
      %broadcast_in_dim3A_303 = vector.broadcast %broadcast_in_dim3A : f32 to vector<16xf32>
      %swap3A = arith.index_cast %scan3A_301 : i32 to index
      %swap3A_304 = arith.constant 0 : index
      %swap3A_305 = tpu.vector_load %arg12[%swap3A, %swap3A_304] {strides = array<i32>} : memref<40x128xf32, #tpu.memory_space<vmem>>, vector<1x16xf32>,
      %swap3A_306 = vector.shape_cast %swap3A_305 : vector<1x16xf32> to vector<16xf32>
      %swap3A_307 = vector.shape_cast %broadcast_in_dim3A_303 : vector<16xf32> to vector<1x16xf32>
      tpu.vector_store %arg12[%swap3A, %swap3A_304], %swap3A_307 {strides = array<i32>} : memref<40x128xf32, #tpu.memory_space<vmem>>, vector<1x16xf32>,
      %broadcast_in_dim3A_308 = arith.constant 0.000000e+00 : f32
      %broadcast_in_dim3A_309 = vector.broadcast %broadcast_in_dim3A_308 : f32 to vector<16xf32>
      %swap3A_310 = arith.index_cast %scan3A_301 : i32 to index
      %swap3A_311 = arith.constant 16 : index
      %swap3A_312 = tpu.vector_load %arg12[%swap3A_310, %swap3A_311] {strides = array<i32>} : memref<40x128xf32, #tpu.memory_space<vmem>>, vector<1x16xf32>,
      %swap3A_313 = vector.shape_cast %swap3A_312 : vector<1x16xf32> to vector<16xf32>
      %swap3A_314 = vector.shape_cast %broadcast_in_dim3A_309 : vector<16xf32> to vector<1x16xf32>
      tpu.vector_store %arg12[%swap3A_310, %swap3A_311], %swap3A_314 {strides = array<i32>} : memref<40x128xf32, #tpu.memory_space<vmem>>, vector<1x16xf32>,
      %broadcast_in_dim3A_315 = arith.constant 0.000000e+00 : f32
      %broadcast_in_dim3A_316 = vector.broadcast %broadcast_in_dim3A_315 : f32 to vector<16xf32>
      %swap3A_317 = arith.index_cast %scan3A_301 : i32 to index
      %swap3A_318 = arith.constant 32 : index
      %swap3A_319 = tpu.vector_load %arg12[%swap3A_317, %swap3A_318] {strides = array<i32>} : memref<40x128xf32, #tpu.memory_space<vmem>>, vector<1x16xf32>,
      %swap3A_320 = vector.shape_cast %swap3A_319 : vector<1x16xf32> to vector<16xf32>
      %swap3A_321 = vector.shape_cast %broadcast_in_dim3A_316 : vector<16xf32> to vector<1x16xf32>
      tpu.vector_store %arg12[%swap3A_317, %swap3A_318], %swap3A_321 {strides = array<i32>} : memref<40x128xf32, #tpu.memory_space<vmem>>, vector<1x16xf32>,
      %broadcast_in_dim3A_322 = arith.constant 0.000000e+00 : f32
      %broadcast_in_dim3A_323 = vector.broadcast %broadcast_in_dim3A_322 : f32 to vector<16xf32>
      %swap3A_324 = arith.index_cast %scan3A_301 : i32 to index
      %swap3A_325 = arith.constant 48 : index
      %swap3A_326 = tpu.vector_load %arg12[%swap3A_324, %swap3A_325] {strides = array<i32>} : memref<40x128xf32, #tpu.memory_space<vmem>>, vector<1x16xf32>,
      %swap3A_327 = vector.shape_cast %swap3A_326 : vector<1x16xf32> to vector<16xf32>
      %swap3A_328 = vector.shape_cast %broadcast_in_dim3A_323 : vector<16xf32> to vector<1x16xf32>
      tpu.vector_store %arg12[%swap3A_324, %swap3A_325], %swap3A_328 {strides = array<i32>} : memref<40x128xf32, #tpu.memory_space<vmem>>, vector<1x16xf32>,
      %broadcast_in_dim3A_329 = arith.constant 0.000000e+00 : f32
      %broadcast_in_dim3A_330 = vector.broadcast %broadcast_in_dim3A_329 : f32 to vector<16xf32>
      %swap3A_331 = arith.index_cast %scan3A_301 : i32 to index
      %swap3A_332 = arith.constant 64 : index
      %swap3A_333 = tpu.vector_load %arg12[%swap3A_331, %swap3A_332] {strides = array<i32>} : memref<40x128xf32, #tpu.memory_space<vmem>>, vector<1x16xf32>,
      %swap3A_334 = vector.shape_cast %swap3A_333 : vector<1x16xf32> to vector<16xf32>
      %swap3A_335 = vector.shape_cast %broadcast_in_dim3A_330 : vector<16xf32> to vector<1x16xf32>
      tpu.vector_store %arg12[%swap3A_331, %swap3A_332], %swap3A_335 {strides = array<i32>} : memref<40x128xf32, #tpu.memory_space<vmem>>, vector<1x16xf32>,
      %broadcast_in_dim3A_336 = arith.constant 0.000000e+00 : f32
      %broadcast_in_dim3A_337 = vector.broadcast %broadcast_in_dim3A_336 : f32 to vector<16xf32>
      %swap3A_338 = arith.index_cast %scan3A_301 : i32 to index
      %swap3A_339 = arith.constant 80 : index
      %swap3A_340 = tpu.vector_load %arg12[%swap3A_338, %swap3A_339] {strides = array<i32>} : memref<40x128xf32, #tpu.memory_space<vmem>>, vector<1x16xf32>,
      %swap3A_341 = vector.shape_cast %swap3A_340 : vector<1x16xf32> to vector<16xf32>
      %swap3A_342 = vector.shape_cast %broadcast_in_dim3A_337 : vector<16xf32> to vector<1x16xf32>
      tpu.vector_store %arg12[%swap3A_338, %swap3A_339], %swap3A_342 {strides = array<i32>} : memref<40x128xf32, #tpu.memory_space<vmem>>, vector<1x16xf32>,
      %broadcast_in_dim3A_343 = arith.constant 0.000000e+00 : f32
      %broadcast_in_dim3A_344 = vector.broadcast %broadcast_in_dim3A_343 : f32 to vector<16xf32>
      %swap3A_345 = arith.index_cast %scan3A_301 : i32 to index
      %swap3A_346 = arith.constant 96 : index
      %swap3A_347 = tpu.vector_load %arg12[%swap3A_345, %swap3A_346] {strides = array<i32>} : memref<40x128xf32, #tpu.memory_space<vmem>>, vector<1x16xf32>,
      %swap3A_348 = vector.shape_cast %swap3A_347 : vector<1x16xf32> to vector<16xf32>
      %swap3A_349 = vector.shape_cast %broadcast_in_dim3A_344 : vector<16xf32> to vector<1x16xf32>
      tpu.vector_store %arg12[%swap3A_345, %swap3A_346], %swap3A_349 {strides = array<i32>} : memref<40x128xf32, #tpu.memory_space<vmem>>, vector<1x16xf32>,
      %broadcast_in_dim3A_350 = arith.constant 0.000000e+00 : f32
      %broadcast_in_dim3A_351 = vector.broadcast %broadcast_in_dim3A_350 : f32 to vector<16xf32>
      %swap3A_352 = arith.index_cast %scan3A_301 : i32 to index
      %swap3A_353 = arith.constant 112 : index
      %swap3A_354 = tpu.vector_load %arg12[%swap3A_352, %swap3A_353] {strides = array<i32>} : memref<40x128xf32, #tpu.memory_space<vmem>>, vector<1x16xf32>,
      %swap3A_355 = vector.shape_cast %swap3A_354 : vector<1x16xf32> to vector<16xf32>
      %swap3A_356 = vector.shape_cast %broadcast_in_dim3A_351 : vector<16xf32> to vector<1x16xf32>
      tpu.vector_store %arg12[%swap3A_352, %swap3A_353], %swap3A_356 {strides = array<i32>} : memref<40x128xf32, #tpu.memory_space<vmem>>, vector<1x16xf32>,
      %scan3A_357 = arith.constant 0 : i32
      scf.yield %scan3A_357 : i32
    }
    %scan3A_8 = arith.constant 40 : i32
    %add3A_9 = arith.constant 0 : i32
    %add3A_10 = arith.addi %add3A_9, %arg1 : i32
    %lt3A = arith.constant 250 : i32
    %lt3A_11 = arith.cmpi slt, %add3A_10, %lt3A : i32
    %convert_element_type3A = arith.extui %lt3A_11 : i1 to i32
    %cond3A = arith.constant 0 : i32
    %cond3A_12 = arith.cmpi ne, %convert_element_type3A, %cond3A : i32
    scf.if %cond3A_12 {
      %mul3A_301 = arith.constant 40 : i32
      %mul3A_302 = arith.muli %add3A_10, %mul3A_301 : i32
      "tpu.region"() ({
        %run_scoped3A = tpu.sem_alloc : memref<!tpu.dma_semaphore, #tpu.memory_space<semaphore_mem>>
        %dma_start3A_303 = arith.constant 0 : i32
        %dma_start3A_304 = arith.constant 0 : i32
        %dma_start3A_305 = tpu.memref_slice %arg12[%dma_start3A_303, %dma_start3A_304] : memref<40x128xf32, #tpu.memory_space<vmem>> -> memref<40x128xf32, #tpu.memory_space<vmem>>
        %dma_start3A_306 = arith.constant 0 : i32
        %dma_start3A_307 = tpu.memref_slice %arg7[%mul3A_302, %dma_start3A_306] : memref<10000x128xf32, #tpu.memory_space<vmem_shared>> -> memref<40x128xf32, #tpu.memory_space<vmem_shared>>
        %dma_start3A_308 = arith.constant 0 : i32
        %dma_start3A_309 = tpu.memref_slice %arg7[%mul3A_302, %dma_start3A_308] : memref<10000x128xf32, #tpu.memory_space<vmem_shared>> -> memref<40x128xf32, #tpu.memory_space<vmem_shared>>
        %dma_start3A_310 = arith.constant 0 : i32
        %dma_start3A_311 = arith.constant 0 : i32
        %dma_start3A_312 = tpu.memref_slice %arg12[%dma_start3A_310, %dma_start3A_311] : memref<40x128xf32, #tpu.memory_space<vmem>> -> memref<40x128xf32, #tpu.memory_space<vmem>>
        tpu.enqueue_dma source(%dma_start3A_312 : memref<40x128xf32, #tpu.memory_space<vmem>>) target(%dma_start3A_309 : memref<40x128xf32, #tpu.memory_space<vmem_shared>>) target_semaphore(%run_scoped3A : memref<!tpu.dma_semaphore, #tpu.memory_space<semaphore_mem>>)
        %dma_wait3A_313 = arith.constant 0 : i32
        %dma_wait3A_314 = arith.constant 0 : i32
        %dma_wait3A_315 = tpu.memref_slice %arg12[%dma_wait3A_313, %dma_wait3A_314] : memref<40x128xf32, #tpu.memory_space<vmem>> -> memref<40x128xf32, #tpu.memory_space<vmem>>
        %dma_wait3A_316 = arith.constant 0 : i32
        %dma_wait3A_317 = tpu.memref_slice %arg7[%mul3A_302, %dma_wait3A_316] : memref<10000x128xf32, #tpu.memory_space<vmem_shared>> -> memref<40x128xf32, #tpu.memory_space<vmem_shared>>
        %dma_wait3A_318 = arith.constant 0 : i32
        %dma_wait3A_319 = tpu.memref_slice %arg7[%mul3A_302, %dma_wait3A_318] : memref<10000x128xf32, #tpu.memory_space<vmem_shared>> -> memref<40x128xf32, #tpu.memory_space<vmem_shared>>
        %dma_wait3A_320 = arith.constant 0 : i32
        %dma_wait3A_321 = arith.constant 0 : i32
        %dma_wait3A_322 = tpu.memref_slice %arg12[%dma_wait3A_320, %dma_wait3A_321] : memref<40x128xf32, #tpu.memory_space<vmem>> -> memref<40x128xf32, #tpu.memory_space<vmem>>
        tpu.wait_dma2 semaphore(%run_scoped3A : memref<!tpu.dma_semaphore, #tpu.memory_space<semaphore_mem>>) src(%dma_wait3A_322 : memref<40x128xf32, #tpu.memory_space<vmem>>) dst(%dma_wait3A_319 : memref<40x128xf32, #tpu.memory_space<vmem_shared>>)
        tpu.yield
      }) : () -> ()
    } else {
    }
    %add3A_13 = arith.constant 16 : i32
    %add3A_14 = arith.addi %add3A_13, %arg1 : i32
    %lt3A_15 = arith.constant 250 : i32
    %lt3A_16 = arith.cmpi slt, %add3A_14, %lt3A_15 : i32
    %convert_element_type3A_17 = arith.extui %lt3A_16 : i1 to i32
    %cond3A_18 = arith.constant 0 : i32
    %cond3A_19 = arith.cmpi ne, %convert_element_type3A_17, %cond3A_18 : i32
    scf.if %cond3A_19 {
      %mul3A_301 = arith.constant 40 : i32
      %mul3A_302 = arith.muli %add3A_14, %mul3A_301 : i32
      "tpu.region"() ({
        %run_scoped3A = tpu.sem_alloc : memref<!tpu.dma_semaphore, #tpu.memory_space<semaphore_mem>>
        %dma_start3A_303 = arith.constant 0 : i32
        %dma_start3A_304 = arith.constant 0 : i32
        %dma_start3A_305 = tpu.memref_slice %arg12[%dma_start3A_303, %dma_start3A_304] : memref<40x128xf32, #tpu.memory_space<vmem>> -> memref<40x128xf32, #tpu.memory_space<vmem>>
        %dma_start3A_306 = arith.constant 0 : i32
        %dma_start3A_307 = tpu.memref_slice %arg7[%mul3A_302, %dma_start3A_306] : memref<10000x128xf32, #tpu.memory_space<vmem_shared>> -> memref<40x128xf32, #tpu.memory_space<vmem_shared>>
        %dma_start3A_308 = arith.constant 0 : i32
        %dma_start3A_309 = tpu.memref_slice %arg7[%mul3A_302, %dma_start3A_308] : memref<10000x128xf32, #tpu.memory_space<vmem_shared>> -> memref<40x128xf32, #tpu.memory_space<vmem_shared>>
        %dma_start3A_310 = arith.constant 0 : i32
        %dma_start3A_311 = arith.constant 0 : i32
        %dma_start3A_312 = tpu.memref_slice %arg12[%dma_start3A_310, %dma_start3A_311] : memref<40x128xf32, #tpu.memory_space<vmem>> -> memref<40x128xf32, #tpu.memory_space<vmem>>
        tpu.enqueue_dma source(%dma_start3A_312 : memref<40x128xf32, #tpu.memory_space<vmem>>) target(%dma_start3A_309 : memref<40x128xf32, #tpu.memory_space<vmem_shared>>) target_semaphore(%run_scoped3A : memref<!tpu.dma_semaphore, #tpu.memory_space<semaphore_mem>>)
        %dma_wait3A_313 = arith.constant 0 : i32
        %dma_wait3A_314 = arith.constant 0 : i32
        %dma_wait3A_315 = tpu.memref_slice %arg12[%dma_wait3A_313, %dma_wait3A_314] : memref<40x128xf32, #tpu.memory_space<vmem>> -> memref<40x128xf32, #tpu.memory_space<vmem>>
        %dma_wait3A_316 = arith.constant 0 : i32
        %dma_wait3A_317 = tpu.memref_slice %arg7[%mul3A_302, %dma_wait3A_316] : memref<10000x128xf32, #tpu.memory_space<vmem_shared>> -> memref<40x128xf32, #tpu.memory_space<vmem_shared>>
        %dma_wait3A_318 = arith.constant 0 : i32
        %dma_wait3A_319 = tpu.memref_slice %arg7[%mul3A_302, %dma_wait3A_318] : memref<10000x128xf32, #tpu.memory_space<vmem_shared>> -> memref<40x128xf32, #tpu.memory_space<vmem_shared>>
        %dma_wait3A_320 = arith.constant 0 : i32
        %dma_wait3A_321 = arith.constant 0 : i32
        %dma_wait3A_322 = tpu.memref_slice %arg12[%dma_wait3A_320, %dma_wait3A_321] : memref<40x128xf32, #tpu.memory_space<vmem>> -> memref<40x128xf32, #tpu.memory_space<vmem>>
        tpu.wait_dma2 semaphore(%run_scoped3A : memref<!tpu.dma_semaphore, #tpu.memory_space<semaphore_mem>>) src(%dma_wait3A_322 : memref<40x128xf32, #tpu.memory_space<vmem>>) dst(%dma_wait3A_319 : memref<40x128xf32, #tpu.memory_space<vmem_shared>>)
        tpu.yield
      }) : () -> ()
    } else {
    }
    %add3A_20 = arith.constant 32 : i32
    %add3A_21 = arith.addi %add3A_20, %arg1 : i32
    %lt3A_22 = arith.constant 250 : i32
    %lt3A_23 = arith.cmpi slt, %add3A_21, %lt3A_22 : i32
    %convert_element_type3A_24 = arith.extui %lt3A_23 : i1 to i32
    %cond3A_25 = arith.constant 0 : i32
    %cond3A_26 = arith.cmpi ne, %convert_element_type3A_24, %cond3A_25 : i32
    scf.if %cond3A_26 {
      %mul3A_301 = arith.constant 40 : i32
      %mul3A_302 = arith.muli %add3A_21, %mul3A_301 : i32
      "tpu.region"() ({
        %run_scoped3A = tpu.sem_alloc : memref<!tpu.dma_semaphore, #tpu.memory_space<semaphore_mem>>
        %dma_start3A_303 = arith.constant 0 : i32
        %dma_start3A_304 = arith.constant 0 : i32
        %dma_start3A_305 = tpu.memref_slice %arg12[%dma_start3A_303, %dma_start3A_304] : memref<40x128xf32, #tpu.memory_space<vmem>> -> memref<40x128xf32, #tpu.memory_space<vmem>>
        %dma_start3A_306 = arith.constant 0 : i32
        %dma_start3A_307 = tpu.memref_slice %arg7[%mul3A_302, %dma_start3A_306] : memref<10000x128xf32, #tpu.memory_space<vmem_shared>> -> memref<40x128xf32, #tpu.memory_space<vmem_shared>>
        %dma_start3A_308 = arith.constant 0 : i32
        %dma_start3A_309 = tpu.memref_slice %arg7[%mul3A_302, %dma_start3A_308] : memref<10000x128xf32, #tpu.memory_space<vmem_shared>> -> memref<40x128xf32, #tpu.memory_space<vmem_shared>>
        %dma_start3A_310 = arith.constant 0 : i32
        %dma_start3A_311 = arith.constant 0 : i32
        %dma_start3A_312 = tpu.memref_slice %arg12[%dma_start3A_310, %dma_start3A_311] : memref<40x128xf32, #tpu.memory_space<vmem>> -> memref<40x128xf32, #tpu.memory_space<vmem>>
        tpu.enqueue_dma source(%dma_start3A_312 : memref<40x128xf32, #tpu.memory_space<vmem>>) target(%dma_start3A_309 : memref<40x128xf32, #tpu.memory_space<vmem_shared>>) target_semaphore(%run_scoped3A : memref<!tpu.dma_semaphore, #tpu.memory_space<semaphore_mem>>)
        %dma_wait3A_313 = arith.constant 0 : i32
        %dma_wait3A_314 = arith.constant 0 : i32
        %dma_wait3A_315 = tpu.memref_slice %arg12[%dma_wait3A_313, %dma_wait3A_314] : memref<40x128xf32, #tpu.memory_space<vmem>> -> memref<40x128xf32, #tpu.memory_space<vmem>>
        %dma_wait3A_316 = arith.constant 0 : i32
        %dma_wait3A_317 = tpu.memref_slice %arg7[%mul3A_302, %dma_wait3A_316] : memref<10000x128xf32, #tpu.memory_space<vmem_shared>> -> memref<40x128xf32, #tpu.memory_space<vmem_shared>>
        %dma_wait3A_318 = arith.constant 0 : i32
        %dma_wait3A_319 = tpu.memref_slice %arg7[%mul3A_302, %dma_wait3A_318] : memref<10000x128xf32, #tpu.memory_space<vmem_shared>> -> memref<40x128xf32, #tpu.memory_space<vmem_shared>>
        %dma_wait3A_320 = arith.constant 0 : i32
        %dma_wait3A_321 = arith.constant 0 : i32
        %dma_wait3A_322 = tpu.memref_slice %arg12[%dma_wait3A_320, %dma_wait3A_321] : memref<40x128xf32, #tpu.memory_space<vmem>> -> memref<40x128xf32, #tpu.memory_space<vmem>>
        tpu.wait_dma2 semaphore(%run_scoped3A : memref<!tpu.dma_semaphore, #tpu.memory_space<semaphore_mem>>) src(%dma_wait3A_322 : memref<40x128xf32, #tpu.memory_space<vmem>>) dst(%dma_wait3A_319 : memref<40x128xf32, #tpu.memory_space<vmem_shared>>)
        tpu.yield
      }) : () -> ()
    } else {
    }
    %add3A_27 = arith.constant 48 : i32
    %add3A_28 = arith.addi %add3A_27, %arg1 : i32
    %lt3A_29 = arith.constant 250 : i32
    %lt3A_30 = arith.cmpi slt, %add3A_28, %lt3A_29 : i32
    %convert_element_type3A_31 = arith.extui %lt3A_30 : i1 to i32
    %cond3A_32 = arith.constant 0 : i32
    %cond3A_33 = arith.cmpi ne, %convert_element_type3A_31, %cond3A_32 : i32
    scf.if %cond3A_33 {
      %mul3A_301 = arith.constant 40 : i32
      %mul3A_302 = arith.muli %add3A_28, %mul3A_301 : i32
      "tpu.region"() ({
        %run_scoped3A = tpu.sem_alloc : memref<!tpu.dma_semaphore, #tpu.memory_space<semaphore_mem>>
        %dma_start3A_303 = arith.constant 0 : i32
        %dma_start3A_304 = arith.constant 0 : i32
        %dma_start3A_305 = tpu.memref_slice %arg12[%dma_start3A_303, %dma_start3A_304] : memref<40x128xf32, #tpu.memory_space<vmem>> -> memref<40x128xf32, #tpu.memory_space<vmem>>
        %dma_start3A_306 = arith.constant 0 : i32
        %dma_start3A_307 = tpu.memref_slice %arg7[%mul3A_302, %dma_start3A_306] : memref<10000x128xf32, #tpu.memory_space<vmem_shared>> -> memref<40x128xf32, #tpu.memory_space<vmem_shared>>
        %dma_start3A_308 = arith.constant 0 : i32
        %dma_start3A_309 = tpu.memref_slice %arg7[%mul3A_302, %dma_start3A_308] : memref<10000x128xf32, #tpu.memory_space<vmem_shared>> -> memref<40x128xf32, #tpu.memory_space<vmem_shared>>
        %dma_start3A_310 = arith.constant 0 : i32
        %dma_start3A_311 = arith.constant 0 : i32
        %dma_start3A_312 = tpu.memref_slice %arg12[%dma_start3A_310, %dma_start3A_311] : memref<40x128xf32, #tpu.memory_space<vmem>> -> memref<40x128xf32, #tpu.memory_space<vmem>>
        tpu.enqueue_dma source(%dma_start3A_312 : memref<40x128xf32, #tpu.memory_space<vmem>>) target(%dma_start3A_309 : memref<40x128xf32, #tpu.memory_space<vmem_shared>>) target_semaphore(%run_scoped3A : memref<!tpu.dma_semaphore, #tpu.memory_space<semaphore_mem>>)
        %dma_wait3A_313 = arith.constant 0 : i32
        %dma_wait3A_314 = arith.constant 0 : i32
        %dma_wait3A_315 = tpu.memref_slice %arg12[%dma_wait3A_313, %dma_wait3A_314] : memref<40x128xf32, #tpu.memory_space<vmem>> -> memref<40x128xf32, #tpu.memory_space<vmem>>
        %dma_wait3A_316 = arith.constant 0 : i32
        %dma_wait3A_317 = tpu.memref_slice %arg7[%mul3A_302, %dma_wait3A_316] : memref<10000x128xf32, #tpu.memory_space<vmem_shared>> -> memref<40x128xf32, #tpu.memory_space<vmem_shared>>
        %dma_wait3A_318 = arith.constant 0 : i32
        %dma_wait3A_319 = tpu.memref_slice %arg7[%mul3A_302, %dma_wait3A_318] : memref<10000x128xf32, #tpu.memory_space<vmem_shared>> -> memref<40x128xf32, #tpu.memory_space<vmem_shared>>
        %dma_wait3A_320 = arith.constant 0 : i32
        %dma_wait3A_321 = arith.constant 0 : i32
        %dma_wait3A_322 = tpu.memref_slice %arg12[%dma_wait3A_320, %dma_wait3A_321] : memref<40x128xf32, #tpu.memory_space<vmem>> -> memref<40x128xf32, #tpu.memory_space<vmem>>
        tpu.wait_dma2 semaphore(%run_scoped3A : memref<!tpu.dma_semaphore, #tpu.memory_space<semaphore_mem>>) src(%dma_wait3A_322 : memref<40x128xf32, #tpu.memory_space<vmem>>) dst(%dma_wait3A_319 : memref<40x128xf32, #tpu.memory_space<vmem_shared>>)
        tpu.yield
      }) : () -> ()
    } else {
    }
    %add3A_34 = arith.constant 64 : i32
    %add3A_35 = arith.addi %add3A_34, %arg1 : i32
    %lt3A_36 = arith.constant 250 : i32
    %lt3A_37 = arith.cmpi slt, %add3A_35, %lt3A_36 : i32
    %convert_element_type3A_38 = arith.extui %lt3A_37 : i1 to i32
    %cond3A_39 = arith.constant 0 : i32
    %cond3A_40 = arith.cmpi ne, %convert_element_type3A_38, %cond3A_39 : i32
    scf.if %cond3A_40 {
      %mul3A_301 = arith.constant 40 : i32
      %mul3A_302 = arith.muli %add3A_35, %mul3A_301 : i32
      "tpu.region"() ({
        %run_scoped3A = tpu.sem_alloc : memref<!tpu.dma_semaphore, #tpu.memory_space<semaphore_mem>>
        %dma_start3A_303 = arith.constant 0 : i32
        %dma_start3A_304 = arith.constant 0 : i32
        %dma_start3A_305 = tpu.memref_slice %arg12[%dma_start3A_303, %dma_start3A_304] : memref<40x128xf32, #tpu.memory_space<vmem>> -> memref<40x128xf32, #tpu.memory_space<vmem>>
        %dma_start3A_306 = arith.constant 0 : i32
        %dma_start3A_307 = tpu.memref_slice %arg7[%mul3A_302, %dma_start3A_306] : memref<10000x128xf32, #tpu.memory_space<vmem_shared>> -> memref<40x128xf32, #tpu.memory_space<vmem_shared>>
        %dma_start3A_308 = arith.constant 0 : i32
        %dma_start3A_309 = tpu.memref_slice %arg7[%mul3A_302, %dma_start3A_308] : memref<10000x128xf32, #tpu.memory_space<vmem_shared>> -> memref<40x128xf32, #tpu.memory_space<vmem_shared>>
        %dma_start3A_310 = arith.constant 0 : i32
        %dma_start3A_311 = arith.constant 0 : i32
        %dma_start3A_312 = tpu.memref_slice %arg12[%dma_start3A_310, %dma_start3A_311] : memref<40x128xf32, #tpu.memory_space<vmem>> -> memref<40x128xf32, #tpu.memory_space<vmem>>
        tpu.enqueue_dma source(%dma_start3A_312 : memref<40x128xf32, #tpu.memory_space<vmem>>) target(%dma_start3A_309 : memref<40x128xf32, #tpu.memory_space<vmem_shared>>) target_semaphore(%run_scoped3A : memref<!tpu.dma_semaphore, #tpu.memory_space<semaphore_mem>>)
        %dma_wait3A_313 = arith.constant 0 : i32
        %dma_wait3A_314 = arith.constant 0 : i32
        %dma_wait3A_315 = tpu.memref_slice %arg12[%dma_wait3A_313, %dma_wait3A_314] : memref<40x128xf32, #tpu.memory_space<vmem>> -> memref<40x128xf32, #tpu.memory_space<vmem>>
        %dma_wait3A_316 = arith.constant 0 : i32
        %dma_wait3A_317 = tpu.memref_slice %arg7[%mul3A_302, %dma_wait3A_316] : memref<10000x128xf32, #tpu.memory_space<vmem_shared>> -> memref<40x128xf32, #tpu.memory_space<vmem_shared>>
        %dma_wait3A_318 = arith.constant 0 : i32
        %dma_wait3A_319 = tpu.memref_slice %arg7[%mul3A_302, %dma_wait3A_318] : memref<10000x128xf32, #tpu.memory_space<vmem_shared>> -> memref<40x128xf32, #tpu.memory_space<vmem_shared>>
        %dma_wait3A_320 = arith.constant 0 : i32
        %dma_wait3A_321 = arith.constant 0 : i32
        %dma_wait3A_322 = tpu.memref_slice %arg12[%dma_wait3A_320, %dma_wait3A_321] : memref<40x128xf32, #tpu.memory_space<vmem>> -> memref<40x128xf32, #tpu.memory_space<vmem>>
        tpu.wait_dma2 semaphore(%run_scoped3A : memref<!tpu.dma_semaphore, #tpu.memory_space<semaphore_mem>>) src(%dma_wait3A_322 : memref<40x128xf32, #tpu.memory_space<vmem>>) dst(%dma_wait3A_319 : memref<40x128xf32, #tpu.memory_space<vmem_shared>>)
        tpu.yield
      }) : () -> ()
    } else {
    }
    %add3A_41 = arith.constant 80 : i32
    %add3A_42 = arith.addi %add3A_41, %arg1 : i32
    %lt3A_43 = arith.constant 250 : i32
    %lt3A_44 = arith.cmpi slt, %add3A_42, %lt3A_43 : i32
    %convert_element_type3A_45 = arith.extui %lt3A_44 : i1 to i32
    %cond3A_46 = arith.constant 0 : i32
    %cond3A_47 = arith.cmpi ne, %convert_element_type3A_45, %cond3A_46 : i32
    scf.if %cond3A_47 {
      %mul3A_301 = arith.constant 40 : i32
      %mul3A_302 = arith.muli %add3A_42, %mul3A_301 : i32
      "tpu.region"() ({
        %run_scoped3A = tpu.sem_alloc : memref<!tpu.dma_semaphore, #tpu.memory_space<semaphore_mem>>
        %dma_start3A_303 = arith.constant 0 : i32
        %dma_start3A_304 = arith.constant 0 : i32
        %dma_start3A_305 = tpu.memref_slice %arg12[%dma_start3A_303, %dma_start3A_304] : memref<40x128xf32, #tpu.memory_space<vmem>> -> memref<40x128xf32, #tpu.memory_space<vmem>>
        %dma_start3A_306 = arith.constant 0 : i32
        %dma_start3A_307 = tpu.memref_slice %arg7[%mul3A_302, %dma_start3A_306] : memref<10000x128xf32, #tpu.memory_space<vmem_shared>> -> memref<40x128xf32, #tpu.memory_space<vmem_shared>>
        %dma_start3A_308 = arith.constant 0 : i32
        %dma_start3A_309 = tpu.memref_slice %arg7[%mul3A_302, %dma_start3A_308] : memref<10000x128xf32, #tpu.memory_space<vmem_shared>> -> memref<40x128xf32, #tpu.memory_space<vmem_shared>>
        %dma_start3A_310 = arith.constant 0 : i32
        %dma_start3A_311 = arith.constant 0 : i32
        %dma_start3A_312 = tpu.memref_slice %arg12[%dma_start3A_310, %dma_start3A_311] : memref<40x128xf32, #tpu.memory_space<vmem>> -> memref<40x128xf32, #tpu.memory_space<vmem>>
        tpu.enqueue_dma source(%dma_start3A_312 : memref<40x128xf32, #tpu.memory_space<vmem>>) target(%dma_start3A_309 : memref<40x128xf32, #tpu.memory_space<vmem_shared>>) target_semaphore(%run_scoped3A : memref<!tpu.dma_semaphore, #tpu.memory_space<semaphore_mem>>)
        %dma_wait3A_313 = arith.constant 0 : i32
        %dma_wait3A_314 = arith.constant 0 : i32
        %dma_wait3A_315 = tpu.memref_slice %arg12[%dma_wait3A_313, %dma_wait3A_314] : memref<40x128xf32, #tpu.memory_space<vmem>> -> memref<40x128xf32, #tpu.memory_space<vmem>>
        %dma_wait3A_316 = arith.constant 0 : i32
        %dma_wait3A_317 = tpu.memref_slice %arg7[%mul3A_302, %dma_wait3A_316] : memref<10000x128xf32, #tpu.memory_space<vmem_shared>> -> memref<40x128xf32, #tpu.memory_space<vmem_shared>>
        %dma_wait3A_318 = arith.constant 0 : i32
        %dma_wait3A_319 = tpu.memref_slice %arg7[%mul3A_302, %dma_wait3A_318] : memref<10000x128xf32, #tpu.memory_space<vmem_shared>> -> memref<40x128xf32, #tpu.memory_space<vmem_shared>>
        %dma_wait3A_320 = arith.constant 0 : i32
        %dma_wait3A_321 = arith.constant 0 : i32
        %dma_wait3A_322 = tpu.memref_slice %arg12[%dma_wait3A_320, %dma_wait3A_321] : memref<40x128xf32, #tpu.memory_space<vmem>> -> memref<40x128xf32, #tpu.memory_space<vmem>>
        tpu.wait_dma2 semaphore(%run_scoped3A : memref<!tpu.dma_semaphore, #tpu.memory_space<semaphore_mem>>) src(%dma_wait3A_322 : memref<40x128xf32, #tpu.memory_space<vmem>>) dst(%dma_wait3A_319 : memref<40x128xf32, #tpu.memory_space<vmem_shared>>)
        tpu.yield
      }) : () -> ()
    } else {
    }
    %add3A_48 = arith.constant 96 : i32
    %add3A_49 = arith.addi %add3A_48, %arg1 : i32
    %lt3A_50 = arith.constant 250 : i32
    %lt3A_51 = arith.cmpi slt, %add3A_49, %lt3A_50 : i32
    %convert_element_type3A_52 = arith.extui %lt3A_51 : i1 to i32
    %cond3A_53 = arith.constant 0 : i32
    %cond3A_54 = arith.cmpi ne, %convert_element_type3A_52, %cond3A_53 : i32
    scf.if %cond3A_54 {
      %mul3A_301 = arith.constant 40 : i32
      %mul3A_302 = arith.muli %add3A_49, %mul3A_301 : i32
      "tpu.region"() ({
        %run_scoped3A = tpu.sem_alloc : memref<!tpu.dma_semaphore, #tpu.memory_space<semaphore_mem>>
        %dma_start3A_303 = arith.constant 0 : i32
        %dma_start3A_304 = arith.constant 0 : i32
        %dma_start3A_305 = tpu.memref_slice %arg12[%dma_start3A_303, %dma_start3A_304] : memref<40x128xf32, #tpu.memory_space<vmem>> -> memref<40x128xf32, #tpu.memory_space<vmem>>
        %dma_start3A_306 = arith.constant 0 : i32
        %dma_start3A_307 = tpu.memref_slice %arg7[%mul3A_302, %dma_start3A_306] : memref<10000x128xf32, #tpu.memory_space<vmem_shared>> -> memref<40x128xf32, #tpu.memory_space<vmem_shared>>
        %dma_start3A_308 = arith.constant 0 : i32
        %dma_start3A_309 = tpu.memref_slice %arg7[%mul3A_302, %dma_start3A_308] : memref<10000x128xf32, #tpu.memory_space<vmem_shared>> -> memref<40x128xf32, #tpu.memory_space<vmem_shared>>
        %dma_start3A_310 = arith.constant 0 : i32
        %dma_start3A_311 = arith.constant 0 : i32
        %dma_start3A_312 = tpu.memref_slice %arg12[%dma_start3A_310, %dma_start3A_311] : memref<40x128xf32, #tpu.memory_space<vmem>> -> memref<40x128xf32, #tpu.memory_space<vmem>>
        tpu.enqueue_dma source(%dma_start3A_312 : memref<40x128xf32, #tpu.memory_space<vmem>>) target(%dma_start3A_309 : memref<40x128xf32, #tpu.memory_space<vmem_shared>>) target_semaphore(%run_scoped3A : memref<!tpu.dma_semaphore, #tpu.memory_space<semaphore_mem>>)
        %dma_wait3A_313 = arith.constant 0 : i32
        %dma_wait3A_314 = arith.constant 0 : i32
        %dma_wait3A_315 = tpu.memref_slice %arg12[%dma_wait3A_313, %dma_wait3A_314] : memref<40x128xf32, #tpu.memory_space<vmem>> -> memref<40x128xf32, #tpu.memory_space<vmem>>
        %dma_wait3A_316 = arith.constant 0 : i32
        %dma_wait3A_317 = tpu.memref_slice %arg7[%mul3A_302, %dma_wait3A_316] : memref<10000x128xf32, #tpu.memory_space<vmem_shared>> -> memref<40x128xf32, #tpu.memory_space<vmem_shared>>
        %dma_wait3A_318 = arith.constant 0 : i32
        %dma_wait3A_319 = tpu.memref_slice %arg7[%mul3A_302, %dma_wait3A_318] : memref<10000x128xf32, #tpu.memory_space<vmem_shared>> -> memref<40x128xf32, #tpu.memory_space<vmem_shared>>
        %dma_wait3A_320 = arith.constant 0 : i32
        %dma_wait3A_321 = arith.constant 0 : i32
        %dma_wait3A_322 = tpu.memref_slice %arg12[%dma_wait3A_320, %dma_wait3A_321] : memref<40x128xf32, #tpu.memory_space<vmem>> -> memref<40x128xf32, #tpu.memory_space<vmem>>
        tpu.wait_dma2 semaphore(%run_scoped3A : memref<!tpu.dma_semaphore, #tpu.memory_space<semaphore_mem>>) src(%dma_wait3A_322 : memref<40x128xf32, #tpu.memory_space<vmem>>) dst(%dma_wait3A_319 : memref<40x128xf32, #tpu.memory_space<vmem_shared>>)
        tpu.yield
      }) : () -> ()
    } else {
    }
    %add3A_55 = arith.constant 112 : i32
    %add3A_56 = arith.addi %add3A_55, %arg1 : i32
    %lt3A_57 = arith.constant 250 : i32
    %lt3A_58 = arith.cmpi slt, %add3A_56, %lt3A_57 : i32
    %convert_element_type3A_59 = arith.extui %lt3A_58 : i1 to i32
    %cond3A_60 = arith.constant 0 : i32
    %cond3A_61 = arith.cmpi ne, %convert_element_type3A_59, %cond3A_60 : i32
    scf.if %cond3A_61 {
      %mul3A_301 = arith.constant 40 : i32
      %mul3A_302 = arith.muli %add3A_56, %mul3A_301 : i32
      "tpu.region"() ({
        %run_scoped3A = tpu.sem_alloc : memref<!tpu.dma_semaphore, #tpu.memory_space<semaphore_mem>>
        %dma_start3A_303 = arith.constant 0 : i32
        %dma_start3A_304 = arith.constant 0 : i32
        %dma_start3A_305 = tpu.memref_slice %arg12[%dma_start3A_303, %dma_start3A_304] : memref<40x128xf32, #tpu.memory_space<vmem>> -> memref<40x128xf32, #tpu.memory_space<vmem>>
        %dma_start3A_306 = arith.constant 0 : i32
        %dma_start3A_307 = tpu.memref_slice %arg7[%mul3A_302, %dma_start3A_306] : memref<10000x128xf32, #tpu.memory_space<vmem_shared>> -> memref<40x128xf32, #tpu.memory_space<vmem_shared>>
        %dma_start3A_308 = arith.constant 0 : i32
        %dma_start3A_309 = tpu.memref_slice %arg7[%mul3A_302, %dma_start3A_308] : memref<10000x128xf32, #tpu.memory_space<vmem_shared>> -> memref<40x128xf32, #tpu.memory_space<vmem_shared>>
        %dma_start3A_310 = arith.constant 0 : i32
        %dma_start3A_311 = arith.constant 0 : i32
        %dma_start3A_312 = tpu.memref_slice %arg12[%dma_start3A_310, %dma_start3A_311] : memref<40x128xf32, #tpu.memory_space<vmem>> -> memref<40x128xf32, #tpu.memory_space<vmem>>
        tpu.enqueue_dma source(%dma_start3A_312 : memref<40x128xf32, #tpu.memory_space<vmem>>) target(%dma_start3A_309 : memref<40x128xf32, #tpu.memory_space<vmem_shared>>) target_semaphore(%run_scoped3A : memref<!tpu.dma_semaphore, #tpu.memory_space<semaphore_mem>>)
        %dma_wait3A_313 = arith.constant 0 : i32
        %dma_wait3A_314 = arith.constant 0 : i32
        %dma_wait3A_315 = tpu.memref_slice %arg12[%dma_wait3A_313, %dma_wait3A_314] : memref<40x128xf32, #tpu.memory_space<vmem>> -> memref<40x128xf32, #tpu.memory_space<vmem>>
        %dma_wait3A_316 = arith.constant 0 : i32
        %dma_wait3A_317 = tpu.memref_slice %arg7[%mul3A_302, %dma_wait3A_316] : memref<10000x128xf32, #tpu.memory_space<vmem_shared>> -> memref<40x128xf32, #tpu.memory_space<vmem_shared>>
        %dma_wait3A_318 = arith.constant 0 : i32
        %dma_wait3A_319 = tpu.memref_slice %arg7[%mul3A_302, %dma_wait3A_318] : memref<10000x128xf32, #tpu.memory_space<vmem_shared>> -> memref<40x128xf32, #tpu.memory_space<vmem_shared>>
        %dma_wait3A_320 = arith.constant 0 : i32
        %dma_wait3A_321 = arith.constant 0 : i32
        %dma_wait3A_322 = tpu.memref_slice %arg12[%dma_wait3A_320, %dma_wait3A_321] : memref<40x128xf32, #tpu.memory_space<vmem>> -> memref<40x128xf32, #tpu.memory_space<vmem>>
        tpu.wait_dma2 semaphore(%run_scoped3A : memref<!tpu.dma_semaphore, #tpu.memory_space<semaphore_mem>>) src(%dma_wait3A_322 : memref<40x128xf32, #tpu.memory_space<vmem>>) dst(%dma_wait3A_319 : memref<40x128xf32, #tpu.memory_space<vmem_shared>>)
        tpu.yield
      }) : () -> ()
    } else {
    }
    %add3A_62 = arith.constant 128 : i32
    %add3A_63 = arith.addi %add3A_62, %arg1 : i32
    %lt3A_64 = arith.constant 250 : i32
    %lt3A_65 = arith.cmpi slt, %add3A_63, %lt3A_64 : i32
    %convert_element_type3A_66 = arith.extui %lt3A_65 : i1 to i32
    %cond3A_67 = arith.constant 0 : i32
    %cond3A_68 = arith.cmpi ne, %convert_element_type3A_66, %cond3A_67 : i32
    scf.if %cond3A_68 {
      %mul3A_301 = arith.constant 40 : i32
      %mul3A_302 = arith.muli %add3A_63, %mul3A_301 : i32
      "tpu.region"() ({
        %run_scoped3A = tpu.sem_alloc : memref<!tpu.dma_semaphore, #tpu.memory_space<semaphore_mem>>
        %dma_start3A_303 = arith.constant 0 : i32
        %dma_start3A_304 = arith.constant 0 : i32
        %dma_start3A_305 = tpu.memref_slice %arg12[%dma_start3A_303, %dma_start3A_304] : memref<40x128xf32, #tpu.memory_space<vmem>> -> memref<40x128xf32, #tpu.memory_space<vmem>>
        %dma_start3A_306 = arith.constant 0 : i32
        %dma_start3A_307 = tpu.memref_slice %arg7[%mul3A_302, %dma_start3A_306] : memref<10000x128xf32, #tpu.memory_space<vmem_shared>> -> memref<40x128xf32, #tpu.memory_space<vmem_shared>>
        %dma_start3A_308 = arith.constant 0 : i32
        %dma_start3A_309 = tpu.memref_slice %arg7[%mul3A_302, %dma_start3A_308] : memref<10000x128xf32, #tpu.memory_space<vmem_shared>> -> memref<40x128xf32, #tpu.memory_space<vmem_shared>>
        %dma_start3A_310 = arith.constant 0 : i32
        %dma_start3A_311 = arith.constant 0 : i32
        %dma_start3A_312 = tpu.memref_slice %arg12[%dma_start3A_310, %dma_start3A_311] : memref<40x128xf32, #tpu.memory_space<vmem>> -> memref<40x128xf32, #tpu.memory_space<vmem>>
        tpu.enqueue_dma source(%dma_start3A_312 : memref<40x128xf32, #tpu.memory_space<vmem>>) target(%dma_start3A_309 : memref<40x128xf32, #tpu.memory_space<vmem_shared>>) target_semaphore(%run_scoped3A : memref<!tpu.dma_semaphore, #tpu.memory_space<semaphore_mem>>)
        %dma_wait3A_313 = arith.constant 0 : i32
        %dma_wait3A_314 = arith.constant 0 : i32
        %dma_wait3A_315 = tpu.memref_slice %arg12[%dma_wait3A_313, %dma_wait3A_314] : memref<40x128xf32, #tpu.memory_space<vmem>> -> memref<40x128xf32, #tpu.memory_space<vmem>>
        %dma_wait3A_316 = arith.constant 0 : i32
        %dma_wait3A_317 = tpu.memref_slice %arg7[%mul3A_302, %dma_wait3A_316] : memref<10000x128xf32, #tpu.memory_space<vmem_shared>> -> memref<40x128xf32, #tpu.memory_space<vmem_shared>>
        %dma_wait3A_318 = arith.constant 0 : i32
        %dma_wait3A_319 = tpu.memref_slice %arg7[%mul3A_302, %dma_wait3A_318] : memref<10000x128xf32, #tpu.memory_space<vmem_shared>> -> memref<40x128xf32, #tpu.memory_space<vmem_shared>>
        %dma_wait3A_320 = arith.constant 0 : i32
        %dma_wait3A_321 = arith.constant 0 : i32
        %dma_wait3A_322 = tpu.memref_slice %arg12[%dma_wait3A_320, %dma_wait3A_321] : memref<40x128xf32, #tpu.memory_space<vmem>> -> memref<40x128xf32, #tpu.memory_space<vmem>>
        tpu.wait_dma2 semaphore(%run_scoped3A : memref<!tpu.dma_semaphore, #tpu.memory_space<semaphore_mem>>) src(%dma_wait3A_322 : memref<40x128xf32, #tpu.memory_space<vmem>>) dst(%dma_wait3A_319 : memref<40x128xf32, #tpu.memory_space<vmem_shared>>)
        tpu.yield
      }) : () -> ()
    } else {
    }
    %add3A_69 = arith.constant 144 : i32
    %add3A_70 = arith.addi %add3A_69, %arg1 : i32
    %lt3A_71 = arith.constant 250 : i32
    %lt3A_72 = arith.cmpi slt, %add3A_70, %lt3A_71 : i32
    %convert_element_type3A_73 = arith.extui %lt3A_72 : i1 to i32
    %cond3A_74 = arith.constant 0 : i32
    %cond3A_75 = arith.cmpi ne, %convert_element_type3A_73, %cond3A_74 : i32
    scf.if %cond3A_75 {
      %mul3A_301 = arith.constant 40 : i32
      %mul3A_302 = arith.muli %add3A_70, %mul3A_301 : i32
      "tpu.region"() ({
        %run_scoped3A = tpu.sem_alloc : memref<!tpu.dma_semaphore, #tpu.memory_space<semaphore_mem>>
        %dma_start3A_303 = arith.constant 0 : i32
        %dma_start3A_304 = arith.constant 0 : i32
        %dma_start3A_305 = tpu.memref_slice %arg12[%dma_start3A_303, %dma_start3A_304] : memref<40x128xf32, #tpu.memory_space<vmem>> -> memref<40x128xf32, #tpu.memory_space<vmem>>
        %dma_start3A_306 = arith.constant 0 : i32
        %dma_start3A_307 = tpu.memref_slice %arg7[%mul3A_302, %dma_start3A_306] : memref<10000x128xf32, #tpu.memory_space<vmem_shared>> -> memref<40x128xf32, #tpu.memory_space<vmem_shared>>
        %dma_start3A_308 = arith.constant 0 : i32
        %dma_start3A_309 = tpu.memref_slice %arg7[%mul3A_302, %dma_start3A_308] : memref<10000x128xf32, #tpu.memory_space<vmem_shared>> -> memref<40x128xf32, #tpu.memory_space<vmem_shared>>
        %dma_start3A_310 = arith.constant 0 : i32
        %dma_start3A_311 = arith.constant 0 : i32
        %dma_start3A_312 = tpu.memref_slice %arg12[%dma_start3A_310, %dma_start3A_311] : memref<40x128xf32, #tpu.memory_space<vmem>> -> memref<40x128xf32, #tpu.memory_space<vmem>>
        tpu.enqueue_dma source(%dma_start3A_312 : memref<40x128xf32, #tpu.memory_space<vmem>>) target(%dma_start3A_309 : memref<40x128xf32, #tpu.memory_space<vmem_shared>>) target_semaphore(%run_scoped3A : memref<!tpu.dma_semaphore, #tpu.memory_space<semaphore_mem>>)
        %dma_wait3A_313 = arith.constant 0 : i32
        %dma_wait3A_314 = arith.constant 0 : i32
        %dma_wait3A_315 = tpu.memref_slice %arg12[%dma_wait3A_313, %dma_wait3A_314] : memref<40x128xf32, #tpu.memory_space<vmem>> -> memref<40x128xf32, #tpu.memory_space<vmem>>
        %dma_wait3A_316 = arith.constant 0 : i32
        %dma_wait3A_317 = tpu.memref_slice %arg7[%mul3A_302, %dma_wait3A_316] : memref<10000x128xf32, #tpu.memory_space<vmem_shared>> -> memref<40x128xf32, #tpu.memory_space<vmem_shared>>
        %dma_wait3A_318 = arith.constant 0 : i32
        %dma_wait3A_319 = tpu.memref_slice %arg7[%mul3A_302, %dma_wait3A_318] : memref<10000x128xf32, #tpu.memory_space<vmem_shared>> -> memref<40x128xf32, #tpu.memory_space<vmem_shared>>
        %dma_wait3A_320 = arith.constant 0 : i32
        %dma_wait3A_321 = arith.constant 0 : i32
        %dma_wait3A_322 = tpu.memref_slice %arg12[%dma_wait3A_320, %dma_wait3A_321] : memref<40x128xf32, #tpu.memory_space<vmem>> -> memref<40x128xf32, #tpu.memory_space<vmem>>
        tpu.wait_dma2 semaphore(%run_scoped3A : memref<!tpu.dma_semaphore, #tpu.memory_space<semaphore_mem>>) src(%dma_wait3A_322 : memref<40x128xf32, #tpu.memory_space<vmem>>) dst(%dma_wait3A_319 : memref<40x128xf32, #tpu.memory_space<vmem_shared>>)
        tpu.yield
      }) : () -> ()
    } else {
    }
    %add3A_76 = arith.constant 160 : i32
    %add3A_77 = arith.addi %add3A_76, %arg1 : i32
    %lt3A_78 = arith.constant 250 : i32
    %lt3A_79 = arith.cmpi slt, %add3A_77, %lt3A_78 : i32
    %convert_element_type3A_80 = arith.extui %lt3A_79 : i1 to i32
    %cond3A_81 = arith.constant 0 : i32
    %cond3A_82 = arith.cmpi ne, %convert_element_type3A_80, %cond3A_81 : i32
    scf.if %cond3A_82 {
      %mul3A_301 = arith.constant 40 : i32
      %mul3A_302 = arith.muli %add3A_77, %mul3A_301 : i32
      "tpu.region"() ({
        %run_scoped3A = tpu.sem_alloc : memref<!tpu.dma_semaphore, #tpu.memory_space<semaphore_mem>>
        %dma_start3A_303 = arith.constant 0 : i32
        %dma_start3A_304 = arith.constant 0 : i32
        %dma_start3A_305 = tpu.memref_slice %arg12[%dma_start3A_303, %dma_start3A_304] : memref<40x128xf32, #tpu.memory_space<vmem>> -> memref<40x128xf32, #tpu.memory_space<vmem>>
        %dma_start3A_306 = arith.constant 0 : i32
        %dma_start3A_307 = tpu.memref_slice %arg7[%mul3A_302, %dma_start3A_306] : memref<10000x128xf32, #tpu.memory_space<vmem_shared>> -> memref<40x128xf32, #tpu.memory_space<vmem_shared>>
        %dma_start3A_308 = arith.constant 0 : i32
        %dma_start3A_309 = tpu.memref_slice %arg7[%mul3A_302, %dma_start3A_308] : memref<10000x128xf32, #tpu.memory_space<vmem_shared>> -> memref<40x128xf32, #tpu.memory_space<vmem_shared>>
        %dma_start3A_310 = arith.constant 0 : i32
        %dma_start3A_311 = arith.constant 0 : i32
        %dma_start3A_312 = tpu.memref_slice %arg12[%dma_start3A_310, %dma_start3A_311] : memref<40x128xf32, #tpu.memory_space<vmem>> -> memref<40x128xf32, #tpu.memory_space<vmem>>
        tpu.enqueue_dma source(%dma_start3A_312 : memref<40x128xf32, #tpu.memory_space<vmem>>) target(%dma_start3A_309 : memref<40x128xf32, #tpu.memory_space<vmem_shared>>) target_semaphore(%run_scoped3A : memref<!tpu.dma_semaphore, #tpu.memory_space<semaphore_mem>>)
        %dma_wait3A_313 = arith.constant 0 : i32
        %dma_wait3A_314 = arith.constant 0 : i32
        %dma_wait3A_315 = tpu.memref_slice %arg12[%dma_wait3A_313, %dma_wait3A_314] : memref<40x128xf32, #tpu.memory_space<vmem>> -> memref<40x128xf32, #tpu.memory_space<vmem>>
        %dma_wait3A_316 = arith.constant 0 : i32
        %dma_wait3A_317 = tpu.memref_slice %arg7[%mul3A_302, %dma_wait3A_316] : memref<10000x128xf32, #tpu.memory_space<vmem_shared>> -> memref<40x128xf32, #tpu.memory_space<vmem_shared>>
        %dma_wait3A_318 = arith.constant 0 : i32
        %dma_wait3A_319 = tpu.memref_slice %arg7[%mul3A_302, %dma_wait3A_318] : memref<10000x128xf32, #tpu.memory_space<vmem_shared>> -> memref<40x128xf32, #tpu.memory_space<vmem_shared>>
        %dma_wait3A_320 = arith.constant 0 : i32
        %dma_wait3A_321 = arith.constant 0 : i32
        %dma_wait3A_322 = tpu.memref_slice %arg12[%dma_wait3A_320, %dma_wait3A_321] : memref<40x128xf32, #tpu.memory_space<vmem>> -> memref<40x128xf32, #tpu.memory_space<vmem>>
        tpu.wait_dma2 semaphore(%run_scoped3A : memref<!tpu.dma_semaphore, #tpu.memory_space<semaphore_mem>>) src(%dma_wait3A_322 : memref<40x128xf32, #tpu.memory_space<vmem>>) dst(%dma_wait3A_319 : memref<40x128xf32, #tpu.memory_space<vmem_shared>>)
        tpu.yield
      }) : () -> ()
    } else {
    }
    %add3A_83 = arith.constant 176 : i32
    %add3A_84 = arith.addi %add3A_83, %arg1 : i32
    %lt3A_85 = arith.constant 250 : i32
    %lt3A_86 = arith.cmpi slt, %add3A_84, %lt3A_85 : i32
    %convert_element_type3A_87 = arith.extui %lt3A_86 : i1 to i32
    %cond3A_88 = arith.constant 0 : i32
    %cond3A_89 = arith.cmpi ne, %convert_element_type3A_87, %cond3A_88 : i32
    scf.if %cond3A_89 {
      %mul3A_301 = arith.constant 40 : i32
      %mul3A_302 = arith.muli %add3A_84, %mul3A_301 : i32
      "tpu.region"() ({
        %run_scoped3A = tpu.sem_alloc : memref<!tpu.dma_semaphore, #tpu.memory_space<semaphore_mem>>
        %dma_start3A_303 = arith.constant 0 : i32
        %dma_start3A_304 = arith.constant 0 : i32
        %dma_start3A_305 = tpu.memref_slice %arg12[%dma_start3A_303, %dma_start3A_304] : memref<40x128xf32, #tpu.memory_space<vmem>> -> memref<40x128xf32, #tpu.memory_space<vmem>>
        %dma_start3A_306 = arith.constant 0 : i32
        %dma_start3A_307 = tpu.memref_slice %arg7[%mul3A_302, %dma_start3A_306] : memref<10000x128xf32, #tpu.memory_space<vmem_shared>> -> memref<40x128xf32, #tpu.memory_space<vmem_shared>>
        %dma_start3A_308 = arith.constant 0 : i32
        %dma_start3A_309 = tpu.memref_slice %arg7[%mul3A_302, %dma_start3A_308] : memref<10000x128xf32, #tpu.memory_space<vmem_shared>> -> memref<40x128xf32, #tpu.memory_space<vmem_shared>>
        %dma_start3A_310 = arith.constant 0 : i32
        %dma_start3A_311 = arith.constant 0 : i32
        %dma_start3A_312 = tpu.memref_slice %arg12[%dma_start3A_310, %dma_start3A_311] : memref<40x128xf32, #tpu.memory_space<vmem>> -> memref<40x128xf32, #tpu.memory_space<vmem>>
        tpu.enqueue_dma source(%dma_start3A_312 : memref<40x128xf32, #tpu.memory_space<vmem>>) target(%dma_start3A_309 : memref<40x128xf32, #tpu.memory_space<vmem_shared>>) target_semaphore(%run_scoped3A : memref<!tpu.dma_semaphore, #tpu.memory_space<semaphore_mem>>)
        %dma_wait3A_313 = arith.constant 0 : i32
        %dma_wait3A_314 = arith.constant 0 : i32
        %dma_wait3A_315 = tpu.memref_slice %arg12[%dma_wait3A_313, %dma_wait3A_314] : memref<40x128xf32, #tpu.memory_space<vmem>> -> memref<40x128xf32, #tpu.memory_space<vmem>>
        %dma_wait3A_316 = arith.constant 0 : i32
        %dma_wait3A_317 = tpu.memref_slice %arg7[%mul3A_302, %dma_wait3A_316] : memref<10000x128xf32, #tpu.memory_space<vmem_shared>> -> memref<40x128xf32, #tpu.memory_space<vmem_shared>>
        %dma_wait3A_318 = arith.constant 0 : i32
        %dma_wait3A_319 = tpu.memref_slice %arg7[%mul3A_302, %dma_wait3A_318] : memref<10000x128xf32, #tpu.memory_space<vmem_shared>> -> memref<40x128xf32, #tpu.memory_space<vmem_shared>>
        %dma_wait3A_320 = arith.constant 0 : i32
        %dma_wait3A_321 = arith.constant 0 : i32
        %dma_wait3A_322 = tpu.memref_slice %arg12[%dma_wait3A_320, %dma_wait3A_321] : memref<40x128xf32, #tpu.memory_space<vmem>> -> memref<40x128xf32, #tpu.memory_space<vmem>>
        tpu.wait_dma2 semaphore(%run_scoped3A : memref<!tpu.dma_semaphore, #tpu.memory_space<semaphore_mem>>) src(%dma_wait3A_322 : memref<40x128xf32, #tpu.memory_space<vmem>>) dst(%dma_wait3A_319 : memref<40x128xf32, #tpu.memory_space<vmem_shared>>)
        tpu.yield
      }) : () -> ()
    } else {
    }
    %add3A_90 = arith.constant 192 : i32
    %add3A_91 = arith.addi %add3A_90, %arg1 : i32
    %lt3A_92 = arith.constant 250 : i32
    %lt3A_93 = arith.cmpi slt, %add3A_91, %lt3A_92 : i32
    %convert_element_type3A_94 = arith.extui %lt3A_93 : i1 to i32
    %cond3A_95 = arith.constant 0 : i32
    %cond3A_96 = arith.cmpi ne, %convert_element_type3A_94, %cond3A_95 : i32
    scf.if %cond3A_96 {
      %mul3A_301 = arith.constant 40 : i32
      %mul3A_302 = arith.muli %add3A_91, %mul3A_301 : i32
      "tpu.region"() ({
        %run_scoped3A = tpu.sem_alloc : memref<!tpu.dma_semaphore, #tpu.memory_space<semaphore_mem>>
        %dma_start3A_303 = arith.constant 0 : i32
        %dma_start3A_304 = arith.constant 0 : i32
        %dma_start3A_305 = tpu.memref_slice %arg12[%dma_start3A_303, %dma_start3A_304] : memref<40x128xf32, #tpu.memory_space<vmem>> -> memref<40x128xf32, #tpu.memory_space<vmem>>
        %dma_start3A_306 = arith.constant 0 : i32
        %dma_start3A_307 = tpu.memref_slice %arg7[%mul3A_302, %dma_start3A_306] : memref<10000x128xf32, #tpu.memory_space<vmem_shared>> -> memref<40x128xf32, #tpu.memory_space<vmem_shared>>
        %dma_start3A_308 = arith.constant 0 : i32
        %dma_start3A_309 = tpu.memref_slice %arg7[%mul3A_302, %dma_start3A_308] : memref<10000x128xf32, #tpu.memory_space<vmem_shared>> -> memref<40x128xf32, #tpu.memory_space<vmem_shared>>
        %dma_start3A_310 = arith.constant 0 : i32
        %dma_start3A_311 = arith.constant 0 : i32
        %dma_start3A_312 = tpu.memref_slice %arg12[%dma_start3A_310, %dma_start3A_311] : memref<40x128xf32, #tpu.memory_space<vmem>> -> memref<40x128xf32, #tpu.memory_space<vmem>>
        tpu.enqueue_dma source(%dma_start3A_312 : memref<40x128xf32, #tpu.memory_space<vmem>>) target(%dma_start3A_309 : memref<40x128xf32, #tpu.memory_space<vmem_shared>>) target_semaphore(%run_scoped3A : memref<!tpu.dma_semaphore, #tpu.memory_space<semaphore_mem>>)
        %dma_wait3A_313 = arith.constant 0 : i32
        %dma_wait3A_314 = arith.constant 0 : i32
        %dma_wait3A_315 = tpu.memref_slice %arg12[%dma_wait3A_313, %dma_wait3A_314] : memref<40x128xf32, #tpu.memory_space<vmem>> -> memref<40x128xf32, #tpu.memory_space<vmem>>
        %dma_wait3A_316 = arith.constant 0 : i32
        %dma_wait3A_317 = tpu.memref_slice %arg7[%mul3A_302, %dma_wait3A_316] : memref<10000x128xf32, #tpu.memory_space<vmem_shared>> -> memref<40x128xf32, #tpu.memory_space<vmem_shared>>
        %dma_wait3A_318 = arith.constant 0 : i32
        %dma_wait3A_319 = tpu.memref_slice %arg7[%mul3A_302, %dma_wait3A_318] : memref<10000x128xf32, #tpu.memory_space<vmem_shared>> -> memref<40x128xf32, #tpu.memory_space<vmem_shared>>
        %dma_wait3A_320 = arith.constant 0 : i32
        %dma_wait3A_321 = arith.constant 0 : i32
        %dma_wait3A_322 = tpu.memref_slice %arg12[%dma_wait3A_320, %dma_wait3A_321] : memref<40x128xf32, #tpu.memory_space<vmem>> -> memref<40x128xf32, #tpu.memory_space<vmem>>
        tpu.wait_dma2 semaphore(%run_scoped3A : memref<!tpu.dma_semaphore, #tpu.memory_space<semaphore_mem>>) src(%dma_wait3A_322 : memref<40x128xf32, #tpu.memory_space<vmem>>) dst(%dma_wait3A_319 : memref<40x128xf32, #tpu.memory_space<vmem_shared>>)
        tpu.yield
      }) : () -> ()
    } else {
    }
    %add3A_97 = arith.constant 208 : i32
    %add3A_98 = arith.addi %add3A_97, %arg1 : i32
    %lt3A_99 = arith.constant 250 : i32
    %lt3A_100 = arith.cmpi slt, %add3A_98, %lt3A_99 : i32
    %convert_element_type3A_101 = arith.extui %lt3A_100 : i1 to i32
    %cond3A_102 = arith.constant 0 : i32
    %cond3A_103 = arith.cmpi ne, %convert_element_type3A_101, %cond3A_102 : i32
    scf.if %cond3A_103 {
      %mul3A_301 = arith.constant 40 : i32
      %mul3A_302 = arith.muli %add3A_98, %mul3A_301 : i32
      "tpu.region"() ({
        %run_scoped3A = tpu.sem_alloc : memref<!tpu.dma_semaphore, #tpu.memory_space<semaphore_mem>>
        %dma_start3A_303 = arith.constant 0 : i32
        %dma_start3A_304 = arith.constant 0 : i32
        %dma_start3A_305 = tpu.memref_slice %arg12[%dma_start3A_303, %dma_start3A_304] : memref<40x128xf32, #tpu.memory_space<vmem>> -> memref<40x128xf32, #tpu.memory_space<vmem>>
        %dma_start3A_306 = arith.constant 0 : i32
        %dma_start3A_307 = tpu.memref_slice %arg7[%mul3A_302, %dma_start3A_306] : memref<10000x128xf32, #tpu.memory_space<vmem_shared>> -> memref<40x128xf32, #tpu.memory_space<vmem_shared>>
        %dma_start3A_308 = arith.constant 0 : i32
        %dma_start3A_309 = tpu.memref_slice %arg7[%mul3A_302, %dma_start3A_308] : memref<10000x128xf32, #tpu.memory_space<vmem_shared>> -> memref<40x128xf32, #tpu.memory_space<vmem_shared>>
        %dma_start3A_310 = arith.constant 0 : i32
        %dma_start3A_311 = arith.constant 0 : i32
        %dma_start3A_312 = tpu.memref_slice %arg12[%dma_start3A_310, %dma_start3A_311] : memref<40x128xf32, #tpu.memory_space<vmem>> -> memref<40x128xf32, #tpu.memory_space<vmem>>
        tpu.enqueue_dma source(%dma_start3A_312 : memref<40x128xf32, #tpu.memory_space<vmem>>) target(%dma_start3A_309 : memref<40x128xf32, #tpu.memory_space<vmem_shared>>) target_semaphore(%run_scoped3A : memref<!tpu.dma_semaphore, #tpu.memory_space<semaphore_mem>>)
        %dma_wait3A_313 = arith.constant 0 : i32
        %dma_wait3A_314 = arith.constant 0 : i32
        %dma_wait3A_315 = tpu.memref_slice %arg12[%dma_wait3A_313, %dma_wait3A_314] : memref<40x128xf32, #tpu.memory_space<vmem>> -> memref<40x128xf32, #tpu.memory_space<vmem>>
        %dma_wait3A_316 = arith.constant 0 : i32
        %dma_wait3A_317 = tpu.memref_slice %arg7[%mul3A_302, %dma_wait3A_316] : memref<10000x128xf32, #tpu.memory_space<vmem_shared>> -> memref<40x128xf32, #tpu.memory_space<vmem_shared>>
        %dma_wait3A_318 = arith.constant 0 : i32
        %dma_wait3A_319 = tpu.memref_slice %arg7[%mul3A_302, %dma_wait3A_318] : memref<10000x128xf32, #tpu.memory_space<vmem_shared>> -> memref<40x128xf32, #tpu.memory_space<vmem_shared>>
        %dma_wait3A_320 = arith.constant 0 : i32
        %dma_wait3A_321 = arith.constant 0 : i32
        %dma_wait3A_322 = tpu.memref_slice %arg12[%dma_wait3A_320, %dma_wait3A_321] : memref<40x128xf32, #tpu.memory_space<vmem>> -> memref<40x128xf32, #tpu.memory_space<vmem>>
        tpu.wait_dma2 semaphore(%run_scoped3A : memref<!tpu.dma_semaphore, #tpu.memory_space<semaphore_mem>>) src(%dma_wait3A_322 : memref<40x128xf32, #tpu.memory_space<vmem>>) dst(%dma_wait3A_319 : memref<40x128xf32, #tpu.memory_space<vmem_shared>>)
        tpu.yield
      }) : () -> ()
    } else {
    }
    %add3A_104 = arith.constant 224 : i32
    %add3A_105 = arith.addi %add3A_104, %arg1 : i32
    %lt3A_106 = arith.constant 250 : i32
    %lt3A_107 = arith.cmpi slt, %add3A_105, %lt3A_106 : i32
    %convert_element_type3A_108 = arith.extui %lt3A_107 : i1 to i32
    %cond3A_109 = arith.constant 0 : i32
    %cond3A_110 = arith.cmpi ne, %convert_element_type3A_108, %cond3A_109 : i32
    scf.if %cond3A_110 {
      %mul3A_301 = arith.constant 40 : i32
      %mul3A_302 = arith.muli %add3A_105, %mul3A_301 : i32
      "tpu.region"() ({
        %run_scoped3A = tpu.sem_alloc : memref<!tpu.dma_semaphore, #tpu.memory_space<semaphore_mem>>
        %dma_start3A_303 = arith.constant 0 : i32
        %dma_start3A_304 = arith.constant 0 : i32
        %dma_start3A_305 = tpu.memref_slice %arg12[%dma_start3A_303, %dma_start3A_304] : memref<40x128xf32, #tpu.memory_space<vmem>> -> memref<40x128xf32, #tpu.memory_space<vmem>>
        %dma_start3A_306 = arith.constant 0 : i32
        %dma_start3A_307 = tpu.memref_slice %arg7[%mul3A_302, %dma_start3A_306] : memref<10000x128xf32, #tpu.memory_space<vmem_shared>> -> memref<40x128xf32, #tpu.memory_space<vmem_shared>>
        %dma_start3A_308 = arith.constant 0 : i32
        %dma_start3A_309 = tpu.memref_slice %arg7[%mul3A_302, %dma_start3A_308] : memref<10000x128xf32, #tpu.memory_space<vmem_shared>> -> memref<40x128xf32, #tpu.memory_space<vmem_shared>>
        %dma_start3A_310 = arith.constant 0 : i32
        %dma_start3A_311 = arith.constant 0 : i32
        %dma_start3A_312 = tpu.memref_slice %arg12[%dma_start3A_310, %dma_start3A_311] : memref<40x128xf32, #tpu.memory_space<vmem>> -> memref<40x128xf32, #tpu.memory_space<vmem>>
        tpu.enqueue_dma source(%dma_start3A_312 : memref<40x128xf32, #tpu.memory_space<vmem>>) target(%dma_start3A_309 : memref<40x128xf32, #tpu.memory_space<vmem_shared>>) target_semaphore(%run_scoped3A : memref<!tpu.dma_semaphore, #tpu.memory_space<semaphore_mem>>)
        %dma_wait3A_313 = arith.constant 0 : i32
        %dma_wait3A_314 = arith.constant 0 : i32
        %dma_wait3A_315 = tpu.memref_slice %arg12[%dma_wait3A_313, %dma_wait3A_314] : memref<40x128xf32, #tpu.memory_space<vmem>> -> memref<40x128xf32, #tpu.memory_space<vmem>>
        %dma_wait3A_316 = arith.constant 0 : i32
        %dma_wait3A_317 = tpu.memref_slice %arg7[%mul3A_302, %dma_wait3A_316] : memref<10000x128xf32, #tpu.memory_space<vmem_shared>> -> memref<40x128xf32, #tpu.memory_space<vmem_shared>>
        %dma_wait3A_318 = arith.constant 0 : i32
        %dma_wait3A_319 = tpu.memref_slice %arg7[%mul3A_302, %dma_wait3A_318] : memref<10000x128xf32, #tpu.memory_space<vmem_shared>> -> memref<40x128xf32, #tpu.memory_space<vmem_shared>>
        %dma_wait3A_320 = arith.constant 0 : i32
        %dma_wait3A_321 = arith.constant 0 : i32
        %dma_wait3A_322 = tpu.memref_slice %arg12[%dma_wait3A_320, %dma_wait3A_321] : memref<40x128xf32, #tpu.memory_space<vmem>> -> memref<40x128xf32, #tpu.memory_space<vmem>>
        tpu.wait_dma2 semaphore(%run_scoped3A : memref<!tpu.dma_semaphore, #tpu.memory_space<semaphore_mem>>) src(%dma_wait3A_322 : memref<40x128xf32, #tpu.memory_space<vmem>>) dst(%dma_wait3A_319 : memref<40x128xf32, #tpu.memory_space<vmem_shared>>)
        tpu.yield
      }) : () -> ()
    } else {
    }
    %add3A_111 = arith.constant 240 : i32
    %add3A_112 = arith.addi %add3A_111, %arg1 : i32
    %lt3A_113 = arith.constant 250 : i32
    %lt3A_114 = arith.cmpi slt, %add3A_112, %lt3A_113 : i32
    %convert_element_type3A_115 = arith.extui %lt3A_114 : i1 to i32
    %cond3A_116 = arith.constant 0 : i32
    %cond3A_117 = arith.cmpi ne, %convert_element_type3A_115, %cond3A_116 : i32
    scf.if %cond3A_117 {
      %mul3A_301 = arith.constant 40 : i32
      %mul3A_302 = arith.muli %add3A_112, %mul3A_301 : i32
      "tpu.region"() ({
        %run_scoped3A = tpu.sem_alloc : memref<!tpu.dma_semaphore, #tpu.memory_space<semaphore_mem>>
        %dma_start3A_303 = arith.constant 0 : i32
        %dma_start3A_304 = arith.constant 0 : i32
        %dma_start3A_305 = tpu.memref_slice %arg12[%dma_start3A_303, %dma_start3A_304] : memref<40x128xf32, #tpu.memory_space<vmem>> -> memref<40x128xf32, #tpu.memory_space<vmem>>
        %dma_start3A_306 = arith.constant 0 : i32
        %dma_start3A_307 = tpu.memref_slice %arg7[%mul3A_302, %dma_start3A_306] : memref<10000x128xf32, #tpu.memory_space<vmem_shared>> -> memref<40x128xf32, #tpu.memory_space<vmem_shared>>
        %dma_start3A_308 = arith.constant 0 : i32
        %dma_start3A_309 = tpu.memref_slice %arg7[%mul3A_302, %dma_start3A_308] : memref<10000x128xf32, #tpu.memory_space<vmem_shared>> -> memref<40x128xf32, #tpu.memory_space<vmem_shared>>
        %dma_start3A_310 = arith.constant 0 : i32
        %dma_start3A_311 = arith.constant 0 : i32
        %dma_start3A_312 = tpu.memref_slice %arg12[%dma_start3A_310, %dma_start3A_311] : memref<40x128xf32, #tpu.memory_space<vmem>> -> memref<40x128xf32, #tpu.memory_space<vmem>>
        tpu.enqueue_dma source(%dma_start3A_312 : memref<40x128xf32, #tpu.memory_space<vmem>>) target(%dma_start3A_309 : memref<40x128xf32, #tpu.memory_space<vmem_shared>>) target_semaphore(%run_scoped3A : memref<!tpu.dma_semaphore, #tpu.memory_space<semaphore_mem>>)
        %dma_wait3A_313 = arith.constant 0 : i32
        %dma_wait3A_314 = arith.constant 0 : i32
        %dma_wait3A_315 = tpu.memref_slice %arg12[%dma_wait3A_313, %dma_wait3A_314] : memref<40x128xf32, #tpu.memory_space<vmem>> -> memref<40x128xf32, #tpu.memory_space<vmem>>
        %dma_wait3A_316 = arith.constant 0 : i32
        %dma_wait3A_317 = tpu.memref_slice %arg7[%mul3A_302, %dma_wait3A_316] : memref<10000x128xf32, #tpu.memory_space<vmem_shared>> -> memref<40x128xf32, #tpu.memory_space<vmem_shared>>
        %dma_wait3A_318 = arith.constant 0 : i32
        %dma_wait3A_319 = tpu.memref_slice %arg7[%mul3A_302, %dma_wait3A_318] : memref<10000x128xf32, #tpu.memory_space<vmem_shared>> -> memref<40x128xf32, #tpu.memory_space<vmem_shared>>
        %dma_wait3A_320 = arith.constant 0 : i32
        %dma_wait3A_321 = arith.constant 0 : i32
        %dma_wait3A_322 = tpu.memref_slice %arg12[%dma_wait3A_320, %dma_wait3A_321] : memref<40x128xf32, #tpu.memory_space<vmem>> -> memref<40x128xf32, #tpu.memory_space<vmem>>
        tpu.wait_dma2 semaphore(%run_scoped3A : memref<!tpu.dma_semaphore, #tpu.memory_space<semaphore_mem>>) src(%dma_wait3A_322 : memref<40x128xf32, #tpu.memory_space<vmem>>) dst(%dma_wait3A_319 : memref<40x128xf32, #tpu.memory_space<vmem_shared>>)
        tpu.yield
      }) : () -> ()
    } else {
    }
    %barrier3A = arith.constant 0 : index
    tpu.barrier barrier_id(%barrier3A)
    "tpu.region"() ({
      %run_scoped3A = tpu.sem_alloc : memref<!tpu.dma_semaphore, #tpu.memory_space<semaphore_mem>>
      %dma_start3A_301 = arith.constant 0 : i32
      %dma_start3A_302 = arith.constant 0 : i32
      %dma_start3A_303 = tpu.memref_slice %arg4[%add3A, %dma_start3A_301, %dma_start3A_302] : memref<32x250x40xi32, #tpu.memory_space<hbm>> -> memref<1x250x40xi32, #tpu.memory_space<hbm>>
      %dma_start3A_304 = tpu.memref_squeeze %dma_start3A_303 : memref<1x250x40xi32, #tpu.memory_space<hbm>> -> memref<250x40xi32, #tpu.memory_space<hbm>>
      %dma_start3A_305 = arith.constant 0 : i32
      %dma_start3A_306 = arith.constant 0 : i32
      %dma_start3A_307 = tpu.memref_slice %arg4[%add3A, %dma_start3A_305, %dma_start3A_306] : memref<32x250x40xi32, #tpu.memory_space<hbm>> -> memref<1x250x40xi32, #tpu.memory_space<hbm>>
      %dma_start3A_308 = tpu.memref_squeeze %dma_start3A_307 : memref<1x250x40xi32, #tpu.memory_space<hbm>> -> memref<250x40xi32, #tpu.memory_space<hbm>>
      tpu.enqueue_dma source(%dma_start3A_308 : memref<250x40xi32, #tpu.memory_space<hbm>>) target(%arg8 : memref<250x40xi32, #tpu.memory_space<vmem>>) target_semaphore(%run_scoped3A : memref<!tpu.dma_semaphore, #tpu.memory_space<semaphore_mem>>)
      %dma_wait3A_309 = arith.constant 0 : i32
      %dma_wait3A_310 = arith.constant 0 : i32
      %dma_wait3A_311 = tpu.memref_slice %arg4[%add3A, %dma_wait3A_309, %dma_wait3A_310] : memref<32x250x40xi32, #tpu.memory_space<hbm>> -> memref<1x250x40xi32, #tpu.memory_space<hbm>>
      %dma_wait3A_312 = tpu.memref_squeeze %dma_wait3A_311 : memref<1x250x40xi32, #tpu.memory_space<hbm>> -> memref<250x40xi32, #tpu.memory_space<hbm>>
      %dma_wait3A_313 = arith.constant 0 : i32
      %dma_wait3A_314 = arith.constant 0 : i32
      %dma_wait3A_315 = tpu.memref_slice %arg4[%add3A, %dma_wait3A_313, %dma_wait3A_314] : memref<32x250x40xi32, #tpu.memory_space<hbm>> -> memref<1x250x40xi32, #tpu.memory_space<hbm>>
      %dma_wait3A_316 = tpu.memref_squeeze %dma_wait3A_315 : memref<1x250x40xi32, #tpu.memory_space<hbm>> -> memref<250x40xi32, #tpu.memory_space<hbm>>
      tpu.wait_dma2 semaphore(%run_scoped3A : memref<!tpu.dma_semaphore, #tpu.memory_space<semaphore_mem>>) src(%dma_wait3A_316 : memref<250x40xi32, #tpu.memory_space<hbm>>) dst(%arg8 : memref<250x40xi32, #tpu.memory_space<vmem>>)
      tpu.yield
    }) : () -> ()
    "tpu.region"() ({
      %run_scoped3A = tpu.sem_alloc : memref<!tpu.dma_semaphore, #tpu.memory_space<semaphore_mem>>
      %dma_start3A_301 = arith.constant 0 : i32
      %dma_start3A_302 = arith.constant 0 : i32
      %dma_start3A_303 = tpu.memref_slice %arg5[%add3A, %dma_start3A_301, %dma_start3A_302] : memref<32x250x40xi32, #tpu.memory_space<hbm>> -> memref<1x250x40xi32, #tpu.memory_space<hbm>>
      %dma_start3A_304 = tpu.memref_squeeze %dma_start3A_303 : memref<1x250x40xi32, #tpu.memory_space<hbm>> -> memref<250x40xi32, #tpu.memory_space<hbm>>
      %dma_start3A_305 = arith.constant 0 : i32
      %dma_start3A_306 = arith.constant 0 : i32
      %dma_start3A_307 = tpu.memref_slice %arg5[%add3A, %dma_start3A_305, %dma_start3A_306] : memref<32x250x40xi32, #tpu.memory_space<hbm>> -> memref<1x250x40xi32, #tpu.memory_space<hbm>>
      %dma_start3A_308 = tpu.memref_squeeze %dma_start3A_307 : memref<1x250x40xi32, #tpu.memory_space<hbm>> -> memref<250x40xi32, #tpu.memory_space<hbm>>
      tpu.enqueue_dma source(%dma_start3A_308 : memref<250x40xi32, #tpu.memory_space<hbm>>) target(%arg9 : memref<250x40xi32, #tpu.memory_space<vmem>>) target_semaphore(%run_scoped3A : memref<!tpu.dma_semaphore, #tpu.memory_space<semaphore_mem>>)
      %dma_wait3A_309 = arith.constant 0 : i32
      %dma_wait3A_310 = arith.constant 0 : i32
      %dma_wait3A_311 = tpu.memref_slice %arg5[%add3A, %dma_wait3A_309, %dma_wait3A_310] : memref<32x250x40xi32, #tpu.memory_space<hbm>> -> memref<1x250x40xi32, #tpu.memory_space<hbm>>
      %dma_wait3A_312 = tpu.memref_squeeze %dma_wait3A_311 : memref<1x250x40xi32, #tpu.memory_space<hbm>> -> memref<250x40xi32, #tpu.memory_space<hbm>>
      %dma_wait3A_313 = arith.constant 0 : i32
      %dma_wait3A_314 = arith.constant 0 : i32
      %dma_wait3A_315 = tpu.memref_slice %arg5[%add3A, %dma_wait3A_313, %dma_wait3A_314] : memref<32x250x40xi32, #tpu.memory_space<hbm>> -> memref<1x250x40xi32, #tpu.memory_space<hbm>>
      %dma_wait3A_316 = tpu.memref_squeeze %dma_wait3A_315 : memref<1x250x40xi32, #tpu.memory_space<hbm>> -> memref<250x40xi32, #tpu.memory_space<hbm>>
      tpu.wait_dma2 semaphore(%run_scoped3A : memref<!tpu.dma_semaphore, #tpu.memory_space<semaphore_mem>>) src(%dma_wait3A_316 : memref<250x40xi32, #tpu.memory_space<hbm>>) dst(%arg9 : memref<250x40xi32, #tpu.memory_space<vmem>>)
      tpu.yield
    }) : () -> ()
    %dma_start3A = arith.constant 0 : i32
    %dma_start3A_118 = arith.constant 0 : i32
    %dma_start3A_119 = arith.constant 0 : i32
    %dma_start3A_120 = arith.constant 0 : i32
    %dma_start3A_121 = tpu.memref_slice %arg10[%dma_start3A_118, %dma_start3A_119, %dma_start3A_120] : memref<2x40x128xf32, #tpu.memory_space<vmem>> -> memref<1x40x128xf32, #tpu.memory_space<vmem>>
    %dma_start3A_122 = tpu.memref_squeeze %dma_start3A_121 : memref<1x40x128xf32, #tpu.memory_space<vmem>> -> memref<40x128xf32, #tpu.memory_space<vmem>>
    %dma_start3A_123 = arith.constant 0 : i32
    %dma_start3A_124 = tpu.memref_slice %arg8[%dma_start3A, %dma_start3A_123] : memref<250x40xi32, #tpu.memory_space<vmem>> -> memref<1x40xi32, #tpu.memory_space<vmem>>
    %dma_start3A_125 = tpu.memref_squeeze %dma_start3A_124 : memref<1x40xi32, #tpu.memory_space<vmem>> -> memref<40xi32, #tpu.memory_space<vmem>>
    %dma_start3A_126 = arith.constant 0 : i32
    %dma_start3A_127 = arith.constant 0 : i32
    %dma_start3A_128 = tpu.memref_slice %arg2[%dma_start3A_126, %dma_start3A_127] : memref<10000x128xf32, #tpu.memory_space<hbm>> -> memref<10000x128xf32, #tpu.memory_space<hbm>>
    tpu.enqueue_indirect_dma source(%dma_start3A_128 : memref<10000x128xf32, #tpu.memory_space<hbm>>) target(%dma_start3A_122 : memref<40x128xf32, #tpu.memory_space<vmem>>) offsets(%dma_start3A_125 : memref<40xi32, #tpu.memory_space<vmem>>) semaphore(%arg13 : memref<!tpu.dma_semaphore, #tpu.memory_space<semaphore_mem>>)
    %add3A_129 = arith.constant 0 : i32
    %add3A_130 = arith.addi %mul3A_2, %add3A_129 : i32
    %mul3A_131 = arith.constant 40 : i32
    %mul3A_132 = arith.muli %add3A_130, %mul3A_131 : i32
    %dma_start3A_133 = arith.constant 0 : i32
    %dma_start3A_134 = arith.constant 0 : i32
    %dma_start3A_135 = arith.constant 0 : i32
    %dma_start3A_136 = tpu.memref_slice %arg11[%dma_start3A_133, %dma_start3A_134, %dma_start3A_135] : memref<2x40x128xf32, #tpu.memory_space<vmem>> -> memref<1x40x128xf32, #tpu.memory_space<vmem>>
    %dma_start3A_137 = tpu.memref_squeeze %dma_start3A_136 : memref<1x40x128xf32, #tpu.memory_space<vmem>> -> memref<40x128xf32, #tpu.memory_space<vmem>>
    %dma_start3A_138 = arith.constant 0 : i32
    %dma_start3A_139 = tpu.memref_slice %arg3[%mul3A_132, %dma_start3A_138] : memref<320000x128xf32, #tpu.memory_space<hbm>> -> memref<40x128xf32, #tpu.memory_space<hbm>>
    %dma_start3A_140 = arith.constant 0 : i32
    %dma_start3A_141 = arith.constant 0 : i32
    %dma_start3A_142 = tpu.memref_slice %arg11[%dma_start3A_133, %dma_start3A_140, %dma_start3A_141] : memref<2x40x128xf32, #tpu.memory_space<vmem>> -> memref<1x40x128xf32, #tpu.memory_space<vmem>>
    %dma_start3A_143 = tpu.memref_squeeze %dma_start3A_142 : memref<1x40x128xf32, #tpu.memory_space<vmem>> -> memref<40x128xf32, #tpu.memory_space<vmem>>
    %dma_start3A_144 = arith.constant 0 : i32
    %dma_start3A_145 = tpu.memref_slice %arg3[%mul3A_132, %dma_start3A_144] : memref<320000x128xf32, #tpu.memory_space<hbm>> -> memref<40x128xf32, #tpu.memory_space<hbm>>
    tpu.enqueue_dma source(%dma_start3A_145 : memref<40x128xf32, #tpu.memory_space<hbm>>) target(%dma_start3A_143 : memref<40x128xf32, #tpu.memory_space<vmem>>) target_semaphore(%arg15 : memref<!tpu.dma_semaphore, #tpu.memory_space<semaphore_mem>>)
    %dma_start3A_146 = arith.constant 1 : i32
    %dma_start3A_147 = arith.constant 1 : i32
    %dma_start3A_148 = arith.constant 0 : i32
    %dma_start3A_149 = arith.constant 0 : i32
    %dma_start3A_150 = tpu.memref_slice %arg10[%dma_start3A_147, %dma_start3A_148, %dma_start3A_149] : memref<2x40x128xf32, #tpu.memory_space<vmem>> -> memref<1x40x128xf32, #tpu.memory_space<vmem>>
    %dma_start3A_151 = tpu.memref_squeeze %dma_start3A_150 : memref<1x40x128xf32, #tpu.memory_space<vmem>> -> memref<40x128xf32, #tpu.memory_space<vmem>>
    %dma_start3A_152 = arith.constant 0 : i32
    %dma_start3A_153 = tpu.memref_slice %arg8[%dma_start3A_146, %dma_start3A_152] : memref<250x40xi32, #tpu.memory_space<vmem>> -> memref<1x40xi32, #tpu.memory_space<vmem>>
    %dma_start3A_154 = tpu.memref_squeeze %dma_start3A_153 : memref<1x40xi32, #tpu.memory_space<vmem>> -> memref<40xi32, #tpu.memory_space<vmem>>
    %dma_start3A_155 = arith.constant 0 : i32
    %dma_start3A_156 = arith.constant 0 : i32
    %dma_start3A_157 = tpu.memref_slice %arg2[%dma_start3A_155, %dma_start3A_156] : memref<10000x128xf32, #tpu.memory_space<hbm>> -> memref<10000x128xf32, #tpu.memory_space<hbm>>
    tpu.enqueue_indirect_dma source(%dma_start3A_157 : memref<10000x128xf32, #tpu.memory_space<hbm>>) target(%dma_start3A_151 : memref<40x128xf32, #tpu.memory_space<vmem>>) offsets(%dma_start3A_154 : memref<40xi32, #tpu.memory_space<vmem>>) semaphore(%arg14 : memref<!tpu.dma_semaphore, #tpu.memory_space<semaphore_mem>>)
    %add3A_158 = arith.constant 1 : i32
    %add3A_159 = arith.addi %mul3A_2, %add3A_158 : i32
    %mul3A_160 = arith.constant 40 : i32
    %mul3A_161 = arith.muli %add3A_159, %mul3A_160 : i32
    %dma_start3A_162 = arith.constant 1 : i32
    %dma_start3A_163 = arith.constant 0 : i32
    %dma_start3A_164 = arith.constant 0 : i32
    %dma_start3A_165 = tpu.memref_slice %arg11[%dma_start3A_162, %dma_start3A_163, %dma_start3A_164] : memref<2x40x128xf32, #tpu.memory_space<vmem>> -> memref<1x40x128xf32, #tpu.memory_space<vmem>>
    %dma_start3A_166 = tpu.memref_squeeze %dma_start3A_165 : memref<1x40x128xf32, #tpu.memory_space<vmem>> -> memref<40x128xf32, #tpu.memory_space<vmem>>
    %dma_start3A_167 = arith.constant 0 : i32
    %dma_start3A_168 = tpu.memref_slice %arg3[%mul3A_161, %dma_start3A_167] : memref<320000x128xf32, #tpu.memory_space<hbm>> -> memref<40x128xf32, #tpu.memory_space<hbm>>
    %dma_start3A_169 = arith.constant 0 : i32
    %dma_start3A_170 = arith.constant 0 : i32
    %dma_start3A_171 = tpu.memref_slice %arg11[%dma_start3A_162, %dma_start3A_169, %dma_start3A_170] : memref<2x40x128xf32, #tpu.memory_space<vmem>> -> memref<1x40x128xf32, #tpu.memory_space<vmem>>
    %dma_start3A_172 = tpu.memref_squeeze %dma_start3A_171 : memref<1x40x128xf32, #tpu.memory_space<vmem>> -> memref<40x128xf32, #tpu.memory_space<vmem>>
    %dma_start3A_173 = arith.constant 0 : i32
    %dma_start3A_174 = tpu.memref_slice %arg3[%mul3A_161, %dma_start3A_173] : memref<320000x128xf32, #tpu.memory_space<hbm>> -> memref<40x128xf32, #tpu.memory_space<hbm>>
    tpu.enqueue_dma source(%dma_start3A_174 : memref<40x128xf32, #tpu.memory_space<hbm>>) target(%dma_start3A_172 : memref<40x128xf32, #tpu.memory_space<vmem>>) target_semaphore(%arg16 : memref<!tpu.dma_semaphore, #tpu.memory_space<semaphore_mem>>)
    %scan3A_175 = arith.constant 0 : i32
    %scan3A_176 = arith.constant 0 : i32
    %scan3A_177 = arith.constant 125 : i32
    %scan3A_178 = arith.addi %scan3A_176, %scan3A_177 : i32
    %scan3A_179 = arith.constant 1 : i32
    %scan3A_180 = scf.for %scan3A_301 = %scan3A_176 to %scan3A_178 step %scan3A_179 iter_args(%scan3A_302 = %scan3A_175) -> (i32)  : i32 {
      %mul3A_303 = arith.constant 2 : i32
      %mul3A_304 = arith.muli %scan3A_301, %mul3A_303 : i32
      %add3A_305 = arith.constant 0 : i32
      %add3A_306 = arith.addi %mul3A_304, %add3A_305 : i32
      %dma_wait3A_307 = arith.constant 0 : i32
      %dma_wait3A_308 = arith.constant 0 : i32
      %dma_wait3A_309 = arith.constant 0 : i32
      %dma_wait3A_310 = tpu.memref_slice %arg10[%dma_wait3A_307, %dma_wait3A_308, %dma_wait3A_309] : memref<2x40x128xf32, #tpu.memory_space<vmem>> -> memref<1x40x128xf32, #tpu.memory_space<vmem>>
      %dma_wait3A_311 = tpu.memref_squeeze %dma_wait3A_310 : memref<1x40x128xf32, #tpu.memory_space<vmem>> -> memref<40x128xf32, #tpu.memory_space<vmem>>
      %dma_wait3A_312 = arith.constant 0 : i32
      %dma_wait3A_313 = tpu.memref_slice %arg8[%add3A_306, %dma_wait3A_312] : memref<250x40xi32, #tpu.memory_space<vmem>> -> memref<1x40xi32, #tpu.memory_space<vmem>>
      %dma_wait3A_314 = tpu.memref_squeeze %dma_wait3A_313 : memref<1x40xi32, #tpu.memory_space<vmem>> -> memref<40xi32, #tpu.memory_space<vmem>>
      %dma_wait3A_315 = arith.constant 0 : i32
      %dma_wait3A_316 = arith.constant 0 : i32
      %dma_wait3A_317 = tpu.memref_slice %arg2[%dma_wait3A_315, %dma_wait3A_316] : memref<10000x128xf32, #tpu.memory_space<hbm>> -> memref<10000x128xf32, #tpu.memory_space<hbm>>
      tpu.wait_indirect_dma semaphore(%arg13 : memref<!tpu.dma_semaphore, #tpu.memory_space<semaphore_mem>>) src(%dma_wait3A_317 : memref<10000x128xf32, #tpu.memory_space<hbm>>) dst(%dma_wait3A_311 : memref<40x128xf32, #tpu.memory_space<vmem>>)
      %add3A_318 = arith.addi %mul3A_2, %add3A_306 : i32
      %mul3A_319 = arith.constant 40 : i32
      %mul3A_320 = arith.muli %add3A_318, %mul3A_319 : i32
      %dma_wait3A_321 = arith.constant 0 : i32
      %dma_wait3A_322 = arith.constant 0 : i32
      %dma_wait3A_323 = arith.constant 0 : i32
      %dma_wait3A_324 = tpu.memref_slice %arg11[%dma_wait3A_321, %dma_wait3A_322, %dma_wait3A_323] : memref<2x40x128xf32, #tpu.memory_space<vmem>> -> memref<1x40x128xf32, #tpu.memory_space<vmem>>
      %dma_wait3A_325 = tpu.memref_squeeze %dma_wait3A_324 : memref<1x40x128xf32, #tpu.memory_space<vmem>> -> memref<40x128xf32, #tpu.memory_space<vmem>>
      %dma_wait3A_326 = arith.constant 0 : i32
      %dma_wait3A_327 = tpu.memref_slice %arg3[%mul3A_320, %dma_wait3A_326] : memref<320000x128xf32, #tpu.memory_space<hbm>> -> memref<40x128xf32, #tpu.memory_space<hbm>>
      %dma_wait3A_328 = arith.constant 0 : i32
      %dma_wait3A_329 = arith.constant 0 : i32
      %dma_wait3A_330 = tpu.memref_slice %arg11[%dma_wait3A_321, %dma_wait3A_328, %dma_wait3A_329] : memref<2x40x128xf32, #tpu.memory_space<vmem>> -> memref<1x40x128xf32, #tpu.memory_space<vmem>>
      %dma_wait3A_331 = tpu.memref_squeeze %dma_wait3A_330 : memref<1x40x128xf32, #tpu.memory_space<vmem>> -> memref<40x128xf32, #tpu.memory_space<vmem>>
      %dma_wait3A_332 = arith.constant 0 : i32
      %dma_wait3A_333 = tpu.memref_slice %arg3[%mul3A_320, %dma_wait3A_332] : memref<320000x128xf32, #tpu.memory_space<hbm>> -> memref<40x128xf32, #tpu.memory_space<hbm>>
      tpu.wait_dma2 semaphore(%arg15 : memref<!tpu.dma_semaphore, #tpu.memory_space<semaphore_mem>>) src(%dma_wait3A_333 : memref<40x128xf32, #tpu.memory_space<hbm>>) dst(%dma_wait3A_331 : memref<40x128xf32, #tpu.memory_space<vmem>>)
      %gt3A = arith.constant 0 : i32
      %gt3A_334 = arith.cmpi sgt, %scan3A_301, %gt3A : i32
      %convert_element_type3A_335 = arith.extui %gt3A_334 : i1 to i32
      %cond3A_336 = arith.constant 0 : i32
      %cond3A_337 = arith.cmpi ne, %convert_element_type3A_335, %cond3A_336 : i32
      scf.if %cond3A_337 {
        %sub3A_425 = arith.constant 1 : i32
        %sub3A_426 = arith.subi %add3A_306, %sub3A_425 : i32
        %dma_wait3A_427 = arith.constant 0 : i32
        %dma_wait3A_428 = tpu.memref_slice %arg9[%sub3A_426, %dma_wait3A_427] : memref<250x40xi32, #tpu.memory_space<vmem>> -> memref<1x40xi32, #tpu.memory_space<vmem>>
        %dma_wait3A_429 = tpu.memref_squeeze %dma_wait3A_428 : memref<1x40xi32, #tpu.memory_space<vmem>> -> memref<40xi32, #tpu.memory_space<vmem>>
        %dma_wait3A_430 = arith.constant 0 : i32
        %dma_wait3A_431 = arith.constant 0 : i32
        %dma_wait3A_432 = tpu.memref_slice %arg7[%dma_wait3A_430, %dma_wait3A_431] : memref<10000x128xf32, #tpu.memory_space<vmem_shared>> -> memref<10000x128xf32, #tpu.memory_space<vmem_shared>>
        tpu.wait_indirect_dma semaphore(%arg17 : memref<!tpu.dma_semaphore, #tpu.memory_space<semaphore_mem>>) src(%arg12 : memref<40x128xf32, #tpu.memory_space<vmem>>) dst(%dma_wait3A_432 : memref<10000x128xf32, #tpu.memory_space<vmem_shared>>)
      } else {
      }
      %scan3A_338 = arith.constant 0 : i32
      %scan3A_339 = arith.constant 0 : i32
      %scan3A_340 = arith.constant 8 : i32
      %scan3A_341 = arith.addi %scan3A_339, %scan3A_340 : i32
      %scan3A_342 = arith.constant 1 : i32
      %scan3A_343 = scf.for %scan3A_425 = %scan3A_339 to %scan3A_341 step %scan3A_342 iter_args(%scan3A_426 = %scan3A_338) -> (i32)  : i32 {
        %mul3A_427 = arith.constant 5 : i32
        %mul3A_428 = arith.muli %scan3A_425, %mul3A_427 : i32
        %add3A_429 = arith.constant 0 : i32
        %add3A_430 = arith.addi %mul3A_428, %add3A_429 : i32
        %get3A = arith.constant 0 : i32
        %get3A_431 = arith.index_cast %get3A : i32 to index
        %get3A_432 = arith.index_cast %add3A_430 : i32 to index
        %get3A_433 = arith.constant 0 : index
        %get3A_434 = tpu.vector_load %arg11[%get3A_431, %get3A_432, %get3A_433] {strides = array<i32>} : memref<2x40x128xf32, #tpu.memory_space<vmem>>, vector<1x1x16xf32>,
        %get3A_435 = vector.shape_cast %get3A_434 : vector<1x1x16xf32> to vector<16xf32>
        %get3A_436 = arith.constant 0 : i32
        %get3A_437 = arith.index_cast %get3A_436 : i32 to index
        %get3A_438 = arith.index_cast %add3A_430 : i32 to index
        %get3A_439 = arith.constant 0 : index
        %get3A_440 = tpu.vector_load %arg10[%get3A_437, %get3A_438, %get3A_439] {strides = array<i32>} : memref<2x40x128xf32, #tpu.memory_space<vmem>>, vector<1x1x16xf32>,
        %get3A_441 = vector.shape_cast %get3A_440 : vector<1x1x16xf32> to vector<16xf32>
        %mul3A_442 = arith.mulf %get3A_435, %get3A_441 : vector<16xf32>
        %swap3A = arith.index_cast %add3A_430 : i32 to index
        %swap3A_443 = arith.constant 0 : index
        %swap3A_444 = tpu.vector_load %arg12[%swap3A, %swap3A_443] {strides = array<i32>} : memref<40x128xf32, #tpu.memory_space<vmem>>, vector<1x16xf32>,
        %swap3A_445 = vector.shape_cast %swap3A_444 : vector<1x16xf32> to vector<16xf32>
        %swap3A_446 = vector.shape_cast %mul3A_442 : vector<16xf32> to vector<1x16xf32>
        tpu.vector_store %arg12[%swap3A, %swap3A_443], %swap3A_446 {strides = array<i32>} : memref<40x128xf32, #tpu.memory_space<vmem>>, vector<1x16xf32>,
        %get3A_447 = arith.constant 0 : i32
        %get3A_448 = arith.index_cast %get3A_447 : i32 to index
        %get3A_449 = arith.index_cast %add3A_430 : i32 to index
        %get3A_450 = arith.constant 16 : index
        %get3A_451 = tpu.vector_load %arg11[%get3A_448, %get3A_449, %get3A_450] {strides = array<i32>} : memref<2x40x128xf32, #tpu.memory_space<vmem>>, vector<1x1x16xf32>,
        %get3A_452 = vector.shape_cast %get3A_451 : vector<1x1x16xf32> to vector<16xf32>
        %get3A_453 = arith.constant 0 : i32
        %get3A_454 = arith.index_cast %get3A_453 : i32 to index
        %get3A_455 = arith.index_cast %add3A_430 : i32 to index
        %get3A_456 = arith.constant 16 : index
        %get3A_457 = tpu.vector_load %arg10[%get3A_454, %get3A_455, %get3A_456] {strides = array<i32>} : memref<2x40x128xf32, #tpu.memory_space<vmem>>, vector<1x1x16xf32>,
        %get3A_458 = vector.shape_cast %get3A_457 : vector<1x1x16xf32> to vector<16xf32>
        %mul3A_459 = arith.mulf %get3A_452, %get3A_458 : vector<16xf32>
        %swap3A_460 = arith.index_cast %add3A_430 : i32 to index
        %swap3A_461 = arith.constant 16 : index
        %swap3A_462 = tpu.vector_load %arg12[%swap3A_460, %swap3A_461] {strides = array<i32>} : memref<40x128xf32, #tpu.memory_space<vmem>>, vector<1x16xf32>,
        %swap3A_463 = vector.shape_cast %swap3A_462 : vector<1x16xf32> to vector<16xf32>
        %swap3A_464 = vector.shape_cast %mul3A_459 : vector<16xf32> to vector<1x16xf32>
        tpu.vector_store %arg12[%swap3A_460, %swap3A_461], %swap3A_464 {strides = array<i32>} : memref<40x128xf32, #tpu.memory_space<vmem>>, vector<1x16xf32>,
        %get3A_465 = arith.constant 0 : i32
        %get3A_466 = arith.index_cast %get3A_465 : i32 to index
        %get3A_467 = arith.index_cast %add3A_430 : i32 to index
        %get3A_468 = arith.constant 32 : index
        %get3A_469 = tpu.vector_load %arg11[%get3A_466, %get3A_467, %get3A_468] {strides = array<i32>} : memref<2x40x128xf32, #tpu.memory_space<vmem>>, vector<1x1x16xf32>,
        %get3A_470 = vector.shape_cast %get3A_469 : vector<1x1x16xf32> to vector<16xf32>
        %get3A_471 = arith.constant 0 : i32
        %get3A_472 = arith.index_cast %get3A_471 : i32 to index
        %get3A_473 = arith.index_cast %add3A_430 : i32 to index
        %get3A_474 = arith.constant 32 : index
        %get3A_475 = tpu.vector_load %arg10[%get3A_472, %get3A_473, %get3A_474] {strides = array<i32>} : memref<2x40x128xf32, #tpu.memory_space<vmem>>, vector<1x1x16xf32>,
        %get3A_476 = vector.shape_cast %get3A_475 : vector<1x1x16xf32> to vector<16xf32>
        %mul3A_477 = arith.mulf %get3A_470, %get3A_476 : vector<16xf32>
        %swap3A_478 = arith.index_cast %add3A_430 : i32 to index
        %swap3A_479 = arith.constant 32 : index
        %swap3A_480 = tpu.vector_load %arg12[%swap3A_478, %swap3A_479] {strides = array<i32>} : memref<40x128xf32, #tpu.memory_space<vmem>>, vector<1x16xf32>,
        %swap3A_481 = vector.shape_cast %swap3A_480 : vector<1x16xf32> to vector<16xf32>
        %swap3A_482 = vector.shape_cast %mul3A_477 : vector<16xf32> to vector<1x16xf32>
        tpu.vector_store %arg12[%swap3A_478, %swap3A_479], %swap3A_482 {strides = array<i32>} : memref<40x128xf32, #tpu.memory_space<vmem>>, vector<1x16xf32>,
        %get3A_483 = arith.constant 0 : i32
        %get3A_484 = arith.index_cast %get3A_483 : i32 to index
        %get3A_485 = arith.index_cast %add3A_430 : i32 to index
        %get3A_486 = arith.constant 48 : index
        %get3A_487 = tpu.vector_load %arg11[%get3A_484, %get3A_485, %get3A_486] {strides = array<i32>} : memref<2x40x128xf32, #tpu.memory_space<vmem>>, vector<1x1x16xf32>,
        %get3A_488 = vector.shape_cast %get3A_487 : vector<1x1x16xf32> to vector<16xf32>
        %get3A_489 = arith.constant 0 : i32
        %get3A_490 = arith.index_cast %get3A_489 : i32 to index
        %get3A_491 = arith.index_cast %add3A_430 : i32 to index
        %get3A_492 = arith.constant 48 : index
        %get3A_493 = tpu.vector_load %arg10[%get3A_490, %get3A_491, %get3A_492] {strides = array<i32>} : memref<2x40x128xf32, #tpu.memory_space<vmem>>, vector<1x1x16xf32>,
        %get3A_494 = vector.shape_cast %get3A_493 : vector<1x1x16xf32> to vector<16xf32>
        %mul3A_495 = arith.mulf %get3A_488, %get3A_494 : vector<16xf32>
        %swap3A_496 = arith.index_cast %add3A_430 : i32 to index
        %swap3A_497 = arith.constant 48 : index
        %swap3A_498 = tpu.vector_load %arg12[%swap3A_496, %swap3A_497] {strides = array<i32>} : memref<40x128xf32, #tpu.memory_space<vmem>>, vector<1x16xf32>,
        %swap3A_499 = vector.shape_cast %swap3A_498 : vector<1x16xf32> to vector<16xf32>
        %swap3A_500 = vector.shape_cast %mul3A_495 : vector<16xf32> to vector<1x16xf32>
        tpu.vector_store %arg12[%swap3A_496, %swap3A_497], %swap3A_500 {strides = array<i32>} : memref<40x128xf32, #tpu.memory_space<vmem>>, vector<1x16xf32>,
        %get3A_501 = arith.constant 0 : i32
        %get3A_502 = arith.index_cast %get3A_501 : i32 to index
        %get3A_503 = arith.index_cast %add3A_430 : i32 to index
        %get3A_504 = arith.constant 64 : index
        %get3A_505 = tpu.vector_load %arg11[%get3A_502, %get3A_503, %get3A_504] {strides = array<i32>} : memref<2x40x128xf32, #tpu.memory_space<vmem>>, vector<1x1x16xf32>,
        %get3A_506 = vector.shape_cast %get3A_505 : vector<1x1x16xf32> to vector<16xf32>
        %get3A_507 = arith.constant 0 : i32
        %get3A_508 = arith.index_cast %get3A_507 : i32 to index
        %get3A_509 = arith.index_cast %add3A_430 : i32 to index
        %get3A_510 = arith.constant 64 : index
        %get3A_511 = tpu.vector_load %arg10[%get3A_508, %get3A_509, %get3A_510] {strides = array<i32>} : memref<2x40x128xf32, #tpu.memory_space<vmem>>, vector<1x1x16xf32>,
        %get3A_512 = vector.shape_cast %get3A_511 : vector<1x1x16xf32> to vector<16xf32>
        %mul3A_513 = arith.mulf %get3A_506, %get3A_512 : vector<16xf32>
        %swap3A_514 = arith.index_cast %add3A_430 : i32 to index
        %swap3A_515 = arith.constant 64 : index
        %swap3A_516 = tpu.vector_load %arg12[%swap3A_514, %swap3A_515] {strides = array<i32>} : memref<40x128xf32, #tpu.memory_space<vmem>>, vector<1x16xf32>,
        %swap3A_517 = vector.shape_cast %swap3A_516 : vector<1x16xf32> to vector<16xf32>
        %swap3A_518 = vector.shape_cast %mul3A_513 : vector<16xf32> to vector<1x16xf32>
        tpu.vector_store %arg12[%swap3A_514, %swap3A_515], %swap3A_518 {strides = array<i32>} : memref<40x128xf32, #tpu.memory_space<vmem>>, vector<1x16xf32>,
        %get3A_519 = arith.constant 0 : i32
        %get3A_520 = arith.index_cast %get3A_519 : i32 to index
        %get3A_521 = arith.index_cast %add3A_430 : i32 to index
        %get3A_522 = arith.constant 80 : index
        %get3A_523 = tpu.vector_load %arg11[%get3A_520, %get3A_521, %get3A_522] {strides = array<i32>} : memref<2x40x128xf32, #tpu.memory_space<vmem>>, vector<1x1x16xf32>,
        %get3A_524 = vector.shape_cast %get3A_523 : vector<1x1x16xf32> to vector<16xf32>
        %get3A_525 = arith.constant 0 : i32
        %get3A_526 = arith.index_cast %get3A_525 : i32 to index
        %get3A_527 = arith.index_cast %add3A_430 : i32 to index
        %get3A_528 = arith.constant 80 : index
        %get3A_529 = tpu.vector_load %arg10[%get3A_526, %get3A_527, %get3A_528] {strides = array<i32>} : memref<2x40x128xf32, #tpu.memory_space<vmem>>, vector<1x1x16xf32>,
        %get3A_530 = vector.shape_cast %get3A_529 : vector<1x1x16xf32> to vector<16xf32>
        %mul3A_531 = arith.mulf %get3A_524, %get3A_530 : vector<16xf32>
        %swap3A_532 = arith.index_cast %add3A_430 : i32 to index
        %swap3A_533 = arith.constant 80 : index
        %swap3A_534 = tpu.vector_load %arg12[%swap3A_532, %swap3A_533] {strides = array<i32>} : memref<40x128xf32, #tpu.memory_space<vmem>>, vector<1x16xf32>,
        %swap3A_535 = vector.shape_cast %swap3A_534 : vector<1x16xf32> to vector<16xf32>
        %swap3A_536 = vector.shape_cast %mul3A_531 : vector<16xf32> to vector<1x16xf32>
        tpu.vector_store %arg12[%swap3A_532, %swap3A_533], %swap3A_536 {strides = array<i32>} : memref<40x128xf32, #tpu.memory_space<vmem>>, vector<1x16xf32>,
        %get3A_537 = arith.constant 0 : i32
        %get3A_538 = arith.index_cast %get3A_537 : i32 to index
        %get3A_539 = arith.index_cast %add3A_430 : i32 to index
        %get3A_540 = arith.constant 96 : index
        %get3A_541 = tpu.vector_load %arg11[%get3A_538, %get3A_539, %get3A_540] {strides = array<i32>} : memref<2x40x128xf32, #tpu.memory_space<vmem>>, vector<1x1x16xf32>,
        %get3A_542 = vector.shape_cast %get3A_541 : vector<1x1x16xf32> to vector<16xf32>
        %get3A_543 = arith.constant 0 : i32
        %get3A_544 = arith.index_cast %get3A_543 : i32 to index
        %get3A_545 = arith.index_cast %add3A_430 : i32 to index
        %get3A_546 = arith.constant 96 : index
        %get3A_547 = tpu.vector_load %arg10[%get3A_544, %get3A_545, %get3A_546] {strides = array<i32>} : memref<2x40x128xf32, #tpu.memory_space<vmem>>, vector<1x1x16xf32>,
        %get3A_548 = vector.shape_cast %get3A_547 : vector<1x1x16xf32> to vector<16xf32>
        %mul3A_549 = arith.mulf %get3A_542, %get3A_548 : vector<16xf32>
        %swap3A_550 = arith.index_cast %add3A_430 : i32 to index
        %swap3A_551 = arith.constant 96 : index
        %swap3A_552 = tpu.vector_load %arg12[%swap3A_550, %swap3A_551] {strides = array<i32>} : memref<40x128xf32, #tpu.memory_space<vmem>>, vector<1x16xf32>,
        %swap3A_553 = vector.shape_cast %swap3A_552 : vector<1x16xf32> to vector<16xf32>
        %swap3A_554 = vector.shape_cast %mul3A_549 : vector<16xf32> to vector<1x16xf32>
        tpu.vector_store %arg12[%swap3A_550, %swap3A_551], %swap3A_554 {strides = array<i32>} : memref<40x128xf32, #tpu.memory_space<vmem>>, vector<1x16xf32>,
        %get3A_555 = arith.constant 0 : i32
        %get3A_556 = arith.index_cast %get3A_555 : i32 to index
        %get3A_557 = arith.index_cast %add3A_430 : i32 to index
        %get3A_558 = arith.constant 112 : index
        %get3A_559 = tpu.vector_load %arg11[%get3A_556, %get3A_557, %get3A_558] {strides = array<i32>} : memref<2x40x128xf32, #tpu.memory_space<vmem>>, vector<1x1x16xf32>,
        %get3A_560 = vector.shape_cast %get3A_559 : vector<1x1x16xf32> to vector<16xf32>
        %get3A_561 = arith.constant 0 : i32
        %get3A_562 = arith.index_cast %get3A_561 : i32 to index
        %get3A_563 = arith.index_cast %add3A_430 : i32 to index
        %get3A_564 = arith.constant 112 : index
        %get3A_565 = tpu.vector_load %arg10[%get3A_562, %get3A_563, %get3A_564] {strides = array<i32>} : memref<2x40x128xf32, #tpu.memory_space<vmem>>, vector<1x1x16xf32>,
        %get3A_566 = vector.shape_cast %get3A_565 : vector<1x1x16xf32> to vector<16xf32>
        %mul3A_567 = arith.mulf %get3A_560, %get3A_566 : vector<16xf32>
        %swap3A_568 = arith.index_cast %add3A_430 : i32 to index
        %swap3A_569 = arith.constant 112 : index
        %swap3A_570 = tpu.vector_load %arg12[%swap3A_568, %swap3A_569] {strides = array<i32>} : memref<40x128xf32, #tpu.memory_space<vmem>>, vector<1x16xf32>,
        %swap3A_571 = vector.shape_cast %swap3A_570 : vector<1x16xf32> to vector<16xf32>
        %swap3A_572 = vector.shape_cast %mul3A_567 : vector<16xf32> to vector<1x16xf32>
        tpu.vector_store %arg12[%swap3A_568, %swap3A_569], %swap3A_572 {strides = array<i32>} : memref<40x128xf32, #tpu.memory_space<vmem>>, vector<1x16xf32>,
        %mul3A_573 = arith.constant 5 : i32
        %mul3A_574 = arith.muli %scan3A_425, %mul3A_573 : i32
        %add3A_575 = arith.constant 1 : i32
        %add3A_576 = arith.addi %mul3A_574, %add3A_575 : i32
        %get3A_577 = arith.constant 0 : i32
        %get3A_578 = arith.index_cast %get3A_577 : i32 to index
        %get3A_579 = arith.index_cast %add3A_576 : i32 to index
        %get3A_580 = arith.constant 0 : index
        %get3A_581 = tpu.vector_load %arg11[%get3A_578, %get3A_579, %get3A_580] {strides = array<i32>} : memref<2x40x128xf32, #tpu.memory_space<vmem>>, vector<1x1x16xf32>,
        %get3A_582 = vector.shape_cast %get3A_581 : vector<1x1x16xf32> to vector<16xf32>
        %get3A_583 = arith.constant 0 : i32
        %get3A_584 = arith.index_cast %get3A_583 : i32 to index
        %get3A_585 = arith.index_cast %add3A_576 : i32 to index
        %get3A_586 = arith.constant 0 : index
        %get3A_587 = tpu.vector_load %arg10[%get3A_584, %get3A_585, %get3A_586] {strides = array<i32>} : memref<2x40x128xf32, #tpu.memory_space<vmem>>, vector<1x1x16xf32>,
        %get3A_588 = vector.shape_cast %get3A_587 : vector<1x1x16xf32> to vector<16xf32>
        %mul3A_589 = arith.mulf %get3A_582, %get3A_588 : vector<16xf32>
        %swap3A_590 = arith.index_cast %add3A_576 : i32 to index
        %swap3A_591 = arith.constant 0 : index
        %swap3A_592 = tpu.vector_load %arg12[%swap3A_590, %swap3A_591] {strides = array<i32>} : memref<40x128xf32, #tpu.memory_space<vmem>>, vector<1x16xf32>,
        %swap3A_593 = vector.shape_cast %swap3A_592 : vector<1x16xf32> to vector<16xf32>
        %swap3A_594 = vector.shape_cast %mul3A_589 : vector<16xf32> to vector<1x16xf32>
        tpu.vector_store %arg12[%swap3A_590, %swap3A_591], %swap3A_594 {strides = array<i32>} : memref<40x128xf32, #tpu.memory_space<vmem>>, vector<1x16xf32>,
        %get3A_595 = arith.constant 0 : i32
        %get3A_596 = arith.index_cast %get3A_595 : i32 to index
        %get3A_597 = arith.index_cast %add3A_576 : i32 to index
        %get3A_598 = arith.constant 16 : index
        %get3A_599 = tpu.vector_load %arg11[%get3A_596, %get3A_597, %get3A_598] {strides = array<i32>} : memref<2x40x128xf32, #tpu.memory_space<vmem>>, vector<1x1x16xf32>,
        %get3A_600 = vector.shape_cast %get3A_599 : vector<1x1x16xf32> to vector<16xf32>
        %get3A_601 = arith.constant 0 : i32
        %get3A_602 = arith.index_cast %get3A_601 : i32 to index
        %get3A_603 = arith.index_cast %add3A_576 : i32 to index
        %get3A_604 = arith.constant 16 : index
        %get3A_605 = tpu.vector_load %arg10[%get3A_602, %get3A_603, %get3A_604] {strides = array<i32>} : memref<2x40x128xf32, #tpu.memory_space<vmem>>, vector<1x1x16xf32>,
        %get3A_606 = vector.shape_cast %get3A_605 : vector<1x1x16xf32> to vector<16xf32>
        %mul3A_607 = arith.mulf %get3A_600, %get3A_606 : vector<16xf32>
        %swap3A_608 = arith.index_cast %add3A_576 : i32 to index
        %swap3A_609 = arith.constant 16 : index
        %swap3A_610 = tpu.vector_load %arg12[%swap3A_608, %swap3A_609] {strides = array<i32>} : memref<40x128xf32, #tpu.memory_space<vmem>>, vector<1x16xf32>,
        %swap3A_611 = vector.shape_cast %swap3A_610 : vector<1x16xf32> to vector<16xf32>
        %swap3A_612 = vector.shape_cast %mul3A_607 : vector<16xf32> to vector<1x16xf32>
        tpu.vector_store %arg12[%swap3A_608, %swap3A_609], %swap3A_612 {strides = array<i32>} : memref<40x128xf32, #tpu.memory_space<vmem>>, vector<1x16xf32>,
        %get3A_613 = arith.constant 0 : i32
        %get3A_614 = arith.index_cast %get3A_613 : i32 to index
        %get3A_615 = arith.index_cast %add3A_576 : i32 to index
        %get3A_616 = arith.constant 32 : index
        %get3A_617 = tpu.vector_load %arg11[%get3A_614, %get3A_615, %get3A_616] {strides = array<i32>} : memref<2x40x128xf32, #tpu.memory_space<vmem>>, vector<1x1x16xf32>,
        %get3A_618 = vector.shape_cast %get3A_617 : vector<1x1x16xf32> to vector<16xf32>
        %get3A_619 = arith.constant 0 : i32
        %get3A_620 = arith.index_cast %get3A_619 : i32 to index
        %get3A_621 = arith.index_cast %add3A_576 : i32 to index
        %get3A_622 = arith.constant 32 : index
        %get3A_623 = tpu.vector_load %arg10[%get3A_620, %get3A_621, %get3A_622] {strides = array<i32>} : memref<2x40x128xf32, #tpu.memory_space<vmem>>, vector<1x1x16xf32>,
        %get3A_624 = vector.shape_cast %get3A_623 : vector<1x1x16xf32> to vector<16xf32>
        %mul3A_625 = arith.mulf %get3A_618, %get3A_624 : vector<16xf32>
        %swap3A_626 = arith.index_cast %add3A_576 : i32 to index
        %swap3A_627 = arith.constant 32 : index
        %swap3A_628 = tpu.vector_load %arg12[%swap3A_626, %swap3A_627] {strides = array<i32>} : memref<40x128xf32, #tpu.memory_space<vmem>>, vector<1x16xf32>,
        %swap3A_629 = vector.shape_cast %swap3A_628 : vector<1x16xf32> to vector<16xf32>
        %swap3A_630 = vector.shape_cast %mul3A_625 : vector<16xf32> to vector<1x16xf32>
        tpu.vector_store %arg12[%swap3A_626, %swap3A_627], %swap3A_630 {strides = array<i32>} : memref<40x128xf32, #tpu.memory_space<vmem>>, vector<1x16xf32>,
        %get3A_631 = arith.constant 0 : i32
        %get3A_632 = arith.index_cast %get3A_631 : i32 to index
        %get3A_633 = arith.index_cast %add3A_576 : i32 to index
        %get3A_634 = arith.constant 48 : index
        %get3A_635 = tpu.vector_load %arg11[%get3A_632, %get3A_633, %get3A_634] {strides = array<i32>} : memref<2x40x128xf32, #tpu.memory_space<vmem>>, vector<1x1x16xf32>,
        %get3A_636 = vector.shape_cast %get3A_635 : vector<1x1x16xf32> to vector<16xf32>
        %get3A_637 = arith.constant 0 : i32
        %get3A_638 = arith.index_cast %get3A_637 : i32 to index
        %get3A_639 = arith.index_cast %add3A_576 : i32 to index
        %get3A_640 = arith.constant 48 : index
        %get3A_641 = tpu.vector_load %arg10[%get3A_638, %get3A_639, %get3A_640] {strides = array<i32>} : memref<2x40x128xf32, #tpu.memory_space<vmem>>, vector<1x1x16xf32>,
        %get3A_642 = vector.shape_cast %get3A_641 : vector<1x1x16xf32> to vector<16xf32>
        %mul3A_643 = arith.mulf %get3A_636, %get3A_642 : vector<16xf32>
        %swap3A_644 = arith.index_cast %add3A_576 : i32 to index
        %swap3A_645 = arith.constant 48 : index
        %swap3A_646 = tpu.vector_load %arg12[%swap3A_644, %swap3A_645] {strides = array<i32>} : memref<40x128xf32, #tpu.memory_space<vmem>>, vector<1x16xf32>,
        %swap3A_647 = vector.shape_cast %swap3A_646 : vector<1x16xf32> to vector<16xf32>
        %swap3A_648 = vector.shape_cast %mul3A_643 : vector<16xf32> to vector<1x16xf32>
        tpu.vector_store %arg12[%swap3A_644, %swap3A_645], %swap3A_648 {strides = array<i32>} : memref<40x128xf32, #tpu.memory_space<vmem>>, vector<1x16xf32>,
        %get3A_649 = arith.constant 0 : i32
        %get3A_650 = arith.index_cast %get3A_649 : i32 to index
        %get3A_651 = arith.index_cast %add3A_576 : i32 to index
        %get3A_652 = arith.constant 64 : index
        %get3A_653 = tpu.vector_load %arg11[%get3A_650, %get3A_651, %get3A_652] {strides = array<i32>} : memref<2x40x128xf32, #tpu.memory_space<vmem>>, vector<1x1x16xf32>,
        %get3A_654 = vector.shape_cast %get3A_653 : vector<1x1x16xf32> to vector<16xf32>
        %get3A_655 = arith.constant 0 : i32
        %get3A_656 = arith.index_cast %get3A_655 : i32 to index
        %get3A_657 = arith.index_cast %add3A_576 : i32 to index
        %get3A_658 = arith.constant 64 : index
        %get3A_659 = tpu.vector_load %arg10[%get3A_656, %get3A_657, %get3A_658] {strides = array<i32>} : memref<2x40x128xf32, #tpu.memory_space<vmem>>, vector<1x1x16xf32>,
        %get3A_660 = vector.shape_cast %get3A_659 : vector<1x1x16xf32> to vector<16xf32>
        %mul3A_661 = arith.mulf %get3A_654, %get3A_660 : vector<16xf32>
        %swap3A_662 = arith.index_cast %add3A_576 : i32 to index
        %swap3A_663 = arith.constant 64 : index
        %swap3A_664 = tpu.vector_load %arg12[%swap3A_662, %swap3A_663] {strides = array<i32>} : memref<40x128xf32, #tpu.memory_space<vmem>>, vector<1x16xf32>,
        %swap3A_665 = vector.shape_cast %swap3A_664 : vector<1x16xf32> to vector<16xf32>
        %swap3A_666 = vector.shape_cast %mul3A_661 : vector<16xf32> to vector<1x16xf32>
        tpu.vector_store %arg12[%swap3A_662, %swap3A_663], %swap3A_666 {strides = array<i32>} : memref<40x128xf32, #tpu.memory_space<vmem>>, vector<1x16xf32>,
        %get3A_667 = arith.constant 0 : i32
        %get3A_668 = arith.index_cast %get3A_667 : i32 to index
        %get3A_669 = arith.index_cast %add3A_576 : i32 to index
        %get3A_670 = arith.constant 80 : index
        %get3A_671 = tpu.vector_load %arg11[%get3A_668, %get3A_669, %get3A_670] {strides = array<i32>} : memref<2x40x128xf32, #tpu.memory_space<vmem>>, vector<1x1x16xf32>,
        %get3A_672 = vector.shape_cast %get3A_671 : vector<1x1x16xf32> to vector<16xf32>
        %get3A_673 = arith.constant 0 : i32
        %get3A_674 = arith.index_cast %get3A_673 : i32 to index
        %get3A_675 = arith.index_cast %add3A_576 : i32 to index
        %get3A_676 = arith.constant 80 : index
        %get3A_677 = tpu.vector_load %arg10[%get3A_674, %get3A_675, %get3A_676] {strides = array<i32>} : memref<2x40x128xf32, #tpu.memory_space<vmem>>, vector<1x1x16xf32>,
        %get3A_678 = vector.shape_cast %get3A_677 : vector<1x1x16xf32> to vector<16xf32>
        %mul3A_679 = arith.mulf %get3A_672, %get3A_678 : vector<16xf32>
        %swap3A_680 = arith.index_cast %add3A_576 : i32 to index
        %swap3A_681 = arith.constant 80 : index
        %swap3A_682 = tpu.vector_load %arg12[%swap3A_680, %swap3A_681] {strides = array<i32>} : memref<40x128xf32, #tpu.memory_space<vmem>>, vector<1x16xf32>,
        %swap3A_683 = vector.shape_cast %swap3A_682 : vector<1x16xf32> to vector<16xf32>
        %swap3A_684 = vector.shape_cast %mul3A_679 : vector<16xf32> to vector<1x16xf32>
        tpu.vector_store %arg12[%swap3A_680, %swap3A_681], %swap3A_684 {strides = array<i32>} : memref<40x128xf32, #tpu.memory_space<vmem>>, vector<1x16xf32>,
        %get3A_685 = arith.constant 0 : i32
        %get3A_686 = arith.index_cast %get3A_685 : i32 to index
        %get3A_687 = arith.index_cast %add3A_576 : i32 to index
        %get3A_688 = arith.constant 96 : index
        %get3A_689 = tpu.vector_load %arg11[%get3A_686, %get3A_687, %get3A_688] {strides = array<i32>} : memref<2x40x128xf32, #tpu.memory_space<vmem>>, vector<1x1x16xf32>,
        %get3A_690 = vector.shape_cast %get3A_689 : vector<1x1x16xf32> to vector<16xf32>
        %get3A_691 = arith.constant 0 : i32
        %get3A_692 = arith.index_cast %get3A_691 : i32 to index
        %get3A_693 = arith.index_cast %add3A_576 : i32 to index
        %get3A_694 = arith.constant 96 : index
        %get3A_695 = tpu.vector_load %arg10[%get3A_692, %get3A_693, %get3A_694] {strides = array<i32>} : memref<2x40x128xf32, #tpu.memory_space<vmem>>, vector<1x1x16xf32>,
        %get3A_696 = vector.shape_cast %get3A_695 : vector<1x1x16xf32> to vector<16xf32>
        %mul3A_697 = arith.mulf %get3A_690, %get3A_696 : vector<16xf32>
        %swap3A_698 = arith.index_cast %add3A_576 : i32 to index
        %swap3A_699 = arith.constant 96 : index
        %swap3A_700 = tpu.vector_load %arg12[%swap3A_698, %swap3A_699] {strides = array<i32>} : memref<40x128xf32, #tpu.memory_space<vmem>>, vector<1x16xf32>,
        %swap3A_701 = vector.shape_cast %swap3A_700 : vector<1x16xf32> to vector<16xf32>
        %swap3A_702 = vector.shape_cast %mul3A_697 : vector<16xf32> to vector<1x16xf32>
        tpu.vector_store %arg12[%swap3A_698, %swap3A_699], %swap3A_702 {strides = array<i32>} : memref<40x128xf32, #tpu.memory_space<vmem>>, vector<1x16xf32>,
        %get3A_703 = arith.constant 0 : i32
        %get3A_704 = arith.index_cast %get3A_703 : i32 to index
        %get3A_705 = arith.index_cast %add3A_576 : i32 to index
        %get3A_706 = arith.constant 112 : index
        %get3A_707 = tpu.vector_load %arg11[%get3A_704, %get3A_705, %get3A_706] {strides = array<i32>} : memref<2x40x128xf32, #tpu.memory_space<vmem>>, vector<1x1x16xf32>,
        %get3A_708 = vector.shape_cast %get3A_707 : vector<1x1x16xf32> to vector<16xf32>
        %get3A_709 = arith.constant 0 : i32
        %get3A_710 = arith.index_cast %get3A_709 : i32 to index
        %get3A_711 = arith.index_cast %add3A_576 : i32 to index
        %get3A_712 = arith.constant 112 : index
        %get3A_713 = tpu.vector_load %arg10[%get3A_710, %get3A_711, %get3A_712] {strides = array<i32>} : memref<2x40x128xf32, #tpu.memory_space<vmem>>, vector<1x1x16xf32>,
        %get3A_714 = vector.shape_cast %get3A_713 : vector<1x1x16xf32> to vector<16xf32>
        %mul3A_715 = arith.mulf %get3A_708, %get3A_714 : vector<16xf32>
        %swap3A_716 = arith.index_cast %add3A_576 : i32 to index
        %swap3A_717 = arith.constant 112 : index
        %swap3A_718 = tpu.vector_load %arg12[%swap3A_716, %swap3A_717] {strides = array<i32>} : memref<40x128xf32, #tpu.memory_space<vmem>>, vector<1x16xf32>,
        %swap3A_719 = vector.shape_cast %swap3A_718 : vector<1x16xf32> to vector<16xf32>
        %swap3A_720 = vector.shape_cast %mul3A_715 : vector<16xf32> to vector<1x16xf32>
        tpu.vector_store %arg12[%swap3A_716, %swap3A_717], %swap3A_720 {strides = array<i32>} : memref<40x128xf32, #tpu.memory_space<vmem>>, vector<1x16xf32>,
        %mul3A_721 = arith.constant 5 : i32
        %mul3A_722 = arith.muli %scan3A_425, %mul3A_721 : i32
        %add3A_723 = arith.constant 2 : i32
        %add3A_724 = arith.addi %mul3A_722, %add3A_723 : i32
        %get3A_725 = arith.constant 0 : i32
        %get3A_726 = arith.index_cast %get3A_725 : i32 to index
        %get3A_727 = arith.index_cast %add3A_724 : i32 to index
        %get3A_728 = arith.constant 0 : index
        %get3A_729 = tpu.vector_load %arg11[%get3A_726, %get3A_727, %get3A_728] {strides = array<i32>} : memref<2x40x128xf32, #tpu.memory_space<vmem>>, vector<1x1x16xf32>,
        %get3A_730 = vector.shape_cast %get3A_729 : vector<1x1x16xf32> to vector<16xf32>
        %get3A_731 = arith.constant 0 : i32
        %get3A_732 = arith.index_cast %get3A_731 : i32 to index
        %get3A_733 = arith.index_cast %add3A_724 : i32 to index
        %get3A_734 = arith.constant 0 : index
        %get3A_735 = tpu.vector_load %arg10[%get3A_732, %get3A_733, %get3A_734] {strides = array<i32>} : memref<2x40x128xf32, #tpu.memory_space<vmem>>, vector<1x1x16xf32>,
        %get3A_736 = vector.shape_cast %get3A_735 : vector<1x1x16xf32> to vector<16xf32>
        %mul3A_737 = arith.mulf %get3A_730, %get3A_736 : vector<16xf32>
        %swap3A_738 = arith.index_cast %add3A_724 : i32 to index
        %swap3A_739 = arith.constant 0 : index
        %swap3A_740 = tpu.vector_load %arg12[%swap3A_738, %swap3A_739] {strides = array<i32>} : memref<40x128xf32, #tpu.memory_space<vmem>>, vector<1x16xf32>,
        %swap3A_741 = vector.shape_cast %swap3A_740 : vector<1x16xf32> to vector<16xf32>
        %swap3A_742 = vector.shape_cast %mul3A_737 : vector<16xf32> to vector<1x16xf32>
        tpu.vector_store %arg12[%swap3A_738, %swap3A_739], %swap3A_742 {strides = array<i32>} : memref<40x128xf32, #tpu.memory_space<vmem>>, vector<1x16xf32>,
        %get3A_743 = arith.constant 0 : i32
        %get3A_744 = arith.index_cast %get3A_743 : i32 to index
        %get3A_745 = arith.index_cast %add3A_724 : i32 to index
        %get3A_746 = arith.constant 16 : index
        %get3A_747 = tpu.vector_load %arg11[%get3A_744, %get3A_745, %get3A_746] {strides = array<i32>} : memref<2x40x128xf32, #tpu.memory_space<vmem>>, vector<1x1x16xf32>,
        %get3A_748 = vector.shape_cast %get3A_747 : vector<1x1x16xf32> to vector<16xf32>
        %get3A_749 = arith.constant 0 : i32
        %get3A_750 = arith.index_cast %get3A_749 : i32 to index
        %get3A_751 = arith.index_cast %add3A_724 : i32 to index
        %get3A_752 = arith.constant 16 : index
        %get3A_753 = tpu.vector_load %arg10[%get3A_750, %get3A_751, %get3A_752] {strides = array<i32>} : memref<2x40x128xf32, #tpu.memory_space<vmem>>, vector<1x1x16xf32>,
        %get3A_754 = vector.shape_cast %get3A_753 : vector<1x1x16xf32> to vector<16xf32>
        %mul3A_755 = arith.mulf %get3A_748, %get3A_754 : vector<16xf32>
        %swap3A_756 = arith.index_cast %add3A_724 : i32 to index
        %swap3A_757 = arith.constant 16 : index
        %swap3A_758 = tpu.vector_load %arg12[%swap3A_756, %swap3A_757] {strides = array<i32>} : memref<40x128xf32, #tpu.memory_space<vmem>>, vector<1x16xf32>,
        %swap3A_759 = vector.shape_cast %swap3A_758 : vector<1x16xf32> to vector<16xf32>
        %swap3A_760 = vector.shape_cast %mul3A_755 : vector<16xf32> to vector<1x16xf32>
        tpu.vector_store %arg12[%swap3A_756, %swap3A_757], %swap3A_760 {strides = array<i32>} : memref<40x128xf32, #tpu.memory_space<vmem>>, vector<1x16xf32>,
        %get3A_761 = arith.constant 0 : i32
        %get3A_762 = arith.index_cast %get3A_761 : i32 to index
        %get3A_763 = arith.index_cast %add3A_724 : i32 to index
        %get3A_764 = arith.constant 32 : index
        %get3A_765 = tpu.vector_load %arg11[%get3A_762, %get3A_763, %get3A_764] {strides = array<i32>} : memref<2x40x128xf32, #tpu.memory_space<vmem>>, vector<1x1x16xf32>,
        %get3A_766 = vector.shape_cast %get3A_765 : vector<1x1x16xf32> to vector<16xf32>
        %get3A_767 = arith.constant 0 : i32
        %get3A_768 = arith.index_cast %get3A_767 : i32 to index
        %get3A_769 = arith.index_cast %add3A_724 : i32 to index
        %get3A_770 = arith.constant 32 : index
        %get3A_771 = tpu.vector_load %arg10[%get3A_768, %get3A_769, %get3A_770] {strides = array<i32>} : memref<2x40x128xf32, #tpu.memory_space<vmem>>, vector<1x1x16xf32>,
        %get3A_772 = vector.shape_cast %get3A_771 : vector<1x1x16xf32> to vector<16xf32>
        %mul3A_773 = arith.mulf %get3A_766, %get3A_772 : vector<16xf32>
        %swap3A_774 = arith.index_cast %add3A_724 : i32 to index
        %swap3A_775 = arith.constant 32 : index
        %swap3A_776 = tpu.vector_load %arg12[%swap3A_774, %swap3A_775] {strides = array<i32>} : memref<40x128xf32, #tpu.memory_space<vmem>>, vector<1x16xf32>,
        %swap3A_777 = vector.shape_cast %swap3A_776 : vector<1x16xf32> to vector<16xf32>
        %swap3A_778 = vector.shape_cast %mul3A_773 : vector<16xf32> to vector<1x16xf32>
        tpu.vector_store %arg12[%swap3A_774, %swap3A_775], %swap3A_778 {strides = array<i32>} : memref<40x128xf32, #tpu.memory_space<vmem>>, vector<1x16xf32>,
        %get3A_779 = arith.constant 0 : i32
        %get3A_780 = arith.index_cast %get3A_779 : i32 to index
        %get3A_781 = arith.index_cast %add3A_724 : i32 to index
        %get3A_782 = arith.constant 48 : index
        %get3A_783 = tpu.vector_load %arg11[%get3A_780, %get3A_781, %get3A_782] {strides = array<i32>} : memref<2x40x128xf32, #tpu.memory_space<vmem>>, vector<1x1x16xf32>,
        %get3A_784 = vector.shape_cast %get3A_783 : vector<1x1x16xf32> to vector<16xf32>
        %get3A_785 = arith.constant 0 : i32
        %get3A_786 = arith.index_cast %get3A_785 : i32 to index
        %get3A_787 = arith.index_cast %add3A_724 : i32 to index
        %get3A_788 = arith.constant 48 : index
        %get3A_789 = tpu.vector_load %arg10[%get3A_786, %get3A_787, %get3A_788] {strides = array<i32>} : memref<2x40x128xf32, #tpu.memory_space<vmem>>, vector<1x1x16xf32>,
        %get3A_790 = vector.shape_cast %get3A_789 : vector<1x1x16xf32> to vector<16xf32>
        %mul3A_791 = arith.mulf %get3A_784, %get3A_790 : vector<16xf32>
        %swap3A_792 = arith.index_cast %add3A_724 : i32 to index
        %swap3A_793 = arith.constant 48 : index
        %swap3A_794 = tpu.vector_load %arg12[%swap3A_792, %swap3A_793] {strides = array<i32>} : memref<40x128xf32, #tpu.memory_space<vmem>>, vector<1x16xf32>,
        %swap3A_795 = vector.shape_cast %swap3A_794 : vector<1x16xf32> to vector<16xf32>
        %swap3A_796 = vector.shape_cast %mul3A_791 : vector<16xf32> to vector<1x16xf32>
        tpu.vector_store %arg12[%swap3A_792, %swap3A_793], %swap3A_796 {strides = array<i32>} : memref<40x128xf32, #tpu.memory_space<vmem>>, vector<1x16xf32>,
        %get3A_797 = arith.constant 0 : i32
        %get3A_798 = arith.index_cast %get3A_797 : i32 to index
        %get3A_799 = arith.index_cast %add3A_724 : i32 to index
        %get3A_800 = arith.constant 64 : index
        %get3A_801 = tpu.vector_load %arg11[%get3A_798, %get3A_799, %get3A_800] {strides = array<i32>} : memref<2x40x128xf32, #tpu.memory_space<vmem>>, vector<1x1x16xf32>,
        %get3A_802 = vector.shape_cast %get3A_801 : vector<1x1x16xf32> to vector<16xf32>
        %get3A_803 = arith.constant 0 : i32
        %get3A_804 = arith.index_cast %get3A_803 : i32 to index
        %get3A_805 = arith.index_cast %add3A_724 : i32 to index
        %get3A_806 = arith.constant 64 : index
        %get3A_807 = tpu.vector_load %arg10[%get3A_804, %get3A_805, %get3A_806] {strides = array<i32>} : memref<2x40x128xf32, #tpu.memory_space<vmem>>, vector<1x1x16xf32>,
        %get3A_808 = vector.shape_cast %get3A_807 : vector<1x1x16xf32> to vector<16xf32>
        %mul3A_809 = arith.mulf %get3A_802, %get3A_808 : vector<16xf32>
        %swap3A_810 = arith.index_cast %add3A_724 : i32 to index
        %swap3A_811 = arith.constant 64 : index
        %swap3A_812 = tpu.vector_load %arg12[%swap3A_810, %swap3A_811] {strides = array<i32>} : memref<40x128xf32, #tpu.memory_space<vmem>>, vector<1x16xf32>,
        %swap3A_813 = vector.shape_cast %swap3A_812 : vector<1x16xf32> to vector<16xf32>
        %swap3A_814 = vector.shape_cast %mul3A_809 : vector<16xf32> to vector<1x16xf32>
        tpu.vector_store %arg12[%swap3A_810, %swap3A_811], %swap3A_814 {strides = array<i32>} : memref<40x128xf32, #tpu.memory_space<vmem>>, vector<1x16xf32>,
        %get3A_815 = arith.constant 0 : i32
        %get3A_816 = arith.index_cast %get3A_815 : i32 to index
        %get3A_817 = arith.index_cast %add3A_724 : i32 to index
        %get3A_818 = arith.constant 80 : index
        %get3A_819 = tpu.vector_load %arg11[%get3A_816, %get3A_817, %get3A_818] {strides = array<i32>} : memref<2x40x128xf32, #tpu.memory_space<vmem>>, vector<1x1x16xf32>,
        %get3A_820 = vector.shape_cast %get3A_819 : vector<1x1x16xf32> to vector<16xf32>
        %get3A_821 = arith.constant 0 : i32
        %get3A_822 = arith.index_cast %get3A_821 : i32 to index
        %get3A_823 = arith.index_cast %add3A_724 : i32 to index
        %get3A_824 = arith.constant 80 : index
        %get3A_825 = tpu.vector_load %arg10[%get3A_822, %get3A_823, %get3A_824] {strides = array<i32>} : memref<2x40x128xf32, #tpu.memory_space<vmem>>, vector<1x1x16xf32>,
        %get3A_826 = vector.shape_cast %get3A_825 : vector<1x1x16xf32> to vector<16xf32>
        %mul3A_827 = arith.mulf %get3A_820, %get3A_826 : vector<16xf32>
        %swap3A_828 = arith.index_cast %add3A_724 : i32 to index
        %swap3A_829 = arith.constant 80 : index
        %swap3A_830 = tpu.vector_load %arg12[%swap3A_828, %swap3A_829] {strides = array<i32>} : memref<40x128xf32, #tpu.memory_space<vmem>>, vector<1x16xf32>,
        %swap3A_831 = vector.shape_cast %swap3A_830 : vector<1x16xf32> to vector<16xf32>
        %swap3A_832 = vector.shape_cast %mul3A_827 : vector<16xf32> to vector<1x16xf32>
        tpu.vector_store %arg12[%swap3A_828, %swap3A_829], %swap3A_832 {strides = array<i32>} : memref<40x128xf32, #tpu.memory_space<vmem>>, vector<1x16xf32>,
        %get3A_833 = arith.constant 0 : i32
        %get3A_834 = arith.index_cast %get3A_833 : i32 to index
        %get3A_835 = arith.index_cast %add3A_724 : i32 to index
        %get3A_836 = arith.constant 96 : index
        %get3A_837 = tpu.vector_load %arg11[%get3A_834, %get3A_835, %get3A_836] {strides = array<i32>} : memref<2x40x128xf32, #tpu.memory_space<vmem>>, vector<1x1x16xf32>,
        %get3A_838 = vector.shape_cast %get3A_837 : vector<1x1x16xf32> to vector<16xf32>
        %get3A_839 = arith.constant 0 : i32
        %get3A_840 = arith.index_cast %get3A_839 : i32 to index
        %get3A_841 = arith.index_cast %add3A_724 : i32 to index
        %get3A_842 = arith.constant 96 : index
        %get3A_843 = tpu.vector_load %arg10[%get3A_840, %get3A_841, %get3A_842] {strides = array<i32>} : memref<2x40x128xf32, #tpu.memory_space<vmem>>, vector<1x1x16xf32>,
        %get3A_844 = vector.shape_cast %get3A_843 : vector<1x1x16xf32> to vector<16xf32>
        %mul3A_845 = arith.mulf %get3A_838, %get3A_844 : vector<16xf32>
        %swap3A_846 = arith.index_cast %add3A_724 : i32 to index
        %swap3A_847 = arith.constant 96 : index
        %swap3A_848 = tpu.vector_load %arg12[%swap3A_846, %swap3A_847] {strides = array<i32>} : memref<40x128xf32, #tpu.memory_space<vmem>>, vector<1x16xf32>,
        %swap3A_849 = vector.shape_cast %swap3A_848 : vector<1x16xf32> to vector<16xf32>
        %swap3A_850 = vector.shape_cast %mul3A_845 : vector<16xf32> to vector<1x16xf32>
        tpu.vector_store %arg12[%swap3A_846, %swap3A_847], %swap3A_850 {strides = array<i32>} : memref<40x128xf32, #tpu.memory_space<vmem>>, vector<1x16xf32>,
        %get3A_851 = arith.constant 0 : i32
        %get3A_852 = arith.index_cast %get3A_851 : i32 to index
        %get3A_853 = arith.index_cast %add3A_724 : i32 to index
        %get3A_854 = arith.constant 112 : index
        %get3A_855 = tpu.vector_load %arg11[%get3A_852, %get3A_853, %get3A_854] {strides = array<i32>} : memref<2x40x128xf32, #tpu.memory_space<vmem>>, vector<1x1x16xf32>,
        %get3A_856 = vector.shape_cast %get3A_855 : vector<1x1x16xf32> to vector<16xf32>
        %get3A_857 = arith.constant 0 : i32
        %get3A_858 = arith.index_cast %get3A_857 : i32 to index
        %get3A_859 = arith.index_cast %add3A_724 : i32 to index
        %get3A_860 = arith.constant 112 : index
        %get3A_861 = tpu.vector_load %arg10[%get3A_858, %get3A_859, %get3A_860] {strides = array<i32>} : memref<2x40x128xf32, #tpu.memory_space<vmem>>, vector<1x1x16xf32>,
        %get3A_862 = vector.shape_cast %get3A_861 : vector<1x1x16xf32> to vector<16xf32>
        %mul3A_863 = arith.mulf %get3A_856, %get3A_862 : vector<16xf32>
        %swap3A_864 = arith.index_cast %add3A_724 : i32 to index
        %swap3A_865 = arith.constant 112 : index
        %swap3A_866 = tpu.vector_load %arg12[%swap3A_864, %swap3A_865] {strides = array<i32>} : memref<40x128xf32, #tpu.memory_space<vmem>>, vector<1x16xf32>,
        %swap3A_867 = vector.shape_cast %swap3A_866 : vector<1x16xf32> to vector<16xf32>
        %swap3A_868 = vector.shape_cast %mul3A_863 : vector<16xf32> to vector<1x16xf32>
        tpu.vector_store %arg12[%swap3A_864, %swap3A_865], %swap3A_868 {strides = array<i32>} : memref<40x128xf32, #tpu.memory_space<vmem>>, vector<1x16xf32>,
        %mul3A_869 = arith.constant 5 : i32
        %mul3A_870 = arith.muli %scan3A_425, %mul3A_869 : i32
        %add3A_871 = arith.constant 3 : i32
        %add3A_872 = arith.addi %mul3A_870, %add3A_871 : i32
        %get3A_873 = arith.constant 0 : i32
        %get3A_874 = arith.index_cast %get3A_873 : i32 to index
        %get3A_875 = arith.index_cast %add3A_872 : i32 to index
        %get3A_876 = arith.constant 0 : index
        %get3A_877 = tpu.vector_load %arg11[%get3A_874, %get3A_875, %get3A_876] {strides = array<i32>} : memref<2x40x128xf32, #tpu.memory_space<vmem>>, vector<1x1x16xf32>,
        %get3A_878 = vector.shape_cast %get3A_877 : vector<1x1x16xf32> to vector<16xf32>
        %get3A_879 = arith.constant 0 : i32
        %get3A_880 = arith.index_cast %get3A_879 : i32 to index
        %get3A_881 = arith.index_cast %add3A_872 : i32 to index
        %get3A_882 = arith.constant 0 : index
        %get3A_883 = tpu.vector_load %arg10[%get3A_880, %get3A_881, %get3A_882] {strides = array<i32>} : memref<2x40x128xf32, #tpu.memory_space<vmem>>, vector<1x1x16xf32>,
        %get3A_884 = vector.shape_cast %get3A_883 : vector<1x1x16xf32> to vector<16xf32>
        %mul3A_885 = arith.mulf %get3A_878, %get3A_884 : vector<16xf32>
        %swap3A_886 = arith.index_cast %add3A_872 : i32 to index
        %swap3A_887 = arith.constant 0 : index
        %swap3A_888 = tpu.vector_load %arg12[%swap3A_886, %swap3A_887] {strides = array<i32>} : memref<40x128xf32, #tpu.memory_space<vmem>>, vector<1x16xf32>,
        %swap3A_889 = vector.shape_cast %swap3A_888 : vector<1x16xf32> to vector<16xf32>
        %swap3A_890 = vector.shape_cast %mul3A_885 : vector<16xf32> to vector<1x16xf32>
        tpu.vector_store %arg12[%swap3A_886, %swap3A_887], %swap3A_890 {strides = array<i32>} : memref<40x128xf32, #tpu.memory_space<vmem>>, vector<1x16xf32>,
        %get3A_891 = arith.constant 0 : i32
        %get3A_892 = arith.index_cast %get3A_891 : i32 to index
        %get3A_893 = arith.index_cast %add3A_872 : i32 to index
        %get3A_894 = arith.constant 16 : index
        %get3A_895 = tpu.vector_load %arg11[%get3A_892, %get3A_893, %get3A_894] {strides = array<i32>} : memref<2x40x128xf32, #tpu.memory_space<vmem>>, vector<1x1x16xf32>,
        %get3A_896 = vector.shape_cast %get3A_895 : vector<1x1x16xf32> to vector<16xf32>
        %get3A_897 = arith.constant 0 : i32
        %get3A_898 = arith.index_cast %get3A_897 : i32 to index
        %get3A_899 = arith.index_cast %add3A_872 : i32 to index
        %get3A_900 = arith.constant 16 : index
        %get3A_901 = tpu.vector_load %arg10[%get3A_898, %get3A_899, %get3A_900] {strides = array<i32>} : memref<2x40x128xf32, #tpu.memory_space<vmem>>, vector<1x1x16xf32>,
        %get3A_902 = vector.shape_cast %get3A_901 : vector<1x1x16xf32> to vector<16xf32>
        %mul3A_903 = arith.mulf %get3A_896, %get3A_902 : vector<16xf32>
        %swap3A_904 = arith.index_cast %add3A_872 : i32 to index
        %swap3A_905 = arith.constant 16 : index
        %swap3A_906 = tpu.vector_load %arg12[%swap3A_904, %swap3A_905] {strides = array<i32>} : memref<40x128xf32, #tpu.memory_space<vmem>>, vector<1x16xf32>,
        %swap3A_907 = vector.shape_cast %swap3A_906 : vector<1x16xf32> to vector<16xf32>
        %swap3A_908 = vector.shape_cast %mul3A_903 : vector<16xf32> to vector<1x16xf32>
        tpu.vector_store %arg12[%swap3A_904, %swap3A_905], %swap3A_908 {strides = array<i32>} : memref<40x128xf32, #tpu.memory_space<vmem>>, vector<1x16xf32>,
        %get3A_909 = arith.constant 0 : i32
        %get3A_910 = arith.index_cast %get3A_909 : i32 to index
        %get3A_911 = arith.index_cast %add3A_872 : i32 to index
        %get3A_912 = arith.constant 32 : index
        %get3A_913 = tpu.vector_load %arg11[%get3A_910, %get3A_911, %get3A_912] {strides = array<i32>} : memref<2x40x128xf32, #tpu.memory_space<vmem>>, vector<1x1x16xf32>,
        %get3A_914 = vector.shape_cast %get3A_913 : vector<1x1x16xf32> to vector<16xf32>
        %get3A_915 = arith.constant 0 : i32
        %get3A_916 = arith.index_cast %get3A_915 : i32 to index
        %get3A_917 = arith.index_cast %add3A_872 : i32 to index
        %get3A_918 = arith.constant 32 : index
        %get3A_919 = tpu.vector_load %arg10[%get3A_916, %get3A_917, %get3A_918] {strides = array<i32>} : memref<2x40x128xf32, #tpu.memory_space<vmem>>, vector<1x1x16xf32>,
        %get3A_920 = vector.shape_cast %get3A_919 : vector<1x1x16xf32> to vector<16xf32>
        %mul3A_921 = arith.mulf %get3A_914, %get3A_920 : vector<16xf32>
        %swap3A_922 = arith.index_cast %add3A_872 : i32 to index
        %swap3A_923 = arith.constant 32 : index
        %swap3A_924 = tpu.vector_load %arg12[%swap3A_922, %swap3A_923] {strides = array<i32>} : memref<40x128xf32, #tpu.memory_space<vmem>>, vector<1x16xf32>,
        %swap3A_925 = vector.shape_cast %swap3A_924 : vector<1x16xf32> to vector<16xf32>
        %swap3A_926 = vector.shape_cast %mul3A_921 : vector<16xf32> to vector<1x16xf32>
        tpu.vector_store %arg12[%swap3A_922, %swap3A_923], %swap3A_926 {strides = array<i32>} : memref<40x128xf32, #tpu.memory_space<vmem>>, vector<1x16xf32>,
        %get3A_927 = arith.constant 0 : i32
        %get3A_928 = arith.index_cast %get3A_927 : i32 to index
        %get3A_929 = arith.index_cast %add3A_872 : i32 to index
        %get3A_930 = arith.constant 48 : index
        %get3A_931 = tpu.vector_load %arg11[%get3A_928, %get3A_929, %get3A_930] {strides = array<i32>} : memref<2x40x128xf32, #tpu.memory_space<vmem>>, vector<1x1x16xf32>,
        %get3A_932 = vector.shape_cast %get3A_931 : vector<1x1x16xf32> to vector<16xf32>
        %get3A_933 = arith.constant 0 : i32
        %get3A_934 = arith.index_cast %get3A_933 : i32 to index
        %get3A_935 = arith.index_cast %add3A_872 : i32 to index
        %get3A_936 = arith.constant 48 : index
        %get3A_937 = tpu.vector_load %arg10[%get3A_934, %get3A_935, %get3A_936] {strides = array<i32>} : memref<2x40x128xf32, #tpu.memory_space<vmem>>, vector<1x1x16xf32>,
        %get3A_938 = vector.shape_cast %get3A_937 : vector<1x1x16xf32> to vector<16xf32>
        %mul3A_939 = arith.mulf %get3A_932, %get3A_938 : vector<16xf32>
        %swap3A_940 = arith.index_cast %add3A_872 : i32 to index
        %swap3A_941 = arith.constant 48 : index
        %swap3A_942 = tpu.vector_load %arg12[%swap3A_940, %swap3A_941] {strides = array<i32>} : memref<40x128xf32, #tpu.memory_space<vmem>>, vector<1x16xf32>,
        %swap3A_943 = vector.shape_cast %swap3A_942 : vector<1x16xf32> to vector<16xf32>
        %swap3A_944 = vector.shape_cast %mul3A_939 : vector<16xf32> to vector<1x16xf32>
        tpu.vector_store %arg12[%swap3A_940, %swap3A_941], %swap3A_944 {strides = array<i32>} : memref<40x128xf32, #tpu.memory_space<vmem>>, vector<1x16xf32>,
        %get3A_945 = arith.constant 0 : i32
        %get3A_946 = arith.index_cast %get3A_945 : i32 to index
        %get3A_947 = arith.index_cast %add3A_872 : i32 to index
        %get3A_948 = arith.constant 64 : index
        %get3A_949 = tpu.vector_load %arg11[%get3A_946, %get3A_947, %get3A_948] {strides = array<i32>} : memref<2x40x128xf32, #tpu.memory_space<vmem>>, vector<1x1x16xf32>,
        %get3A_950 = vector.shape_cast %get3A_949 : vector<1x1x16xf32> to vector<16xf32>
        %get3A_951 = arith.constant 0 : i32
        %get3A_952 = arith.index_cast %get3A_951 : i32 to index
        %get3A_953 = arith.index_cast %add3A_872 : i32 to index
        %get3A_954 = arith.constant 64 : index
        %get3A_955 = tpu.vector_load %arg10[%get3A_952, %get3A_953, %get3A_954] {strides = array<i32>} : memref<2x40x128xf32, #tpu.memory_space<vmem>>, vector<1x1x16xf32>,
        %get3A_956 = vector.shape_cast %get3A_955 : vector<1x1x16xf32> to vector<16xf32>
        %mul3A_957 = arith.mulf %get3A_950, %get3A_956 : vector<16xf32>
        %swap3A_958 = arith.index_cast %add3A_872 : i32 to index
        %swap3A_959 = arith.constant 64 : index
        %swap3A_960 = tpu.vector_load %arg12[%swap3A_958, %swap3A_959] {strides = array<i32>} : memref<40x128xf32, #tpu.memory_space<vmem>>, vector<1x16xf32>,
        %swap3A_961 = vector.shape_cast %swap3A_960 : vector<1x16xf32> to vector<16xf32>
        %swap3A_962 = vector.shape_cast %mul3A_957 : vector<16xf32> to vector<1x16xf32>
        tpu.vector_store %arg12[%swap3A_958, %swap3A_959], %swap3A_962 {strides = array<i32>} : memref<40x128xf32, #tpu.memory_space<vmem>>, vector<1x16xf32>,
        %get3A_963 = arith.constant 0 : i32
        %get3A_964 = arith.index_cast %get3A_963 : i32 to index
        %get3A_965 = arith.index_cast %add3A_872 : i32 to index
        %get3A_966 = arith.constant 80 : index
        %get3A_967 = tpu.vector_load %arg11[%get3A_964, %get3A_965, %get3A_966] {strides = array<i32>} : memref<2x40x128xf32, #tpu.memory_space<vmem>>, vector<1x1x16xf32>,
        %get3A_968 = vector.shape_cast %get3A_967 : vector<1x1x16xf32> to vector<16xf32>
        %get3A_969 = arith.constant 0 : i32
        %get3A_970 = arith.index_cast %get3A_969 : i32 to index
        %get3A_971 = arith.index_cast %add3A_872 : i32 to index
        %get3A_972 = arith.constant 80 : index
        %get3A_973 = tpu.vector_load %arg10[%get3A_970, %get3A_971, %get3A_972] {strides = array<i32>} : memref<2x40x128xf32, #tpu.memory_space<vmem>>, vector<1x1x16xf32>,
        %get3A_974 = vector.shape_cast %get3A_973 : vector<1x1x16xf32> to vector<16xf32>
        %mul3A_975 = arith.mulf %get3A_968, %get3A_974 : vector<16xf32>
        %swap3A_976 = arith.index_cast %add3A_872 : i32 to index
        %swap3A_977 = arith.constant 80 : index
        %swap3A_978 = tpu.vector_load %arg12[%swap3A_976, %swap3A_977] {strides = array<i32>} : memref<40x128xf32, #tpu.memory_space<vmem>>, vector<1x16xf32>,
        %swap3A_979 = vector.shape_cast %swap3A_978 : vector<1x16xf32> to vector<16xf32>
        %swap3A_980 = vector.shape_cast %mul3A_975 : vector<16xf32> to vector<1x16xf32>
        tpu.vector_store %arg12[%swap3A_976, %swap3A_977], %swap3A_980 {strides = array<i32>} : memref<40x128xf32, #tpu.memory_space<vmem>>, vector<1x16xf32>,
        %get3A_981 = arith.constant 0 : i32
        %get3A_982 = arith.index_cast %get3A_981 : i32 to index
        %get3A_983 = arith.index_cast %add3A_872 : i32 to index
        %get3A_984 = arith.constant 96 : index
        %get3A_985 = tpu.vector_load %arg11[%get3A_982, %get3A_983, %get3A_984] {strides = array<i32>} : memref<2x40x128xf32, #tpu.memory_space<vmem>>, vector<1x1x16xf32>,
        %get3A_986 = vector.shape_cast %get3A_985 : vector<1x1x16xf32> to vector<16xf32>
        %get3A_987 = arith.constant 0 : i32
        %get3A_988 = arith.index_cast %get3A_987 : i32 to index
        %get3A_989 = arith.index_cast %add3A_872 : i32 to index
        %get3A_990 = arith.constant 96 : index
        %get3A_991 = tpu.vector_load %arg10[%get3A_988, %get3A_989, %get3A_990] {strides = array<i32>} : memref<2x40x128xf32, #tpu.memory_space<vmem>>, vector<1x1x16xf32>,
        %get3A_992 = vector.shape_cast %get3A_991 : vector<1x1x16xf32> to vector<16xf32>
        %mul3A_993 = arith.mulf %get3A_986, %get3A_992 : vector<16xf32>
        %swap3A_994 = arith.index_cast %add3A_872 : i32 to index
        %swap3A_995 = arith.constant 96 : index
        %swap3A_996 = tpu.vector_load %arg12[%swap3A_994, %swap3A_995] {strides = array<i32>} : memref<40x128xf32, #tpu.memory_space<vmem>>, vector<1x16xf32>,
        %swap3A_997 = vector.shape_cast %swap3A_996 : vector<1x16xf32> to vector<16xf32>
        %swap3A_998 = vector.shape_cast %mul3A_993 : vector<16xf32> to vector<1x16xf32>
        tpu.vector_store %arg12[%swap3A_994, %swap3A_995], %swap3A_998 {strides = array<i32>} : memref<40x128xf32, #tpu.memory_space<vmem>>, vector<1x16xf32>,
        %get3A_999 = arith.constant 0 : i32
        %get3A_1000 = arith.index_cast %get3A_999 : i32 to index
        %get3A_1001 = arith.index_cast %add3A_872 : i32 to index
        %get3A_1002 = arith.constant 112 : index
        %get3A_1003 = tpu.vector_load %arg11[%get3A_1000, %get3A_1001, %get3A_1002] {strides = array<i32>} : memref<2x40x128xf32, #tpu.memory_space<vmem>>, vector<1x1x16xf32>,
        %get3A_1004 = vector.shape_cast %get3A_1003 : vector<1x1x16xf32> to vector<16xf32>
        %get3A_1005 = arith.constant 0 : i32
        %get3A_1006 = arith.index_cast %get3A_1005 : i32 to index
        %get3A_1007 = arith.index_cast %add3A_872 : i32 to index
        %get3A_1008 = arith.constant 112 : index
        %get3A_1009 = tpu.vector_load %arg10[%get3A_1006, %get3A_1007, %get3A_1008] {strides = array<i32>} : memref<2x40x128xf32, #tpu.memory_space<vmem>>, vector<1x1x16xf32>,
        %get3A_1010 = vector.shape_cast %get3A_1009 : vector<1x1x16xf32> to vector<16xf32>
        %mul3A_1011 = arith.mulf %get3A_1004, %get3A_1010 : vector<16xf32>
        %swap3A_1012 = arith.index_cast %add3A_872 : i32 to index
        %swap3A_1013 = arith.constant 112 : index
        %swap3A_1014 = tpu.vector_load %arg12[%swap3A_1012, %swap3A_1013] {strides = array<i32>} : memref<40x128xf32, #tpu.memory_space<vmem>>, vector<1x16xf32>,
        %swap3A_1015 = vector.shape_cast %swap3A_1014 : vector<1x16xf32> to vector<16xf32>
        %swap3A_1016 = vector.shape_cast %mul3A_1011 : vector<16xf32> to vector<1x16xf32>
        tpu.vector_store %arg12[%swap3A_1012, %swap3A_1013], %swap3A_1016 {strides = array<i32>} : memref<40x128xf32, #tpu.memory_space<vmem>>, vector<1x16xf32>,
        %mul3A_1017 = arith.constant 5 : i32
        %mul3A_1018 = arith.muli %scan3A_425, %mul3A_1017 : i32
        %add3A_1019 = arith.constant 4 : i32
        %add3A_1020 = arith.addi %mul3A_1018, %add3A_1019 : i32
        %get3A_1021 = arith.constant 0 : i32
        %get3A_1022 = arith.index_cast %get3A_1021 : i32 to index
        %get3A_1023 = arith.index_cast %add3A_1020 : i32 to index
        %get3A_1024 = arith.constant 0 : index
        %get3A_1025 = tpu.vector_load %arg11[%get3A_1022, %get3A_1023, %get3A_1024] {strides = array<i32>} : memref<2x40x128xf32, #tpu.memory_space<vmem>>, vector<1x1x16xf32>,
        %get3A_1026 = vector.shape_cast %get3A_1025 : vector<1x1x16xf32> to vector<16xf32>
        %get3A_1027 = arith.constant 0 : i32
        %get3A_1028 = arith.index_cast %get3A_1027 : i32 to index
        %get3A_1029 = arith.index_cast %add3A_1020 : i32 to index
        %get3A_1030 = arith.constant 0 : index
        %get3A_1031 = tpu.vector_load %arg10[%get3A_1028, %get3A_1029, %get3A_1030] {strides = array<i32>} : memref<2x40x128xf32, #tpu.memory_space<vmem>>, vector<1x1x16xf32>,
        %get3A_1032 = vector.shape_cast %get3A_1031 : vector<1x1x16xf32> to vector<16xf32>
        %mul3A_1033 = arith.mulf %get3A_1026, %get3A_1032 : vector<16xf32>
        %swap3A_1034 = arith.index_cast %add3A_1020 : i32 to index
        %swap3A_1035 = arith.constant 0 : index
        %swap3A_1036 = tpu.vector_load %arg12[%swap3A_1034, %swap3A_1035] {strides = array<i32>} : memref<40x128xf32, #tpu.memory_space<vmem>>, vector<1x16xf32>,
        %swap3A_1037 = vector.shape_cast %swap3A_1036 : vector<1x16xf32> to vector<16xf32>
        %swap3A_1038 = vector.shape_cast %mul3A_1033 : vector<16xf32> to vector<1x16xf32>
        tpu.vector_store %arg12[%swap3A_1034, %swap3A_1035], %swap3A_1038 {strides = array<i32>} : memref<40x128xf32, #tpu.memory_space<vmem>>, vector<1x16xf32>,
        %get3A_1039 = arith.constant 0 : i32
        %get3A_1040 = arith.index_cast %get3A_1039 : i32 to index
        %get3A_1041 = arith.index_cast %add3A_1020 : i32 to index
        %get3A_1042 = arith.constant 16 : index
        %get3A_1043 = tpu.vector_load %arg11[%get3A_1040, %get3A_1041, %get3A_1042] {strides = array<i32>} : memref<2x40x128xf32, #tpu.memory_space<vmem>>, vector<1x1x16xf32>,
        %get3A_1044 = vector.shape_cast %get3A_1043 : vector<1x1x16xf32> to vector<16xf32>
        %get3A_1045 = arith.constant 0 : i32
        %get3A_1046 = arith.index_cast %get3A_1045 : i32 to index
        %get3A_1047 = arith.index_cast %add3A_1020 : i32 to index
        %get3A_1048 = arith.constant 16 : index
        %get3A_1049 = tpu.vector_load %arg10[%get3A_1046, %get3A_1047, %get3A_1048] {strides = array<i32>} : memref<2x40x128xf32, #tpu.memory_space<vmem>>, vector<1x1x16xf32>,
        %get3A_1050 = vector.shape_cast %get3A_1049 : vector<1x1x16xf32> to vector<16xf32>
        %mul3A_1051 = arith.mulf %get3A_1044, %get3A_1050 : vector<16xf32>
        %swap3A_1052 = arith.index_cast %add3A_1020 : i32 to index
        %swap3A_1053 = arith.constant 16 : index
        %swap3A_1054 = tpu.vector_load %arg12[%swap3A_1052, %swap3A_1053] {strides = array<i32>} : memref<40x128xf32, #tpu.memory_space<vmem>>, vector<1x16xf32>,
        %swap3A_1055 = vector.shape_cast %swap3A_1054 : vector<1x16xf32> to vector<16xf32>
        %swap3A_1056 = vector.shape_cast %mul3A_1051 : vector<16xf32> to vector<1x16xf32>
        tpu.vector_store %arg12[%swap3A_1052, %swap3A_1053], %swap3A_1056 {strides = array<i32>} : memref<40x128xf32, #tpu.memory_space<vmem>>, vector<1x16xf32>,
        %get3A_1057 = arith.constant 0 : i32
        %get3A_1058 = arith.index_cast %get3A_1057 : i32 to index
        %get3A_1059 = arith.index_cast %add3A_1020 : i32 to index
        %get3A_1060 = arith.constant 32 : index
        %get3A_1061 = tpu.vector_load %arg11[%get3A_1058, %get3A_1059, %get3A_1060] {strides = array<i32>} : memref<2x40x128xf32, #tpu.memory_space<vmem>>, vector<1x1x16xf32>,
        %get3A_1062 = vector.shape_cast %get3A_1061 : vector<1x1x16xf32> to vector<16xf32>
        %get3A_1063 = arith.constant 0 : i32
        %get3A_1064 = arith.index_cast %get3A_1063 : i32 to index
        %get3A_1065 = arith.index_cast %add3A_1020 : i32 to index
        %get3A_1066 = arith.constant 32 : index
        %get3A_1067 = tpu.vector_load %arg10[%get3A_1064, %get3A_1065, %get3A_1066] {strides = array<i32>} : memref<2x40x128xf32, #tpu.memory_space<vmem>>, vector<1x1x16xf32>,
        %get3A_1068 = vector.shape_cast %get3A_1067 : vector<1x1x16xf32> to vector<16xf32>
        %mul3A_1069 = arith.mulf %get3A_1062, %get3A_1068 : vector<16xf32>
        %swap3A_1070 = arith.index_cast %add3A_1020 : i32 to index
        %swap3A_1071 = arith.constant 32 : index
        %swap3A_1072 = tpu.vector_load %arg12[%swap3A_1070, %swap3A_1071] {strides = array<i32>} : memref<40x128xf32, #tpu.memory_space<vmem>>, vector<1x16xf32>,
        %swap3A_1073 = vector.shape_cast %swap3A_1072 : vector<1x16xf32> to vector<16xf32>
        %swap3A_1074 = vector.shape_cast %mul3A_1069 : vector<16xf32> to vector<1x16xf32>
        tpu.vector_store %arg12[%swap3A_1070, %swap3A_1071], %swap3A_1074 {strides = array<i32>} : memref<40x128xf32, #tpu.memory_space<vmem>>, vector<1x16xf32>,
        %get3A_1075 = arith.constant 0 : i32
        %get3A_1076 = arith.index_cast %get3A_1075 : i32 to index
        %get3A_1077 = arith.index_cast %add3A_1020 : i32 to index
        %get3A_1078 = arith.constant 48 : index
        %get3A_1079 = tpu.vector_load %arg11[%get3A_1076, %get3A_1077, %get3A_1078] {strides = array<i32>} : memref<2x40x128xf32, #tpu.memory_space<vmem>>, vector<1x1x16xf32>,
        %get3A_1080 = vector.shape_cast %get3A_1079 : vector<1x1x16xf32> to vector<16xf32>
        %get3A_1081 = arith.constant 0 : i32
        %get3A_1082 = arith.index_cast %get3A_1081 : i32 to index
        %get3A_1083 = arith.index_cast %add3A_1020 : i32 to index
        %get3A_1084 = arith.constant 48 : index
        %get3A_1085 = tpu.vector_load %arg10[%get3A_1082, %get3A_1083, %get3A_1084] {strides = array<i32>} : memref<2x40x128xf32, #tpu.memory_space<vmem>>, vector<1x1x16xf32>,
        %get3A_1086 = vector.shape_cast %get3A_1085 : vector<1x1x16xf32> to vector<16xf32>
        %mul3A_1087 = arith.mulf %get3A_1080, %get3A_1086 : vector<16xf32>
        %swap3A_1088 = arith.index_cast %add3A_1020 : i32 to index
        %swap3A_1089 = arith.constant 48 : index
        %swap3A_1090 = tpu.vector_load %arg12[%swap3A_1088, %swap3A_1089] {strides = array<i32>} : memref<40x128xf32, #tpu.memory_space<vmem>>, vector<1x16xf32>,
        %swap3A_1091 = vector.shape_cast %swap3A_1090 : vector<1x16xf32> to vector<16xf32>
        %swap3A_1092 = vector.shape_cast %mul3A_1087 : vector<16xf32> to vector<1x16xf32>
        tpu.vector_store %arg12[%swap3A_1088, %swap3A_1089], %swap3A_1092 {strides = array<i32>} : memref<40x128xf32, #tpu.memory_space<vmem>>, vector<1x16xf32>,
        %get3A_1093 = arith.constant 0 : i32
        %get3A_1094 = arith.index_cast %get3A_1093 : i32 to index
        %get3A_1095 = arith.index_cast %add3A_1020 : i32 to index
        %get3A_1096 = arith.constant 64 : index
        %get3A_1097 = tpu.vector_load %arg11[%get3A_1094, %get3A_1095, %get3A_1096] {strides = array<i32>} : memref<2x40x128xf32, #tpu.memory_space<vmem>>, vector<1x1x16xf32>,
        %get3A_1098 = vector.shape_cast %get3A_1097 : vector<1x1x16xf32> to vector<16xf32>
        %get3A_1099 = arith.constant 0 : i32
        %get3A_1100 = arith.index_cast %get3A_1099 : i32 to index
        %get3A_1101 = arith.index_cast %add3A_1020 : i32 to index
        %get3A_1102 = arith.constant 64 : index
        %get3A_1103 = tpu.vector_load %arg10[%get3A_1100, %get3A_1101, %get3A_1102] {strides = array<i32>} : memref<2x40x128xf32, #tpu.memory_space<vmem>>, vector<1x1x16xf32>,
        %get3A_1104 = vector.shape_cast %get3A_1103 : vector<1x1x16xf32> to vector<16xf32>
        %mul3A_1105 = arith.mulf %get3A_1098, %get3A_1104 : vector<16xf32>
        %swap3A_1106 = arith.index_cast %add3A_1020 : i32 to index
        %swap3A_1107 = arith.constant 64 : index
        %swap3A_1108 = tpu.vector_load %arg12[%swap3A_1106, %swap3A_1107] {strides = array<i32>} : memref<40x128xf32, #tpu.memory_space<vmem>>, vector<1x16xf32>,
        %swap3A_1109 = vector.shape_cast %swap3A_1108 : vector<1x16xf32> to vector<16xf32>
        %swap3A_1110 = vector.shape_cast %mul3A_1105 : vector<16xf32> to vector<1x16xf32>
        tpu.vector_store %arg12[%swap3A_1106, %swap3A_1107], %swap3A_1110 {strides = array<i32>} : memref<40x128xf32, #tpu.memory_space<vmem>>, vector<1x16xf32>,
        %get3A_1111 = arith.constant 0 : i32
        %get3A_1112 = arith.index_cast %get3A_1111 : i32 to index
        %get3A_1113 = arith.index_cast %add3A_1020 : i32 to index
        %get3A_1114 = arith.constant 80 : index
        %get3A_1115 = tpu.vector_load %arg11[%get3A_1112, %get3A_1113, %get3A_1114] {strides = array<i32>} : memref<2x40x128xf32, #tpu.memory_space<vmem>>, vector<1x1x16xf32>,
        %get3A_1116 = vector.shape_cast %get3A_1115 : vector<1x1x16xf32> to vector<16xf32>
        %get3A_1117 = arith.constant 0 : i32
        %get3A_1118 = arith.index_cast %get3A_1117 : i32 to index
        %get3A_1119 = arith.index_cast %add3A_1020 : i32 to index
        %get3A_1120 = arith.constant 80 : index
        %get3A_1121 = tpu.vector_load %arg10[%get3A_1118, %get3A_1119, %get3A_1120] {strides = array<i32>} : memref<2x40x128xf32, #tpu.memory_space<vmem>>, vector<1x1x16xf32>,
        %get3A_1122 = vector.shape_cast %get3A_1121 : vector<1x1x16xf32> to vector<16xf32>
        %mul3A_1123 = arith.mulf %get3A_1116, %get3A_1122 : vector<16xf32>
        %swap3A_1124 = arith.index_cast %add3A_1020 : i32 to index
        %swap3A_1125 = arith.constant 80 : index
        %swap3A_1126 = tpu.vector_load %arg12[%swap3A_1124, %swap3A_1125] {strides = array<i32>} : memref<40x128xf32, #tpu.memory_space<vmem>>, vector<1x16xf32>,
        %swap3A_1127 = vector.shape_cast %swap3A_1126 : vector<1x16xf32> to vector<16xf32>
        %swap3A_1128 = vector.shape_cast %mul3A_1123 : vector<16xf32> to vector<1x16xf32>
        tpu.vector_store %arg12[%swap3A_1124, %swap3A_1125], %swap3A_1128 {strides = array<i32>} : memref<40x128xf32, #tpu.memory_space<vmem>>, vector<1x16xf32>,
        %get3A_1129 = arith.constant 0 : i32
        %get3A_1130 = arith.index_cast %get3A_1129 : i32 to index
        %get3A_1131 = arith.index_cast %add3A_1020 : i32 to index
        %get3A_1132 = arith.constant 96 : index
        %get3A_1133 = tpu.vector_load %arg11[%get3A_1130, %get3A_1131, %get3A_1132] {strides = array<i32>} : memref<2x40x128xf32, #tpu.memory_space<vmem>>, vector<1x1x16xf32>,
        %get3A_1134 = vector.shape_cast %get3A_1133 : vector<1x1x16xf32> to vector<16xf32>
        %get3A_1135 = arith.constant 0 : i32
        %get3A_1136 = arith.index_cast %get3A_1135 : i32 to index
        %get3A_1137 = arith.index_cast %add3A_1020 : i32 to index
        %get3A_1138 = arith.constant 96 : index
        %get3A_1139 = tpu.vector_load %arg10[%get3A_1136, %get3A_1137, %get3A_1138] {strides = array<i32>} : memref<2x40x128xf32, #tpu.memory_space<vmem>>, vector<1x1x16xf32>,
        %get3A_1140 = vector.shape_cast %get3A_1139 : vector<1x1x16xf32> to vector<16xf32>
        %mul3A_1141 = arith.mulf %get3A_1134, %get3A_1140 : vector<16xf32>
        %swap3A_1142 = arith.index_cast %add3A_1020 : i32 to index
        %swap3A_1143 = arith.constant 96 : index
        %swap3A_1144 = tpu.vector_load %arg12[%swap3A_1142, %swap3A_1143] {strides = array<i32>} : memref<40x128xf32, #tpu.memory_space<vmem>>, vector<1x16xf32>,
        %swap3A_1145 = vector.shape_cast %swap3A_1144 : vector<1x16xf32> to vector<16xf32>
        %swap3A_1146 = vector.shape_cast %mul3A_1141 : vector<16xf32> to vector<1x16xf32>
        tpu.vector_store %arg12[%swap3A_1142, %swap3A_1143], %swap3A_1146 {strides = array<i32>} : memref<40x128xf32, #tpu.memory_space<vmem>>, vector<1x16xf32>,
        %get3A_1147 = arith.constant 0 : i32
        %get3A_1148 = arith.index_cast %get3A_1147 : i32 to index
        %get3A_1149 = arith.index_cast %add3A_1020 : i32 to index
        %get3A_1150 = arith.constant 112 : index
        %get3A_1151 = tpu.vector_load %arg11[%get3A_1148, %get3A_1149, %get3A_1150] {strides = array<i32>} : memref<2x40x128xf32, #tpu.memory_space<vmem>>, vector<1x1x16xf32>,
        %get3A_1152 = vector.shape_cast %get3A_1151 : vector<1x1x16xf32> to vector<16xf32>
        %get3A_1153 = arith.constant 0 : i32
        %get3A_1154 = arith.index_cast %get3A_1153 : i32 to index
        %get3A_1155 = arith.index_cast %add3A_1020 : i32 to index
        %get3A_1156 = arith.constant 112 : index
        %get3A_1157 = tpu.vector_load %arg10[%get3A_1154, %get3A_1155, %get3A_1156] {strides = array<i32>} : memref<2x40x128xf32, #tpu.memory_space<vmem>>, vector<1x1x16xf32>,
        %get3A_1158 = vector.shape_cast %get3A_1157 : vector<1x1x16xf32> to vector<16xf32>
        %mul3A_1159 = arith.mulf %get3A_1152, %get3A_1158 : vector<16xf32>
        %swap3A_1160 = arith.index_cast %add3A_1020 : i32 to index
        %swap3A_1161 = arith.constant 112 : index
        %swap3A_1162 = tpu.vector_load %arg12[%swap3A_1160, %swap3A_1161] {strides = array<i32>} : memref<40x128xf32, #tpu.memory_space<vmem>>, vector<1x16xf32>,
        %swap3A_1163 = vector.shape_cast %swap3A_1162 : vector<1x16xf32> to vector<16xf32>
        %swap3A_1164 = vector.shape_cast %mul3A_1159 : vector<16xf32> to vector<1x16xf32>
        tpu.vector_store %arg12[%swap3A_1160, %swap3A_1161], %swap3A_1164 {strides = array<i32>} : memref<40x128xf32, #tpu.memory_space<vmem>>, vector<1x16xf32>,
        %scan3A_1165 = arith.constant 0 : i32
        scf.yield %scan3A_1165 : i32
      }
      %scan3A_344 = arith.constant 8 : i32
      %dma_start3A_345 = arith.constant 0 : i32
      %dma_start3A_346 = tpu.memref_slice %arg9[%add3A_306, %dma_start3A_345] : memref<250x40xi32, #tpu.memory_space<vmem>> -> memref<1x40xi32, #tpu.memory_space<vmem>>
      %dma_start3A_347 = tpu.memref_squeeze %dma_start3A_346 : memref<1x40xi32, #tpu.memory_space<vmem>> -> memref<40xi32, #tpu.memory_space<vmem>>
      %dma_start3A_348 = arith.constant 0 : i32
      %dma_start3A_349 = arith.constant 0 : i32
      %dma_start3A_350 = tpu.memref_slice %arg7[%dma_start3A_348, %dma_start3A_349] : memref<10000x128xf32, #tpu.memory_space<vmem_shared>> -> memref<10000x128xf32, #tpu.memory_space<vmem_shared>>
      tpu.enqueue_indirect_dma source(%arg12 : memref<40x128xf32, #tpu.memory_space<vmem>>) target(%dma_start3A_350 : memref<10000x128xf32, #tpu.memory_space<vmem_shared>>) offsets(%dma_start3A_347 : memref<40xi32, #tpu.memory_space<vmem>>) semaphore(%arg17 : memref<!tpu.dma_semaphore, #tpu.memory_space<semaphore_mem>>) {add = true}
      %mul3A_351 = arith.constant 2 : i32
      %mul3A_352 = arith.muli %scan3A_301, %mul3A_351 : i32
      %add3A_353 = arith.constant 0 : i32
      %add3A_354 = arith.addi %mul3A_352, %add3A_353 : i32
      %add3A_355 = arith.constant 2 : i32
      %add3A_356 = arith.addi %add3A_354, %add3A_355 : i32
      %lt3A_357 = arith.constant 250 : i32
      %lt3A_358 = arith.cmpi slt, %add3A_356, %lt3A_357 : i32
      %convert_element_type3A_359 = arith.extui %lt3A_358 : i1 to i32
      %cond3A_360 = arith.constant 0 : i32
      %cond3A_361 = arith.cmpi ne, %convert_element_type3A_359, %cond3A_360 : i32
      scf.if %cond3A_361 {
        %add3A_425 = arith.constant 2 : i32
        %add3A_426 = arith.addi %add3A_306, %add3A_425 : i32
        %dma_start3A_427 = arith.constant 0 : i32
        %dma_start3A_428 = arith.constant 0 : i32
        %dma_start3A_429 = arith.constant 0 : i32
        %dma_start3A_430 = tpu.memref_slice %arg10[%dma_start3A_427, %dma_start3A_428, %dma_start3A_429] : memref<2x40x128xf32, #tpu.memory_space<vmem>> -> memref<1x40x128xf32, #tpu.memory_space<vmem>>
        %dma_start3A_431 = tpu.memref_squeeze %dma_start3A_430 : memref<1x40x128xf32, #tpu.memory_space<vmem>> -> memref<40x128xf32, #tpu.memory_space<vmem>>
        %dma_start3A_432 = arith.constant 0 : i32
        %dma_start3A_433 = tpu.memref_slice %arg8[%add3A_426, %dma_start3A_432] : memref<250x40xi32, #tpu.memory_space<vmem>> -> memref<1x40xi32, #tpu.memory_space<vmem>>
        %dma_start3A_434 = tpu.memref_squeeze %dma_start3A_433 : memref<1x40xi32, #tpu.memory_space<vmem>> -> memref<40xi32, #tpu.memory_space<vmem>>
        %dma_start3A_435 = arith.constant 0 : i32
        %dma_start3A_436 = arith.constant 0 : i32
        %dma_start3A_437 = tpu.memref_slice %arg2[%dma_start3A_435, %dma_start3A_436] : memref<10000x128xf32, #tpu.memory_space<hbm>> -> memref<10000x128xf32, #tpu.memory_space<hbm>>
        tpu.enqueue_indirect_dma source(%dma_start3A_437 : memref<10000x128xf32, #tpu.memory_space<hbm>>) target(%dma_start3A_431 : memref<40x128xf32, #tpu.memory_space<vmem>>) offsets(%dma_start3A_434 : memref<40xi32, #tpu.memory_space<vmem>>) semaphore(%arg13 : memref<!tpu.dma_semaphore, #tpu.memory_space<semaphore_mem>>)
        %add3A_438 = arith.constant 2 : i32
        %add3A_439 = arith.addi %add3A_306, %add3A_438 : i32
        %add3A_440 = arith.addi %mul3A_2, %add3A_439 : i32
        %mul3A_441 = arith.constant 40 : i32
        %mul3A_442 = arith.muli %add3A_440, %mul3A_441 : i32
        %dma_start3A_443 = arith.constant 0 : i32
        %dma_start3A_444 = arith.constant 0 : i32
        %dma_start3A_445 = arith.constant 0 : i32
        %dma_start3A_446 = tpu.memref_slice %arg11[%dma_start3A_443, %dma_start3A_444, %dma_start3A_445] : memref<2x40x128xf32, #tpu.memory_space<vmem>> -> memref<1x40x128xf32, #tpu.memory_space<vmem>>
        %dma_start3A_447 = tpu.memref_squeeze %dma_start3A_446 : memref<1x40x128xf32, #tpu.memory_space<vmem>> -> memref<40x128xf32, #tpu.memory_space<vmem>>
        %dma_start3A_448 = arith.constant 0 : i32
        %dma_start3A_449 = tpu.memref_slice %arg3[%mul3A_442, %dma_start3A_448] : memref<320000x128xf32, #tpu.memory_space<hbm>> -> memref<40x128xf32, #tpu.memory_space<hbm>>
        %dma_start3A_450 = arith.constant 0 : i32
        %dma_start3A_451 = arith.constant 0 : i32
        %dma_start3A_452 = tpu.memref_slice %arg11[%dma_start3A_443, %dma_start3A_450, %dma_start3A_451] : memref<2x40x128xf32, #tpu.memory_space<vmem>> -> memref<1x40x128xf32, #tpu.memory_space<vmem>>
        %dma_start3A_453 = tpu.memref_squeeze %dma_start3A_452 : memref<1x40x128xf32, #tpu.memory_space<vmem>> -> memref<40x128xf32, #tpu.memory_space<vmem>>
        %dma_start3A_454 = arith.constant 0 : i32
        %dma_start3A_455 = tpu.memref_slice %arg3[%mul3A_442, %dma_start3A_454] : memref<320000x128xf32, #tpu.memory_space<hbm>> -> memref<40x128xf32, #tpu.memory_space<hbm>>
        tpu.enqueue_dma source(%dma_start3A_455 : memref<40x128xf32, #tpu.memory_space<hbm>>) target(%dma_start3A_453 : memref<40x128xf32, #tpu.memory_space<vmem>>) target_semaphore(%arg15 : memref<!tpu.dma_semaphore, #tpu.memory_space<semaphore_mem>>)
      } else {
      }
      %mul3A_362 = arith.constant 2 : i32
      %mul3A_363 = arith.muli %scan3A_301, %mul3A_362 : i32
      %add3A_364 = arith.constant 1 : i32
      %add3A_365 = arith.addi %mul3A_363, %add3A_364 : i32
      %dma_wait3A_366 = arith.constant 1 : i32
      %dma_wait3A_367 = arith.constant 0 : i32
      %dma_wait3A_368 = arith.constant 0 : i32
      %dma_wait3A_369 = tpu.memref_slice %arg10[%dma_wait3A_366, %dma_wait3A_367, %dma_wait3A_368] : memref<2x40x128xf32, #tpu.memory_space<vmem>> -> memref<1x40x128xf32, #tpu.memory_space<vmem>>
      %dma_wait3A_370 = tpu.memref_squeeze %dma_wait3A_369 : memref<1x40x128xf32, #tpu.memory_space<vmem>> -> memref<40x128xf32, #tpu.memory_space<vmem>>
      %dma_wait3A_371 = arith.constant 0 : i32
      %dma_wait3A_372 = tpu.memref_slice %arg8[%add3A_365, %dma_wait3A_371] : memref<250x40xi32, #tpu.memory_space<vmem>> -> memref<1x40xi32, #tpu.memory_space<vmem>>
      %dma_wait3A_373 = tpu.memref_squeeze %dma_wait3A_372 : memref<1x40xi32, #tpu.memory_space<vmem>> -> memref<40xi32, #tpu.memory_space<vmem>>
      %dma_wait3A_374 = arith.constant 0 : i32
      %dma_wait3A_375 = arith.constant 0 : i32
      %dma_wait3A_376 = tpu.memref_slice %arg2[%dma_wait3A_374, %dma_wait3A_375] : memref<10000x128xf32, #tpu.memory_space<hbm>> -> memref<10000x128xf32, #tpu.memory_space<hbm>>
      tpu.wait_indirect_dma semaphore(%arg14 : memref<!tpu.dma_semaphore, #tpu.memory_space<semaphore_mem>>) src(%dma_wait3A_376 : memref<10000x128xf32, #tpu.memory_space<hbm>>) dst(%dma_wait3A_370 : memref<40x128xf32, #tpu.memory_space<vmem>>)
      %add3A_377 = arith.addi %mul3A_2, %add3A_365 : i32
      %mul3A_378 = arith.constant 40 : i32
      %mul3A_379 = arith.muli %add3A_377, %mul3A_378 : i32
      %dma_wait3A_380 = arith.constant 1 : i32
      %dma_wait3A_381 = arith.constant 0 : i32
      %dma_wait3A_382 = arith.constant 0 : i32
      %dma_wait3A_383 = tpu.memref_slice %arg11[%dma_wait3A_380, %dma_wait3A_381, %dma_wait3A_382] : memref<2x40x128xf32, #tpu.memory_space<vmem>> -> memref<1x40x128xf32, #tpu.memory_space<vmem>>
      %dma_wait3A_384 = tpu.memref_squeeze %dma_wait3A_383 : memref<1x40x128xf32, #tpu.memory_space<vmem>> -> memref<40x128xf32, #tpu.memory_space<vmem>>
      %dma_wait3A_385 = arith.constant 0 : i32
      %dma_wait3A_386 = tpu.memref_slice %arg3[%mul3A_379, %dma_wait3A_385] : memref<320000x128xf32, #tpu.memory_space<hbm>> -> memref<40x128xf32, #tpu.memory_space<hbm>>
      %dma_wait3A_387 = arith.constant 0 : i32
      %dma_wait3A_388 = arith.constant 0 : i32
      %dma_wait3A_389 = tpu.memref_slice %arg11[%dma_wait3A_380, %dma_wait3A_387, %dma_wait3A_388] : memref<2x40x128xf32, #tpu.memory_space<vmem>> -> memref<1x40x128xf32, #tpu.memory_space<vmem>>
      %dma_wait3A_390 = tpu.memref_squeeze %dma_wait3A_389 : memref<1x40x128xf32, #tpu.memory_space<vmem>> -> memref<40x128xf32, #tpu.memory_space<vmem>>
      %dma_wait3A_391 = arith.constant 0 : i32
      %dma_wait3A_392 = tpu.memref_slice %arg3[%mul3A_379, %dma_wait3A_391] : memref<320000x128xf32, #tpu.memory_space<hbm>> -> memref<40x128xf32, #tpu.memory_space<hbm>>
      tpu.wait_dma2 semaphore(%arg16 : memref<!tpu.dma_semaphore, #tpu.memory_space<semaphore_mem>>) src(%dma_wait3A_392 : memref<40x128xf32, #tpu.memory_space<hbm>>) dst(%dma_wait3A_390 : memref<40x128xf32, #tpu.memory_space<vmem>>)
      %sub3A = arith.constant 1 : i32
      %sub3A_393 = arith.subi %add3A_365, %sub3A : i32
      %dma_wait3A_394 = arith.constant 0 : i32
      %dma_wait3A_395 = tpu.memref_slice %arg9[%sub3A_393, %dma_wait3A_394] : memref<250x40xi32, #tpu.memory_space<vmem>> -> memref<1x40xi32, #tpu.memory_space<vmem>>
      %dma_wait3A_396 = tpu.memref_squeeze %dma_wait3A_395 : memref<1x40xi32, #tpu.memory_space<vmem>> -> memref<40xi32, #tpu.memory_space<vmem>>
      %dma_wait3A_397 = arith.constant 0 : i32
      %dma_wait3A_398 = arith.constant 0 : i32
      %dma_wait3A_399 = tpu.memref_slice %arg7[%dma_wait3A_397, %dma_wait3A_398] : memref<10000x128xf32, #tpu.memory_space<vmem_shared>> -> memref<10000x128xf32, #tpu.memory_space<vmem_shared>>
      tpu.wait_indirect_dma semaphore(%arg17 : memref<!tpu.dma_semaphore, #tpu.memory_space<semaphore_mem>>) src(%arg12 : memref<40x128xf32, #tpu.memory_space<vmem>>) dst(%dma_wait3A_399 : memref<10000x128xf32, #tpu.memory_space<vmem_shared>>)
      %scan3A_400 = arith.constant 0 : i32
      %scan3A_401 = arith.constant 0 : i32
      %scan3A_402 = arith.constant 8 : i32
      %scan3A_403 = arith.addi %scan3A_401, %scan3A_402 : i32
      %scan3A_404 = arith.constant 1 : i32
      %scan3A_405 = scf.for %scan3A_425 = %scan3A_401 to %scan3A_403 step %scan3A_404 iter_args(%scan3A_426 = %scan3A_400) -> (i32)  : i32 {
        %mul3A_427 = arith.constant 5 : i32
        %mul3A_428 = arith.muli %scan3A_425, %mul3A_427 : i32
        %add3A_429 = arith.constant 0 : i32
        %add3A_430 = arith.addi %mul3A_428, %add3A_429 : i32
        %get3A = arith.constant 1 : i32
        %get3A_431 = arith.index_cast %get3A : i32 to index
        %get3A_432 = arith.index_cast %add3A_430 : i32 to index
        %get3A_433 = arith.constant 0 : index
        %get3A_434 = tpu.vector_load %arg11[%get3A_431, %get3A_432, %get3A_433] {strides = array<i32>} : memref<2x40x128xf32, #tpu.memory_space<vmem>>, vector<1x1x16xf32>,
        %get3A_435 = vector.shape_cast %get3A_434 : vector<1x1x16xf32> to vector<16xf32>
        %get3A_436 = arith.constant 1 : i32
        %get3A_437 = arith.index_cast %get3A_436 : i32 to index
        %get3A_438 = arith.index_cast %add3A_430 : i32 to index
        %get3A_439 = arith.constant 0 : index
        %get3A_440 = tpu.vector_load %arg10[%get3A_437, %get3A_438, %get3A_439] {strides = array<i32>} : memref<2x40x128xf32, #tpu.memory_space<vmem>>, vector<1x1x16xf32>,
        %get3A_441 = vector.shape_cast %get3A_440 : vector<1x1x16xf32> to vector<16xf32>
        %mul3A_442 = arith.mulf %get3A_435, %get3A_441 : vector<16xf32>
        %swap3A = arith.index_cast %add3A_430 : i32 to index
        %swap3A_443 = arith.constant 0 : index
        %swap3A_444 = tpu.vector_load %arg12[%swap3A, %swap3A_443] {strides = array<i32>} : memref<40x128xf32, #tpu.memory_space<vmem>>, vector<1x16xf32>,
        %swap3A_445 = vector.shape_cast %swap3A_444 : vector<1x16xf32> to vector<16xf32>
        %swap3A_446 = vector.shape_cast %mul3A_442 : vector<16xf32> to vector<1x16xf32>
        tpu.vector_store %arg12[%swap3A, %swap3A_443], %swap3A_446 {strides = array<i32>} : memref<40x128xf32, #tpu.memory_space<vmem>>, vector<1x16xf32>,
        %get3A_447 = arith.constant 1 : i32
        %get3A_448 = arith.index_cast %get3A_447 : i32 to index
        %get3A_449 = arith.index_cast %add3A_430 : i32 to index
        %get3A_450 = arith.constant 16 : index
        %get3A_451 = tpu.vector_load %arg11[%get3A_448, %get3A_449, %get3A_450] {strides = array<i32>} : memref<2x40x128xf32, #tpu.memory_space<vmem>>, vector<1x1x16xf32>,
        %get3A_452 = vector.shape_cast %get3A_451 : vector<1x1x16xf32> to vector<16xf32>
        %get3A_453 = arith.constant 1 : i32
        %get3A_454 = arith.index_cast %get3A_453 : i32 to index
        %get3A_455 = arith.index_cast %add3A_430 : i32 to index
        %get3A_456 = arith.constant 16 : index
        %get3A_457 = tpu.vector_load %arg10[%get3A_454, %get3A_455, %get3A_456] {strides = array<i32>} : memref<2x40x128xf32, #tpu.memory_space<vmem>>, vector<1x1x16xf32>,
        %get3A_458 = vector.shape_cast %get3A_457 : vector<1x1x16xf32> to vector<16xf32>
        %mul3A_459 = arith.mulf %get3A_452, %get3A_458 : vector<16xf32>
        %swap3A_460 = arith.index_cast %add3A_430 : i32 to index
        %swap3A_461 = arith.constant 16 : index
        %swap3A_462 = tpu.vector_load %arg12[%swap3A_460, %swap3A_461] {strides = array<i32>} : memref<40x128xf32, #tpu.memory_space<vmem>>, vector<1x16xf32>,
        %swap3A_463 = vector.shape_cast %swap3A_462 : vector<1x16xf32> to vector<16xf32>
        %swap3A_464 = vector.shape_cast %mul3A_459 : vector<16xf32> to vector<1x16xf32>
        tpu.vector_store %arg12[%swap3A_460, %swap3A_461], %swap3A_464 {strides = array<i32>} : memref<40x128xf32, #tpu.memory_space<vmem>>, vector<1x16xf32>,
        %get3A_465 = arith.constant 1 : i32
        %get3A_466 = arith.index_cast %get3A_465 : i32 to index
        %get3A_467 = arith.index_cast %add3A_430 : i32 to index
        %get3A_468 = arith.constant 32 : index
        %get3A_469 = tpu.vector_load %arg11[%get3A_466, %get3A_467, %get3A_468] {strides = array<i32>} : memref<2x40x128xf32, #tpu.memory_space<vmem>>, vector<1x1x16xf32>,
        %get3A_470 = vector.shape_cast %get3A_469 : vector<1x1x16xf32> to vector<16xf32>
        %get3A_471 = arith.constant 1 : i32
        %get3A_472 = arith.index_cast %get3A_471 : i32 to index
        %get3A_473 = arith.index_cast %add3A_430 : i32 to index
        %get3A_474 = arith.constant 32 : index
        %get3A_475 = tpu.vector_load %arg10[%get3A_472, %get3A_473, %get3A_474] {strides = array<i32>} : memref<2x40x128xf32, #tpu.memory_space<vmem>>, vector<1x1x16xf32>,
        %get3A_476 = vector.shape_cast %get3A_475 : vector<1x1x16xf32> to vector<16xf32>
        %mul3A_477 = arith.mulf %get3A_470, %get3A_476 : vector<16xf32>
        %swap3A_478 = arith.index_cast %add3A_430 : i32 to index
        %swap3A_479 = arith.constant 32 : index
        %swap3A_480 = tpu.vector_load %arg12[%swap3A_478, %swap3A_479] {strides = array<i32>} : memref<40x128xf32, #tpu.memory_space<vmem>>, vector<1x16xf32>,
        %swap3A_481 = vector.shape_cast %swap3A_480 : vector<1x16xf32> to vector<16xf32>
        %swap3A_482 = vector.shape_cast %mul3A_477 : vector<16xf32> to vector<1x16xf32>
        tpu.vector_store %arg12[%swap3A_478, %swap3A_479], %swap3A_482 {strides = array<i32>} : memref<40x128xf32, #tpu.memory_space<vmem>>, vector<1x16xf32>,
        %get3A_483 = arith.constant 1 : i32
        %get3A_484 = arith.index_cast %get3A_483 : i32 to index
        %get3A_485 = arith.index_cast %add3A_430 : i32 to index
        %get3A_486 = arith.constant 48 : index
        %get3A_487 = tpu.vector_load %arg11[%get3A_484, %get3A_485, %get3A_486] {strides = array<i32>} : memref<2x40x128xf32, #tpu.memory_space<vmem>>, vector<1x1x16xf32>,
        %get3A_488 = vector.shape_cast %get3A_487 : vector<1x1x16xf32> to vector<16xf32>
        %get3A_489 = arith.constant 1 : i32
        %get3A_490 = arith.index_cast %get3A_489 : i32 to index
        %get3A_491 = arith.index_cast %add3A_430 : i32 to index
        %get3A_492 = arith.constant 48 : index
        %get3A_493 = tpu.vector_load %arg10[%get3A_490, %get3A_491, %get3A_492] {strides = array<i32>} : memref<2x40x128xf32, #tpu.memory_space<vmem>>, vector<1x1x16xf32>,
        %get3A_494 = vector.shape_cast %get3A_493 : vector<1x1x16xf32> to vector<16xf32>
        %mul3A_495 = arith.mulf %get3A_488, %get3A_494 : vector<16xf32>
        %swap3A_496 = arith.index_cast %add3A_430 : i32 to index
        %swap3A_497 = arith.constant 48 : index
        %swap3A_498 = tpu.vector_load %arg12[%swap3A_496, %swap3A_497] {strides = array<i32>} : memref<40x128xf32, #tpu.memory_space<vmem>>, vector<1x16xf32>,
        %swap3A_499 = vector.shape_cast %swap3A_498 : vector<1x16xf32> to vector<16xf32>
        %swap3A_500 = vector.shape_cast %mul3A_495 : vector<16xf32> to vector<1x16xf32>
        tpu.vector_store %arg12[%swap3A_496, %swap3A_497], %swap3A_500 {strides = array<i32>} : memref<40x128xf32, #tpu.memory_space<vmem>>, vector<1x16xf32>,
        %get3A_501 = arith.constant 1 : i32
        %get3A_502 = arith.index_cast %get3A_501 : i32 to index
        %get3A_503 = arith.index_cast %add3A_430 : i32 to index
        %get3A_504 = arith.constant 64 : index
        %get3A_505 = tpu.vector_load %arg11[%get3A_502, %get3A_503, %get3A_504] {strides = array<i32>} : memref<2x40x128xf32, #tpu.memory_space<vmem>>, vector<1x1x16xf32>,
        %get3A_506 = vector.shape_cast %get3A_505 : vector<1x1x16xf32> to vector<16xf32>
        %get3A_507 = arith.constant 1 : i32
        %get3A_508 = arith.index_cast %get3A_507 : i32 to index
        %get3A_509 = arith.index_cast %add3A_430 : i32 to index
        %get3A_510 = arith.constant 64 : index
        %get3A_511 = tpu.vector_load %arg10[%get3A_508, %get3A_509, %get3A_510] {strides = array<i32>} : memref<2x40x128xf32, #tpu.memory_space<vmem>>, vector<1x1x16xf32>,
        %get3A_512 = vector.shape_cast %get3A_511 : vector<1x1x16xf32> to vector<16xf32>
        %mul3A_513 = arith.mulf %get3A_506, %get3A_512 : vector<16xf32>
        %swap3A_514 = arith.index_cast %add3A_430 : i32 to index
        %swap3A_515 = arith.constant 64 : index
        %swap3A_516 = tpu.vector_load %arg12[%swap3A_514, %swap3A_515] {strides = array<i32>} : memref<40x128xf32, #tpu.memory_space<vmem>>, vector<1x16xf32>,
        %swap3A_517 = vector.shape_cast %swap3A_516 : vector<1x16xf32> to vector<16xf32>
        %swap3A_518 = vector.shape_cast %mul3A_513 : vector<16xf32> to vector<1x16xf32>
        tpu.vector_store %arg12[%swap3A_514, %swap3A_515], %swap3A_518 {strides = array<i32>} : memref<40x128xf32, #tpu.memory_space<vmem>>, vector<1x16xf32>,
        %get3A_519 = arith.constant 1 : i32
        %get3A_520 = arith.index_cast %get3A_519 : i32 to index
        %get3A_521 = arith.index_cast %add3A_430 : i32 to index
        %get3A_522 = arith.constant 80 : index
        %get3A_523 = tpu.vector_load %arg11[%get3A_520, %get3A_521, %get3A_522] {strides = array<i32>} : memref<2x40x128xf32, #tpu.memory_space<vmem>>, vector<1x1x16xf32>,
        %get3A_524 = vector.shape_cast %get3A_523 : vector<1x1x16xf32> to vector<16xf32>
        %get3A_525 = arith.constant 1 : i32
        %get3A_526 = arith.index_cast %get3A_525 : i32 to index
        %get3A_527 = arith.index_cast %add3A_430 : i32 to index
        %get3A_528 = arith.constant 80 : index
        %get3A_529 = tpu.vector_load %arg10[%get3A_526, %get3A_527, %get3A_528] {strides = array<i32>} : memref<2x40x128xf32, #tpu.memory_space<vmem>>, vector<1x1x16xf32>,
        %get3A_530 = vector.shape_cast %get3A_529 : vector<1x1x16xf32> to vector<16xf32>
        %mul3A_531 = arith.mulf %get3A_524, %get3A_530 : vector<16xf32>
        %swap3A_532 = arith.index_cast %add3A_430 : i32 to index
        %swap3A_533 = arith.constant 80 : index
        %swap3A_534 = tpu.vector_load %arg12[%swap3A_532, %swap3A_533] {strides = array<i32>} : memref<40x128xf32, #tpu.memory_space<vmem>>, vector<1x16xf32>,
        %swap3A_535 = vector.shape_cast %swap3A_534 : vector<1x16xf32> to vector<16xf32>
        %swap3A_536 = vector.shape_cast %mul3A_531 : vector<16xf32> to vector<1x16xf32>
        tpu.vector_store %arg12[%swap3A_532, %swap3A_533], %swap3A_536 {strides = array<i32>} : memref<40x128xf32, #tpu.memory_space<vmem>>, vector<1x16xf32>,
        %get3A_537 = arith.constant 1 : i32
        %get3A_538 = arith.index_cast %get3A_537 : i32 to index
        %get3A_539 = arith.index_cast %add3A_430 : i32 to index
        %get3A_540 = arith.constant 96 : index
        %get3A_541 = tpu.vector_load %arg11[%get3A_538, %get3A_539, %get3A_540] {strides = array<i32>} : memref<2x40x128xf32, #tpu.memory_space<vmem>>, vector<1x1x16xf32>,
        %get3A_542 = vector.shape_cast %get3A_541 : vector<1x1x16xf32> to vector<16xf32>
        %get3A_543 = arith.constant 1 : i32
        %get3A_544 = arith.index_cast %get3A_543 : i32 to index
        %get3A_545 = arith.index_cast %add3A_430 : i32 to index
        %get3A_546 = arith.constant 96 : index
        %get3A_547 = tpu.vector_load %arg10[%get3A_544, %get3A_545, %get3A_546] {strides = array<i32>} : memref<2x40x128xf32, #tpu.memory_space<vmem>>, vector<1x1x16xf32>,
        %get3A_548 = vector.shape_cast %get3A_547 : vector<1x1x16xf32> to vector<16xf32>
        %mul3A_549 = arith.mulf %get3A_542, %get3A_548 : vector<16xf32>
        %swap3A_550 = arith.index_cast %add3A_430 : i32 to index
        %swap3A_551 = arith.constant 96 : index
        %swap3A_552 = tpu.vector_load %arg12[%swap3A_550, %swap3A_551] {strides = array<i32>} : memref<40x128xf32, #tpu.memory_space<vmem>>, vector<1x16xf32>,
        %swap3A_553 = vector.shape_cast %swap3A_552 : vector<1x16xf32> to vector<16xf32>
        %swap3A_554 = vector.shape_cast %mul3A_549 : vector<16xf32> to vector<1x16xf32>
        tpu.vector_store %arg12[%swap3A_550, %swap3A_551], %swap3A_554 {strides = array<i32>} : memref<40x128xf32, #tpu.memory_space<vmem>>, vector<1x16xf32>,
        %get3A_555 = arith.constant 1 : i32
        %get3A_556 = arith.index_cast %get3A_555 : i32 to index
        %get3A_557 = arith.index_cast %add3A_430 : i32 to index
        %get3A_558 = arith.constant 112 : index
        %get3A_559 = tpu.vector_load %arg11[%get3A_556, %get3A_557, %get3A_558] {strides = array<i32>} : memref<2x40x128xf32, #tpu.memory_space<vmem>>, vector<1x1x16xf32>,
        %get3A_560 = vector.shape_cast %get3A_559 : vector<1x1x16xf32> to vector<16xf32>
        %get3A_561 = arith.constant 1 : i32
        %get3A_562 = arith.index_cast %get3A_561 : i32 to index
        %get3A_563 = arith.index_cast %add3A_430 : i32 to index
        %get3A_564 = arith.constant 112 : index
        %get3A_565 = tpu.vector_load %arg10[%get3A_562, %get3A_563, %get3A_564] {strides = array<i32>} : memref<2x40x128xf32, #tpu.memory_space<vmem>>, vector<1x1x16xf32>,
        %get3A_566 = vector.shape_cast %get3A_565 : vector<1x1x16xf32> to vector<16xf32>
        %mul3A_567 = arith.mulf %get3A_560, %get3A_566 : vector<16xf32>
        %swap3A_568 = arith.index_cast %add3A_430 : i32 to index
        %swap3A_569 = arith.constant 112 : index
        %swap3A_570 = tpu.vector_load %arg12[%swap3A_568, %swap3A_569] {strides = array<i32>} : memref<40x128xf32, #tpu.memory_space<vmem>>, vector<1x16xf32>,
        %swap3A_571 = vector.shape_cast %swap3A_570 : vector<1x16xf32> to vector<16xf32>
        %swap3A_572 = vector.shape_cast %mul3A_567 : vector<16xf32> to vector<1x16xf32>
        tpu.vector_store %arg12[%swap3A_568, %swap3A_569], %swap3A_572 {strides = array<i32>} : memref<40x128xf32, #tpu.memory_space<vmem>>, vector<1x16xf32>,
        %mul3A_573 = arith.constant 5 : i32
        %mul3A_574 = arith.muli %scan3A_425, %mul3A_573 : i32
        %add3A_575 = arith.constant 1 : i32
        %add3A_576 = arith.addi %mul3A_574, %add3A_575 : i32
        %get3A_577 = arith.constant 1 : i32
        %get3A_578 = arith.index_cast %get3A_577 : i32 to index
        %get3A_579 = arith.index_cast %add3A_576 : i32 to index
        %get3A_580 = arith.constant 0 : index
        %get3A_581 = tpu.vector_load %arg11[%get3A_578, %get3A_579, %get3A_580] {strides = array<i32>} : memref<2x40x128xf32, #tpu.memory_space<vmem>>, vector<1x1x16xf32>,
        %get3A_582 = vector.shape_cast %get3A_581 : vector<1x1x16xf32> to vector<16xf32>
        %get3A_583 = arith.constant 1 : i32
        %get3A_584 = arith.index_cast %get3A_583 : i32 to index
        %get3A_585 = arith.index_cast %add3A_576 : i32 to index
        %get3A_586 = arith.constant 0 : index
        %get3A_587 = tpu.vector_load %arg10[%get3A_584, %get3A_585, %get3A_586] {strides = array<i32>} : memref<2x40x128xf32, #tpu.memory_space<vmem>>, vector<1x1x16xf32>,
        %get3A_588 = vector.shape_cast %get3A_587 : vector<1x1x16xf32> to vector<16xf32>
        %mul3A_589 = arith.mulf %get3A_582, %get3A_588 : vector<16xf32>
        %swap3A_590 = arith.index_cast %add3A_576 : i32 to index
        %swap3A_591 = arith.constant 0 : index
        %swap3A_592 = tpu.vector_load %arg12[%swap3A_590, %swap3A_591] {strides = array<i32>} : memref<40x128xf32, #tpu.memory_space<vmem>>, vector<1x16xf32>,
        %swap3A_593 = vector.shape_cast %swap3A_592 : vector<1x16xf32> to vector<16xf32>
        %swap3A_594 = vector.shape_cast %mul3A_589 : vector<16xf32> to vector<1x16xf32>
        tpu.vector_store %arg12[%swap3A_590, %swap3A_591], %swap3A_594 {strides = array<i32>} : memref<40x128xf32, #tpu.memory_space<vmem>>, vector<1x16xf32>,
        %get3A_595 = arith.constant 1 : i32
        %get3A_596 = arith.index_cast %get3A_595 : i32 to index
        %get3A_597 = arith.index_cast %add3A_576 : i32 to index
        %get3A_598 = arith.constant 16 : index
        %get3A_599 = tpu.vector_load %arg11[%get3A_596, %get3A_597, %get3A_598] {strides = array<i32>} : memref<2x40x128xf32, #tpu.memory_space<vmem>>, vector<1x1x16xf32>,
        %get3A_600 = vector.shape_cast %get3A_599 : vector<1x1x16xf32> to vector<16xf32>
        %get3A_601 = arith.constant 1 : i32
        %get3A_602 = arith.index_cast %get3A_601 : i32 to index
        %get3A_603 = arith.index_cast %add3A_576 : i32 to index
        %get3A_604 = arith.constant 16 : index
        %get3A_605 = tpu.vector_load %arg10[%get3A_602, %get3A_603, %get3A_604] {strides = array<i32>} : memref<2x40x128xf32, #tpu.memory_space<vmem>>, vector<1x1x16xf32>,
        %get3A_606 = vector.shape_cast %get3A_605 : vector<1x1x16xf32> to vector<16xf32>
        %mul3A_607 = arith.mulf %get3A_600, %get3A_606 : vector<16xf32>
        %swap3A_608 = arith.index_cast %add3A_576 : i32 to index
        %swap3A_609 = arith.constant 16 : index
        %swap3A_610 = tpu.vector_load %arg12[%swap3A_608, %swap3A_609] {strides = array<i32>} : memref<40x128xf32, #tpu.memory_space<vmem>>, vector<1x16xf32>,
        %swap3A_611 = vector.shape_cast %swap3A_610 : vector<1x16xf32> to vector<16xf32>
        %swap3A_612 = vector.shape_cast %mul3A_607 : vector<16xf32> to vector<1x16xf32>
        tpu.vector_store %arg12[%swap3A_608, %swap3A_609], %swap3A_612 {strides = array<i32>} : memref<40x128xf32, #tpu.memory_space<vmem>>, vector<1x16xf32>,
        %get3A_613 = arith.constant 1 : i32
        %get3A_614 = arith.index_cast %get3A_613 : i32 to index
        %get3A_615 = arith.index_cast %add3A_576 : i32 to index
        %get3A_616 = arith.constant 32 : index
        %get3A_617 = tpu.vector_load %arg11[%get3A_614, %get3A_615, %get3A_616] {strides = array<i32>} : memref<2x40x128xf32, #tpu.memory_space<vmem>>, vector<1x1x16xf32>,
        %get3A_618 = vector.shape_cast %get3A_617 : vector<1x1x16xf32> to vector<16xf32>
        %get3A_619 = arith.constant 1 : i32
        %get3A_620 = arith.index_cast %get3A_619 : i32 to index
        %get3A_621 = arith.index_cast %add3A_576 : i32 to index
        %get3A_622 = arith.constant 32 : index
        %get3A_623 = tpu.vector_load %arg10[%get3A_620, %get3A_621, %get3A_622] {strides = array<i32>} : memref<2x40x128xf32, #tpu.memory_space<vmem>>, vector<1x1x16xf32>,
        %get3A_624 = vector.shape_cast %get3A_623 : vector<1x1x16xf32> to vector<16xf32>
        %mul3A_625 = arith.mulf %get3A_618, %get3A_624 : vector<16xf32>
        %swap3A_626 = arith.index_cast %add3A_576 : i32 to index
        %swap3A_627 = arith.constant 32 : index
        %swap3A_628 = tpu.vector_load %arg12[%swap3A_626, %swap3A_627] {strides = array<i32>} : memref<40x128xf32, #tpu.memory_space<vmem>>, vector<1x16xf32>,
        %swap3A_629 = vector.shape_cast %swap3A_628 : vector<1x16xf32> to vector<16xf32>
        %swap3A_630 = vector.shape_cast %mul3A_625 : vector<16xf32> to vector<1x16xf32>
        tpu.vector_store %arg12[%swap3A_626, %swap3A_627], %swap3A_630 {strides = array<i32>} : memref<40x128xf32, #tpu.memory_space<vmem>>, vector<1x16xf32>,
        %get3A_631 = arith.constant 1 : i32
        %get3A_632 = arith.index_cast %get3A_631 : i32 to index
        %get3A_633 = arith.index_cast %add3A_576 : i32 to index
        %get3A_634 = arith.constant 48 : index
        %get3A_635 = tpu.vector_load %arg11[%get3A_632, %get3A_633, %get3A_634] {strides = array<i32>} : memref<2x40x128xf32, #tpu.memory_space<vmem>>, vector<1x1x16xf32>,
        %get3A_636 = vector.shape_cast %get3A_635 : vector<1x1x16xf32> to vector<16xf32>
        %get3A_637 = arith.constant 1 : i32
        %get3A_638 = arith.index_cast %get3A_637 : i32 to index
        %get3A_639 = arith.index_cast %add3A_576 : i32 to index
        %get3A_640 = arith.constant 48 : index
        %get3A_641 = tpu.vector_load %arg10[%get3A_638, %get3A_639, %get3A_640] {strides = array<i32>} : memref<2x40x128xf32, #tpu.memory_space<vmem>>, vector<1x1x16xf32>,
        %get3A_642 = vector.shape_cast %get3A_641 : vector<1x1x16xf32> to vector<16xf32>
        %mul3A_643 = arith.mulf %get3A_636, %get3A_642 : vector<16xf32>
        %swap3A_644 = arith.index_cast %add3A_576 : i32 to index
        %swap3A_645 = arith.constant 48 : index
        %swap3A_646 = tpu.vector_load %arg12[%swap3A_644, %swap3A_645] {strides = array<i32>} : memref<40x128xf32, #tpu.memory_space<vmem>>, vector<1x16xf32>,
        %swap3A_647 = vector.shape_cast %swap3A_646 : vector<1x16xf32> to vector<16xf32>
        %swap3A_648 = vector.shape_cast %mul3A_643 : vector<16xf32> to vector<1x16xf32>
        tpu.vector_store %arg12[%swap3A_644, %swap3A_645], %swap3A_648 {strides = array<i32>} : memref<40x128xf32, #tpu.memory_space<vmem>>, vector<1x16xf32>,
        %get3A_649 = arith.constant 1 : i32
        %get3A_650 = arith.index_cast %get3A_649 : i32 to index
        %get3A_651 = arith.index_cast %add3A_576 : i32 to index
        %get3A_652 = arith.constant 64 : index
        %get3A_653 = tpu.vector_load %arg11[%get3A_650, %get3A_651, %get3A_652] {strides = array<i32>} : memref<2x40x128xf32, #tpu.memory_space<vmem>>, vector<1x1x16xf32>,
        %get3A_654 = vector.shape_cast %get3A_653 : vector<1x1x16xf32> to vector<16xf32>
        %get3A_655 = arith.constant 1 : i32
        %get3A_656 = arith.index_cast %get3A_655 : i32 to index
        %get3A_657 = arith.index_cast %add3A_576 : i32 to index
        %get3A_658 = arith.constant 64 : index
        %get3A_659 = tpu.vector_load %arg10[%get3A_656, %get3A_657, %get3A_658] {strides = array<i32>} : memref<2x40x128xf32, #tpu.memory_space<vmem>>, vector<1x1x16xf32>,
        %get3A_660 = vector.shape_cast %get3A_659 : vector<1x1x16xf32> to vector<16xf32>
        %mul3A_661 = arith.mulf %get3A_654, %get3A_660 : vector<16xf32>
        %swap3A_662 = arith.index_cast %add3A_576 : i32 to index
        %swap3A_663 = arith.constant 64 : index
        %swap3A_664 = tpu.vector_load %arg12[%swap3A_662, %swap3A_663] {strides = array<i32>} : memref<40x128xf32, #tpu.memory_space<vmem>>, vector<1x16xf32>,
        %swap3A_665 = vector.shape_cast %swap3A_664 : vector<1x16xf32> to vector<16xf32>
        %swap3A_666 = vector.shape_cast %mul3A_661 : vector<16xf32> to vector<1x16xf32>
        tpu.vector_store %arg12[%swap3A_662, %swap3A_663], %swap3A_666 {strides = array<i32>} : memref<40x128xf32, #tpu.memory_space<vmem>>, vector<1x16xf32>,
        %get3A_667 = arith.constant 1 : i32
        %get3A_668 = arith.index_cast %get3A_667 : i32 to index
        %get3A_669 = arith.index_cast %add3A_576 : i32 to index
        %get3A_670 = arith.constant 80 : index
        %get3A_671 = tpu.vector_load %arg11[%get3A_668, %get3A_669, %get3A_670] {strides = array<i32>} : memref<2x40x128xf32, #tpu.memory_space<vmem>>, vector<1x1x16xf32>,
        %get3A_672 = vector.shape_cast %get3A_671 : vector<1x1x16xf32> to vector<16xf32>
        %get3A_673 = arith.constant 1 : i32
        %get3A_674 = arith.index_cast %get3A_673 : i32 to index
        %get3A_675 = arith.index_cast %add3A_576 : i32 to index
        %get3A_676 = arith.constant 80 : index
        %get3A_677 = tpu.vector_load %arg10[%get3A_674, %get3A_675, %get3A_676] {strides = array<i32>} : memref<2x40x128xf32, #tpu.memory_space<vmem>>, vector<1x1x16xf32>,
        %get3A_678 = vector.shape_cast %get3A_677 : vector<1x1x16xf32> to vector<16xf32>
        %mul3A_679 = arith.mulf %get3A_672, %get3A_678 : vector<16xf32>
        %swap3A_680 = arith.index_cast %add3A_576 : i32 to index
        %swap3A_681 = arith.constant 80 : index
        %swap3A_682 = tpu.vector_load %arg12[%swap3A_680, %swap3A_681] {strides = array<i32>} : memref<40x128xf32, #tpu.memory_space<vmem>>, vector<1x16xf32>,
        %swap3A_683 = vector.shape_cast %swap3A_682 : vector<1x16xf32> to vector<16xf32>
        %swap3A_684 = vector.shape_cast %mul3A_679 : vector<16xf32> to vector<1x16xf32>
        tpu.vector_store %arg12[%swap3A_680, %swap3A_681], %swap3A_684 {strides = array<i32>} : memref<40x128xf32, #tpu.memory_space<vmem>>, vector<1x16xf32>,
        %get3A_685 = arith.constant 1 : i32
        %get3A_686 = arith.index_cast %get3A_685 : i32 to index
        %get3A_687 = arith.index_cast %add3A_576 : i32 to index
        %get3A_688 = arith.constant 96 : index
        %get3A_689 = tpu.vector_load %arg11[%get3A_686, %get3A_687, %get3A_688] {strides = array<i32>} : memref<2x40x128xf32, #tpu.memory_space<vmem>>, vector<1x1x16xf32>,
        %get3A_690 = vector.shape_cast %get3A_689 : vector<1x1x16xf32> to vector<16xf32>
        %get3A_691 = arith.constant 1 : i32
        %get3A_692 = arith.index_cast %get3A_691 : i32 to index
        %get3A_693 = arith.index_cast %add3A_576 : i32 to index
        %get3A_694 = arith.constant 96 : index
        %get3A_695 = tpu.vector_load %arg10[%get3A_692, %get3A_693, %get3A_694] {strides = array<i32>} : memref<2x40x128xf32, #tpu.memory_space<vmem>>, vector<1x1x16xf32>,
        %get3A_696 = vector.shape_cast %get3A_695 : vector<1x1x16xf32> to vector<16xf32>
        %mul3A_697 = arith.mulf %get3A_690, %get3A_696 : vector<16xf32>
        %swap3A_698 = arith.index_cast %add3A_576 : i32 to index
        %swap3A_699 = arith.constant 96 : index
        %swap3A_700 = tpu.vector_load %arg12[%swap3A_698, %swap3A_699] {strides = array<i32>} : memref<40x128xf32, #tpu.memory_space<vmem>>, vector<1x16xf32>,
        %swap3A_701 = vector.shape_cast %swap3A_700 : vector<1x16xf32> to vector<16xf32>
        %swap3A_702 = vector.shape_cast %mul3A_697 : vector<16xf32> to vector<1x16xf32>
        tpu.vector_store %arg12[%swap3A_698, %swap3A_699], %swap3A_702 {strides = array<i32>} : memref<40x128xf32, #tpu.memory_space<vmem>>, vector<1x16xf32>,
        %get3A_703 = arith.constant 1 : i32
        %get3A_704 = arith.index_cast %get3A_703 : i32 to index
        %get3A_705 = arith.index_cast %add3A_576 : i32 to index
        %get3A_706 = arith.constant 112 : index
        %get3A_707 = tpu.vector_load %arg11[%get3A_704, %get3A_705, %get3A_706] {strides = array<i32>} : memref<2x40x128xf32, #tpu.memory_space<vmem>>, vector<1x1x16xf32>,
        %get3A_708 = vector.shape_cast %get3A_707 : vector<1x1x16xf32> to vector<16xf32>
        %get3A_709 = arith.constant 1 : i32
        %get3A_710 = arith.index_cast %get3A_709 : i32 to index
        %get3A_711 = arith.index_cast %add3A_576 : i32 to index
        %get3A_712 = arith.constant 112 : index
        %get3A_713 = tpu.vector_load %arg10[%get3A_710, %get3A_711, %get3A_712] {strides = array<i32>} : memref<2x40x128xf32, #tpu.memory_space<vmem>>, vector<1x1x16xf32>,
        %get3A_714 = vector.shape_cast %get3A_713 : vector<1x1x16xf32> to vector<16xf32>
        %mul3A_715 = arith.mulf %get3A_708, %get3A_714 : vector<16xf32>
        %swap3A_716 = arith.index_cast %add3A_576 : i32 to index
        %swap3A_717 = arith.constant 112 : index
        %swap3A_718 = tpu.vector_load %arg12[%swap3A_716, %swap3A_717] {strides = array<i32>} : memref<40x128xf32, #tpu.memory_space<vmem>>, vector<1x16xf32>,
        %swap3A_719 = vector.shape_cast %swap3A_718 : vector<1x16xf32> to vector<16xf32>
        %swap3A_720 = vector.shape_cast %mul3A_715 : vector<16xf32> to vector<1x16xf32>
        tpu.vector_store %arg12[%swap3A_716, %swap3A_717], %swap3A_720 {strides = array<i32>} : memref<40x128xf32, #tpu.memory_space<vmem>>, vector<1x16xf32>,
        %mul3A_721 = arith.constant 5 : i32
        %mul3A_722 = arith.muli %scan3A_425, %mul3A_721 : i32
        %add3A_723 = arith.constant 2 : i32
        %add3A_724 = arith.addi %mul3A_722, %add3A_723 : i32
        %get3A_725 = arith.constant 1 : i32
        %get3A_726 = arith.index_cast %get3A_725 : i32 to index
        %get3A_727 = arith.index_cast %add3A_724 : i32 to index
        %get3A_728 = arith.constant 0 : index
        %get3A_729 = tpu.vector_load %arg11[%get3A_726, %get3A_727, %get3A_728] {strides = array<i32>} : memref<2x40x128xf32, #tpu.memory_space<vmem>>, vector<1x1x16xf32>,
        %get3A_730 = vector.shape_cast %get3A_729 : vector<1x1x16xf32> to vector<16xf32>
        %get3A_731 = arith.constant 1 : i32
        %get3A_732 = arith.index_cast %get3A_731 : i32 to index
        %get3A_733 = arith.index_cast %add3A_724 : i32 to index
        %get3A_734 = arith.constant 0 : index
        %get3A_735 = tpu.vector_load %arg10[%get3A_732, %get3A_733, %get3A_734] {strides = array<i32>} : memref<2x40x128xf32, #tpu.memory_space<vmem>>, vector<1x1x16xf32>,
        %get3A_736 = vector.shape_cast %get3A_735 : vector<1x1x16xf32> to vector<16xf32>
        %mul3A_737 = arith.mulf %get3A_730, %get3A_736 : vector<16xf32>
        %swap3A_738 = arith.index_cast %add3A_724 : i32 to index
        %swap3A_739 = arith.constant 0 : index
        %swap3A_740 = tpu.vector_load %arg12[%swap3A_738, %swap3A_739] {strides = array<i32>} : memref<40x128xf32, #tpu.memory_space<vmem>>, vector<1x16xf32>,
        %swap3A_741 = vector.shape_cast %swap3A_740 : vector<1x16xf32> to vector<16xf32>
        %swap3A_742 = vector.shape_cast %mul3A_737 : vector<16xf32> to vector<1x16xf32>
        tpu.vector_store %arg12[%swap3A_738, %swap3A_739], %swap3A_742 {strides = array<i32>} : memref<40x128xf32, #tpu.memory_space<vmem>>, vector<1x16xf32>,
        %get3A_743 = arith.constant 1 : i32
        %get3A_744 = arith.index_cast %get3A_743 : i32 to index
        %get3A_745 = arith.index_cast %add3A_724 : i32 to index
        %get3A_746 = arith.constant 16 : index
        %get3A_747 = tpu.vector_load %arg11[%get3A_744, %get3A_745, %get3A_746] {strides = array<i32>} : memref<2x40x128xf32, #tpu.memory_space<vmem>>, vector<1x1x16xf32>,
        %get3A_748 = vector.shape_cast %get3A_747 : vector<1x1x16xf32> to vector<16xf32>
        %get3A_749 = arith.constant 1 : i32
        %get3A_750 = arith.index_cast %get3A_749 : i32 to index
        %get3A_751 = arith.index_cast %add3A_724 : i32 to index
        %get3A_752 = arith.constant 16 : index
        %get3A_753 = tpu.vector_load %arg10[%get3A_750, %get3A_751, %get3A_752] {strides = array<i32>} : memref<2x40x128xf32, #tpu.memory_space<vmem>>, vector<1x1x16xf32>,
        %get3A_754 = vector.shape_cast %get3A_753 : vector<1x1x16xf32> to vector<16xf32>
        %mul3A_755 = arith.mulf %get3A_748, %get3A_754 : vector<16xf32>
        %swap3A_756 = arith.index_cast %add3A_724 : i32 to index
        %swap3A_757 = arith.constant 16 : index
        %swap3A_758 = tpu.vector_load %arg12[%swap3A_756, %swap3A_757] {strides = array<i32>} : memref<40x128xf32, #tpu.memory_space<vmem>>, vector<1x16xf32>,
        %swap3A_759 = vector.shape_cast %swap3A_758 : vector<1x16xf32> to vector<16xf32>
        %swap3A_760 = vector.shape_cast %mul3A_755 : vector<16xf32> to vector<1x16xf32>
        tpu.vector_store %arg12[%swap3A_756, %swap3A_757], %swap3A_760 {strides = array<i32>} : memref<40x128xf32, #tpu.memory_space<vmem>>, vector<1x16xf32>,
        %get3A_761 = arith.constant 1 : i32
        %get3A_762 = arith.index_cast %get3A_761 : i32 to index
        %get3A_763 = arith.index_cast %add3A_724 : i32 to index
        %get3A_764 = arith.constant 32 : index
        %get3A_765 = tpu.vector_load %arg11[%get3A_762, %get3A_763, %get3A_764] {strides = array<i32>} : memref<2x40x128xf32, #tpu.memory_space<vmem>>, vector<1x1x16xf32>,
        %get3A_766 = vector.shape_cast %get3A_765 : vector<1x1x16xf32> to vector<16xf32>
        %get3A_767 = arith.constant 1 : i32
        %get3A_768 = arith.index_cast %get3A_767 : i32 to index
        %get3A_769 = arith.index_cast %add3A_724 : i32 to index
        %get3A_770 = arith.constant 32 : index
        %get3A_771 = tpu.vector_load %arg10[%get3A_768, %get3A_769, %get3A_770] {strides = array<i32>} : memref<2x40x128xf32, #tpu.memory_space<vmem>>, vector<1x1x16xf32>,
        %get3A_772 = vector.shape_cast %get3A_771 : vector<1x1x16xf32> to vector<16xf32>
        %mul3A_773 = arith.mulf %get3A_766, %get3A_772 : vector<16xf32>
        %swap3A_774 = arith.index_cast %add3A_724 : i32 to index
        %swap3A_775 = arith.constant 32 : index
        %swap3A_776 = tpu.vector_load %arg12[%swap3A_774, %swap3A_775] {strides = array<i32>} : memref<40x128xf32, #tpu.memory_space<vmem>>, vector<1x16xf32>,
        %swap3A_777 = vector.shape_cast %swap3A_776 : vector<1x16xf32> to vector<16xf32>
        %swap3A_778 = vector.shape_cast %mul3A_773 : vector<16xf32> to vector<1x16xf32>
        tpu.vector_store %arg12[%swap3A_774, %swap3A_775], %swap3A_778 {strides = array<i32>} : memref<40x128xf32, #tpu.memory_space<vmem>>, vector<1x16xf32>,
        %get3A_779 = arith.constant 1 : i32
        %get3A_780 = arith.index_cast %get3A_779 : i32 to index
        %get3A_781 = arith.index_cast %add3A_724 : i32 to index
        %get3A_782 = arith.constant 48 : index
        %get3A_783 = tpu.vector_load %arg11[%get3A_780, %get3A_781, %get3A_782] {strides = array<i32>} : memref<2x40x128xf32, #tpu.memory_space<vmem>>, vector<1x1x16xf32>,
        %get3A_784 = vector.shape_cast %get3A_783 : vector<1x1x16xf32> to vector<16xf32>
        %get3A_785 = arith.constant 1 : i32
        %get3A_786 = arith.index_cast %get3A_785 : i32 to index
        %get3A_787 = arith.index_cast %add3A_724 : i32 to index
        %get3A_788 = arith.constant 48 : index
        %get3A_789 = tpu.vector_load %arg10[%get3A_786, %get3A_787, %get3A_788] {strides = array<i32>} : memref<2x40x128xf32, #tpu.memory_space<vmem>>, vector<1x1x16xf32>,
        %get3A_790 = vector.shape_cast %get3A_789 : vector<1x1x16xf32> to vector<16xf32>
        %mul3A_791 = arith.mulf %get3A_784, %get3A_790 : vector<16xf32>
        %swap3A_792 = arith.index_cast %add3A_724 : i32 to index
        %swap3A_793 = arith.constant 48 : index
        %swap3A_794 = tpu.vector_load %arg12[%swap3A_792, %swap3A_793] {strides = array<i32>} : memref<40x128xf32, #tpu.memory_space<vmem>>, vector<1x16xf32>,
        %swap3A_795 = vector.shape_cast %swap3A_794 : vector<1x16xf32> to vector<16xf32>
        %swap3A_796 = vector.shape_cast %mul3A_791 : vector<16xf32> to vector<1x16xf32>
        tpu.vector_store %arg12[%swap3A_792, %swap3A_793], %swap3A_796 {strides = array<i32>} : memref<40x128xf32, #tpu.memory_space<vmem>>, vector<1x16xf32>,
        %get3A_797 = arith.constant 1 : i32
        %get3A_798 = arith.index_cast %get3A_797 : i32 to index
        %get3A_799 = arith.index_cast %add3A_724 : i32 to index
        %get3A_800 = arith.constant 64 : index
        %get3A_801 = tpu.vector_load %arg11[%get3A_798, %get3A_799, %get3A_800] {strides = array<i32>} : memref<2x40x128xf32, #tpu.memory_space<vmem>>, vector<1x1x16xf32>,
        %get3A_802 = vector.shape_cast %get3A_801 : vector<1x1x16xf32> to vector<16xf32>
        %get3A_803 = arith.constant 1 : i32
        %get3A_804 = arith.index_cast %get3A_803 : i32 to index
        %get3A_805 = arith.index_cast %add3A_724 : i32 to index
        %get3A_806 = arith.constant 64 : index
        %get3A_807 = tpu.vector_load %arg10[%get3A_804, %get3A_805, %get3A_806] {strides = array<i32>} : memref<2x40x128xf32, #tpu.memory_space<vmem>>, vector<1x1x16xf32>,
        %get3A_808 = vector.shape_cast %get3A_807 : vector<1x1x16xf32> to vector<16xf32>
        %mul3A_809 = arith.mulf %get3A_802, %get3A_808 : vector<16xf32>
        %swap3A_810 = arith.index_cast %add3A_724 : i32 to index
        %swap3A_811 = arith.constant 64 : index
        %swap3A_812 = tpu.vector_load %arg12[%swap3A_810, %swap3A_811] {strides = array<i32>} : memref<40x128xf32, #tpu.memory_space<vmem>>, vector<1x16xf32>,
        %swap3A_813 = vector.shape_cast %swap3A_812 : vector<1x16xf32> to vector<16xf32>
        %swap3A_814 = vector.shape_cast %mul3A_809 : vector<16xf32> to vector<1x16xf32>
        tpu.vector_store %arg12[%swap3A_810, %swap3A_811], %swap3A_814 {strides = array<i32>} : memref<40x128xf32, #tpu.memory_space<vmem>>, vector<1x16xf32>,
        %get3A_815 = arith.constant 1 : i32
        %get3A_816 = arith.index_cast %get3A_815 : i32 to index
        %get3A_817 = arith.index_cast %add3A_724 : i32 to index
        %get3A_818 = arith.constant 80 : index
        %get3A_819 = tpu.vector_load %arg11[%get3A_816, %get3A_817, %get3A_818] {strides = array<i32>} : memref<2x40x128xf32, #tpu.memory_space<vmem>>, vector<1x1x16xf32>,
        %get3A_820 = vector.shape_cast %get3A_819 : vector<1x1x16xf32> to vector<16xf32>
        %get3A_821 = arith.constant 1 : i32
        %get3A_822 = arith.index_cast %get3A_821 : i32 to index
        %get3A_823 = arith.index_cast %add3A_724 : i32 to index
        %get3A_824 = arith.constant 80 : index
        %get3A_825 = tpu.vector_load %arg10[%get3A_822, %get3A_823, %get3A_824] {strides = array<i32>} : memref<2x40x128xf32, #tpu.memory_space<vmem>>, vector<1x1x16xf32>,
        %get3A_826 = vector.shape_cast %get3A_825 : vector<1x1x16xf32> to vector<16xf32>
        %mul3A_827 = arith.mulf %get3A_820, %get3A_826 : vector<16xf32>
        %swap3A_828 = arith.index_cast %add3A_724 : i32 to index
        %swap3A_829 = arith.constant 80 : index
        %swap3A_830 = tpu.vector_load %arg12[%swap3A_828, %swap3A_829] {strides = array<i32>} : memref<40x128xf32, #tpu.memory_space<vmem>>, vector<1x16xf32>,
        %swap3A_831 = vector.shape_cast %swap3A_830 : vector<1x16xf32> to vector<16xf32>
        %swap3A_832 = vector.shape_cast %mul3A_827 : vector<16xf32> to vector<1x16xf32>
        tpu.vector_store %arg12[%swap3A_828, %swap3A_829], %swap3A_832 {strides = array<i32>} : memref<40x128xf32, #tpu.memory_space<vmem>>, vector<1x16xf32>,
        %get3A_833 = arith.constant 1 : i32
        %get3A_834 = arith.index_cast %get3A_833 : i32 to index
        %get3A_835 = arith.index_cast %add3A_724 : i32 to index
        %get3A_836 = arith.constant 96 : index
        %get3A_837 = tpu.vector_load %arg11[%get3A_834, %get3A_835, %get3A_836] {strides = array<i32>} : memref<2x40x128xf32, #tpu.memory_space<vmem>>, vector<1x1x16xf32>,
        %get3A_838 = vector.shape_cast %get3A_837 : vector<1x1x16xf32> to vector<16xf32>
        %get3A_839 = arith.constant 1 : i32
        %get3A_840 = arith.index_cast %get3A_839 : i32 to index
        %get3A_841 = arith.index_cast %add3A_724 : i32 to index
        %get3A_842 = arith.constant 96 : index
        %get3A_843 = tpu.vector_load %arg10[%get3A_840, %get3A_841, %get3A_842] {strides = array<i32>} : memref<2x40x128xf32, #tpu.memory_space<vmem>>, vector<1x1x16xf32>,
        %get3A_844 = vector.shape_cast %get3A_843 : vector<1x1x16xf32> to vector<16xf32>
        %mul3A_845 = arith.mulf %get3A_838, %get3A_844 : vector<16xf32>
        %swap3A_846 = arith.index_cast %add3A_724 : i32 to index
        %swap3A_847 = arith.constant 96 : index
        %swap3A_848 = tpu.vector_load %arg12[%swap3A_846, %swap3A_847] {strides = array<i32>} : memref<40x128xf32, #tpu.memory_space<vmem>>, vector<1x16xf32>,
        %swap3A_849 = vector.shape_cast %swap3A_848 : vector<1x16xf32> to vector<16xf32>
        %swap3A_850 = vector.shape_cast %mul3A_845 : vector<16xf32> to vector<1x16xf32>
        tpu.vector_store %arg12[%swap3A_846, %swap3A_847], %swap3A_850 {strides = array<i32>} : memref<40x128xf32, #tpu.memory_space<vmem>>, vector<1x16xf32>,
        %get3A_851 = arith.constant 1 : i32
        %get3A_852 = arith.index_cast %get3A_851 : i32 to index
        %get3A_853 = arith.index_cast %add3A_724 : i32 to index
        %get3A_854 = arith.constant 112 : index
        %get3A_855 = tpu.vector_load %arg11[%get3A_852, %get3A_853, %get3A_854] {strides = array<i32>} : memref<2x40x128xf32, #tpu.memory_space<vmem>>, vector<1x1x16xf32>,
        %get3A_856 = vector.shape_cast %get3A_855 : vector<1x1x16xf32> to vector<16xf32>
        %get3A_857 = arith.constant 1 : i32
        %get3A_858 = arith.index_cast %get3A_857 : i32 to index
        %get3A_859 = arith.index_cast %add3A_724 : i32 to index
        %get3A_860 = arith.constant 112 : index
        %get3A_861 = tpu.vector_load %arg10[%get3A_858, %get3A_859, %get3A_860] {strides = array<i32>} : memref<2x40x128xf32, #tpu.memory_space<vmem>>, vector<1x1x16xf32>,
        %get3A_862 = vector.shape_cast %get3A_861 : vector<1x1x16xf32> to vector<16xf32>
        %mul3A_863 = arith.mulf %get3A_856, %get3A_862 : vector<16xf32>
        %swap3A_864 = arith.index_cast %add3A_724 : i32 to index
        %swap3A_865 = arith.constant 112 : index
        %swap3A_866 = tpu.vector_load %arg12[%swap3A_864, %swap3A_865] {strides = array<i32>} : memref<40x128xf32, #tpu.memory_space<vmem>>, vector<1x16xf32>,
        %swap3A_867 = vector.shape_cast %swap3A_866 : vector<1x16xf32> to vector<16xf32>
        %swap3A_868 = vector.shape_cast %mul3A_863 : vector<16xf32> to vector<1x16xf32>
        tpu.vector_store %arg12[%swap3A_864, %swap3A_865], %swap3A_868 {strides = array<i32>} : memref<40x128xf32, #tpu.memory_space<vmem>>, vector<1x16xf32>,
        %mul3A_869 = arith.constant 5 : i32
        %mul3A_870 = arith.muli %scan3A_425, %mul3A_869 : i32
        %add3A_871 = arith.constant 3 : i32
        %add3A_872 = arith.addi %mul3A_870, %add3A_871 : i32
        %get3A_873 = arith.constant 1 : i32
        %get3A_874 = arith.index_cast %get3A_873 : i32 to index
        %get3A_875 = arith.index_cast %add3A_872 : i32 to index
        %get3A_876 = arith.constant 0 : index
        %get3A_877 = tpu.vector_load %arg11[%get3A_874, %get3A_875, %get3A_876] {strides = array<i32>} : memref<2x40x128xf32, #tpu.memory_space<vmem>>, vector<1x1x16xf32>,
        %get3A_878 = vector.shape_cast %get3A_877 : vector<1x1x16xf32> to vector<16xf32>
        %get3A_879 = arith.constant 1 : i32
        %get3A_880 = arith.index_cast %get3A_879 : i32 to index
        %get3A_881 = arith.index_cast %add3A_872 : i32 to index
        %get3A_882 = arith.constant 0 : index
        %get3A_883 = tpu.vector_load %arg10[%get3A_880, %get3A_881, %get3A_882] {strides = array<i32>} : memref<2x40x128xf32, #tpu.memory_space<vmem>>, vector<1x1x16xf32>,
        %get3A_884 = vector.shape_cast %get3A_883 : vector<1x1x16xf32> to vector<16xf32>
        %mul3A_885 = arith.mulf %get3A_878, %get3A_884 : vector<16xf32>
        %swap3A_886 = arith.index_cast %add3A_872 : i32 to index
        %swap3A_887 = arith.constant 0 : index
        %swap3A_888 = tpu.vector_load %arg12[%swap3A_886, %swap3A_887] {strides = array<i32>} : memref<40x128xf32, #tpu.memory_space<vmem>>, vector<1x16xf32>,
        %swap3A_889 = vector.shape_cast %swap3A_888 : vector<1x16xf32> to vector<16xf32>
        %swap3A_890 = vector.shape_cast %mul3A_885 : vector<16xf32> to vector<1x16xf32>
        tpu.vector_store %arg12[%swap3A_886, %swap3A_887], %swap3A_890 {strides = array<i32>} : memref<40x128xf32, #tpu.memory_space<vmem>>, vector<1x16xf32>,
        %get3A_891 = arith.constant 1 : i32
        %get3A_892 = arith.index_cast %get3A_891 : i32 to index
        %get3A_893 = arith.index_cast %add3A_872 : i32 to index
        %get3A_894 = arith.constant 16 : index
        %get3A_895 = tpu.vector_load %arg11[%get3A_892, %get3A_893, %get3A_894] {strides = array<i32>} : memref<2x40x128xf32, #tpu.memory_space<vmem>>, vector<1x1x16xf32>,
        %get3A_896 = vector.shape_cast %get3A_895 : vector<1x1x16xf32> to vector<16xf32>
        %get3A_897 = arith.constant 1 : i32
        %get3A_898 = arith.index_cast %get3A_897 : i32 to index
        %get3A_899 = arith.index_cast %add3A_872 : i32 to index
        %get3A_900 = arith.constant 16 : index
        %get3A_901 = tpu.vector_load %arg10[%get3A_898, %get3A_899, %get3A_900] {strides = array<i32>} : memref<2x40x128xf32, #tpu.memory_space<vmem>>, vector<1x1x16xf32>,
        %get3A_902 = vector.shape_cast %get3A_901 : vector<1x1x16xf32> to vector<16xf32>
        %mul3A_903 = arith.mulf %get3A_896, %get3A_902 : vector<16xf32>
        %swap3A_904 = arith.index_cast %add3A_872 : i32 to index
        %swap3A_905 = arith.constant 16 : index
        %swap3A_906 = tpu.vector_load %arg12[%swap3A_904, %swap3A_905] {strides = array<i32>} : memref<40x128xf32, #tpu.memory_space<vmem>>, vector<1x16xf32>,
        %swap3A_907 = vector.shape_cast %swap3A_906 : vector<1x16xf32> to vector<16xf32>
        %swap3A_908 = vector.shape_cast %mul3A_903 : vector<16xf32> to vector<1x16xf32>
        tpu.vector_store %arg12[%swap3A_904, %swap3A_905], %swap3A_908 {strides = array<i32>} : memref<40x128xf32, #tpu.memory_space<vmem>>, vector<1x16xf32>,
        %get3A_909 = arith.constant 1 : i32
        %get3A_910 = arith.index_cast %get3A_909 : i32 to index
        %get3A_911 = arith.index_cast %add3A_872 : i32 to index
        %get3A_912 = arith.constant 32 : index
        %get3A_913 = tpu.vector_load %arg11[%get3A_910, %get3A_911, %get3A_912] {strides = array<i32>} : memref<2x40x128xf32, #tpu.memory_space<vmem>>, vector<1x1x16xf32>,
        %get3A_914 = vector.shape_cast %get3A_913 : vector<1x1x16xf32> to vector<16xf32>
        %get3A_915 = arith.constant 1 : i32
        %get3A_916 = arith.index_cast %get3A_915 : i32 to index
        %get3A_917 = arith.index_cast %add3A_872 : i32 to index
        %get3A_918 = arith.constant 32 : index
        %get3A_919 = tpu.vector_load %arg10[%get3A_916, %get3A_917, %get3A_918] {strides = array<i32>} : memref<2x40x128xf32, #tpu.memory_space<vmem>>, vector<1x1x16xf32>,
        %get3A_920 = vector.shape_cast %get3A_919 : vector<1x1x16xf32> to vector<16xf32>
        %mul3A_921 = arith.mulf %get3A_914, %get3A_920 : vector<16xf32>
        %swap3A_922 = arith.index_cast %add3A_872 : i32 to index
        %swap3A_923 = arith.constant 32 : index
        %swap3A_924 = tpu.vector_load %arg12[%swap3A_922, %swap3A_923] {strides = array<i32>} : memref<40x128xf32, #tpu.memory_space<vmem>>, vector<1x16xf32>,
        %swap3A_925 = vector.shape_cast %swap3A_924 : vector<1x16xf32> to vector<16xf32>
        %swap3A_926 = vector.shape_cast %mul3A_921 : vector<16xf32> to vector<1x16xf32>
        tpu.vector_store %arg12[%swap3A_922, %swap3A_923], %swap3A_926 {strides = array<i32>} : memref<40x128xf32, #tpu.memory_space<vmem>>, vector<1x16xf32>,
        %get3A_927 = arith.constant 1 : i32
        %get3A_928 = arith.index_cast %get3A_927 : i32 to index
        %get3A_929 = arith.index_cast %add3A_872 : i32 to index
        %get3A_930 = arith.constant 48 : index
        %get3A_931 = tpu.vector_load %arg11[%get3A_928, %get3A_929, %get3A_930] {strides = array<i32>} : memref<2x40x128xf32, #tpu.memory_space<vmem>>, vector<1x1x16xf32>,
        %get3A_932 = vector.shape_cast %get3A_931 : vector<1x1x16xf32> to vector<16xf32>
        %get3A_933 = arith.constant 1 : i32
        %get3A_934 = arith.index_cast %get3A_933 : i32 to index
        %get3A_935 = arith.index_cast %add3A_872 : i32 to index
        %get3A_936 = arith.constant 48 : index
        %get3A_937 = tpu.vector_load %arg10[%get3A_934, %get3A_935, %get3A_936] {strides = array<i32>} : memref<2x40x128xf32, #tpu.memory_space<vmem>>, vector<1x1x16xf32>,
        %get3A_938 = vector.shape_cast %get3A_937 : vector<1x1x16xf32> to vector<16xf32>
        %mul3A_939 = arith.mulf %get3A_932, %get3A_938 : vector<16xf32>
        %swap3A_940 = arith.index_cast %add3A_872 : i32 to index
        %swap3A_941 = arith.constant 48 : index
        %swap3A_942 = tpu.vector_load %arg12[%swap3A_940, %swap3A_941] {strides = array<i32>} : memref<40x128xf32, #tpu.memory_space<vmem>>, vector<1x16xf32>,
        %swap3A_943 = vector.shape_cast %swap3A_942 : vector<1x16xf32> to vector<16xf32>
        %swap3A_944 = vector.shape_cast %mul3A_939 : vector<16xf32> to vector<1x16xf32>
        tpu.vector_store %arg12[%swap3A_940, %swap3A_941], %swap3A_944 {strides = array<i32>} : memref<40x128xf32, #tpu.memory_space<vmem>>, vector<1x16xf32>,
        %get3A_945 = arith.constant 1 : i32
        %get3A_946 = arith.index_cast %get3A_945 : i32 to index
        %get3A_947 = arith.index_cast %add3A_872 : i32 to index
        %get3A_948 = arith.constant 64 : index
        %get3A_949 = tpu.vector_load %arg11[%get3A_946, %get3A_947, %get3A_948] {strides = array<i32>} : memref<2x40x128xf32, #tpu.memory_space<vmem>>, vector<1x1x16xf32>,
        %get3A_950 = vector.shape_cast %get3A_949 : vector<1x1x16xf32> to vector<16xf32>
        %get3A_951 = arith.constant 1 : i32
        %get3A_952 = arith.index_cast %get3A_951 : i32 to index
        %get3A_953 = arith.index_cast %add3A_872 : i32 to index
        %get3A_954 = arith.constant 64 : index
        %get3A_955 = tpu.vector_load %arg10[%get3A_952, %get3A_953, %get3A_954] {strides = array<i32>} : memref<2x40x128xf32, #tpu.memory_space<vmem>>, vector<1x1x16xf32>,
        %get3A_956 = vector.shape_cast %get3A_955 : vector<1x1x16xf32> to vector<16xf32>
        %mul3A_957 = arith.mulf %get3A_950, %get3A_956 : vector<16xf32>
        %swap3A_958 = arith.index_cast %add3A_872 : i32 to index
        %swap3A_959 = arith.constant 64 : index
        %swap3A_960 = tpu.vector_load %arg12[%swap3A_958, %swap3A_959] {strides = array<i32>} : memref<40x128xf32, #tpu.memory_space<vmem>>, vector<1x16xf32>,
        %swap3A_961 = vector.shape_cast %swap3A_960 : vector<1x16xf32> to vector<16xf32>
        %swap3A_962 = vector.shape_cast %mul3A_957 : vector<16xf32> to vector<1x16xf32>
        tpu.vector_store %arg12[%swap3A_958, %swap3A_959], %swap3A_962 {strides = array<i32>} : memref<40x128xf32, #tpu.memory_space<vmem>>, vector<1x16xf32>,
        %get3A_963 = arith.constant 1 : i32
        %get3A_964 = arith.index_cast %get3A_963 : i32 to index
        %get3A_965 = arith.index_cast %add3A_872 : i32 to index
        %get3A_966 = arith.constant 80 : index
        %get3A_967 = tpu.vector_load %arg11[%get3A_964, %get3A_965, %get3A_966] {strides = array<i32>} : memref<2x40x128xf32, #tpu.memory_space<vmem>>, vector<1x1x16xf32>,
        %get3A_968 = vector.shape_cast %get3A_967 : vector<1x1x16xf32> to vector<16xf32>
        %get3A_969 = arith.constant 1 : i32
        %get3A_970 = arith.index_cast %get3A_969 : i32 to index
        %get3A_971 = arith.index_cast %add3A_872 : i32 to index
        %get3A_972 = arith.constant 80 : index
        %get3A_973 = tpu.vector_load %arg10[%get3A_970, %get3A_971, %get3A_972] {strides = array<i32>} : memref<2x40x128xf32, #tpu.memory_space<vmem>>, vector<1x1x16xf32>,
        %get3A_974 = vector.shape_cast %get3A_973 : vector<1x1x16xf32> to vector<16xf32>
        %mul3A_975 = arith.mulf %get3A_968, %get3A_974 : vector<16xf32>
        %swap3A_976 = arith.index_cast %add3A_872 : i32 to index
        %swap3A_977 = arith.constant 80 : index
        %swap3A_978 = tpu.vector_load %arg12[%swap3A_976, %swap3A_977] {strides = array<i32>} : memref<40x128xf32, #tpu.memory_space<vmem>>, vector<1x16xf32>,
        %swap3A_979 = vector.shape_cast %swap3A_978 : vector<1x16xf32> to vector<16xf32>
        %swap3A_980 = vector.shape_cast %mul3A_975 : vector<16xf32> to vector<1x16xf32>
        tpu.vector_store %arg12[%swap3A_976, %swap3A_977], %swap3A_980 {strides = array<i32>} : memref<40x128xf32, #tpu.memory_space<vmem>>, vector<1x16xf32>,
        %get3A_981 = arith.constant 1 : i32
        %get3A_982 = arith.index_cast %get3A_981 : i32 to index
        %get3A_983 = arith.index_cast %add3A_872 : i32 to index
        %get3A_984 = arith.constant 96 : index
        %get3A_985 = tpu.vector_load %arg11[%get3A_982, %get3A_983, %get3A_984] {strides = array<i32>} : memref<2x40x128xf32, #tpu.memory_space<vmem>>, vector<1x1x16xf32>,
        %get3A_986 = vector.shape_cast %get3A_985 : vector<1x1x16xf32> to vector<16xf32>
        %get3A_987 = arith.constant 1 : i32
        %get3A_988 = arith.index_cast %get3A_987 : i32 to index
        %get3A_989 = arith.index_cast %add3A_872 : i32 to index
        %get3A_990 = arith.constant 96 : index
        %get3A_991 = tpu.vector_load %arg10[%get3A_988, %get3A_989, %get3A_990] {strides = array<i32>} : memref<2x40x128xf32, #tpu.memory_space<vmem>>, vector<1x1x16xf32>,
        %get3A_992 = vector.shape_cast %get3A_991 : vector<1x1x16xf32> to vector<16xf32>
        %mul3A_993 = arith.mulf %get3A_986, %get3A_992 : vector<16xf32>
        %swap3A_994 = arith.index_cast %add3A_872 : i32 to index
        %swap3A_995 = arith.constant 96 : index
        %swap3A_996 = tpu.vector_load %arg12[%swap3A_994, %swap3A_995] {strides = array<i32>} : memref<40x128xf32, #tpu.memory_space<vmem>>, vector<1x16xf32>,
        %swap3A_997 = vector.shape_cast %swap3A_996 : vector<1x16xf32> to vector<16xf32>
        %swap3A_998 = vector.shape_cast %mul3A_993 : vector<16xf32> to vector<1x16xf32>
        tpu.vector_store %arg12[%swap3A_994, %swap3A_995], %swap3A_998 {strides = array<i32>} : memref<40x128xf32, #tpu.memory_space<vmem>>, vector<1x16xf32>,
        %get3A_999 = arith.constant 1 : i32
        %get3A_1000 = arith.index_cast %get3A_999 : i32 to index
        %get3A_1001 = arith.index_cast %add3A_872 : i32 to index
        %get3A_1002 = arith.constant 112 : index
        %get3A_1003 = tpu.vector_load %arg11[%get3A_1000, %get3A_1001, %get3A_1002] {strides = array<i32>} : memref<2x40x128xf32, #tpu.memory_space<vmem>>, vector<1x1x16xf32>,
        %get3A_1004 = vector.shape_cast %get3A_1003 : vector<1x1x16xf32> to vector<16xf32>
        %get3A_1005 = arith.constant 1 : i32
        %get3A_1006 = arith.index_cast %get3A_1005 : i32 to index
        %get3A_1007 = arith.index_cast %add3A_872 : i32 to index
        %get3A_1008 = arith.constant 112 : index
        %get3A_1009 = tpu.vector_load %arg10[%get3A_1006, %get3A_1007, %get3A_1008] {strides = array<i32>} : memref<2x40x128xf32, #tpu.memory_space<vmem>>, vector<1x1x16xf32>,
        %get3A_1010 = vector.shape_cast %get3A_1009 : vector<1x1x16xf32> to vector<16xf32>
        %mul3A_1011 = arith.mulf %get3A_1004, %get3A_1010 : vector<16xf32>
        %swap3A_1012 = arith.index_cast %add3A_872 : i32 to index
        %swap3A_1013 = arith.constant 112 : index
        %swap3A_1014 = tpu.vector_load %arg12[%swap3A_1012, %swap3A_1013] {strides = array<i32>} : memref<40x128xf32, #tpu.memory_space<vmem>>, vector<1x16xf32>,
        %swap3A_1015 = vector.shape_cast %swap3A_1014 : vector<1x16xf32> to vector<16xf32>
        %swap3A_1016 = vector.shape_cast %mul3A_1011 : vector<16xf32> to vector<1x16xf32>
        tpu.vector_store %arg12[%swap3A_1012, %swap3A_1013], %swap3A_1016 {strides = array<i32>} : memref<40x128xf32, #tpu.memory_space<vmem>>, vector<1x16xf32>,
        %mul3A_1017 = arith.constant 5 : i32
        %mul3A_1018 = arith.muli %scan3A_425, %mul3A_1017 : i32
        %add3A_1019 = arith.constant 4 : i32
        %add3A_1020 = arith.addi %mul3A_1018, %add3A_1019 : i32
        %get3A_1021 = arith.constant 1 : i32
        %get3A_1022 = arith.index_cast %get3A_1021 : i32 to index
        %get3A_1023 = arith.index_cast %add3A_1020 : i32 to index
        %get3A_1024 = arith.constant 0 : index
        %get3A_1025 = tpu.vector_load %arg11[%get3A_1022, %get3A_1023, %get3A_1024] {strides = array<i32>} : memref<2x40x128xf32, #tpu.memory_space<vmem>>, vector<1x1x16xf32>,
        %get3A_1026 = vector.shape_cast %get3A_1025 : vector<1x1x16xf32> to vector<16xf32>
        %get3A_1027 = arith.constant 1 : i32
        %get3A_1028 = arith.index_cast %get3A_1027 : i32 to index
        %get3A_1029 = arith.index_cast %add3A_1020 : i32 to index
        %get3A_1030 = arith.constant 0 : index
        %get3A_1031 = tpu.vector_load %arg10[%get3A_1028, %get3A_1029, %get3A_1030] {strides = array<i32>} : memref<2x40x128xf32, #tpu.memory_space<vmem>>, vector<1x1x16xf32>,
        %get3A_1032 = vector.shape_cast %get3A_1031 : vector<1x1x16xf32> to vector<16xf32>
        %mul3A_1033 = arith.mulf %get3A_1026, %get3A_1032 : vector<16xf32>
        %swap3A_1034 = arith.index_cast %add3A_1020 : i32 to index
        %swap3A_1035 = arith.constant 0 : index
        %swap3A_1036 = tpu.vector_load %arg12[%swap3A_1034, %swap3A_1035] {strides = array<i32>} : memref<40x128xf32, #tpu.memory_space<vmem>>, vector<1x16xf32>,
        %swap3A_1037 = vector.shape_cast %swap3A_1036 : vector<1x16xf32> to vector<16xf32>
        %swap3A_1038 = vector.shape_cast %mul3A_1033 : vector<16xf32> to vector<1x16xf32>
        tpu.vector_store %arg12[%swap3A_1034, %swap3A_1035], %swap3A_1038 {strides = array<i32>} : memref<40x128xf32, #tpu.memory_space<vmem>>, vector<1x16xf32>,
        %get3A_1039 = arith.constant 1 : i32
        %get3A_1040 = arith.index_cast %get3A_1039 : i32 to index
        %get3A_1041 = arith.index_cast %add3A_1020 : i32 to index
        %get3A_1042 = arith.constant 16 : index
        %get3A_1043 = tpu.vector_load %arg11[%get3A_1040, %get3A_1041, %get3A_1042] {strides = array<i32>} : memref<2x40x128xf32, #tpu.memory_space<vmem>>, vector<1x1x16xf32>,
        %get3A_1044 = vector.shape_cast %get3A_1043 : vector<1x1x16xf32> to vector<16xf32>
        %get3A_1045 = arith.constant 1 : i32
        %get3A_1046 = arith.index_cast %get3A_1045 : i32 to index
        %get3A_1047 = arith.index_cast %add3A_1020 : i32 to index
        %get3A_1048 = arith.constant 16 : index
        %get3A_1049 = tpu.vector_load %arg10[%get3A_1046, %get3A_1047, %get3A_1048] {strides = array<i32>} : memref<2x40x128xf32, #tpu.memory_space<vmem>>, vector<1x1x16xf32>,
        %get3A_1050 = vector.shape_cast %get3A_1049 : vector<1x1x16xf32> to vector<16xf32>
        %mul3A_1051 = arith.mulf %get3A_1044, %get3A_1050 : vector<16xf32>
        %swap3A_1052 = arith.index_cast %add3A_1020 : i32 to index
        %swap3A_1053 = arith.constant 16 : index
        %swap3A_1054 = tpu.vector_load %arg12[%swap3A_1052, %swap3A_1053] {strides = array<i32>} : memref<40x128xf32, #tpu.memory_space<vmem>>, vector<1x16xf32>,
        %swap3A_1055 = vector.shape_cast %swap3A_1054 : vector<1x16xf32> to vector<16xf32>
        %swap3A_1056 = vector.shape_cast %mul3A_1051 : vector<16xf32> to vector<1x16xf32>
        tpu.vector_store %arg12[%swap3A_1052, %swap3A_1053], %swap3A_1056 {strides = array<i32>} : memref<40x128xf32, #tpu.memory_space<vmem>>, vector<1x16xf32>,
        %get3A_1057 = arith.constant 1 : i32
        %get3A_1058 = arith.index_cast %get3A_1057 : i32 to index
        %get3A_1059 = arith.index_cast %add3A_1020 : i32 to index
        %get3A_1060 = arith.constant 32 : index
        %get3A_1061 = tpu.vector_load %arg11[%get3A_1058, %get3A_1059, %get3A_1060] {strides = array<i32>} : memref<2x40x128xf32, #tpu.memory_space<vmem>>, vector<1x1x16xf32>,
        %get3A_1062 = vector.shape_cast %get3A_1061 : vector<1x1x16xf32> to vector<16xf32>
        %get3A_1063 = arith.constant 1 : i32
        %get3A_1064 = arith.index_cast %get3A_1063 : i32 to index
        %get3A_1065 = arith.index_cast %add3A_1020 : i32 to index
        %get3A_1066 = arith.constant 32 : index
        %get3A_1067 = tpu.vector_load %arg10[%get3A_1064, %get3A_1065, %get3A_1066] {strides = array<i32>} : memref<2x40x128xf32, #tpu.memory_space<vmem>>, vector<1x1x16xf32>,
        %get3A_1068 = vector.shape_cast %get3A_1067 : vector<1x1x16xf32> to vector<16xf32>
        %mul3A_1069 = arith.mulf %get3A_1062, %get3A_1068 : vector<16xf32>
        %swap3A_1070 = arith.index_cast %add3A_1020 : i32 to index
        %swap3A_1071 = arith.constant 32 : index
        %swap3A_1072 = tpu.vector_load %arg12[%swap3A_1070, %swap3A_1071] {strides = array<i32>} : memref<40x128xf32, #tpu.memory_space<vmem>>, vector<1x16xf32>,
        %swap3A_1073 = vector.shape_cast %swap3A_1072 : vector<1x16xf32> to vector<16xf32>
        %swap3A_1074 = vector.shape_cast %mul3A_1069 : vector<16xf32> to vector<1x16xf32>
        tpu.vector_store %arg12[%swap3A_1070, %swap3A_1071], %swap3A_1074 {strides = array<i32>} : memref<40x128xf32, #tpu.memory_space<vmem>>, vector<1x16xf32>,
        %get3A_1075 = arith.constant 1 : i32
        %get3A_1076 = arith.index_cast %get3A_1075 : i32 to index
        %get3A_1077 = arith.index_cast %add3A_1020 : i32 to index
        %get3A_1078 = arith.constant 48 : index
        %get3A_1079 = tpu.vector_load %arg11[%get3A_1076, %get3A_1077, %get3A_1078] {strides = array<i32>} : memref<2x40x128xf32, #tpu.memory_space<vmem>>, vector<1x1x16xf32>,
        %get3A_1080 = vector.shape_cast %get3A_1079 : vector<1x1x16xf32> to vector<16xf32>
        %get3A_1081 = arith.constant 1 : i32
        %get3A_1082 = arith.index_cast %get3A_1081 : i32 to index
        %get3A_1083 = arith.index_cast %add3A_1020 : i32 to index
        %get3A_1084 = arith.constant 48 : index
        %get3A_1085 = tpu.vector_load %arg10[%get3A_1082, %get3A_1083, %get3A_1084] {strides = array<i32>} : memref<2x40x128xf32, #tpu.memory_space<vmem>>, vector<1x1x16xf32>,
        %get3A_1086 = vector.shape_cast %get3A_1085 : vector<1x1x16xf32> to vector<16xf32>
        %mul3A_1087 = arith.mulf %get3A_1080, %get3A_1086 : vector<16xf32>
        %swap3A_1088 = arith.index_cast %add3A_1020 : i32 to index
        %swap3A_1089 = arith.constant 48 : index
        %swap3A_1090 = tpu.vector_load %arg12[%swap3A_1088, %swap3A_1089] {strides = array<i32>} : memref<40x128xf32, #tpu.memory_space<vmem>>, vector<1x16xf32>,
        %swap3A_1091 = vector.shape_cast %swap3A_1090 : vector<1x16xf32> to vector<16xf32>
        %swap3A_1092 = vector.shape_cast %mul3A_1087 : vector<16xf32> to vector<1x16xf32>
        tpu.vector_store %arg12[%swap3A_1088, %swap3A_1089], %swap3A_1092 {strides = array<i32>} : memref<40x128xf32, #tpu.memory_space<vmem>>, vector<1x16xf32>,
        %get3A_1093 = arith.constant 1 : i32
        %get3A_1094 = arith.index_cast %get3A_1093 : i32 to index
        %get3A_1095 = arith.index_cast %add3A_1020 : i32 to index
        %get3A_1096 = arith.constant 64 : index
        %get3A_1097 = tpu.vector_load %arg11[%get3A_1094, %get3A_1095, %get3A_1096] {strides = array<i32>} : memref<2x40x128xf32, #tpu.memory_space<vmem>>, vector<1x1x16xf32>,
        %get3A_1098 = vector.shape_cast %get3A_1097 : vector<1x1x16xf32> to vector<16xf32>
        %get3A_1099 = arith.constant 1 : i32
        %get3A_1100 = arith.index_cast %get3A_1099 : i32 to index
        %get3A_1101 = arith.index_cast %add3A_1020 : i32 to index
        %get3A_1102 = arith.constant 64 : index
        %get3A_1103 = tpu.vector_load %arg10[%get3A_1100, %get3A_1101, %get3A_1102] {strides = array<i32>} : memref<2x40x128xf32, #tpu.memory_space<vmem>>, vector<1x1x16xf32>,
        %get3A_1104 = vector.shape_cast %get3A_1103 : vector<1x1x16xf32> to vector<16xf32>
        %mul3A_1105 = arith.mulf %get3A_1098, %get3A_1104 : vector<16xf32>
        %swap3A_1106 = arith.index_cast %add3A_1020 : i32 to index
        %swap3A_1107 = arith.constant 64 : index
        %swap3A_1108 = tpu.vector_load %arg12[%swap3A_1106, %swap3A_1107] {strides = array<i32>} : memref<40x128xf32, #tpu.memory_space<vmem>>, vector<1x16xf32>,
        %swap3A_1109 = vector.shape_cast %swap3A_1108 : vector<1x16xf32> to vector<16xf32>
        %swap3A_1110 = vector.shape_cast %mul3A_1105 : vector<16xf32> to vector<1x16xf32>
        tpu.vector_store %arg12[%swap3A_1106, %swap3A_1107], %swap3A_1110 {strides = array<i32>} : memref<40x128xf32, #tpu.memory_space<vmem>>, vector<1x16xf32>,
        %get3A_1111 = arith.constant 1 : i32
        %get3A_1112 = arith.index_cast %get3A_1111 : i32 to index
        %get3A_1113 = arith.index_cast %add3A_1020 : i32 to index
        %get3A_1114 = arith.constant 80 : index
        %get3A_1115 = tpu.vector_load %arg11[%get3A_1112, %get3A_1113, %get3A_1114] {strides = array<i32>} : memref<2x40x128xf32, #tpu.memory_space<vmem>>, vector<1x1x16xf32>,
        %get3A_1116 = vector.shape_cast %get3A_1115 : vector<1x1x16xf32> to vector<16xf32>
        %get3A_1117 = arith.constant 1 : i32
        %get3A_1118 = arith.index_cast %get3A_1117 : i32 to index
        %get3A_1119 = arith.index_cast %add3A_1020 : i32 to index
        %get3A_1120 = arith.constant 80 : index
        %get3A_1121 = tpu.vector_load %arg10[%get3A_1118, %get3A_1119, %get3A_1120] {strides = array<i32>} : memref<2x40x128xf32, #tpu.memory_space<vmem>>, vector<1x1x16xf32>,
        %get3A_1122 = vector.shape_cast %get3A_1121 : vector<1x1x16xf32> to vector<16xf32>
        %mul3A_1123 = arith.mulf %get3A_1116, %get3A_1122 : vector<16xf32>
        %swap3A_1124 = arith.index_cast %add3A_1020 : i32 to index
        %swap3A_1125 = arith.constant 80 : index
        %swap3A_1126 = tpu.vector_load %arg12[%swap3A_1124, %swap3A_1125] {strides = array<i32>} : memref<40x128xf32, #tpu.memory_space<vmem>>, vector<1x16xf32>,
        %swap3A_1127 = vector.shape_cast %swap3A_1126 : vector<1x16xf32> to vector<16xf32>
        %swap3A_1128 = vector.shape_cast %mul3A_1123 : vector<16xf32> to vector<1x16xf32>
        tpu.vector_store %arg12[%swap3A_1124, %swap3A_1125], %swap3A_1128 {strides = array<i32>} : memref<40x128xf32, #tpu.memory_space<vmem>>, vector<1x16xf32>,
        %get3A_1129 = arith.constant 1 : i32
        %get3A_1130 = arith.index_cast %get3A_1129 : i32 to index
        %get3A_1131 = arith.index_cast %add3A_1020 : i32 to index
        %get3A_1132 = arith.constant 96 : index
        %get3A_1133 = tpu.vector_load %arg11[%get3A_1130, %get3A_1131, %get3A_1132] {strides = array<i32>} : memref<2x40x128xf32, #tpu.memory_space<vmem>>, vector<1x1x16xf32>,
        %get3A_1134 = vector.shape_cast %get3A_1133 : vector<1x1x16xf32> to vector<16xf32>
        %get3A_1135 = arith.constant 1 : i32
        %get3A_1136 = arith.index_cast %get3A_1135 : i32 to index
        %get3A_1137 = arith.index_cast %add3A_1020 : i32 to index
        %get3A_1138 = arith.constant 96 : index
        %get3A_1139 = tpu.vector_load %arg10[%get3A_1136, %get3A_1137, %get3A_1138] {strides = array<i32>} : memref<2x40x128xf32, #tpu.memory_space<vmem>>, vector<1x1x16xf32>,
        %get3A_1140 = vector.shape_cast %get3A_1139 : vector<1x1x16xf32> to vector<16xf32>
        %mul3A_1141 = arith.mulf %get3A_1134, %get3A_1140 : vector<16xf32>
        %swap3A_1142 = arith.index_cast %add3A_1020 : i32 to index
        %swap3A_1143 = arith.constant 96 : index
        %swap3A_1144 = tpu.vector_load %arg12[%swap3A_1142, %swap3A_1143] {strides = array<i32>} : memref<40x128xf32, #tpu.memory_space<vmem>>, vector<1x16xf32>,
        %swap3A_1145 = vector.shape_cast %swap3A_1144 : vector<1x16xf32> to vector<16xf32>
        %swap3A_1146 = vector.shape_cast %mul3A_1141 : vector<16xf32> to vector<1x16xf32>
        tpu.vector_store %arg12[%swap3A_1142, %swap3A_1143], %swap3A_1146 {strides = array<i32>} : memref<40x128xf32, #tpu.memory_space<vmem>>, vector<1x16xf32>,
        %get3A_1147 = arith.constant 1 : i32
        %get3A_1148 = arith.index_cast %get3A_1147 : i32 to index
        %get3A_1149 = arith.index_cast %add3A_1020 : i32 to index
        %get3A_1150 = arith.constant 112 : index
        %get3A_1151 = tpu.vector_load %arg11[%get3A_1148, %get3A_1149, %get3A_1150] {strides = array<i32>} : memref<2x40x128xf32, #tpu.memory_space<vmem>>, vector<1x1x16xf32>,
        %get3A_1152 = vector.shape_cast %get3A_1151 : vector<1x1x16xf32> to vector<16xf32>
        %get3A_1153 = arith.constant 1 : i32
        %get3A_1154 = arith.index_cast %get3A_1153 : i32 to index
        %get3A_1155 = arith.index_cast %add3A_1020 : i32 to index
        %get3A_1156 = arith.constant 112 : index
        %get3A_1157 = tpu.vector_load %arg10[%get3A_1154, %get3A_1155, %get3A_1156] {strides = array<i32>} : memref<2x40x128xf32, #tpu.memory_space<vmem>>, vector<1x1x16xf32>,
        %get3A_1158 = vector.shape_cast %get3A_1157 : vector<1x1x16xf32> to vector<16xf32>
        %mul3A_1159 = arith.mulf %get3A_1152, %get3A_1158 : vector<16xf32>
        %swap3A_1160 = arith.index_cast %add3A_1020 : i32 to index
        %swap3A_1161 = arith.constant 112 : index
        %swap3A_1162 = tpu.vector_load %arg12[%swap3A_1160, %swap3A_1161] {strides = array<i32>} : memref<40x128xf32, #tpu.memory_space<vmem>>, vector<1x16xf32>,
        %swap3A_1163 = vector.shape_cast %swap3A_1162 : vector<1x16xf32> to vector<16xf32>
        %swap3A_1164 = vector.shape_cast %mul3A_1159 : vector<16xf32> to vector<1x16xf32>
        tpu.vector_store %arg12[%swap3A_1160, %swap3A_1161], %swap3A_1164 {strides = array<i32>} : memref<40x128xf32, #tpu.memory_space<vmem>>, vector<1x16xf32>,
        %scan3A_1165 = arith.constant 0 : i32
        scf.yield %scan3A_1165 : i32
      }
      %scan3A_406 = arith.constant 8 : i32
      %dma_start3A_407 = arith.constant 0 : i32
      %dma_start3A_408 = tpu.memref_slice %arg9[%add3A_365, %dma_start3A_407] : memref<250x40xi32, #tpu.memory_space<vmem>> -> memref<1x40xi32, #tpu.memory_space<vmem>>
      %dma_start3A_409 = tpu.memref_squeeze %dma_start3A_408 : memref<1x40xi32, #tpu.memory_space<vmem>> -> memref<40xi32, #tpu.memory_space<vmem>>
      %dma_start3A_410 = arith.constant 0 : i32
      %dma_start3A_411 = arith.constant 0 : i32
      %dma_start3A_412 = tpu.memref_slice %arg7[%dma_start3A_410, %dma_start3A_411] : memref<10000x128xf32, #tpu.memory_space<vmem_shared>> -> memref<10000x128xf32, #tpu.memory_space<vmem_shared>>
      tpu.enqueue_indirect_dma source(%arg12 : memref<40x128xf32, #tpu.memory_space<vmem>>) target(%dma_start3A_412 : memref<10000x128xf32, #tpu.memory_space<vmem_shared>>) offsets(%dma_start3A_409 : memref<40xi32, #tpu.memory_space<vmem>>) semaphore(%arg17 : memref<!tpu.dma_semaphore, #tpu.memory_space<semaphore_mem>>) {add = true}
      %mul3A_413 = arith.constant 2 : i32
      %mul3A_414 = arith.muli %scan3A_301, %mul3A_413 : i32
      %add3A_415 = arith.constant 1 : i32
      %add3A_416 = arith.addi %mul3A_414, %add3A_415 : i32
      %add3A_417 = arith.constant 2 : i32
      %add3A_418 = arith.addi %add3A_416, %add3A_417 : i32
      %lt3A_419 = arith.constant 250 : i32
      %lt3A_420 = arith.cmpi slt, %add3A_418, %lt3A_419 : i32
      %convert_element_type3A_421 = arith.extui %lt3A_420 : i1 to i32
      %cond3A_422 = arith.constant 0 : i32
      %cond3A_423 = arith.cmpi ne, %convert_element_type3A_421, %cond3A_422 : i32
      scf.if %cond3A_423 {
        %add3A_425 = arith.constant 2 : i32
        %add3A_426 = arith.addi %add3A_365, %add3A_425 : i32
        %dma_start3A_427 = arith.constant 1 : i32
        %dma_start3A_428 = arith.constant 0 : i32
        %dma_start3A_429 = arith.constant 0 : i32
        %dma_start3A_430 = tpu.memref_slice %arg10[%dma_start3A_427, %dma_start3A_428, %dma_start3A_429] : memref<2x40x128xf32, #tpu.memory_space<vmem>> -> memref<1x40x128xf32, #tpu.memory_space<vmem>>
        %dma_start3A_431 = tpu.memref_squeeze %dma_start3A_430 : memref<1x40x128xf32, #tpu.memory_space<vmem>> -> memref<40x128xf32, #tpu.memory_space<vmem>>
        %dma_start3A_432 = arith.constant 0 : i32
        %dma_start3A_433 = tpu.memref_slice %arg8[%add3A_426, %dma_start3A_432] : memref<250x40xi32, #tpu.memory_space<vmem>> -> memref<1x40xi32, #tpu.memory_space<vmem>>
        %dma_start3A_434 = tpu.memref_squeeze %dma_start3A_433 : memref<1x40xi32, #tpu.memory_space<vmem>> -> memref<40xi32, #tpu.memory_space<vmem>>
        %dma_start3A_435 = arith.constant 0 : i32
        %dma_start3A_436 = arith.constant 0 : i32
        %dma_start3A_437 = tpu.memref_slice %arg2[%dma_start3A_435, %dma_start3A_436] : memref<10000x128xf32, #tpu.memory_space<hbm>> -> memref<10000x128xf32, #tpu.memory_space<hbm>>
        tpu.enqueue_indirect_dma source(%dma_start3A_437 : memref<10000x128xf32, #tpu.memory_space<hbm>>) target(%dma_start3A_431 : memref<40x128xf32, #tpu.memory_space<vmem>>) offsets(%dma_start3A_434 : memref<40xi32, #tpu.memory_space<vmem>>) semaphore(%arg14 : memref<!tpu.dma_semaphore, #tpu.memory_space<semaphore_mem>>)
        %add3A_438 = arith.constant 2 : i32
        %add3A_439 = arith.addi %add3A_365, %add3A_438 : i32
        %add3A_440 = arith.addi %mul3A_2, %add3A_439 : i32
        %mul3A_441 = arith.constant 40 : i32
        %mul3A_442 = arith.muli %add3A_440, %mul3A_441 : i32
        %dma_start3A_443 = arith.constant 1 : i32
        %dma_start3A_444 = arith.constant 0 : i32
        %dma_start3A_445 = arith.constant 0 : i32
        %dma_start3A_446 = tpu.memref_slice %arg11[%dma_start3A_443, %dma_start3A_444, %dma_start3A_445] : memref<2x40x128xf32, #tpu.memory_space<vmem>> -> memref<1x40x128xf32, #tpu.memory_space<vmem>>
        %dma_start3A_447 = tpu.memref_squeeze %dma_start3A_446 : memref<1x40x128xf32, #tpu.memory_space<vmem>> -> memref<40x128xf32, #tpu.memory_space<vmem>>
        %dma_start3A_448 = arith.constant 0 : i32
        %dma_start3A_449 = tpu.memref_slice %arg3[%mul3A_442, %dma_start3A_448] : memref<320000x128xf32, #tpu.memory_space<hbm>> -> memref<40x128xf32, #tpu.memory_space<hbm>>
        %dma_start3A_450 = arith.constant 0 : i32
        %dma_start3A_451 = arith.constant 0 : i32
        %dma_start3A_452 = tpu.memref_slice %arg11[%dma_start3A_443, %dma_start3A_450, %dma_start3A_451] : memref<2x40x128xf32, #tpu.memory_space<vmem>> -> memref<1x40x128xf32, #tpu.memory_space<vmem>>
        %dma_start3A_453 = tpu.memref_squeeze %dma_start3A_452 : memref<1x40x128xf32, #tpu.memory_space<vmem>> -> memref<40x128xf32, #tpu.memory_space<vmem>>
        %dma_start3A_454 = arith.constant 0 : i32
        %dma_start3A_455 = tpu.memref_slice %arg3[%mul3A_442, %dma_start3A_454] : memref<320000x128xf32, #tpu.memory_space<hbm>> -> memref<40x128xf32, #tpu.memory_space<hbm>>
        tpu.enqueue_dma source(%dma_start3A_455 : memref<40x128xf32, #tpu.memory_space<hbm>>) target(%dma_start3A_453 : memref<40x128xf32, #tpu.memory_space<vmem>>) target_semaphore(%arg16 : memref<!tpu.dma_semaphore, #tpu.memory_space<semaphore_mem>>)
      } else {
      }
      %scan3A_424 = arith.constant 0 : i32
      scf.yield %scan3A_424 : i32
    }
    %scan3A_181 = arith.constant 125 : i32
    %dma_wait3A = arith.constant 249 : i32
    %dma_wait3A_182 = arith.constant 0 : i32
    %dma_wait3A_183 = tpu.memref_slice %arg9[%dma_wait3A, %dma_wait3A_182] : memref<250x40xi32, #tpu.memory_space<vmem>> -> memref<1x40xi32, #tpu.memory_space<vmem>>
    %dma_wait3A_184 = tpu.memref_squeeze %dma_wait3A_183 : memref<1x40xi32, #tpu.memory_space<vmem>> -> memref<40xi32, #tpu.memory_space<vmem>>
    %dma_wait3A_185 = arith.constant 0 : i32
    %dma_wait3A_186 = arith.constant 0 : i32
    %dma_wait3A_187 = tpu.memref_slice %arg7[%dma_wait3A_185, %dma_wait3A_186] : memref<10000x128xf32, #tpu.memory_space<vmem_shared>> -> memref<10000x128xf32, #tpu.memory_space<vmem_shared>>
    tpu.wait_indirect_dma semaphore(%arg17 : memref<!tpu.dma_semaphore, #tpu.memory_space<semaphore_mem>>) src(%arg12 : memref<40x128xf32, #tpu.memory_space<vmem>>) dst(%dma_wait3A_187 : memref<10000x128xf32, #tpu.memory_space<vmem_shared>>)
    %barrier3A_188 = arith.constant 0 : index
    tpu.barrier barrier_id(%barrier3A_188)
    %add3A_189 = arith.constant 0 : i32
    %add3A_190 = arith.addi %add3A_189, %arg1 : i32
    %lt3A_191 = arith.constant 250 : i32
    %lt3A_192 = arith.cmpi slt, %add3A_190, %lt3A_191 : i32
    %convert_element_type3A_193 = arith.extui %lt3A_192 : i1 to i32
    %cond3A_194 = arith.constant 0 : i32
    %cond3A_195 = arith.cmpi ne, %convert_element_type3A_193, %cond3A_194 : i32
    scf.if %cond3A_195 {
      %mul3A_301 = arith.constant 40 : i32
      %mul3A_302 = arith.muli %add3A_190, %mul3A_301 : i32
      "tpu.region"() ({
        %run_scoped3A = tpu.sem_alloc : memref<!tpu.dma_semaphore, #tpu.memory_space<semaphore_mem>>
        %dma_start3A_303 = arith.constant 0 : i32
        %dma_start3A_304 = tpu.memref_slice %arg6[%arg0, %mul3A_302, %dma_start3A_303] : memref<2x10000x128xf32, #tpu.memory_space<hbm>> -> memref<1x40x128xf32, #tpu.memory_space<hbm>>
        %dma_start3A_305 = tpu.memref_squeeze %dma_start3A_304 : memref<1x40x128xf32, #tpu.memory_space<hbm>> -> memref<40x128xf32, #tpu.memory_space<hbm>>
        %dma_start3A_306 = arith.constant 0 : i32
        %dma_start3A_307 = tpu.memref_slice %arg7[%mul3A_302, %dma_start3A_306] : memref<10000x128xf32, #tpu.memory_space<vmem_shared>> -> memref<40x128xf32, #tpu.memory_space<vmem_shared>>
        tpu.enqueue_dma source(%dma_start3A_307 : memref<40x128xf32, #tpu.memory_space<vmem_shared>>) target(%dma_start3A_305 : memref<40x128xf32, #tpu.memory_space<hbm>>) target_semaphore(%run_scoped3A : memref<!tpu.dma_semaphore, #tpu.memory_space<semaphore_mem>>)
        %dma_wait3A_308 = arith.constant 0 : i32
        %dma_wait3A_309 = tpu.memref_slice %arg6[%arg0, %mul3A_302, %dma_wait3A_308] : memref<2x10000x128xf32, #tpu.memory_space<hbm>> -> memref<1x40x128xf32, #tpu.memory_space<hbm>>
        %dma_wait3A_310 = tpu.memref_squeeze %dma_wait3A_309 : memref<1x40x128xf32, #tpu.memory_space<hbm>> -> memref<40x128xf32, #tpu.memory_space<hbm>>
        %dma_wait3A_311 = arith.constant 0 : i32
        %dma_wait3A_312 = tpu.memref_slice %arg7[%mul3A_302, %dma_wait3A_311] : memref<10000x128xf32, #tpu.memory_space<vmem_shared>> -> memref<40x128xf32, #tpu.memory_space<vmem_shared>>
        tpu.wait_dma2 semaphore(%run_scoped3A : memref<!tpu.dma_semaphore, #tpu.memory_space<semaphore_mem>>) src(%dma_wait3A_312 : memref<40x128xf32, #tpu.memory_space<vmem_shared>>) dst(%dma_wait3A_310 : memref<40x128xf32, #tpu.memory_space<hbm>>)
        tpu.yield
      }) : () -> ()
    } else {
    }
    %add3A_196 = arith.constant 16 : i32
    %add3A_197 = arith.addi %add3A_196, %arg1 : i32
    %lt3A_198 = arith.constant 250 : i32
    %lt3A_199 = arith.cmpi slt, %add3A_197, %lt3A_198 : i32
    %convert_element_type3A_200 = arith.extui %lt3A_199 : i1 to i32
    %cond3A_201 = arith.constant 0 : i32
    %cond3A_202 = arith.cmpi ne, %convert_element_type3A_200, %cond3A_201 : i32
    scf.if %cond3A_202 {
      %mul3A_301 = arith.constant 40 : i32
      %mul3A_302 = arith.muli %add3A_197, %mul3A_301 : i32
      "tpu.region"() ({
        %run_scoped3A = tpu.sem_alloc : memref<!tpu.dma_semaphore, #tpu.memory_space<semaphore_mem>>
        %dma_start3A_303 = arith.constant 0 : i32
        %dma_start3A_304 = tpu.memref_slice %arg6[%arg0, %mul3A_302, %dma_start3A_303] : memref<2x10000x128xf32, #tpu.memory_space<hbm>> -> memref<1x40x128xf32, #tpu.memory_space<hbm>>
        %dma_start3A_305 = tpu.memref_squeeze %dma_start3A_304 : memref<1x40x128xf32, #tpu.memory_space<hbm>> -> memref<40x128xf32, #tpu.memory_space<hbm>>
        %dma_start3A_306 = arith.constant 0 : i32
        %dma_start3A_307 = tpu.memref_slice %arg7[%mul3A_302, %dma_start3A_306] : memref<10000x128xf32, #tpu.memory_space<vmem_shared>> -> memref<40x128xf32, #tpu.memory_space<vmem_shared>>
        tpu.enqueue_dma source(%dma_start3A_307 : memref<40x128xf32, #tpu.memory_space<vmem_shared>>) target(%dma_start3A_305 : memref<40x128xf32, #tpu.memory_space<hbm>>) target_semaphore(%run_scoped3A : memref<!tpu.dma_semaphore, #tpu.memory_space<semaphore_mem>>)
        %dma_wait3A_308 = arith.constant 0 : i32
        %dma_wait3A_309 = tpu.memref_slice %arg6[%arg0, %mul3A_302, %dma_wait3A_308] : memref<2x10000x128xf32, #tpu.memory_space<hbm>> -> memref<1x40x128xf32, #tpu.memory_space<hbm>>
        %dma_wait3A_310 = tpu.memref_squeeze %dma_wait3A_309 : memref<1x40x128xf32, #tpu.memory_space<hbm>> -> memref<40x128xf32, #tpu.memory_space<hbm>>
        %dma_wait3A_311 = arith.constant 0 : i32
        %dma_wait3A_312 = tpu.memref_slice %arg7[%mul3A_302, %dma_wait3A_311] : memref<10000x128xf32, #tpu.memory_space<vmem_shared>> -> memref<40x128xf32, #tpu.memory_space<vmem_shared>>
        tpu.wait_dma2 semaphore(%run_scoped3A : memref<!tpu.dma_semaphore, #tpu.memory_space<semaphore_mem>>) src(%dma_wait3A_312 : memref<40x128xf32, #tpu.memory_space<vmem_shared>>) dst(%dma_wait3A_310 : memref<40x128xf32, #tpu.memory_space<hbm>>)
        tpu.yield
      }) : () -> ()
    } else {
    }
    %add3A_203 = arith.constant 32 : i32
    %add3A_204 = arith.addi %add3A_203, %arg1 : i32
    %lt3A_205 = arith.constant 250 : i32
    %lt3A_206 = arith.cmpi slt, %add3A_204, %lt3A_205 : i32
    %convert_element_type3A_207 = arith.extui %lt3A_206 : i1 to i32
    %cond3A_208 = arith.constant 0 : i32
    %cond3A_209 = arith.cmpi ne, %convert_element_type3A_207, %cond3A_208 : i32
    scf.if %cond3A_209 {
      %mul3A_301 = arith.constant 40 : i32
      %mul3A_302 = arith.muli %add3A_204, %mul3A_301 : i32
      "tpu.region"() ({
        %run_scoped3A = tpu.sem_alloc : memref<!tpu.dma_semaphore, #tpu.memory_space<semaphore_mem>>
        %dma_start3A_303 = arith.constant 0 : i32
        %dma_start3A_304 = tpu.memref_slice %arg6[%arg0, %mul3A_302, %dma_start3A_303] : memref<2x10000x128xf32, #tpu.memory_space<hbm>> -> memref<1x40x128xf32, #tpu.memory_space<hbm>>
        %dma_start3A_305 = tpu.memref_squeeze %dma_start3A_304 : memref<1x40x128xf32, #tpu.memory_space<hbm>> -> memref<40x128xf32, #tpu.memory_space<hbm>>
        %dma_start3A_306 = arith.constant 0 : i32
        %dma_start3A_307 = tpu.memref_slice %arg7[%mul3A_302, %dma_start3A_306] : memref<10000x128xf32, #tpu.memory_space<vmem_shared>> -> memref<40x128xf32, #tpu.memory_space<vmem_shared>>
        tpu.enqueue_dma source(%dma_start3A_307 : memref<40x128xf32, #tpu.memory_space<vmem_shared>>) target(%dma_start3A_305 : memref<40x128xf32, #tpu.memory_space<hbm>>) target_semaphore(%run_scoped3A : memref<!tpu.dma_semaphore, #tpu.memory_space<semaphore_mem>>)
        %dma_wait3A_308 = arith.constant 0 : i32
        %dma_wait3A_309 = tpu.memref_slice %arg6[%arg0, %mul3A_302, %dma_wait3A_308] : memref<2x10000x128xf32, #tpu.memory_space<hbm>> -> memref<1x40x128xf32, #tpu.memory_space<hbm>>
        %dma_wait3A_310 = tpu.memref_squeeze %dma_wait3A_309 : memref<1x40x128xf32, #tpu.memory_space<hbm>> -> memref<40x128xf32, #tpu.memory_space<hbm>>
        %dma_wait3A_311 = arith.constant 0 : i32
        %dma_wait3A_312 = tpu.memref_slice %arg7[%mul3A_302, %dma_wait3A_311] : memref<10000x128xf32, #tpu.memory_space<vmem_shared>> -> memref<40x128xf32, #tpu.memory_space<vmem_shared>>
        tpu.wait_dma2 semaphore(%run_scoped3A : memref<!tpu.dma_semaphore, #tpu.memory_space<semaphore_mem>>) src(%dma_wait3A_312 : memref<40x128xf32, #tpu.memory_space<vmem_shared>>) dst(%dma_wait3A_310 : memref<40x128xf32, #tpu.memory_space<hbm>>)
        tpu.yield
      }) : () -> ()
    } else {
    }
    %add3A_210 = arith.constant 48 : i32
    %add3A_211 = arith.addi %add3A_210, %arg1 : i32
    %lt3A_212 = arith.constant 250 : i32
    %lt3A_213 = arith.cmpi slt, %add3A_211, %lt3A_212 : i32
    %convert_element_type3A_214 = arith.extui %lt3A_213 : i1 to i32
    %cond3A_215 = arith.constant 0 : i32
    %cond3A_216 = arith.cmpi ne, %convert_element_type3A_214, %cond3A_215 : i32
    scf.if %cond3A_216 {
      %mul3A_301 = arith.constant 40 : i32
      %mul3A_302 = arith.muli %add3A_211, %mul3A_301 : i32
      "tpu.region"() ({
        %run_scoped3A = tpu.sem_alloc : memref<!tpu.dma_semaphore, #tpu.memory_space<semaphore_mem>>
        %dma_start3A_303 = arith.constant 0 : i32
        %dma_start3A_304 = tpu.memref_slice %arg6[%arg0, %mul3A_302, %dma_start3A_303] : memref<2x10000x128xf32, #tpu.memory_space<hbm>> -> memref<1x40x128xf32, #tpu.memory_space<hbm>>
        %dma_start3A_305 = tpu.memref_squeeze %dma_start3A_304 : memref<1x40x128xf32, #tpu.memory_space<hbm>> -> memref<40x128xf32, #tpu.memory_space<hbm>>
        %dma_start3A_306 = arith.constant 0 : i32
        %dma_start3A_307 = tpu.memref_slice %arg7[%mul3A_302, %dma_start3A_306] : memref<10000x128xf32, #tpu.memory_space<vmem_shared>> -> memref<40x128xf32, #tpu.memory_space<vmem_shared>>
        tpu.enqueue_dma source(%dma_start3A_307 : memref<40x128xf32, #tpu.memory_space<vmem_shared>>) target(%dma_start3A_305 : memref<40x128xf32, #tpu.memory_space<hbm>>) target_semaphore(%run_scoped3A : memref<!tpu.dma_semaphore, #tpu.memory_space<semaphore_mem>>)
        %dma_wait3A_308 = arith.constant 0 : i32
        %dma_wait3A_309 = tpu.memref_slice %arg6[%arg0, %mul3A_302, %dma_wait3A_308] : memref<2x10000x128xf32, #tpu.memory_space<hbm>> -> memref<1x40x128xf32, #tpu.memory_space<hbm>>
        %dma_wait3A_310 = tpu.memref_squeeze %dma_wait3A_309 : memref<1x40x128xf32, #tpu.memory_space<hbm>> -> memref<40x128xf32, #tpu.memory_space<hbm>>
        %dma_wait3A_311 = arith.constant 0 : i32
        %dma_wait3A_312 = tpu.memref_slice %arg7[%mul3A_302, %dma_wait3A_311] : memref<10000x128xf32, #tpu.memory_space<vmem_shared>> -> memref<40x128xf32, #tpu.memory_space<vmem_shared>>
        tpu.wait_dma2 semaphore(%run_scoped3A : memref<!tpu.dma_semaphore, #tpu.memory_space<semaphore_mem>>) src(%dma_wait3A_312 : memref<40x128xf32, #tpu.memory_space<vmem_shared>>) dst(%dma_wait3A_310 : memref<40x128xf32, #tpu.memory_space<hbm>>)
        tpu.yield
      }) : () -> ()
    } else {
    }
    %add3A_217 = arith.constant 64 : i32
    %add3A_218 = arith.addi %add3A_217, %arg1 : i32
    %lt3A_219 = arith.constant 250 : i32
    %lt3A_220 = arith.cmpi slt, %add3A_218, %lt3A_219 : i32
    %convert_element_type3A_221 = arith.extui %lt3A_220 : i1 to i32
    %cond3A_222 = arith.constant 0 : i32
    %cond3A_223 = arith.cmpi ne, %convert_element_type3A_221, %cond3A_222 : i32
    scf.if %cond3A_223 {
      %mul3A_301 = arith.constant 40 : i32
      %mul3A_302 = arith.muli %add3A_218, %mul3A_301 : i32
      "tpu.region"() ({
        %run_scoped3A = tpu.sem_alloc : memref<!tpu.dma_semaphore, #tpu.memory_space<semaphore_mem>>
        %dma_start3A_303 = arith.constant 0 : i32
        %dma_start3A_304 = tpu.memref_slice %arg6[%arg0, %mul3A_302, %dma_start3A_303] : memref<2x10000x128xf32, #tpu.memory_space<hbm>> -> memref<1x40x128xf32, #tpu.memory_space<hbm>>
        %dma_start3A_305 = tpu.memref_squeeze %dma_start3A_304 : memref<1x40x128xf32, #tpu.memory_space<hbm>> -> memref<40x128xf32, #tpu.memory_space<hbm>>
        %dma_start3A_306 = arith.constant 0 : i32
        %dma_start3A_307 = tpu.memref_slice %arg7[%mul3A_302, %dma_start3A_306] : memref<10000x128xf32, #tpu.memory_space<vmem_shared>> -> memref<40x128xf32, #tpu.memory_space<vmem_shared>>
        tpu.enqueue_dma source(%dma_start3A_307 : memref<40x128xf32, #tpu.memory_space<vmem_shared>>) target(%dma_start3A_305 : memref<40x128xf32, #tpu.memory_space<hbm>>) target_semaphore(%run_scoped3A : memref<!tpu.dma_semaphore, #tpu.memory_space<semaphore_mem>>)
        %dma_wait3A_308 = arith.constant 0 : i32
        %dma_wait3A_309 = tpu.memref_slice %arg6[%arg0, %mul3A_302, %dma_wait3A_308] : memref<2x10000x128xf32, #tpu.memory_space<hbm>> -> memref<1x40x128xf32, #tpu.memory_space<hbm>>
        %dma_wait3A_310 = tpu.memref_squeeze %dma_wait3A_309 : memref<1x40x128xf32, #tpu.memory_space<hbm>> -> memref<40x128xf32, #tpu.memory_space<hbm>>
        %dma_wait3A_311 = arith.constant 0 : i32
        %dma_wait3A_312 = tpu.memref_slice %arg7[%mul3A_302, %dma_wait3A_311] : memref<10000x128xf32, #tpu.memory_space<vmem_shared>> -> memref<40x128xf32, #tpu.memory_space<vmem_shared>>
        tpu.wait_dma2 semaphore(%run_scoped3A : memref<!tpu.dma_semaphore, #tpu.memory_space<semaphore_mem>>) src(%dma_wait3A_312 : memref<40x128xf32, #tpu.memory_space<vmem_shared>>) dst(%dma_wait3A_310 : memref<40x128xf32, #tpu.memory_space<hbm>>)
        tpu.yield
      }) : () -> ()
    } else {
    }
    %add3A_224 = arith.constant 80 : i32
    %add3A_225 = arith.addi %add3A_224, %arg1 : i32
    %lt3A_226 = arith.constant 250 : i32
    %lt3A_227 = arith.cmpi slt, %add3A_225, %lt3A_226 : i32
    %convert_element_type3A_228 = arith.extui %lt3A_227 : i1 to i32
    %cond3A_229 = arith.constant 0 : i32
    %cond3A_230 = arith.cmpi ne, %convert_element_type3A_228, %cond3A_229 : i32
    scf.if %cond3A_230 {
      %mul3A_301 = arith.constant 40 : i32
      %mul3A_302 = arith.muli %add3A_225, %mul3A_301 : i32
      "tpu.region"() ({
        %run_scoped3A = tpu.sem_alloc : memref<!tpu.dma_semaphore, #tpu.memory_space<semaphore_mem>>
        %dma_start3A_303 = arith.constant 0 : i32
        %dma_start3A_304 = tpu.memref_slice %arg6[%arg0, %mul3A_302, %dma_start3A_303] : memref<2x10000x128xf32, #tpu.memory_space<hbm>> -> memref<1x40x128xf32, #tpu.memory_space<hbm>>
        %dma_start3A_305 = tpu.memref_squeeze %dma_start3A_304 : memref<1x40x128xf32, #tpu.memory_space<hbm>> -> memref<40x128xf32, #tpu.memory_space<hbm>>
        %dma_start3A_306 = arith.constant 0 : i32
        %dma_start3A_307 = tpu.memref_slice %arg7[%mul3A_302, %dma_start3A_306] : memref<10000x128xf32, #tpu.memory_space<vmem_shared>> -> memref<40x128xf32, #tpu.memory_space<vmem_shared>>
        tpu.enqueue_dma source(%dma_start3A_307 : memref<40x128xf32, #tpu.memory_space<vmem_shared>>) target(%dma_start3A_305 : memref<40x128xf32, #tpu.memory_space<hbm>>) target_semaphore(%run_scoped3A : memref<!tpu.dma_semaphore, #tpu.memory_space<semaphore_mem>>)
        %dma_wait3A_308 = arith.constant 0 : i32
        %dma_wait3A_309 = tpu.memref_slice %arg6[%arg0, %mul3A_302, %dma_wait3A_308] : memref<2x10000x128xf32, #tpu.memory_space<hbm>> -> memref<1x40x128xf32, #tpu.memory_space<hbm>>
        %dma_wait3A_310 = tpu.memref_squeeze %dma_wait3A_309 : memref<1x40x128xf32, #tpu.memory_space<hbm>> -> memref<40x128xf32, #tpu.memory_space<hbm>>
        %dma_wait3A_311 = arith.constant 0 : i32
        %dma_wait3A_312 = tpu.memref_slice %arg7[%mul3A_302, %dma_wait3A_311] : memref<10000x128xf32, #tpu.memory_space<vmem_shared>> -> memref<40x128xf32, #tpu.memory_space<vmem_shared>>
        tpu.wait_dma2 semaphore(%run_scoped3A : memref<!tpu.dma_semaphore, #tpu.memory_space<semaphore_mem>>) src(%dma_wait3A_312 : memref<40x128xf32, #tpu.memory_space<vmem_shared>>) dst(%dma_wait3A_310 : memref<40x128xf32, #tpu.memory_space<hbm>>)
        tpu.yield
      }) : () -> ()
    } else {
    }
    %add3A_231 = arith.constant 96 : i32
    %add3A_232 = arith.addi %add3A_231, %arg1 : i32
    %lt3A_233 = arith.constant 250 : i32
    %lt3A_234 = arith.cmpi slt, %add3A_232, %lt3A_233 : i32
    %convert_element_type3A_235 = arith.extui %lt3A_234 : i1 to i32
    %cond3A_236 = arith.constant 0 : i32
    %cond3A_237 = arith.cmpi ne, %convert_element_type3A_235, %cond3A_236 : i32
    scf.if %cond3A_237 {
      %mul3A_301 = arith.constant 40 : i32
      %mul3A_302 = arith.muli %add3A_232, %mul3A_301 : i32
      "tpu.region"() ({
        %run_scoped3A = tpu.sem_alloc : memref<!tpu.dma_semaphore, #tpu.memory_space<semaphore_mem>>
        %dma_start3A_303 = arith.constant 0 : i32
        %dma_start3A_304 = tpu.memref_slice %arg6[%arg0, %mul3A_302, %dma_start3A_303] : memref<2x10000x128xf32, #tpu.memory_space<hbm>> -> memref<1x40x128xf32, #tpu.memory_space<hbm>>
        %dma_start3A_305 = tpu.memref_squeeze %dma_start3A_304 : memref<1x40x128xf32, #tpu.memory_space<hbm>> -> memref<40x128xf32, #tpu.memory_space<hbm>>
        %dma_start3A_306 = arith.constant 0 : i32
        %dma_start3A_307 = tpu.memref_slice %arg7[%mul3A_302, %dma_start3A_306] : memref<10000x128xf32, #tpu.memory_space<vmem_shared>> -> memref<40x128xf32, #tpu.memory_space<vmem_shared>>
        tpu.enqueue_dma source(%dma_start3A_307 : memref<40x128xf32, #tpu.memory_space<vmem_shared>>) target(%dma_start3A_305 : memref<40x128xf32, #tpu.memory_space<hbm>>) target_semaphore(%run_scoped3A : memref<!tpu.dma_semaphore, #tpu.memory_space<semaphore_mem>>)
        %dma_wait3A_308 = arith.constant 0 : i32
        %dma_wait3A_309 = tpu.memref_slice %arg6[%arg0, %mul3A_302, %dma_wait3A_308] : memref<2x10000x128xf32, #tpu.memory_space<hbm>> -> memref<1x40x128xf32, #tpu.memory_space<hbm>>
        %dma_wait3A_310 = tpu.memref_squeeze %dma_wait3A_309 : memref<1x40x128xf32, #tpu.memory_space<hbm>> -> memref<40x128xf32, #tpu.memory_space<hbm>>
        %dma_wait3A_311 = arith.constant 0 : i32
        %dma_wait3A_312 = tpu.memref_slice %arg7[%mul3A_302, %dma_wait3A_311] : memref<10000x128xf32, #tpu.memory_space<vmem_shared>> -> memref<40x128xf32, #tpu.memory_space<vmem_shared>>
        tpu.wait_dma2 semaphore(%run_scoped3A : memref<!tpu.dma_semaphore, #tpu.memory_space<semaphore_mem>>) src(%dma_wait3A_312 : memref<40x128xf32, #tpu.memory_space<vmem_shared>>) dst(%dma_wait3A_310 : memref<40x128xf32, #tpu.memory_space<hbm>>)
        tpu.yield
      }) : () -> ()
    } else {
    }
    %add3A_238 = arith.constant 112 : i32
    %add3A_239 = arith.addi %add3A_238, %arg1 : i32
    %lt3A_240 = arith.constant 250 : i32
    %lt3A_241 = arith.cmpi slt, %add3A_239, %lt3A_240 : i32
    %convert_element_type3A_242 = arith.extui %lt3A_241 : i1 to i32
    %cond3A_243 = arith.constant 0 : i32
    %cond3A_244 = arith.cmpi ne, %convert_element_type3A_242, %cond3A_243 : i32
    scf.if %cond3A_244 {
      %mul3A_301 = arith.constant 40 : i32
      %mul3A_302 = arith.muli %add3A_239, %mul3A_301 : i32
      "tpu.region"() ({
        %run_scoped3A = tpu.sem_alloc : memref<!tpu.dma_semaphore, #tpu.memory_space<semaphore_mem>>
        %dma_start3A_303 = arith.constant 0 : i32
        %dma_start3A_304 = tpu.memref_slice %arg6[%arg0, %mul3A_302, %dma_start3A_303] : memref<2x10000x128xf32, #tpu.memory_space<hbm>> -> memref<1x40x128xf32, #tpu.memory_space<hbm>>
        %dma_start3A_305 = tpu.memref_squeeze %dma_start3A_304 : memref<1x40x128xf32, #tpu.memory_space<hbm>> -> memref<40x128xf32, #tpu.memory_space<hbm>>
        %dma_start3A_306 = arith.constant 0 : i32
        %dma_start3A_307 = tpu.memref_slice %arg7[%mul3A_302, %dma_start3A_306] : memref<10000x128xf32, #tpu.memory_space<vmem_shared>> -> memref<40x128xf32, #tpu.memory_space<vmem_shared>>
        tpu.enqueue_dma source(%dma_start3A_307 : memref<40x128xf32, #tpu.memory_space<vmem_shared>>) target(%dma_start3A_305 : memref<40x128xf32, #tpu.memory_space<hbm>>) target_semaphore(%run_scoped3A : memref<!tpu.dma_semaphore, #tpu.memory_space<semaphore_mem>>)
        %dma_wait3A_308 = arith.constant 0 : i32
        %dma_wait3A_309 = tpu.memref_slice %arg6[%arg0, %mul3A_302, %dma_wait3A_308] : memref<2x10000x128xf32, #tpu.memory_space<hbm>> -> memref<1x40x128xf32, #tpu.memory_space<hbm>>
        %dma_wait3A_310 = tpu.memref_squeeze %dma_wait3A_309 : memref<1x40x128xf32, #tpu.memory_space<hbm>> -> memref<40x128xf32, #tpu.memory_space<hbm>>
        %dma_wait3A_311 = arith.constant 0 : i32
        %dma_wait3A_312 = tpu.memref_slice %arg7[%mul3A_302, %dma_wait3A_311] : memref<10000x128xf32, #tpu.memory_space<vmem_shared>> -> memref<40x128xf32, #tpu.memory_space<vmem_shared>>
        tpu.wait_dma2 semaphore(%run_scoped3A : memref<!tpu.dma_semaphore, #tpu.memory_space<semaphore_mem>>) src(%dma_wait3A_312 : memref<40x128xf32, #tpu.memory_space<vmem_shared>>) dst(%dma_wait3A_310 : memref<40x128xf32, #tpu.memory_space<hbm>>)
        tpu.yield
      }) : () -> ()
    } else {
    }
    %add3A_245 = arith.constant 128 : i32
    %add3A_246 = arith.addi %add3A_245, %arg1 : i32
    %lt3A_247 = arith.constant 250 : i32
    %lt3A_248 = arith.cmpi slt, %add3A_246, %lt3A_247 : i32
    %convert_element_type3A_249 = arith.extui %lt3A_248 : i1 to i32
    %cond3A_250 = arith.constant 0 : i32
    %cond3A_251 = arith.cmpi ne, %convert_element_type3A_249, %cond3A_250 : i32
    scf.if %cond3A_251 {
      %mul3A_301 = arith.constant 40 : i32
      %mul3A_302 = arith.muli %add3A_246, %mul3A_301 : i32
      "tpu.region"() ({
        %run_scoped3A = tpu.sem_alloc : memref<!tpu.dma_semaphore, #tpu.memory_space<semaphore_mem>>
        %dma_start3A_303 = arith.constant 0 : i32
        %dma_start3A_304 = tpu.memref_slice %arg6[%arg0, %mul3A_302, %dma_start3A_303] : memref<2x10000x128xf32, #tpu.memory_space<hbm>> -> memref<1x40x128xf32, #tpu.memory_space<hbm>>
        %dma_start3A_305 = tpu.memref_squeeze %dma_start3A_304 : memref<1x40x128xf32, #tpu.memory_space<hbm>> -> memref<40x128xf32, #tpu.memory_space<hbm>>
        %dma_start3A_306 = arith.constant 0 : i32
        %dma_start3A_307 = tpu.memref_slice %arg7[%mul3A_302, %dma_start3A_306] : memref<10000x128xf32, #tpu.memory_space<vmem_shared>> -> memref<40x128xf32, #tpu.memory_space<vmem_shared>>
        tpu.enqueue_dma source(%dma_start3A_307 : memref<40x128xf32, #tpu.memory_space<vmem_shared>>) target(%dma_start3A_305 : memref<40x128xf32, #tpu.memory_space<hbm>>) target_semaphore(%run_scoped3A : memref<!tpu.dma_semaphore, #tpu.memory_space<semaphore_mem>>)
        %dma_wait3A_308 = arith.constant 0 : i32
        %dma_wait3A_309 = tpu.memref_slice %arg6[%arg0, %mul3A_302, %dma_wait3A_308] : memref<2x10000x128xf32, #tpu.memory_space<hbm>> -> memref<1x40x128xf32, #tpu.memory_space<hbm>>
        %dma_wait3A_310 = tpu.memref_squeeze %dma_wait3A_309 : memref<1x40x128xf32, #tpu.memory_space<hbm>> -> memref<40x128xf32, #tpu.memory_space<hbm>>
        %dma_wait3A_311 = arith.constant 0 : i32
        %dma_wait3A_312 = tpu.memref_slice %arg7[%mul3A_302, %dma_wait3A_311] : memref<10000x128xf32, #tpu.memory_space<vmem_shared>> -> memref<40x128xf32, #tpu.memory_space<vmem_shared>>
        tpu.wait_dma2 semaphore(%run_scoped3A : memref<!tpu.dma_semaphore, #tpu.memory_space<semaphore_mem>>) src(%dma_wait3A_312 : memref<40x128xf32, #tpu.memory_space<vmem_shared>>) dst(%dma_wait3A_310 : memref<40x128xf32, #tpu.memory_space<hbm>>)
        tpu.yield
      }) : () -> ()
    } else {
    }
    %add3A_252 = arith.constant 144 : i32
    %add3A_253 = arith.addi %add3A_252, %arg1 : i32
    %lt3A_254 = arith.constant 250 : i32
    %lt3A_255 = arith.cmpi slt, %add3A_253, %lt3A_254 : i32
    %convert_element_type3A_256 = arith.extui %lt3A_255 : i1 to i32
    %cond3A_257 = arith.constant 0 : i32
    %cond3A_258 = arith.cmpi ne, %convert_element_type3A_256, %cond3A_257 : i32
    scf.if %cond3A_258 {
      %mul3A_301 = arith.constant 40 : i32
      %mul3A_302 = arith.muli %add3A_253, %mul3A_301 : i32
      "tpu.region"() ({
        %run_scoped3A = tpu.sem_alloc : memref<!tpu.dma_semaphore, #tpu.memory_space<semaphore_mem>>
        %dma_start3A_303 = arith.constant 0 : i32
        %dma_start3A_304 = tpu.memref_slice %arg6[%arg0, %mul3A_302, %dma_start3A_303] : memref<2x10000x128xf32, #tpu.memory_space<hbm>> -> memref<1x40x128xf32, #tpu.memory_space<hbm>>
        %dma_start3A_305 = tpu.memref_squeeze %dma_start3A_304 : memref<1x40x128xf32, #tpu.memory_space<hbm>> -> memref<40x128xf32, #tpu.memory_space<hbm>>
        %dma_start3A_306 = arith.constant 0 : i32
        %dma_start3A_307 = tpu.memref_slice %arg7[%mul3A_302, %dma_start3A_306] : memref<10000x128xf32, #tpu.memory_space<vmem_shared>> -> memref<40x128xf32, #tpu.memory_space<vmem_shared>>
        tpu.enqueue_dma source(%dma_start3A_307 : memref<40x128xf32, #tpu.memory_space<vmem_shared>>) target(%dma_start3A_305 : memref<40x128xf32, #tpu.memory_space<hbm>>) target_semaphore(%run_scoped3A : memref<!tpu.dma_semaphore, #tpu.memory_space<semaphore_mem>>)
        %dma_wait3A_308 = arith.constant 0 : i32
        %dma_wait3A_309 = tpu.memref_slice %arg6[%arg0, %mul3A_302, %dma_wait3A_308] : memref<2x10000x128xf32, #tpu.memory_space<hbm>> -> memref<1x40x128xf32, #tpu.memory_space<hbm>>
        %dma_wait3A_310 = tpu.memref_squeeze %dma_wait3A_309 : memref<1x40x128xf32, #tpu.memory_space<hbm>> -> memref<40x128xf32, #tpu.memory_space<hbm>>
        %dma_wait3A_311 = arith.constant 0 : i32
        %dma_wait3A_312 = tpu.memref_slice %arg7[%mul3A_302, %dma_wait3A_311] : memref<10000x128xf32, #tpu.memory_space<vmem_shared>> -> memref<40x128xf32, #tpu.memory_space<vmem_shared>>
        tpu.wait_dma2 semaphore(%run_scoped3A : memref<!tpu.dma_semaphore, #tpu.memory_space<semaphore_mem>>) src(%dma_wait3A_312 : memref<40x128xf32, #tpu.memory_space<vmem_shared>>) dst(%dma_wait3A_310 : memref<40x128xf32, #tpu.memory_space<hbm>>)
        tpu.yield
      }) : () -> ()
    } else {
    }
    %add3A_259 = arith.constant 160 : i32
    %add3A_260 = arith.addi %add3A_259, %arg1 : i32
    %lt3A_261 = arith.constant 250 : i32
    %lt3A_262 = arith.cmpi slt, %add3A_260, %lt3A_261 : i32
    %convert_element_type3A_263 = arith.extui %lt3A_262 : i1 to i32
    %cond3A_264 = arith.constant 0 : i32
    %cond3A_265 = arith.cmpi ne, %convert_element_type3A_263, %cond3A_264 : i32
    scf.if %cond3A_265 {
      %mul3A_301 = arith.constant 40 : i32
      %mul3A_302 = arith.muli %add3A_260, %mul3A_301 : i32
      "tpu.region"() ({
        %run_scoped3A = tpu.sem_alloc : memref<!tpu.dma_semaphore, #tpu.memory_space<semaphore_mem>>
        %dma_start3A_303 = arith.constant 0 : i32
        %dma_start3A_304 = tpu.memref_slice %arg6[%arg0, %mul3A_302, %dma_start3A_303] : memref<2x10000x128xf32, #tpu.memory_space<hbm>> -> memref<1x40x128xf32, #tpu.memory_space<hbm>>
        %dma_start3A_305 = tpu.memref_squeeze %dma_start3A_304 : memref<1x40x128xf32, #tpu.memory_space<hbm>> -> memref<40x128xf32, #tpu.memory_space<hbm>>
        %dma_start3A_306 = arith.constant 0 : i32
        %dma_start3A_307 = tpu.memref_slice %arg7[%mul3A_302, %dma_start3A_306] : memref<10000x128xf32, #tpu.memory_space<vmem_shared>> -> memref<40x128xf32, #tpu.memory_space<vmem_shared>>
        tpu.enqueue_dma source(%dma_start3A_307 : memref<40x128xf32, #tpu.memory_space<vmem_shared>>) target(%dma_start3A_305 : memref<40x128xf32, #tpu.memory_space<hbm>>) target_semaphore(%run_scoped3A : memref<!tpu.dma_semaphore, #tpu.memory_space<semaphore_mem>>)
        %dma_wait3A_308 = arith.constant 0 : i32
        %dma_wait3A_309 = tpu.memref_slice %arg6[%arg0, %mul3A_302, %dma_wait3A_308] : memref<2x10000x128xf32, #tpu.memory_space<hbm>> -> memref<1x40x128xf32, #tpu.memory_space<hbm>>
        %dma_wait3A_310 = tpu.memref_squeeze %dma_wait3A_309 : memref<1x40x128xf32, #tpu.memory_space<hbm>> -> memref<40x128xf32, #tpu.memory_space<hbm>>
        %dma_wait3A_311 = arith.constant 0 : i32
        %dma_wait3A_312 = tpu.memref_slice %arg7[%mul3A_302, %dma_wait3A_311] : memref<10000x128xf32, #tpu.memory_space<vmem_shared>> -> memref<40x128xf32, #tpu.memory_space<vmem_shared>>
        tpu.wait_dma2 semaphore(%run_scoped3A : memref<!tpu.dma_semaphore, #tpu.memory_space<semaphore_mem>>) src(%dma_wait3A_312 : memref<40x128xf32, #tpu.memory_space<vmem_shared>>) dst(%dma_wait3A_310 : memref<40x128xf32, #tpu.memory_space<hbm>>)
        tpu.yield
      }) : () -> ()
    } else {
    }
    %add3A_266 = arith.constant 176 : i32
    %add3A_267 = arith.addi %add3A_266, %arg1 : i32
    %lt3A_268 = arith.constant 250 : i32
    %lt3A_269 = arith.cmpi slt, %add3A_267, %lt3A_268 : i32
    %convert_element_type3A_270 = arith.extui %lt3A_269 : i1 to i32
    %cond3A_271 = arith.constant 0 : i32
    %cond3A_272 = arith.cmpi ne, %convert_element_type3A_270, %cond3A_271 : i32
    scf.if %cond3A_272 {
      %mul3A_301 = arith.constant 40 : i32
      %mul3A_302 = arith.muli %add3A_267, %mul3A_301 : i32
      "tpu.region"() ({
        %run_scoped3A = tpu.sem_alloc : memref<!tpu.dma_semaphore, #tpu.memory_space<semaphore_mem>>
        %dma_start3A_303 = arith.constant 0 : i32
        %dma_start3A_304 = tpu.memref_slice %arg6[%arg0, %mul3A_302, %dma_start3A_303] : memref<2x10000x128xf32, #tpu.memory_space<hbm>> -> memref<1x40x128xf32, #tpu.memory_space<hbm>>
        %dma_start3A_305 = tpu.memref_squeeze %dma_start3A_304 : memref<1x40x128xf32, #tpu.memory_space<hbm>> -> memref<40x128xf32, #tpu.memory_space<hbm>>
        %dma_start3A_306 = arith.constant 0 : i32
        %dma_start3A_307 = tpu.memref_slice %arg7[%mul3A_302, %dma_start3A_306] : memref<10000x128xf32, #tpu.memory_space<vmem_shared>> -> memref<40x128xf32, #tpu.memory_space<vmem_shared>>
        tpu.enqueue_dma source(%dma_start3A_307 : memref<40x128xf32, #tpu.memory_space<vmem_shared>>) target(%dma_start3A_305 : memref<40x128xf32, #tpu.memory_space<hbm>>) target_semaphore(%run_scoped3A : memref<!tpu.dma_semaphore, #tpu.memory_space<semaphore_mem>>)
        %dma_wait3A_308 = arith.constant 0 : i32
        %dma_wait3A_309 = tpu.memref_slice %arg6[%arg0, %mul3A_302, %dma_wait3A_308] : memref<2x10000x128xf32, #tpu.memory_space<hbm>> -> memref<1x40x128xf32, #tpu.memory_space<hbm>>
        %dma_wait3A_310 = tpu.memref_squeeze %dma_wait3A_309 : memref<1x40x128xf32, #tpu.memory_space<hbm>> -> memref<40x128xf32, #tpu.memory_space<hbm>>
        %dma_wait3A_311 = arith.constant 0 : i32
        %dma_wait3A_312 = tpu.memref_slice %arg7[%mul3A_302, %dma_wait3A_311] : memref<10000x128xf32, #tpu.memory_space<vmem_shared>> -> memref<40x128xf32, #tpu.memory_space<vmem_shared>>
        tpu.wait_dma2 semaphore(%run_scoped3A : memref<!tpu.dma_semaphore, #tpu.memory_space<semaphore_mem>>) src(%dma_wait3A_312 : memref<40x128xf32, #tpu.memory_space<vmem_shared>>) dst(%dma_wait3A_310 : memref<40x128xf32, #tpu.memory_space<hbm>>)
        tpu.yield
      }) : () -> ()
    } else {
    }
    %add3A_273 = arith.constant 192 : i32
    %add3A_274 = arith.addi %add3A_273, %arg1 : i32
    %lt3A_275 = arith.constant 250 : i32
    %lt3A_276 = arith.cmpi slt, %add3A_274, %lt3A_275 : i32
    %convert_element_type3A_277 = arith.extui %lt3A_276 : i1 to i32
    %cond3A_278 = arith.constant 0 : i32
    %cond3A_279 = arith.cmpi ne, %convert_element_type3A_277, %cond3A_278 : i32
    scf.if %cond3A_279 {
      %mul3A_301 = arith.constant 40 : i32
      %mul3A_302 = arith.muli %add3A_274, %mul3A_301 : i32
      "tpu.region"() ({
        %run_scoped3A = tpu.sem_alloc : memref<!tpu.dma_semaphore, #tpu.memory_space<semaphore_mem>>
        %dma_start3A_303 = arith.constant 0 : i32
        %dma_start3A_304 = tpu.memref_slice %arg6[%arg0, %mul3A_302, %dma_start3A_303] : memref<2x10000x128xf32, #tpu.memory_space<hbm>> -> memref<1x40x128xf32, #tpu.memory_space<hbm>>
        %dma_start3A_305 = tpu.memref_squeeze %dma_start3A_304 : memref<1x40x128xf32, #tpu.memory_space<hbm>> -> memref<40x128xf32, #tpu.memory_space<hbm>>
        %dma_start3A_306 = arith.constant 0 : i32
        %dma_start3A_307 = tpu.memref_slice %arg7[%mul3A_302, %dma_start3A_306] : memref<10000x128xf32, #tpu.memory_space<vmem_shared>> -> memref<40x128xf32, #tpu.memory_space<vmem_shared>>
        tpu.enqueue_dma source(%dma_start3A_307 : memref<40x128xf32, #tpu.memory_space<vmem_shared>>) target(%dma_start3A_305 : memref<40x128xf32, #tpu.memory_space<hbm>>) target_semaphore(%run_scoped3A : memref<!tpu.dma_semaphore, #tpu.memory_space<semaphore_mem>>)
        %dma_wait3A_308 = arith.constant 0 : i32
        %dma_wait3A_309 = tpu.memref_slice %arg6[%arg0, %mul3A_302, %dma_wait3A_308] : memref<2x10000x128xf32, #tpu.memory_space<hbm>> -> memref<1x40x128xf32, #tpu.memory_space<hbm>>
        %dma_wait3A_310 = tpu.memref_squeeze %dma_wait3A_309 : memref<1x40x128xf32, #tpu.memory_space<hbm>> -> memref<40x128xf32, #tpu.memory_space<hbm>>
        %dma_wait3A_311 = arith.constant 0 : i32
        %dma_wait3A_312 = tpu.memref_slice %arg7[%mul3A_302, %dma_wait3A_311] : memref<10000x128xf32, #tpu.memory_space<vmem_shared>> -> memref<40x128xf32, #tpu.memory_space<vmem_shared>>
        tpu.wait_dma2 semaphore(%run_scoped3A : memref<!tpu.dma_semaphore, #tpu.memory_space<semaphore_mem>>) src(%dma_wait3A_312 : memref<40x128xf32, #tpu.memory_space<vmem_shared>>) dst(%dma_wait3A_310 : memref<40x128xf32, #tpu.memory_space<hbm>>)
        tpu.yield
      }) : () -> ()
    } else {
    }
    %add3A_280 = arith.constant 208 : i32
    %add3A_281 = arith.addi %add3A_280, %arg1 : i32
    %lt3A_282 = arith.constant 250 : i32
    %lt3A_283 = arith.cmpi slt, %add3A_281, %lt3A_282 : i32
    %convert_element_type3A_284 = arith.extui %lt3A_283 : i1 to i32
    %cond3A_285 = arith.constant 0 : i32
    %cond3A_286 = arith.cmpi ne, %convert_element_type3A_284, %cond3A_285 : i32
    scf.if %cond3A_286 {
      %mul3A_301 = arith.constant 40 : i32
      %mul3A_302 = arith.muli %add3A_281, %mul3A_301 : i32
      "tpu.region"() ({
        %run_scoped3A = tpu.sem_alloc : memref<!tpu.dma_semaphore, #tpu.memory_space<semaphore_mem>>
        %dma_start3A_303 = arith.constant 0 : i32
        %dma_start3A_304 = tpu.memref_slice %arg6[%arg0, %mul3A_302, %dma_start3A_303] : memref<2x10000x128xf32, #tpu.memory_space<hbm>> -> memref<1x40x128xf32, #tpu.memory_space<hbm>>
        %dma_start3A_305 = tpu.memref_squeeze %dma_start3A_304 : memref<1x40x128xf32, #tpu.memory_space<hbm>> -> memref<40x128xf32, #tpu.memory_space<hbm>>
        %dma_start3A_306 = arith.constant 0 : i32
        %dma_start3A_307 = tpu.memref_slice %arg7[%mul3A_302, %dma_start3A_306] : memref<10000x128xf32, #tpu.memory_space<vmem_shared>> -> memref<40x128xf32, #tpu.memory_space<vmem_shared>>
        tpu.enqueue_dma source(%dma_start3A_307 : memref<40x128xf32, #tpu.memory_space<vmem_shared>>) target(%dma_start3A_305 : memref<40x128xf32, #tpu.memory_space<hbm>>) target_semaphore(%run_scoped3A : memref<!tpu.dma_semaphore, #tpu.memory_space<semaphore_mem>>)
        %dma_wait3A_308 = arith.constant 0 : i32
        %dma_wait3A_309 = tpu.memref_slice %arg6[%arg0, %mul3A_302, %dma_wait3A_308] : memref<2x10000x128xf32, #tpu.memory_space<hbm>> -> memref<1x40x128xf32, #tpu.memory_space<hbm>>
        %dma_wait3A_310 = tpu.memref_squeeze %dma_wait3A_309 : memref<1x40x128xf32, #tpu.memory_space<hbm>> -> memref<40x128xf32, #tpu.memory_space<hbm>>
        %dma_wait3A_311 = arith.constant 0 : i32
        %dma_wait3A_312 = tpu.memref_slice %arg7[%mul3A_302, %dma_wait3A_311] : memref<10000x128xf32, #tpu.memory_space<vmem_shared>> -> memref<40x128xf32, #tpu.memory_space<vmem_shared>>
        tpu.wait_dma2 semaphore(%run_scoped3A : memref<!tpu.dma_semaphore, #tpu.memory_space<semaphore_mem>>) src(%dma_wait3A_312 : memref<40x128xf32, #tpu.memory_space<vmem_shared>>) dst(%dma_wait3A_310 : memref<40x128xf32, #tpu.memory_space<hbm>>)
        tpu.yield
      }) : () -> ()
    } else {
    }
    %add3A_287 = arith.constant 224 : i32
    %add3A_288 = arith.addi %add3A_287, %arg1 : i32
    %lt3A_289 = arith.constant 250 : i32
    %lt3A_290 = arith.cmpi slt, %add3A_288, %lt3A_289 : i32
    %convert_element_type3A_291 = arith.extui %lt3A_290 : i1 to i32
    %cond3A_292 = arith.constant 0 : i32
    %cond3A_293 = arith.cmpi ne, %convert_element_type3A_291, %cond3A_292 : i32
    scf.if %cond3A_293 {
      %mul3A_301 = arith.constant 40 : i32
      %mul3A_302 = arith.muli %add3A_288, %mul3A_301 : i32
      "tpu.region"() ({
        %run_scoped3A = tpu.sem_alloc : memref<!tpu.dma_semaphore, #tpu.memory_space<semaphore_mem>>
        %dma_start3A_303 = arith.constant 0 : i32
        %dma_start3A_304 = tpu.memref_slice %arg6[%arg0, %mul3A_302, %dma_start3A_303] : memref<2x10000x128xf32, #tpu.memory_space<hbm>> -> memref<1x40x128xf32, #tpu.memory_space<hbm>>
        %dma_start3A_305 = tpu.memref_squeeze %dma_start3A_304 : memref<1x40x128xf32, #tpu.memory_space<hbm>> -> memref<40x128xf32, #tpu.memory_space<hbm>>
        %dma_start3A_306 = arith.constant 0 : i32
        %dma_start3A_307 = tpu.memref_slice %arg7[%mul3A_302, %dma_start3A_306] : memref<10000x128xf32, #tpu.memory_space<vmem_shared>> -> memref<40x128xf32, #tpu.memory_space<vmem_shared>>
        tpu.enqueue_dma source(%dma_start3A_307 : memref<40x128xf32, #tpu.memory_space<vmem_shared>>) target(%dma_start3A_305 : memref<40x128xf32, #tpu.memory_space<hbm>>) target_semaphore(%run_scoped3A : memref<!tpu.dma_semaphore, #tpu.memory_space<semaphore_mem>>)
        %dma_wait3A_308 = arith.constant 0 : i32
        %dma_wait3A_309 = tpu.memref_slice %arg6[%arg0, %mul3A_302, %dma_wait3A_308] : memref<2x10000x128xf32, #tpu.memory_space<hbm>> -> memref<1x40x128xf32, #tpu.memory_space<hbm>>
        %dma_wait3A_310 = tpu.memref_squeeze %dma_wait3A_309 : memref<1x40x128xf32, #tpu.memory_space<hbm>> -> memref<40x128xf32, #tpu.memory_space<hbm>>
        %dma_wait3A_311 = arith.constant 0 : i32
        %dma_wait3A_312 = tpu.memref_slice %arg7[%mul3A_302, %dma_wait3A_311] : memref<10000x128xf32, #tpu.memory_space<vmem_shared>> -> memref<40x128xf32, #tpu.memory_space<vmem_shared>>
        tpu.wait_dma2 semaphore(%run_scoped3A : memref<!tpu.dma_semaphore, #tpu.memory_space<semaphore_mem>>) src(%dma_wait3A_312 : memref<40x128xf32, #tpu.memory_space<vmem_shared>>) dst(%dma_wait3A_310 : memref<40x128xf32, #tpu.memory_space<hbm>>)
        tpu.yield
      }) : () -> ()
    } else {
    }
    %add3A_294 = arith.constant 240 : i32
    %add3A_295 = arith.addi %add3A_294, %arg1 : i32
    %lt3A_296 = arith.constant 250 : i32
    %lt3A_297 = arith.cmpi slt, %add3A_295, %lt3A_296 : i32
    %convert_element_type3A_298 = arith.extui %lt3A_297 : i1 to i32
    %cond3A_299 = arith.constant 0 : i32
    %cond3A_300 = arith.cmpi ne, %convert_element_type3A_298, %cond3A_299 : i32
    scf.if %cond3A_300 {
      %mul3A_301 = arith.constant 40 : i32
      %mul3A_302 = arith.muli %add3A_295, %mul3A_301 : i32
      "tpu.region"() ({
        %run_scoped3A = tpu.sem_alloc : memref<!tpu.dma_semaphore, #tpu.memory_space<semaphore_mem>>
        %dma_start3A_303 = arith.constant 0 : i32
        %dma_start3A_304 = tpu.memref_slice %arg6[%arg0, %mul3A_302, %dma_start3A_303] : memref<2x10000x128xf32, #tpu.memory_space<hbm>> -> memref<1x40x128xf32, #tpu.memory_space<hbm>>
        %dma_start3A_305 = tpu.memref_squeeze %dma_start3A_304 : memref<1x40x128xf32, #tpu.memory_space<hbm>> -> memref<40x128xf32, #tpu.memory_space<hbm>>
        %dma_start3A_306 = arith.constant 0 : i32
        %dma_start3A_307 = tpu.memref_slice %arg7[%mul3A_302, %dma_start3A_306] : memref<10000x128xf32, #tpu.memory_space<vmem_shared>> -> memref<40x128xf32, #tpu.memory_space<vmem_shared>>
        tpu.enqueue_dma source(%dma_start3A_307 : memref<40x128xf32, #tpu.memory_space<vmem_shared>>) target(%dma_start3A_305 : memref<40x128xf32, #tpu.memory_space<hbm>>) target_semaphore(%run_scoped3A : memref<!tpu.dma_semaphore, #tpu.memory_space<semaphore_mem>>)
        %dma_wait3A_308 = arith.constant 0 : i32
        %dma_wait3A_309 = tpu.memref_slice %arg6[%arg0, %mul3A_302, %dma_wait3A_308] : memref<2x10000x128xf32, #tpu.memory_space<hbm>> -> memref<1x40x128xf32, #tpu.memory_space<hbm>>
        %dma_wait3A_310 = tpu.memref_squeeze %dma_wait3A_309 : memref<1x40x128xf32, #tpu.memory_space<hbm>> -> memref<40x128xf32, #tpu.memory_space<hbm>>
        %dma_wait3A_311 = arith.constant 0 : i32
        %dma_wait3A_312 = tpu.memref_slice %arg7[%mul3A_302, %dma_wait3A_311] : memref<10000x128xf32, #tpu.memory_space<vmem_shared>> -> memref<40x128xf32, #tpu.memory_space<vmem_shared>>
        tpu.wait_dma2 semaphore(%run_scoped3A : memref<!tpu.dma_semaphore, #tpu.memory_space<semaphore_mem>>) src(%dma_wait3A_312 : memref<40x128xf32, #tpu.memory_space<vmem_shared>>) dst(%dma_wait3A_310 : memref<40x128xf32, #tpu.memory_space<hbm>>)
        tpu.yield
      }) : () -> ()
    } else {
    }
    return
  }
}

module attributes {stable_mosaic.version = 14 : i64} {
  func.func @_tc_mlp_body(%arg0: i32, %arg1: memref<4000x16xf32, #tpu.memory_space<vmem>>, %arg2: memref<4000x16xf32, #tpu.memory_space<vmem>>, %arg3: memref<4000x1xf32, #tpu.memory_space<vmem>>, %arg4: memref<16x32xf32, #tpu.memory_space<vmem>>, %arg5: memref<16x32xf32, #tpu.memory_space<vmem>>, %arg6: memref<1x32xf32, #tpu.memory_space<vmem>>, %arg7: memref<32x128xf32, #tpu.memory_space<vmem>>, %arg8: memref<1x128xf32, #tpu.memory_space<vmem>>, %arg9: memref<4000x128xf32, #tpu.memory_space<vmem>>) attributes {dimension_semantics = [#tpu.dimension_semantics<arbitrary>], iteration_bounds = array<i64: 80>, scalar_prefetch = 0 : i64, scratch_operands = 0 : i64, tpu.core_type = #tpu.core_type<tc>, window_params = [{transform_indices = @transform_0, window_bounds = array<i64: 4000, 16>}, {transform_indices = @transform_1, window_bounds = array<i64: 4000, 16>}, {transform_indices = @transform_2, window_bounds = array<i64: 4000, 1>}, {pipeline_mode = #tpu.pipeline_mode<synchronous>, transform_indices = @transform_3, window_bounds = array<i64: 16, 32>}, {pipeline_mode = #tpu.pipeline_mode<synchronous>, transform_indices = @transform_4, window_bounds = array<i64: 16, 32>}, {pipeline_mode = #tpu.pipeline_mode<synchronous>, transform_indices = @transform_5, window_bounds = array<i64: 1, 32>}, {pipeline_mode = #tpu.pipeline_mode<synchronous>, transform_indices = @transform_6, window_bounds = array<i64: 32, 128>}, {pipeline_mode = #tpu.pipeline_mode<synchronous>, transform_indices = @transform_7, window_bounds = array<i64: 1, 128>}, {transform_indices = @transform_8, window_bounds = array<i64: 4000, 128>}]} {
    %get3A = arith.constant 0 : index
    %get3A_0 = arith.constant 0 : index
    %get3A_1 = vector.load %arg1[%get3A, %get3A_0] : memref<4000x16xf32, #tpu.memory_space<vmem>>, vector<4000x16xf32>
    %convert_element_type3A = arith.truncf %get3A_1 : vector<4000x16xf32> to vector<4000x16xbf16>
    %get3A_2 = arith.constant 0 : index
    %get3A_3 = arith.constant 0 : index
    %get3A_4 = vector.load %arg4[%get3A_2, %get3A_3] : memref<16x32xf32, #tpu.memory_space<vmem>>, vector<16x32xf32>
    %convert_element_type3A_5 = arith.truncf %get3A_4 : vector<16x32xf32> to vector<16x32xbf16>
    %dot_general3A = arith.constant dense<0.000000e+00> : vector<4000x32xf32>
    %dot_general3A_6 = tpu.matmul %convert_element_type3A, %convert_element_type3A_5, %dot_general3A {dimension_numbers = #tpu.dot_dimension_numbers<[1], [0], [0], [1], [0, 0, 1, 1], [], []>, transpose_lhs_hint = false} : vector<4000x16xbf16>, vector<16x32xbf16>, vector<4000x32xf32> -> vector<4000x32xf32>
    %get3A_7 = arith.constant 0 : index
    %get3A_8 = arith.constant 0 : index
    %get3A_9 = vector.load %arg2[%get3A_7, %get3A_8] : memref<4000x16xf32, #tpu.memory_space<vmem>>, vector<4000x16xf32>
    %convert_element_type3A_10 = arith.truncf %get3A_9 : vector<4000x16xf32> to vector<4000x16xbf16>
    %get3A_11 = arith.constant 0 : index
    %get3A_12 = arith.constant 0 : index
    %get3A_13 = vector.load %arg5[%get3A_11, %get3A_12] : memref<16x32xf32, #tpu.memory_space<vmem>>, vector<16x32xf32>
    %convert_element_type3A_14 = arith.truncf %get3A_13 : vector<16x32xf32> to vector<16x32xbf16>
    %dot_general3A_15 = arith.constant dense<0.000000e+00> : vector<4000x32xf32>
    %dot_general3A_16 = tpu.matmul %convert_element_type3A_10, %convert_element_type3A_14, %dot_general3A_15 {dimension_numbers = #tpu.dot_dimension_numbers<[1], [0], [0], [1], [0, 0, 1, 1], [], []>, transpose_lhs_hint = false} : vector<4000x16xbf16>, vector<16x32xbf16>, vector<4000x32xf32> -> vector<4000x32xf32>
    %add3A = arith.addf %dot_general3A_6, %dot_general3A_16 : vector<4000x32xf32>
    %get3A_17 = arith.constant 0 : index
    %get3A_18 = arith.constant 0 : index
    %get3A_19 = vector.load %arg6[%get3A_17, %get3A_18] : memref<1x32xf32, #tpu.memory_space<vmem>>, vector<1x32xf32>
    %add3A_20 = vector.broadcast %get3A_19 : vector<1x32xf32> to vector<4000x32xf32>
    %add3A_21 = arith.addf %add3A, %add3A_20 : vector<4000x32xf32>
    %max3A = arith.constant 0.000000e+00 : f32
    %max3A_22 = vector.broadcast %max3A : f32 to vector<4000x32xf32>
    %max3A_23 = arith.maximumf %add3A_21, %max3A_22 : vector<4000x32xf32>
    %convert_element_type3A_24 = arith.truncf %max3A_23 : vector<4000x32xf32> to vector<4000x32xbf16>
    %get3A_25 = arith.constant 0 : index
    %get3A_26 = arith.constant 0 : index
    %get3A_27 = vector.load %arg7[%get3A_25, %get3A_26] : memref<32x128xf32, #tpu.memory_space<vmem>>, vector<32x128xf32>
    %convert_element_type3A_28 = arith.truncf %get3A_27 : vector<32x128xf32> to vector<32x128xbf16>
    %dot_general3A_29 = arith.constant dense<0.000000e+00> : vector<4000x128xf32>
    %dot_general3A_30 = tpu.matmul %convert_element_type3A_24, %convert_element_type3A_28, %dot_general3A_29 {dimension_numbers = #tpu.dot_dimension_numbers<[1], [0], [0], [1], [0, 0, 1, 1], [], []>, transpose_lhs_hint = false} : vector<4000x32xbf16>, vector<32x128xbf16>, vector<4000x128xf32> -> vector<4000x128xf32>
    %get3A_31 = arith.constant 0 : index
    %get3A_32 = arith.constant 0 : index
    %get3A_33 = vector.load %arg8[%get3A_31, %get3A_32] : memref<1x128xf32, #tpu.memory_space<vmem>>, vector<1x128xf32>
    %add3A_34 = vector.broadcast %get3A_33 : vector<1x128xf32> to vector<4000x128xf32>
    %add3A_35 = arith.addf %dot_general3A_30, %add3A_34 : vector<4000x128xf32>
    %get3A_36 = arith.constant 0 : index
    %get3A_37 = arith.constant 0 : index
    %get3A_38 = vector.load %arg3[%get3A_36, %get3A_37] : memref<4000x1xf32, #tpu.memory_space<vmem>>, vector<4000x1xf32>
    %mul3A = vector.broadcast %get3A_38 : vector<4000x1xf32> to vector<4000x128xf32>
    %mul3A_39 = arith.mulf %add3A_35, %mul3A : vector<4000x128xf32>
    %swap3A = arith.constant 0 : index
    %swap3A_40 = arith.constant 0 : index
    %swap3A_41 = vector.load %arg9[%swap3A, %swap3A_40] : memref<4000x128xf32, #tpu.memory_space<vmem>>, vector<4000x128xf32>
    tpu.vector_store %arg9[%swap3A, %swap3A_40], %mul3A_39 {strides = array<i32>} : memref<4000x128xf32, #tpu.memory_space<vmem>>, vector<4000x128xf32>,
    return
  }
  func.func @transform_0(%arg0: i32) -> (i32, i32) {
    %c0_i32 = arith.constant 0 : i32
    %c0_i32_0 = arith.constant 0 : i32
    return %arg0, %c0_i32 : i32, i32
  }
  func.func @transform_1(%arg0: i32) -> (i32, i32) {
    %c0_i32 = arith.constant 0 : i32
    %c0_i32_0 = arith.constant 0 : i32
    return %arg0, %c0_i32 : i32, i32
  }
  func.func @transform_2(%arg0: i32) -> (i32, i32) {
    %c0_i32 = arith.constant 0 : i32
    %c0_i32_0 = arith.constant 0 : i32
    return %arg0, %c0_i32 : i32, i32
  }
  func.func @transform_3(%arg0: i32) -> (i32, i32) {
    %c0_i32 = arith.constant 0 : i32
    %c0_i32_0 = arith.constant 0 : i32
    %c0_i32_1 = arith.constant 0 : i32
    return %c0_i32, %c0_i32_0 : i32, i32
  }
  func.func @transform_4(%arg0: i32) -> (i32, i32) {
    %c0_i32 = arith.constant 0 : i32
    %c0_i32_0 = arith.constant 0 : i32
    %c0_i32_1 = arith.constant 0 : i32
    return %c0_i32, %c0_i32_0 : i32, i32
  }
  func.func @transform_5(%arg0: i32) -> (i32, i32) {
    %c0_i32 = arith.constant 0 : i32
    %c0_i32_0 = arith.constant 0 : i32
    %c0_i32_1 = arith.constant 0 : i32
    return %c0_i32, %c0_i32_0 : i32, i32
  }
  func.func @transform_6(%arg0: i32) -> (i32, i32) {
    %c0_i32 = arith.constant 0 : i32
    %c0_i32_0 = arith.constant 0 : i32
    %c0_i32_1 = arith.constant 0 : i32
    return %c0_i32, %c0_i32_0 : i32, i32
  }
  func.func @transform_7(%arg0: i32) -> (i32, i32) {
    %c0_i32 = arith.constant 0 : i32
    %c0_i32_0 = arith.constant 0 : i32
    %c0_i32_1 = arith.constant 0 : i32
    return %c0_i32, %c0_i32_0 : i32, i32
  }
  func.func @transform_8(%arg0: i32) -> (i32, i32) {
    %c0_i32 = arith.constant 0 : i32
    %c0_i32_0 = arith.constant 0 : i32
    return %arg0, %c0_i32 : i32, i32
  }
}

module attributes {stable_mosaic.version = 14 : i64} {
  func.func @_tc_out_body(%arg0: i32, %arg1: memref<2x1000x128xf32, #tpu.memory_space<vmem>>, %arg2: memref<1000x16xf32, #tpu.memory_space<vmem>>, %arg3: memref<128x128xf32, #tpu.memory_space<vmem>>, %arg4: memref<16x128x128xf32, #tpu.memory_space<vmem>>, %arg5: memref<1000x128xf32, #tpu.memory_space<vmem>>) attributes {dimension_semantics = [#tpu.dimension_semantics<arbitrary>], iteration_bounds = array<i64: 10>, scalar_prefetch = 0 : i64, scratch_operands = 0 : i64, tpu.core_type = #tpu.core_type<tc>, window_params = [{transform_indices = @transform_0, window_bounds = array<i64: 2, 1000, 128>}, {transform_indices = @transform_1, window_bounds = array<i64: 1000, 16>}, {pipeline_mode = #tpu.pipeline_mode<synchronous>, transform_indices = @transform_2, window_bounds = array<i64: 128, 128>}, {pipeline_mode = #tpu.pipeline_mode<synchronous>, transform_indices = @transform_3, window_bounds = array<i64: 16, 128, 128>}, {transform_indices = @transform_4, window_bounds = array<i64: 1000, 128>}]} {
    %get3A = arith.constant 0 : index
    %get3A_0 = arith.constant 0 : index
    %get3A_1 = arith.constant 0 : index
    %get3A_2 = vector.load %arg1[%get3A, %get3A_0, %get3A_1] : memref<2x1000x128xf32, #tpu.memory_space<vmem>>, vector<1x1000x128xf32>
    %get3A_3 = vector.shape_cast %get3A_2 : vector<1x1000x128xf32> to vector<1000x128xf32>
    %get3A_4 = arith.constant 1 : index
    %get3A_5 = arith.constant 0 : index
    %get3A_6 = arith.constant 0 : index
    %get3A_7 = vector.load %arg1[%get3A_4, %get3A_5, %get3A_6] : memref<2x1000x128xf32, #tpu.memory_space<vmem>>, vector<1x1000x128xf32>
    %get3A_8 = vector.shape_cast %get3A_7 : vector<1x1000x128xf32> to vector<1000x128xf32>
    %add3A = arith.addf %get3A_3, %get3A_8 : vector<1000x128xf32>
    %convert_element_type3A = arith.truncf %add3A : vector<1000x128xf32> to vector<1000x128xbf16>
    %get3A_9 = arith.constant 0 : index
    %get3A_10 = arith.constant 0 : index
    %get3A_11 = vector.load %arg3[%get3A_9, %get3A_10] : memref<128x128xf32, #tpu.memory_space<vmem>>, vector<128x128xf32>
    %convert_element_type3A_12 = arith.truncf %get3A_11 : vector<128x128xf32> to vector<128x128xbf16>
    %dot_general3A = arith.constant dense<0.000000e+00> : vector<1000x128xf32>
    %dot_general3A_13 = tpu.matmul %convert_element_type3A, %convert_element_type3A_12, %dot_general3A {dimension_numbers = #tpu.dot_dimension_numbers<[1], [0], [0], [1], [0, 0, 1, 1], [], []>, transpose_lhs_hint = false} : vector<1000x128xbf16>, vector<128x128xbf16>, vector<1000x128xf32> -> vector<1000x128xf32>
    %mul3A = arith.constant 0.00276213582 : f32
    %mul3A_14 = vector.broadcast %mul3A : f32 to vector<1000x128xf32>
    %mul3A_15 = arith.mulf %dot_general3A_13, %mul3A_14 : vector<1000x128xf32>
    %convert_element_type3A_16 = arith.truncf %mul3A_15 : vector<1000x128xf32> to vector<1000x128xbf16>
    %get3A_17 = arith.constant 0 : index
    %get3A_18 = arith.constant 0 : index
    %get3A_19 = arith.constant 0 : index
    %get3A_20 = vector.load %arg4[%get3A_17, %get3A_18, %get3A_19] : memref<16x128x128xf32, #tpu.memory_space<vmem>>, vector<1x128x128xf32>
    %get3A_21 = vector.shape_cast %get3A_20 : vector<1x128x128xf32> to vector<128x128xf32>
    %convert_element_type3A_22 = arith.truncf %get3A_21 : vector<128x128xf32> to vector<128x128xbf16>
    %dot_general3A_23 = arith.constant dense<0.000000e+00> : vector<1000x128xf32>
    %dot_general3A_24 = tpu.matmul %convert_element_type3A_16, %convert_element_type3A_22, %dot_general3A_23 {dimension_numbers = #tpu.dot_dimension_numbers<[1], [0], [0], [1], [0, 0, 1, 1], [], []>, transpose_lhs_hint = false} : vector<1000x128xbf16>, vector<128x128xbf16>, vector<1000x128xf32> -> vector<1000x128xf32>
    %get3A_25 = arith.constant 0 : index
    %get3A_26 = arith.constant 0 : index
    %get3A_27 = vector.load %arg2[%get3A_25, %get3A_26] : memref<1000x16xf32, #tpu.memory_space<vmem>>, vector<1000x1xf32>
    %mul3A_28 = vector.broadcast %get3A_27 : vector<1000x1xf32> to vector<1000x128xf32>
    %mul3A_29 = arith.mulf %dot_general3A_24, %mul3A_28 : vector<1000x128xf32>
    %get3A_30 = arith.constant 1 : index
    %get3A_31 = arith.constant 0 : index
    %get3A_32 = arith.constant 0 : index
    %get3A_33 = vector.load %arg4[%get3A_30, %get3A_31, %get3A_32] : memref<16x128x128xf32, #tpu.memory_space<vmem>>, vector<1x128x128xf32>
    %get3A_34 = vector.shape_cast %get3A_33 : vector<1x128x128xf32> to vector<128x128xf32>
    %convert_element_type3A_35 = arith.truncf %get3A_34 : vector<128x128xf32> to vector<128x128xbf16>
    %dot_general3A_36 = arith.constant dense<0.000000e+00> : vector<1000x128xf32>
    %dot_general3A_37 = tpu.matmul %convert_element_type3A_16, %convert_element_type3A_35, %dot_general3A_36 {dimension_numbers = #tpu.dot_dimension_numbers<[1], [0], [0], [1], [0, 0, 1, 1], [], []>, transpose_lhs_hint = false} : vector<1000x128xbf16>, vector<128x128xbf16>, vector<1000x128xf32> -> vector<1000x128xf32>
    %get3A_38 = arith.constant 0 : index
    %get3A_39 = arith.constant 1 : index
    %get3A_40 = vector.load %arg2[%get3A_38, %get3A_39] : memref<1000x16xf32, #tpu.memory_space<vmem>>, vector<1000x1xf32>
    %mul3A_41 = vector.broadcast %get3A_40 : vector<1000x1xf32> to vector<1000x128xf32>
    %mul3A_42 = arith.mulf %dot_general3A_37, %mul3A_41 : vector<1000x128xf32>
    %add3A_43 = arith.addf %mul3A_29, %mul3A_42 : vector<1000x128xf32>
    %get3A_44 = arith.constant 2 : index
    %get3A_45 = arith.constant 0 : index
    %get3A_46 = arith.constant 0 : index
    %get3A_47 = vector.load %arg4[%get3A_44, %get3A_45, %get3A_46] : memref<16x128x128xf32, #tpu.memory_space<vmem>>, vector<1x128x128xf32>
    %get3A_48 = vector.shape_cast %get3A_47 : vector<1x128x128xf32> to vector<128x128xf32>
    %convert_element_type3A_49 = arith.truncf %get3A_48 : vector<128x128xf32> to vector<128x128xbf16>
    %dot_general3A_50 = arith.constant dense<0.000000e+00> : vector<1000x128xf32>
    %dot_general3A_51 = tpu.matmul %convert_element_type3A_16, %convert_element_type3A_49, %dot_general3A_50 {dimension_numbers = #tpu.dot_dimension_numbers<[1], [0], [0], [1], [0, 0, 1, 1], [], []>, transpose_lhs_hint = false} : vector<1000x128xbf16>, vector<128x128xbf16>, vector<1000x128xf32> -> vector<1000x128xf32>
    %get3A_52 = arith.constant 0 : index
    %get3A_53 = arith.constant 2 : index
    %get3A_54 = vector.load %arg2[%get3A_52, %get3A_53] : memref<1000x16xf32, #tpu.memory_space<vmem>>, vector<1000x1xf32>
    %mul3A_55 = vector.broadcast %get3A_54 : vector<1000x1xf32> to vector<1000x128xf32>
    %mul3A_56 = arith.mulf %dot_general3A_51, %mul3A_55 : vector<1000x128xf32>
    %add3A_57 = arith.addf %add3A_43, %mul3A_56 : vector<1000x128xf32>
    %get3A_58 = arith.constant 3 : index
    %get3A_59 = arith.constant 0 : index
    %get3A_60 = arith.constant 0 : index
    %get3A_61 = vector.load %arg4[%get3A_58, %get3A_59, %get3A_60] : memref<16x128x128xf32, #tpu.memory_space<vmem>>, vector<1x128x128xf32>
    %get3A_62 = vector.shape_cast %get3A_61 : vector<1x128x128xf32> to vector<128x128xf32>
    %convert_element_type3A_63 = arith.truncf %get3A_62 : vector<128x128xf32> to vector<128x128xbf16>
    %dot_general3A_64 = arith.constant dense<0.000000e+00> : vector<1000x128xf32>
    %dot_general3A_65 = tpu.matmul %convert_element_type3A_16, %convert_element_type3A_63, %dot_general3A_64 {dimension_numbers = #tpu.dot_dimension_numbers<[1], [0], [0], [1], [0, 0, 1, 1], [], []>, transpose_lhs_hint = false} : vector<1000x128xbf16>, vector<128x128xbf16>, vector<1000x128xf32> -> vector<1000x128xf32>
    %get3A_66 = arith.constant 0 : index
    %get3A_67 = arith.constant 3 : index
    %get3A_68 = vector.load %arg2[%get3A_66, %get3A_67] : memref<1000x16xf32, #tpu.memory_space<vmem>>, vector<1000x1xf32>
    %mul3A_69 = vector.broadcast %get3A_68 : vector<1000x1xf32> to vector<1000x128xf32>
    %mul3A_70 = arith.mulf %dot_general3A_65, %mul3A_69 : vector<1000x128xf32>
    %add3A_71 = arith.addf %add3A_57, %mul3A_70 : vector<1000x128xf32>
    %get3A_72 = arith.constant 4 : index
    %get3A_73 = arith.constant 0 : index
    %get3A_74 = arith.constant 0 : index
    %get3A_75 = vector.load %arg4[%get3A_72, %get3A_73, %get3A_74] : memref<16x128x128xf32, #tpu.memory_space<vmem>>, vector<1x128x128xf32>
    %get3A_76 = vector.shape_cast %get3A_75 : vector<1x128x128xf32> to vector<128x128xf32>
    %convert_element_type3A_77 = arith.truncf %get3A_76 : vector<128x128xf32> to vector<128x128xbf16>
    %dot_general3A_78 = arith.constant dense<0.000000e+00> : vector<1000x128xf32>
    %dot_general3A_79 = tpu.matmul %convert_element_type3A_16, %convert_element_type3A_77, %dot_general3A_78 {dimension_numbers = #tpu.dot_dimension_numbers<[1], [0], [0], [1], [0, 0, 1, 1], [], []>, transpose_lhs_hint = false} : vector<1000x128xbf16>, vector<128x128xbf16>, vector<1000x128xf32> -> vector<1000x128xf32>
    %get3A_80 = arith.constant 0 : index
    %get3A_81 = arith.constant 4 : index
    %get3A_82 = vector.load %arg2[%get3A_80, %get3A_81] : memref<1000x16xf32, #tpu.memory_space<vmem>>, vector<1000x1xf32>
    %mul3A_83 = vector.broadcast %get3A_82 : vector<1000x1xf32> to vector<1000x128xf32>
    %mul3A_84 = arith.mulf %dot_general3A_79, %mul3A_83 : vector<1000x128xf32>
    %add3A_85 = arith.addf %add3A_71, %mul3A_84 : vector<1000x128xf32>
    %get3A_86 = arith.constant 5 : index
    %get3A_87 = arith.constant 0 : index
    %get3A_88 = arith.constant 0 : index
    %get3A_89 = vector.load %arg4[%get3A_86, %get3A_87, %get3A_88] : memref<16x128x128xf32, #tpu.memory_space<vmem>>, vector<1x128x128xf32>
    %get3A_90 = vector.shape_cast %get3A_89 : vector<1x128x128xf32> to vector<128x128xf32>
    %convert_element_type3A_91 = arith.truncf %get3A_90 : vector<128x128xf32> to vector<128x128xbf16>
    %dot_general3A_92 = arith.constant dense<0.000000e+00> : vector<1000x128xf32>
    %dot_general3A_93 = tpu.matmul %convert_element_type3A_16, %convert_element_type3A_91, %dot_general3A_92 {dimension_numbers = #tpu.dot_dimension_numbers<[1], [0], [0], [1], [0, 0, 1, 1], [], []>, transpose_lhs_hint = false} : vector<1000x128xbf16>, vector<128x128xbf16>, vector<1000x128xf32> -> vector<1000x128xf32>
    %get3A_94 = arith.constant 0 : index
    %get3A_95 = arith.constant 5 : index
    %get3A_96 = vector.load %arg2[%get3A_94, %get3A_95] : memref<1000x16xf32, #tpu.memory_space<vmem>>, vector<1000x1xf32>
    %mul3A_97 = vector.broadcast %get3A_96 : vector<1000x1xf32> to vector<1000x128xf32>
    %mul3A_98 = arith.mulf %dot_general3A_93, %mul3A_97 : vector<1000x128xf32>
    %add3A_99 = arith.addf %add3A_85, %mul3A_98 : vector<1000x128xf32>
    %get3A_100 = arith.constant 6 : index
    %get3A_101 = arith.constant 0 : index
    %get3A_102 = arith.constant 0 : index
    %get3A_103 = vector.load %arg4[%get3A_100, %get3A_101, %get3A_102] : memref<16x128x128xf32, #tpu.memory_space<vmem>>, vector<1x128x128xf32>
    %get3A_104 = vector.shape_cast %get3A_103 : vector<1x128x128xf32> to vector<128x128xf32>
    %convert_element_type3A_105 = arith.truncf %get3A_104 : vector<128x128xf32> to vector<128x128xbf16>
    %dot_general3A_106 = arith.constant dense<0.000000e+00> : vector<1000x128xf32>
    %dot_general3A_107 = tpu.matmul %convert_element_type3A_16, %convert_element_type3A_105, %dot_general3A_106 {dimension_numbers = #tpu.dot_dimension_numbers<[1], [0], [0], [1], [0, 0, 1, 1], [], []>, transpose_lhs_hint = false} : vector<1000x128xbf16>, vector<128x128xbf16>, vector<1000x128xf32> -> vector<1000x128xf32>
    %get3A_108 = arith.constant 0 : index
    %get3A_109 = arith.constant 6 : index
    %get3A_110 = vector.load %arg2[%get3A_108, %get3A_109] : memref<1000x16xf32, #tpu.memory_space<vmem>>, vector<1000x1xf32>
    %mul3A_111 = vector.broadcast %get3A_110 : vector<1000x1xf32> to vector<1000x128xf32>
    %mul3A_112 = arith.mulf %dot_general3A_107, %mul3A_111 : vector<1000x128xf32>
    %add3A_113 = arith.addf %add3A_99, %mul3A_112 : vector<1000x128xf32>
    %get3A_114 = arith.constant 7 : index
    %get3A_115 = arith.constant 0 : index
    %get3A_116 = arith.constant 0 : index
    %get3A_117 = vector.load %arg4[%get3A_114, %get3A_115, %get3A_116] : memref<16x128x128xf32, #tpu.memory_space<vmem>>, vector<1x128x128xf32>
    %get3A_118 = vector.shape_cast %get3A_117 : vector<1x128x128xf32> to vector<128x128xf32>
    %convert_element_type3A_119 = arith.truncf %get3A_118 : vector<128x128xf32> to vector<128x128xbf16>
    %dot_general3A_120 = arith.constant dense<0.000000e+00> : vector<1000x128xf32>
    %dot_general3A_121 = tpu.matmul %convert_element_type3A_16, %convert_element_type3A_119, %dot_general3A_120 {dimension_numbers = #tpu.dot_dimension_numbers<[1], [0], [0], [1], [0, 0, 1, 1], [], []>, transpose_lhs_hint = false} : vector<1000x128xbf16>, vector<128x128xbf16>, vector<1000x128xf32> -> vector<1000x128xf32>
    %get3A_122 = arith.constant 0 : index
    %get3A_123 = arith.constant 7 : index
    %get3A_124 = vector.load %arg2[%get3A_122, %get3A_123] : memref<1000x16xf32, #tpu.memory_space<vmem>>, vector<1000x1xf32>
    %mul3A_125 = vector.broadcast %get3A_124 : vector<1000x1xf32> to vector<1000x128xf32>
    %mul3A_126 = arith.mulf %dot_general3A_121, %mul3A_125 : vector<1000x128xf32>
    %add3A_127 = arith.addf %add3A_113, %mul3A_126 : vector<1000x128xf32>
    %get3A_128 = arith.constant 8 : index
    %get3A_129 = arith.constant 0 : index
    %get3A_130 = arith.constant 0 : index
    %get3A_131 = vector.load %arg4[%get3A_128, %get3A_129, %get3A_130] : memref<16x128x128xf32, #tpu.memory_space<vmem>>, vector<1x128x128xf32>
    %get3A_132 = vector.shape_cast %get3A_131 : vector<1x128x128xf32> to vector<128x128xf32>
    %convert_element_type3A_133 = arith.truncf %get3A_132 : vector<128x128xf32> to vector<128x128xbf16>
    %dot_general3A_134 = arith.constant dense<0.000000e+00> : vector<1000x128xf32>
    %dot_general3A_135 = tpu.matmul %convert_element_type3A_16, %convert_element_type3A_133, %dot_general3A_134 {dimension_numbers = #tpu.dot_dimension_numbers<[1], [0], [0], [1], [0, 0, 1, 1], [], []>, transpose_lhs_hint = false} : vector<1000x128xbf16>, vector<128x128xbf16>, vector<1000x128xf32> -> vector<1000x128xf32>
    %get3A_136 = arith.constant 0 : index
    %get3A_137 = arith.constant 8 : index
    %get3A_138 = vector.load %arg2[%get3A_136, %get3A_137] : memref<1000x16xf32, #tpu.memory_space<vmem>>, vector<1000x1xf32>
    %mul3A_139 = vector.broadcast %get3A_138 : vector<1000x1xf32> to vector<1000x128xf32>
    %mul3A_140 = arith.mulf %dot_general3A_135, %mul3A_139 : vector<1000x128xf32>
    %add3A_141 = arith.addf %add3A_127, %mul3A_140 : vector<1000x128xf32>
    %get3A_142 = arith.constant 9 : index
    %get3A_143 = arith.constant 0 : index
    %get3A_144 = arith.constant 0 : index
    %get3A_145 = vector.load %arg4[%get3A_142, %get3A_143, %get3A_144] : memref<16x128x128xf32, #tpu.memory_space<vmem>>, vector<1x128x128xf32>
    %get3A_146 = vector.shape_cast %get3A_145 : vector<1x128x128xf32> to vector<128x128xf32>
    %convert_element_type3A_147 = arith.truncf %get3A_146 : vector<128x128xf32> to vector<128x128xbf16>
    %dot_general3A_148 = arith.constant dense<0.000000e+00> : vector<1000x128xf32>
    %dot_general3A_149 = tpu.matmul %convert_element_type3A_16, %convert_element_type3A_147, %dot_general3A_148 {dimension_numbers = #tpu.dot_dimension_numbers<[1], [0], [0], [1], [0, 0, 1, 1], [], []>, transpose_lhs_hint = false} : vector<1000x128xbf16>, vector<128x128xbf16>, vector<1000x128xf32> -> vector<1000x128xf32>
    %get3A_150 = arith.constant 0 : index
    %get3A_151 = arith.constant 9 : index
    %get3A_152 = vector.load %arg2[%get3A_150, %get3A_151] : memref<1000x16xf32, #tpu.memory_space<vmem>>, vector<1000x1xf32>
    %mul3A_153 = vector.broadcast %get3A_152 : vector<1000x1xf32> to vector<1000x128xf32>
    %mul3A_154 = arith.mulf %dot_general3A_149, %mul3A_153 : vector<1000x128xf32>
    %add3A_155 = arith.addf %add3A_141, %mul3A_154 : vector<1000x128xf32>
    %get3A_156 = arith.constant 10 : index
    %get3A_157 = arith.constant 0 : index
    %get3A_158 = arith.constant 0 : index
    %get3A_159 = vector.load %arg4[%get3A_156, %get3A_157, %get3A_158] : memref<16x128x128xf32, #tpu.memory_space<vmem>>, vector<1x128x128xf32>
    %get3A_160 = vector.shape_cast %get3A_159 : vector<1x128x128xf32> to vector<128x128xf32>
    %convert_element_type3A_161 = arith.truncf %get3A_160 : vector<128x128xf32> to vector<128x128xbf16>
    %dot_general3A_162 = arith.constant dense<0.000000e+00> : vector<1000x128xf32>
    %dot_general3A_163 = tpu.matmul %convert_element_type3A_16, %convert_element_type3A_161, %dot_general3A_162 {dimension_numbers = #tpu.dot_dimension_numbers<[1], [0], [0], [1], [0, 0, 1, 1], [], []>, transpose_lhs_hint = false} : vector<1000x128xbf16>, vector<128x128xbf16>, vector<1000x128xf32> -> vector<1000x128xf32>
    %get3A_164 = arith.constant 0 : index
    %get3A_165 = arith.constant 10 : index
    %get3A_166 = vector.load %arg2[%get3A_164, %get3A_165] : memref<1000x16xf32, #tpu.memory_space<vmem>>, vector<1000x1xf32>
    %mul3A_167 = vector.broadcast %get3A_166 : vector<1000x1xf32> to vector<1000x128xf32>
    %mul3A_168 = arith.mulf %dot_general3A_163, %mul3A_167 : vector<1000x128xf32>
    %add3A_169 = arith.addf %add3A_155, %mul3A_168 : vector<1000x128xf32>
    %get3A_170 = arith.constant 11 : index
    %get3A_171 = arith.constant 0 : index
    %get3A_172 = arith.constant 0 : index
    %get3A_173 = vector.load %arg4[%get3A_170, %get3A_171, %get3A_172] : memref<16x128x128xf32, #tpu.memory_space<vmem>>, vector<1x128x128xf32>
    %get3A_174 = vector.shape_cast %get3A_173 : vector<1x128x128xf32> to vector<128x128xf32>
    %convert_element_type3A_175 = arith.truncf %get3A_174 : vector<128x128xf32> to vector<128x128xbf16>
    %dot_general3A_176 = arith.constant dense<0.000000e+00> : vector<1000x128xf32>
    %dot_general3A_177 = tpu.matmul %convert_element_type3A_16, %convert_element_type3A_175, %dot_general3A_176 {dimension_numbers = #tpu.dot_dimension_numbers<[1], [0], [0], [1], [0, 0, 1, 1], [], []>, transpose_lhs_hint = false} : vector<1000x128xbf16>, vector<128x128xbf16>, vector<1000x128xf32> -> vector<1000x128xf32>
    %get3A_178 = arith.constant 0 : index
    %get3A_179 = arith.constant 11 : index
    %get3A_180 = vector.load %arg2[%get3A_178, %get3A_179] : memref<1000x16xf32, #tpu.memory_space<vmem>>, vector<1000x1xf32>
    %mul3A_181 = vector.broadcast %get3A_180 : vector<1000x1xf32> to vector<1000x128xf32>
    %mul3A_182 = arith.mulf %dot_general3A_177, %mul3A_181 : vector<1000x128xf32>
    %add3A_183 = arith.addf %add3A_169, %mul3A_182 : vector<1000x128xf32>
    %get3A_184 = arith.constant 12 : index
    %get3A_185 = arith.constant 0 : index
    %get3A_186 = arith.constant 0 : index
    %get3A_187 = vector.load %arg4[%get3A_184, %get3A_185, %get3A_186] : memref<16x128x128xf32, #tpu.memory_space<vmem>>, vector<1x128x128xf32>
    %get3A_188 = vector.shape_cast %get3A_187 : vector<1x128x128xf32> to vector<128x128xf32>
    %convert_element_type3A_189 = arith.truncf %get3A_188 : vector<128x128xf32> to vector<128x128xbf16>
    %dot_general3A_190 = arith.constant dense<0.000000e+00> : vector<1000x128xf32>
    %dot_general3A_191 = tpu.matmul %convert_element_type3A_16, %convert_element_type3A_189, %dot_general3A_190 {dimension_numbers = #tpu.dot_dimension_numbers<[1], [0], [0], [1], [0, 0, 1, 1], [], []>, transpose_lhs_hint = false} : vector<1000x128xbf16>, vector<128x128xbf16>, vector<1000x128xf32> -> vector<1000x128xf32>
    %get3A_192 = arith.constant 0 : index
    %get3A_193 = arith.constant 12 : index
    %get3A_194 = vector.load %arg2[%get3A_192, %get3A_193] : memref<1000x16xf32, #tpu.memory_space<vmem>>, vector<1000x1xf32>
    %mul3A_195 = vector.broadcast %get3A_194 : vector<1000x1xf32> to vector<1000x128xf32>
    %mul3A_196 = arith.mulf %dot_general3A_191, %mul3A_195 : vector<1000x128xf32>
    %add3A_197 = arith.addf %add3A_183, %mul3A_196 : vector<1000x128xf32>
    %get3A_198 = arith.constant 13 : index
    %get3A_199 = arith.constant 0 : index
    %get3A_200 = arith.constant 0 : index
    %get3A_201 = vector.load %arg4[%get3A_198, %get3A_199, %get3A_200] : memref<16x128x128xf32, #tpu.memory_space<vmem>>, vector<1x128x128xf32>
    %get3A_202 = vector.shape_cast %get3A_201 : vector<1x128x128xf32> to vector<128x128xf32>
    %convert_element_type3A_203 = arith.truncf %get3A_202 : vector<128x128xf32> to vector<128x128xbf16>
    %dot_general3A_204 = arith.constant dense<0.000000e+00> : vector<1000x128xf32>
    %dot_general3A_205 = tpu.matmul %convert_element_type3A_16, %convert_element_type3A_203, %dot_general3A_204 {dimension_numbers = #tpu.dot_dimension_numbers<[1], [0], [0], [1], [0, 0, 1, 1], [], []>, transpose_lhs_hint = false} : vector<1000x128xbf16>, vector<128x128xbf16>, vector<1000x128xf32> -> vector<1000x128xf32>
    %get3A_206 = arith.constant 0 : index
    %get3A_207 = arith.constant 13 : index
    %get3A_208 = vector.load %arg2[%get3A_206, %get3A_207] : memref<1000x16xf32, #tpu.memory_space<vmem>>, vector<1000x1xf32>
    %mul3A_209 = vector.broadcast %get3A_208 : vector<1000x1xf32> to vector<1000x128xf32>
    %mul3A_210 = arith.mulf %dot_general3A_205, %mul3A_209 : vector<1000x128xf32>
    %add3A_211 = arith.addf %add3A_197, %mul3A_210 : vector<1000x128xf32>
    %get3A_212 = arith.constant 14 : index
    %get3A_213 = arith.constant 0 : index
    %get3A_214 = arith.constant 0 : index
    %get3A_215 = vector.load %arg4[%get3A_212, %get3A_213, %get3A_214] : memref<16x128x128xf32, #tpu.memory_space<vmem>>, vector<1x128x128xf32>
    %get3A_216 = vector.shape_cast %get3A_215 : vector<1x128x128xf32> to vector<128x128xf32>
    %convert_element_type3A_217 = arith.truncf %get3A_216 : vector<128x128xf32> to vector<128x128xbf16>
    %dot_general3A_218 = arith.constant dense<0.000000e+00> : vector<1000x128xf32>
    %dot_general3A_219 = tpu.matmul %convert_element_type3A_16, %convert_element_type3A_217, %dot_general3A_218 {dimension_numbers = #tpu.dot_dimension_numbers<[1], [0], [0], [1], [0, 0, 1, 1], [], []>, transpose_lhs_hint = false} : vector<1000x128xbf16>, vector<128x128xbf16>, vector<1000x128xf32> -> vector<1000x128xf32>
    %get3A_220 = arith.constant 0 : index
    %get3A_221 = arith.constant 14 : index
    %get3A_222 = vector.load %arg2[%get3A_220, %get3A_221] : memref<1000x16xf32, #tpu.memory_space<vmem>>, vector<1000x1xf32>
    %mul3A_223 = vector.broadcast %get3A_222 : vector<1000x1xf32> to vector<1000x128xf32>
    %mul3A_224 = arith.mulf %dot_general3A_219, %mul3A_223 : vector<1000x128xf32>
    %add3A_225 = arith.addf %add3A_211, %mul3A_224 : vector<1000x128xf32>
    %get3A_226 = arith.constant 15 : index
    %get3A_227 = arith.constant 0 : index
    %get3A_228 = arith.constant 0 : index
    %get3A_229 = vector.load %arg4[%get3A_226, %get3A_227, %get3A_228] : memref<16x128x128xf32, #tpu.memory_space<vmem>>, vector<1x128x128xf32>
    %get3A_230 = vector.shape_cast %get3A_229 : vector<1x128x128xf32> to vector<128x128xf32>
    %convert_element_type3A_231 = arith.truncf %get3A_230 : vector<128x128xf32> to vector<128x128xbf16>
    %dot_general3A_232 = arith.constant dense<0.000000e+00> : vector<1000x128xf32>
    %dot_general3A_233 = tpu.matmul %convert_element_type3A_16, %convert_element_type3A_231, %dot_general3A_232 {dimension_numbers = #tpu.dot_dimension_numbers<[1], [0], [0], [1], [0, 0, 1, 1], [], []>, transpose_lhs_hint = false} : vector<1000x128xbf16>, vector<128x128xbf16>, vector<1000x128xf32> -> vector<1000x128xf32>
    %get3A_234 = arith.constant 0 : index
    %get3A_235 = arith.constant 15 : index
    %get3A_236 = vector.load %arg2[%get3A_234, %get3A_235] : memref<1000x16xf32, #tpu.memory_space<vmem>>, vector<1000x1xf32>
    %mul3A_237 = vector.broadcast %get3A_236 : vector<1000x1xf32> to vector<1000x128xf32>
    %mul3A_238 = arith.mulf %dot_general3A_233, %mul3A_237 : vector<1000x128xf32>
    %add3A_239 = arith.addf %add3A_225, %mul3A_238 : vector<1000x128xf32>
    %mul3A_240 = arith.constant 0.0220970865 : f32
    %mul3A_241 = vector.broadcast %mul3A_240 : f32 to vector<1000x128xf32>
    %mul3A_242 = arith.mulf %add3A_239, %mul3A_241 : vector<1000x128xf32>
    %swap3A = arith.constant 0 : index
    %swap3A_243 = arith.constant 0 : index
    %swap3A_244 = vector.load %arg5[%swap3A, %swap3A_243] : memref<1000x128xf32, #tpu.memory_space<vmem>>, vector<1000x128xf32>
    tpu.vector_store %arg5[%swap3A, %swap3A_243], %mul3A_242 {strides = array<i32>} : memref<1000x128xf32, #tpu.memory_space<vmem>>, vector<1000x128xf32>,
    return
  }
  func.func @transform_0(%arg0: i32) -> (i32, i32, i32) {
    %c0_i32 = arith.constant 0 : i32
    %c0_i32_0 = arith.constant 0 : i32
    %c0_i32_1 = arith.constant 0 : i32
    return %c0_i32, %arg0, %c0_i32_0 : i32, i32, i32
  }
  func.func @transform_1(%arg0: i32) -> (i32, i32) {
    %c0_i32 = arith.constant 0 : i32
    %c0_i32_0 = arith.constant 0 : i32
    return %arg0, %c0_i32 : i32, i32
  }
  func.func @transform_2(%arg0: i32) -> (i32, i32) {
    %c0_i32 = arith.constant 0 : i32
    %c0_i32_0 = arith.constant 0 : i32
    %c0_i32_1 = arith.constant 0 : i32
    return %c0_i32, %c0_i32_0 : i32, i32
  }
  func.func @transform_3(%arg0: i32) -> (i32, i32, i32) {
    %c0_i32 = arith.constant 0 : i32
    %c0_i32_0 = arith.constant 0 : i32
    %c0_i32_1 = arith.constant 0 : i32
    %c0_i32_2 = arith.constant 0 : i32
    return %c0_i32, %c0_i32_0, %c0_i32_1 : i32, i32, i32
  }
  func.func @transform_4(%arg0: i32) -> (i32, i32) {
    %c0_i32 = arith.constant 0 : i32
    %c0_i32_0 = arith.constant 0 : i32
    return %arg0, %c0_i32 : i32, i32
  }
}

</mosaic_0001>

<sc_bundles>
// kernel: kernel.6.cloned.1.call-start
scs
__scs_entry_jumppad:
0x0: {  	(pc) =	sbr.rel $0x88, $3  }
0x1: {  	(tag) =	ssettag $0x0;
	lr =	simm.s32 $0x1  }
0x2: {  	[smem:$0x3F96] =	sst lr;
	_ =	strace $0xD0000000  }
0x3: {  	_ = 	snop  }
0x4: {  	_ = 	snop  }
0x5: {  	_ = 	snop  }
0x6: {  	_ = 	snop  }
0x7: {  	_ = 	snop  }
__scs_overlays_trampoline_lowered:
0x8: {  	[smem:$0x3FA5] =	sst s0  }
0x9: {  	[smem:$0x3FA6] =	sst s1  }
0xa: {  	[smem:$0x3FA7] =	sst s2  }
0xb: {  	[smem:$0x3FA8] =	sst s3  }
0xc: {  	[smem:$0x3FA9] =	sst s4  }
0xd: {  	[smem:$0x3FAA] =	sst s5  }
0xe: {  	[smem:$0x3FAB] =	sst s6  }
0xf: {  	[smem:$0x3FAC] =	sst s7  }
0x10: {  	[smem:$0x3FAD] =	sst s8  }
0x11: {  	[smem:$0x3FAE] =	sst s9;
	s0 =	simm.s32 @!p0 $0x0  }
0x12: {  	s1 =	sld [smem:$0x3F94];
	s0 =	simm.s32 @p0 $0x1  }
0x13: {  	[smem:$0x3FAF] =	sst s0;
	s0 =	simm.s32 @!p1 $0x0  }
0x14: {  	s2 =	sld [smem:$0x3F93];
	s0 =	simm.s32 @p1 $0x1  }
0x15: {  	[smem:$0x3FB0] =	sst s0;
	s0 =	simm.s32 @!p2 $0x0  }
0x16: {  	s3 =	sld [smem:$0x3FDB];
	s0 =	simm.s32 @p2 $0x1  }
0x17: {  	s4 =	simm.s32 $0x1BF5;
	[smem:$0x3FB2] =	sst s0  }
0x18: {  	s0 =	sld [smem:$0x3F95];
	_ =	swait.ge [sflag:s4], $0x0  }
0x19: {  	s7 =	sld [smem:$0x3F96]  }
0x1a: {  	s8 =	sadd.s32 $0xFFFFE003, lr  }
0x1b: {  	s9 =	sadd.s32 $0xFFFFFEF7, lr;
	s5 =	simm.s32 $0xFFFFFFFF;
	p2 =	slt.u32 s8, $0xFFFFF086  }
0x1c: {  	p1 =	slt.u32 s9, $0xF7A;
	s5 =	simm.s32 @!p2 $0x0  }
0x1d: {  	s5 =	simm.s32 @p1 $0x1;
	p0 =	seq.s32 s7, s2  }
0x1e: {  	s7 =	smul.u32 @!p0 $0xF7A, s2;
	p2 =	seq.s32 @!p0 s5, $0x0  }
0x1f: {  	s9 =	smul.u32 $0xF7A, s1;
	s8 =	simm.s32 @!p0 $0x1BF5;
	p2 =	por !p2, p0  }
0x20: {  	[sflag:s8] =	ssyncset.s32 @!p0 $0xFFFFF086;
	s6 =	sadd.s32 @!p0 s3, s7;
	s7 =	simm.s32 @!p0 $0x108  }
0x21: {  	s3 =	sadd.s32 s3, s9;
	s6 =	sadd.s32 @!p0 $0x88, s6;
	s7 =	simm.s32 @p2 $0x1082  }
0x22: {  	[simem:s7], [sflag:s8] =	dma.local @!p0 [hbm:s6], $0xF7A  }
0x23: {  	s9 =	sor.u32 $0xD0000000, s2;
	s6 =	simm.s32 $0x108;
	_ =	swait.ge @!p0 [sflag:s8], $0x0  }
0x24: {  	s3 =	sadd.s32 $0x88, s3;
	s6 =	simm.s32 @!p1 $0x1082;
	[sflag:s4] =	ssyncset.s32 $0xFFFFF086  }
0x25: {  	[simem:s6], [sflag:s4] =	dma.local [hbm:s3], $0xF7A  }
0x26: {  	[smem:$0x3F96] =	sst s1;
	(tag) =	ssettag s2;
	_ =	strace s9  }
0x27: {  	s1 =	sld [smem:$0x3FA6]  }
0x28: {  	s2 =	sld [smem:$0x3FA7]  }
0x29: {  	s4 =	sld [smem:$0x3FA9]  }
0x2a: {  	p0 =	seq.s32 s5, $0x0;
	s5 =	sld [smem:$0x3FAA]  }
0x2b: {  	s6 =	sld [smem:$0x3FAB]  }
0x2c: {  	s7 =	sld [smem:$0x3FAC]  }
0x2d: {  	s3 =	simm.s32 $0x108;
	s8 =	sld [smem:$0x3FAD]  }
0x2e: {  	s3 =	simm.s32 @!p0 $0x1082;
	s9 =	sld [smem:$0x3FAE]  }
0x2f: {  	lr =	sadd.s32 s0, s3;
	s0 =	sld [smem:$0x3FA5]  }
0x30: {  	s3 =	sld [smem:$0x3FA8]  }
0x31: {  	[smem:$0x3FB1] =	sst s10  }
0x32: {  	s10 =	sld [smem:$0x3FAF];
	_ =	sdelay $0x3  }
0x33: {  	p0 =	seq.s32 s10, $0x1;
	s10 =	sld [smem:$0x3FB1];
	_ =	sdelay $0x3  }
0x34: {  	[smem:$0x3FB1] =	sst s10  }
0x35: {  	s10 =	sld [smem:$0x3FB0];
	_ =	sdelay $0x3  }
0x36: {  	p1 =	seq.s32 s10, $0x1;
	s10 =	sld [smem:$0x3FB1];
	_ =	sdelay $0x3  }
0x37: {  	[smem:$0x3FB1] =	sst s10  }
0x38: {  	s10 =	sld [smem:$0x3FB2]  }
0x39: {  	_ = 	snop;
	(pc) =	sbr.ind lr, $3  }
0x3a: {  	_ = 	snop  }
0x3b: {  	_ = 	snop  }
0x3c: {  	p2 =	seq.s32 s10, $0x1;
	s10 =	sld [smem:$0x3FB1]  }
0x3d: {  	_ =	shalt  }
0x3e: {  	_ =	shalt  }
0x3f: {  	_ =	shalt  }
0x40: {  	_ =	shalt  }
0x41: {  	_ =	shalt  }
0x42: {  	_ =	shalt  }
0x43: {  	_ =	shalt  }
0x44: {  	_ =	shalt  }
0x45: {  	_ =	shalt  }
0x46: {  	_ =	shalt  }
0x47: {  	_ =	shalt  }
0x48: {  	_ =	shalt  }
0x49: {  	_ =	shalt  }
0x4a: {  	_ =	shalt  }
0x4b: {  	_ =	shalt  }
0x4c: {  	_ =	shalt  }
0x4d: {  	_ =	shalt  }
0x4e: {  	_ =	shalt  }
0x4f: {  	_ =	shalt  }
0x50: {  	_ =	shalt  }
0x51: {  	_ =	shalt  }
0x52: {  	_ =	shalt  }
0x53: {  	_ =	shalt  }
0x54: {  	_ =	shalt  }
0x55: {  	_ =	shalt  }
0x56: {  	_ =	shalt  }
0x57: {  	_ =	shalt  }
0x58: {  	_ =	shalt  }
0x59: {  	_ =	shalt  }
0x5a: {  	_ =	shalt  }
0x5b: {  	_ =	shalt  }
0x5c: {  	_ =	shalt  }
0x5d: {  	_ =	shalt  }
0x5e: {  	_ =	shalt  }
0x5f: {  	_ =	shalt  }
0x60: {  	_ =	shalt  }
0x61: {  	_ =	shalt  }
0x62: {  	_ =	shalt  }
0x63: {  	_ =	shalt  }
0x64: {  	_ =	shalt  }
0x65: {  	_ =	shalt  }
0x66: {  	_ =	shalt  }
0x67: {  	_ =	shalt  }
0x68: {  	_ =	shalt  }
0x69: {  	_ =	shalt  }
0x6a: {  	_ =	shalt  }
0x6b: {  	_ =	shalt  }
0x6c: {  	_ =	shalt  }
0x6d: {  	_ =	shalt  }
0x6e: {  	_ =	shalt  }
0x6f: {  	_ =	shalt  }
0x70: {  	_ =	shalt  }
0x71: {  	_ =	shalt  }
0x72: {  	_ =	shalt  }
0x73: {  	_ =	shalt  }
0x74: {  	_ =	shalt  }
0x75: {  	_ =	shalt  }
0x76: {  	_ =	shalt  }
0x77: {  	_ =	shalt  }
0x78: {  	_ =	shalt  }
0x79: {  	_ =	shalt  }
0x7a: {  	_ =	shalt  }
0x7b: {  	_ =	shalt  }
0x7c: {  	_ =	shalt  }
0x7d: {  	_ =	shalt  }
0x7e: {  	_ =	shalt  }
0x7f: {  	_ =	shalt  }
0x80: {  	_ =	shalt  }
0x81: {  	_ =	shalt  }
0x82: {  	_ =	shalt  }
0x83: {  	_ =	shalt  }
0x84: {  	_ =	shalt  }
0x85: {  	_ =	shalt  }
0x86: {  	_ =	shalt  }
0x87: {  	_ =	shalt  }
.Lfunc_end0:
.L_simem_size_0:
called_computation_lowered:
.L_overlay_start_0:
0x88: {  	s2 =	sld [smem:$0x3FD9]  }
0x89: {  	s3 =	sld [smem:$0x3FFE];
	_ =	sdelay $0x1  }
0x8a: {  	s1 =	srdreg.scid  }
0x8b: {  	s0 =	sand.u32 $0x1, s1  }
0x8c: {  	s16 =	sshll.u32 s0, $0xA;
	s2 =	sadd.s32 s3, s2  }
0x8d: {  	s2 =	sadd.s32 s2, s16  }
0x8e: {  	[smem:$0x3FBD] =	sst s2  }
0x8f: {  	_ = 	snop  }
0x90: {  	(tm) =	ssettm $0x1  }
0x91: {  	s17 =	sld [smem:$0x3FFB];
	_ =	sdelay $0x3  }
0x92: {  	_ =	strace s17  }
0x93: {  	s2 =	sld [smem:$0x3FFC];
	_ =	sdelay $0x3  }
0x94: {  	_ =	strace s2  }
0x95: {  	s2 =	sld [smem:$0x3FFD];
	_ =	sdelay $0x3  }
0x96: {  	_ =	strace s2  }
0x97: {  	_ =	strace $0x8FFFFFFF  }
0x98: {  	s18 =	sld [smem:$0x3FDB];
	_ =	sdelay $0x1  }
0x99: {  	s19 =	simm.s32 $_scs_section_size  }
0x9a: {  	s4 =	simm.s32 $_size__tile_overlayer_lowered;
	s5 =	simm.s32 $_tile_overlayer_lowered  }
0x9b: {  	s22 =	simm.s32 $0x1BFF;
	s21 =	sshll.u32 s5, $0x1;
	s2 =	sadd.s32 s19, s18  }
0x9c: {  	s6 =	simm.s32 $0x0;
	s20 =	sshll.u32 s4, $0x1;
	s4 =	sadd.s32 s21, s2  }
0x9d: {  	[timem:s6], [sflag:s22] =	dma.local [hbm:s4], s20  }
0x9e: {  	_ =	swait.ge [sflag:s22], s20  }
0x9f: {  	s3 =	ssub.s32 $0x0, s20;
	[sflag:s22] =	ssyncset.done $0x0  }
0xa0: {  	[sflag:s22] =	ssyncadd.s32 s3;
	_ =	sdelay $0x1  }
0xa1: {  	s23 =	simm.s32 $0x1B8B  }
0xa2: {  	_ =	swait.ge [sflag:s23], $0x1  }
0xa3: {  	[sflag:s23] =	ssyncset.done $0x0  }
0xa4: {  	s25 =	simm.s32 $0x1B8E;
	s24 =	sld [smem:$0x3FFE];
	[sflag:s23] =	ssyncadd.s32 $0xFFFFFFFF  }
0xa5: {  	s26 =	simm.s32 $execute0_lowered;
	[smem:$0x3FD2] =	sst s25  }
0xa6: {  	s4 =	sshll.u32 s26, $0x1;
	_ =	strace $0x80000046;
	[dreg:$0x1] =	wrdreg $0xFFFFFFFF  }
0xa7: {  	s28 =	simm.s32 $_size_execute0_lowered;
	s2 =	sadd.s32 s2, s4;
	[dreg:$0x0] =	wrdreg $0x0  }
0xa8: {  	s4 =	sshll.u32 s28, $0x1;
	[dreg:$0x2] =	wrdreg s2  }
0xa9: {  	[dreg:$0x3] =	wrdreg s4  }
0xaa: {  	[dreg:$0x4] =	wrdreg $0xC0  }
0xab: {  	_ =	task [dreg:s6], $0x5FFFF  }
0xac: {  	[dreg:$0x1] =	wrdreg $0xFFFFFFFF  }
0xad: {  	[dreg:$0x0] =	wrdreg $0x60  }
0xae: {  	[dreg:$0x2] =	wrdreg s24  }
0xaf: {  	[dreg:$0x3] =	wrdreg $0x0  }
0xb0: {  	[dreg:$0x4] =	wrdreg $0x9  }
0xb1: {  	_ =	task.clear_ibuf [dreg:s6], $0x5FFFF;
	_ =	strace $0x90000046  }
0xb2: {  	s29 =	simm.s32 $0x9;
	_ =	strace $0x80000048  }
0xb3: {  	_ =	swait.ge [sflag:s29], $0x1  }
0xb4: {  	[sflag:s29] =	ssyncadd.s32 $0xFFFFFFFF  }
0xb5: {  	_ =	strace $0x90000048  }
0xb6: {  	_ =	sfence  }
0xb7: {  	s30 =	sld [smem:$0x0];
	_ =	sdelay $0x2  }
0xb8: {  	s31 =	sshll.u32 s1, $0xD;
	s1 =	sshrl.u32 s1, $0x2  }
0xb9: {  	s3 =	sand.u32 $0x4000, s31;
	s1 =	sadd.s32 s1, s30  }
0xba: {  	s0 =	sor.u32 s3, s0;
	s1 =	sshll.u32 s1, $0x11  }
0xbb: {  	s0 =	sor.u32 s1, s0  }
0xbc: {  	s0 =	sadd.s32 $0x8F2B, s0  }
0xbd: {  	[sflag:s0] =	ssyncadd.remote.s32 $0x1  }
0xbe: {  	_ =	sfence.sel $0xFFFF  }
0xbf: {  	[dreg:$0x0] =	wrdreg $0xFFFFFFFF;
	(pc) =	sbr.abs _section_cstart, $3  }
0xc0: {  	[dreg:$0x1] =	wrdreg $0xFFFFFFFF  }
0xc1: {  	_ =	task.clear_ibuf [dreg:s6], $0x2FFFF;
	_ =	strace $0x9FFFFFFF  }
0xc2: {  	(tm) =	ssettm $0x7FFFFFFF  }
0xc3: {  	_ =	shalt  }
tec
execute0_lowered:
.L_overlay_start_1:
0x0: {  	(tag) =	ssettag $0x1  }
0x1: {  	s0 =	srdreg.scid  }
0x2: {  	s1 =	rddreg [dreg:$0x0];
	s20 =	stileid.u32;
	s2 =	sand.u32 $0x1, s0  }
0x3: {  	s3 =	sshll.u32 s20, $0x1;
	s0 =	smul.u32 $0x280, s20;
	s5 =	sadd.s32 $0x20E00, s1  }
0x4: {  	s4 =	ssub.s32 $0x2, s2;
	s3 =	sor.u32 s2, s3;
	s2 =	smul.u32 $0x4E20, s2  }
0x5: {  	s6 =	sshrl.u32 s4, $0x1;
	s13 =	sshrl.u32 s0, $0x3;
	s18 =	sadd.s32 $0x2800, s0  }
0x6: {  	s8 =	sadd.s32 $0x5000, s0;
	s9 =	sadd.s32 $0x7800, s0;
	s10 =	sadd.s32 $0xA000, s0  }
0x7: {  	s11 =	sadd.s32 $0xC800, s0;
	s12 =	sadd.s32 $0xF000, s0;
	s26 =	ssub.s32 s4, s6  }
0x8: {  	s4 =	sadd.s32 s5, s13;
	s14 =	sshrl.u32 s18, $0x3;
	s15 =	sshrl.u32 s8, $0x3  }
0x9: {  	s16 =	sshrl.u32 s9, $0x3;
	s17 =	sshrl.u32 s10, $0x3;
	s19 =	sshrl.u32 s11, $0x3  }
0xa: {  	s21 =	sshrl.u32 s12, $0x3;
	s13 =	sadd.s32 $0x11800, s0;
	[dreg:$0x3] =	wrdreg s4  }
0xb: {  	s4 =	sadd.s32 s5, s14;
	s22 =	sshrl.u32 s13, $0x3;
	s14 =	sor.u32 $0x14000, s0  }
0xc: {  	[dreg:$0x4] =	wrdreg s4;
	s4 =	sadd.s32 s5, s15;
	s23 =	sshrl.u32 s14, $0x3  }
0xd: {  	s15 =	sadd.s32 $0x16800, s0;
	[dreg:$0x5] =	wrdreg s4;
	s4 =	sadd.s32 s5, s16  }
0xe: {  	s24 =	sshrl.u32 s15, $0x3;
	[dreg:$0x6] =	wrdreg s4;
	s4 =	sadd.s32 s5, s17  }
0xf: {  	s16 =	sadd.s32 $0x19000, s0;
	[dreg:$0x7] =	wrdreg s4;
	s4 =	sadd.s32 s5, s19  }
0x10: {  	s25 =	sshrl.u32 s16, $0x3;
	[dreg:$0x8] =	wrdreg s4;
	s4 =	sadd.s32 s5, s21  }
0x11: {  	s21 =	sadd.s32 $0x1B800, s0;
	[dreg:$0x9] =	wrdreg s4;
	s4 =	sadd.s32 s5, s22  }
0x12: {  	s6 =	sshrl.u32 s21, $0x3;
	[dreg:$0xa] =	wrdreg s4;
	s4 =	sadd.s32 s5, s23  }
0x13: {  	s22 =	sadd.s32 $0x1E000, s0;
	[dreg:$0xb] =	wrdreg s4;
	s4 =	sadd.s32 s5, s24  }
0x14: {  	s7 =	sshrl.u32 s22, $0x3;
	[dreg:$0xc] =	wrdreg s4;
	s4 =	sadd.s32 s5, s25  }
0x15: {  	s23 =	sadd.s32 $0x20800, s0;
	[dreg:$0xd] =	wrdreg s4;
	s4 =	sadd.s32 s5, s6  }
0x16: {  	s17 =	sshrl.u32 s23, $0x3;
	[dreg:$0xe] =	wrdreg s4;
	s4 =	sadd.s32 s5, s7  }
0x17: {  	s24 =	sadd.s32 $0x23000, s0;
	[dreg:$0xf] =	wrdreg s4;
	s4 =	sadd.s32 s5, s17  }
0x18: {  	s19 =	sshrl.u32 s24, $0x3;
	s6 =	sadd.s32 $0x25800, s0;
	[dreg:$0x10] =	wrdreg s4  }
0x19: {  	s17 =	sshrl.u32 s6, $0x3;
	s4 =	sadd.s32 s5, s19;
	s19 =	rddreg [dreg:$0x1]  }
0x1a: {  	s25 =	smul.u32 $0x514, s3;
	s5 =	sadd.s32 s5, s17;
	[dreg:$0x11] =	wrdreg s4  }
0x1b: {  	s3 =	smul.u32 $0x4E20, s3;
	s17 =	simm.s32 $0x0;
	[dreg:$0x12] =	wrdreg s5  }
0x1c: {  	p0 =	sgt.u32 s20, $0x9;
	s7 =	smul.u32 $0x9C40, s20;
	[smem:$0x7FF] =	sst s17  }
0x1d: {  	s5 =	sadd.s32 s25, s1;
	s1 =	sadd.s32 $0x25E00, s1;
	s0 =	sadd.s32 s0, s19  }
0x1e: {  	s4 =	sadd.s32 s18, s19;
	s8 =	sadd.s32 s8, s19;
	s9 =	sadd.s32 s9, s19  }
0x1f: {  	s10 =	sadd.s32 s10, s19;
	s18 =	sadd.s32 s11, s19;
	s28 =	sadd.s32 s12, s19  }
0x20: {  	s29 =	sadd.s32 s13, s19;
	_ =	strace $0x80000047;
	[dreg:$0x13] =	wrdreg s0  }
0x21: {  	s30 =	sadd.s32 s14, s19;
	s31 =	sadd.s32 s15, s19;
	[dreg:$0x14] =	wrdreg s4  }
0x22: {  	s11 =	simm.s32 $0x2710;
	s12 =	simm.s32 $0x64;
	[dreg:$0x15] =	wrdreg s8  }
0x23: {  	s13 =	simm.s32 $0x5230;
	s14 =	simm.s32 $0x5870;
	[dreg:$0x16] =	wrdreg s9  }
0x24: {  	s15 =	simm.s32 $0x1;
	s25 =	sadd.s32 s1, s3;
	[dreg:$0x17] =	wrdreg s10  }
0x25: {  	s1 =	sadd.s32 s7, s1;
	[dreg:$0x18] =	wrdreg s18;
	s18 =	sadd.s32 s16, s19  }
0x26: {  	s0 =	sadd.s32 s21, s19;
	s3 =	sadd.s32 s24, s19;
	s4 =	sadd.s32 s6, s19  }
0x27: {  	s5 =	sadd.s32 $0x16A00, s5;
	s6 =	smax.u32 s26, $0x1;
	s9 =	simm.s32 $0x4FB0  }
0x28: {  	s10 =	simm.s32 $0x3;
	s16 =	simm.s32 $0x2;
	s21 =	simm.s32 $0x0  }
0x29: {  	s7 =	sadd.s32 s2, s1;
	s1 =	sadd.s32 s22, s19;
	s2 =	sadd.s32 s23, s19  }
0x2a: {  	s26 =	smov.u32 s25;
	s8 =	sadd.s32 $0xC8, s25;
	s24 =	sadd.s32 $0x258, s7  }
.LBB2_1:
0x2b: {  	s7 =	rddreg [dreg:$0x3]  }
0x2c: {  	[tilespmem:s9], [sflag:$0x3] =	stream.linear.gather [hbm4b:s7+s17], $0x280, $0x38;
	[tilespmem:$0x5EB0] =	vst v63  }
0x2d: {  	_ =	swait.ge [sflag:s10], $0x280  }
0x2e: {  	[sflag:s10] =	ssyncset.done $0x0  }
0x2f: {  	s20 =	rddreg [dreg:$0x13];
	[sflag:s10] =	ssyncadd.s32 $0xFFFFFD80  }
0x30: {  	[spmem:s20] =	stream.linear.scatter [tilespmem:s9], [sflag:$0x3], $0x280, $0x38;
	[tilespmem:$0x5EB0] =	vst v63  }
0x31: {  	_ =	swait.ge [sflag:s10], $0x280  }
0x32: {  	[sflag:s10] =	ssyncset.done $0x0  }
0x33: {  	s22 =	rddreg [dreg:$0x4];
	[sflag:s10] =	ssyncadd.s32 $0xFFFFFD80  }
0x34: {  	[tilespmem:s9], [sflag:$0x3] =	stream.linear.gather [hbm4b:s22+s17], $0x280, $0x38;
	[tilespmem:$0x5EB0] =	vst v63  }
0x35: {  	_ =	swait.ge [sflag:s10], $0x280  }
0x36: {  	[sflag:s10] =	ssyncset.done $0x0  }
0x37: {  	s23 =	rddreg [dreg:$0x14];
	[sflag:s10] =	ssyncadd.s32 $0xFFFFFD80  }
0x38: {  	[spmem:s23] =	stream.linear.scatter [tilespmem:s9], [sflag:$0x3], $0x280, $0x38;
	[tilespmem:$0x5EB0] =	vst v63  }
0x39: {  	_ =	swait.ge [sflag:s10], $0x280  }
0x3a: {  	[sflag:s10] =	ssyncset.done $0x0  }
0x3b: {  	s25 =	rddreg [dreg:$0x5];
	[sflag:s10] =	ssyncadd.s32 $0xFFFFFD80  }
0x3c: {  	[tilespmem:s9], [sflag:$0x3] =	stream.linear.gather [hbm4b:s25+s17], $0x280, $0x38;
	[tilespmem:$0x5EB0] =	vst v63  }
0x3d: {  	_ =	swait.ge [sflag:s10], $0x280  }
0x3e: {  	[sflag:s10] =	ssyncset.done $0x0  }
0x3f: {  	s20 =	rddreg [dreg:$0x15];
	[sflag:s10] =	ssyncadd.s32 $0xFFFFFD80  }
0x40: {  	[spmem:s20] =	stream.linear.scatter [tilespmem:s9], [sflag:$0x3], $0x280, $0x38;
	[tilespmem:$0x5EB0] =	vst v63  }
0x41: {  	_ =	swait.ge [sflag:s10], $0x280  }
0x42: {  	[sflag:s10] =	ssyncset.done $0x0  }
0x43: {  	s22 =	rddreg [dreg:$0x6];
	[sflag:s10] =	ssyncadd.s32 $0xFFFFFD80  }
0x44: {  	[tilespmem:s9], [sflag:$0x3] =	stream.linear.gather [hbm4b:s22+s17], $0x280, $0x38;
	[tilespmem:$0x5EB0] =	vst v63  }
0x45: {  	_ =	swait.ge [sflag:s10], $0x280  }
0x46: {  	[sflag:s10] =	ssyncset.done $0x0  }
0x47: {  	s23 =	rddreg [dreg:$0x16];
	[sflag:s10] =	ssyncadd.s32 $0xFFFFFD80  }
0x48: {  	[spmem:s23] =	stream.linear.scatter [tilespmem:s9], [sflag:$0x3], $0x280, $0x38;
	[tilespmem:$0x5EB0] =	vst v63  }
0x49: {  	_ =	swait.ge [sflag:s10], $0x280  }
0x4a: {  	[sflag:s10] =	ssyncset.done $0x0  }
0x4b: {  	s25 =	rddreg [dreg:$0x7];
	[sflag:s10] =	ssyncadd.s32 $0xFFFFFD80  }
0x4c: {  	[tilespmem:s9], [sflag:$0x3] =	stream.linear.gather [hbm4b:s25+s17], $0x280, $0x38;
	[tilespmem:$0x5EB0] =	vst v63  }
0x4d: {  	_ =	swait.ge [sflag:s10], $0x280  }
0x4e: {  	[sflag:s10] =	ssyncset.done $0x0  }
0x4f: {  	s20 =	rddreg [dreg:$0x17];
	[sflag:s10] =	ssyncadd.s32 $0xFFFFFD80  }
0x50: {  	[spmem:s20] =	stream.linear.scatter [tilespmem:s9], [sflag:$0x3], $0x280, $0x38;
	[tilespmem:$0x5EB0] =	vst v63  }
0x51: {  	_ =	swait.ge [sflag:s10], $0x280  }
0x52: {  	[sflag:s10] =	ssyncset.done $0x0  }
0x53: {  	s22 =	rddreg [dreg:$0x8];
	[sflag:s10] =	ssyncadd.s32 $0xFFFFFD80  }
0x54: {  	[tilespmem:s9], [sflag:$0x3] =	stream.linear.gather [hbm4b:s22+s17], $0x280, $0x38;
	[tilespmem:$0x5EB0] =	vst v63  }
0x55: {  	_ =	swait.ge [sflag:s10], $0x280  }
0x56: {  	[sflag:s10] =	ssyncset.done $0x0  }
0x57: {  	s23 =	rddreg [dreg:$0x18];
	[sflag:s10] =	ssyncadd.s32 $0xFFFFFD80  }
0x58: {  	[spmem:s23] =	stream.linear.scatter [tilespmem:s9], [sflag:$0x3], $0x280, $0x38;
	[tilespmem:$0x5EB0] =	vst v63  }
0x59: {  	_ =	swait.ge [sflag:s10], $0x280  }
0x5a: {  	[sflag:s10] =	ssyncset.done $0x0  }
0x5b: {  	s25 =	rddreg [dreg:$0x9];
	[sflag:s10] =	ssyncadd.s32 $0xFFFFFD80  }
0x5c: {  	[tilespmem:s9], [sflag:$0x3] =	stream.linear.gather [hbm4b:s25+s17], $0x280, $0x38;
	[tilespmem:$0x5EB0] =	vst v63  }
0x5d: {  	_ =	swait.ge [sflag:s10], $0x280  }
0x5e: {  	[sflag:s10] =	ssyncset.done $0x0  }
0x5f: {  	[sflag:s10] =	ssyncadd.s32 $0xFFFFFD80  }
0x60: {  	[spmem:s28] =	stream.linear.scatter [tilespmem:s9], [sflag:$0x3], $0x280, $0x38;
	[tilespmem:$0x5EB0] =	vst v63  }
0x61: {  	_ =	swait.ge [sflag:s10], $0x280  }
0x62: {  	[sflag:s10] =	ssyncset.done $0x0  }
0x63: {  	s20 =	rddreg [dreg:$0xa];
	[sflag:s10] =	ssyncadd.s32 $0xFFFFFD80  }
0x64: {  	[tilespmem:s9], [sflag:$0x3] =	stream.linear.gather [hbm4b:s20+s17], $0x280, $0x38;
	[tilespmem:$0x5EB0] =	vst v63  }
0x65: {  	_ =	swait.ge [sflag:s10], $0x280  }
0x66: {  	[sflag:s10] =	ssyncset.done $0x0  }
0x67: {  	[sflag:s10] =	ssyncadd.s32 $0xFFFFFD80  }
0x68: {  	[spmem:s29] =	stream.linear.scatter [tilespmem:s9], [sflag:$0x3], $0x280, $0x38;
	[tilespmem:$0x5EB0] =	vst v63  }
0x69: {  	_ =	swait.ge [sflag:s10], $0x280  }
0x6a: {  	[sflag:s10] =	ssyncset.done $0x0  }
0x6b: {  	s22 =	rddreg [dreg:$0xb];
	[sflag:s10] =	ssyncadd.s32 $0xFFFFFD80  }
0x6c: {  	[tilespmem:s9], [sflag:$0x3] =	stream.linear.gather [hbm4b:s22+s17], $0x280, $0x38;
	[tilespmem:$0x5EB0] =	vst v63  }
0x6d: {  	_ =	swait.ge [sflag:s10], $0x280  }
0x6e: {  	[sflag:s10] =	ssyncset.done $0x0  }
0x6f: {  	[sflag:s10] =	ssyncadd.s32 $0xFFFFFD80  }
0x70: {  	[spmem:s30] =	stream.linear.scatter [tilespmem:s9], [sflag:$0x3], $0x280, $0x38;
	[tilespmem:$0x5EB0] =	vst v63  }
0x71: {  	_ =	swait.ge [sflag:s10], $0x280  }
0x72: {  	[sflag:s10] =	ssyncset.done $0x0  }
0x73: {  	s23 =	rddreg [dreg:$0xc];
	[sflag:s10] =	ssyncadd.s32 $0xFFFFFD80  }
0x74: {  	[tilespmem:s9], [sflag:$0x3] =	stream.linear.gather [hbm4b:s23+s17], $0x280, $0x38;
	[tilespmem:$0x5EB0] =	vst v63  }
0x75: {  	_ =	swait.ge [sflag:s10], $0x280  }
0x76: {  	[sflag:s10] =	ssyncset.done $0x0  }
0x77: {  	[sflag:s10] =	ssyncadd.s32 $0xFFFFFD80  }
0x78: {  	[spmem:s31] =	stream.linear.scatter [tilespmem:s9], [sflag:$0x3], $0x280, $0x38;
	[tilespmem:$0x5EB0] =	vst v63  }
0x79: {  	_ =	swait.ge [sflag:s10], $0x280  }
0x7a: {  	[sflag:s10] =	ssyncset.done $0x0  }
0x7b: {  	s25 =	rddreg [dreg:$0xd];
	[sflag:s10] =	ssyncadd.s32 $0xFFFFFD80  }
0x7c: {  	[tilespmem:s9], [sflag:$0x3] =	stream.linear.gather [hbm4b:s25+s17], $0x280, $0x38;
	[tilespmem:$0x5EB0] =	vst v63  }
0x7d: {  	_ =	swait.ge [sflag:s10], $0x280  }
0x7e: {  	[sflag:s10] =	ssyncset.done $0x0  }
0x7f: {  	[sflag:s10] =	ssyncadd.s32 $0xFFFFFD80  }
0x80: {  	[spmem:s18] =	stream.linear.scatter [tilespmem:s9], [sflag:$0x3], $0x280, $0x38;
	[tilespmem:$0x5EB0] =	vst v63  }
0x81: {  	_ =	swait.ge [sflag:s10], $0x280  }
0x82: {  	[sflag:s10] =	ssyncset.done $0x0  }
0x83: {  	s20 =	rddreg [dreg:$0xe];
	[sflag:s10] =	ssyncadd.s32 $0xFFFFFD80  }
0x84: {  	[tilespmem:s9], [sflag:$0x3] =	stream.linear.gather [hbm4b:s20+s17], $0x280, $0x38;
	[tilespmem:$0x5EB0] =	vst v63  }
0x85: {  	_ =	swait.ge [sflag:s10], $0x280  }
0x86: {  	[sflag:s10] =	ssyncset.done $0x0  }
0x87: {  	[sflag:s10] =	ssyncadd.s32 $0xFFFFFD80  }
0x88: {  	[spmem:s0] =	stream.linear.scatter [tilespmem:s9], [sflag:$0x3], $0x280, $0x38;
	[tilespmem:$0x5EB0] =	vst v63  }
0x89: {  	_ =	swait.ge [sflag:s10], $0x280  }
0x8a: {  	[sflag:s10] =	ssyncset.done $0x0  }
0x8b: {  	s22 =	rddreg [dreg:$0xf];
	[sflag:s10] =	ssyncadd.s32 $0xFFFFFD80  }
0x8c: {  	[tilespmem:s9], [sflag:$0x3] =	stream.linear.gather [hbm4b:s22+s17], $0x280, $0x38;
	[tilespmem:$0x5EB0] =	vst v63  }
0x8d: {  	_ =	swait.ge [sflag:s10], $0x280  }
0x8e: {  	[sflag:s10] =	ssyncset.done $0x0  }
0x8f: {  	[sflag:s10] =	ssyncadd.s32 $0xFFFFFD80  }
0x90: {  	[spmem:s1] =	stream.linear.scatter [tilespmem:s9], [sflag:$0x3], $0x280, $0x38;
	[tilespmem:$0x5EB0] =	vst v63  }
0x91: {  	_ =	swait.ge [sflag:s10], $0x280  }
0x92: {  	[sflag:s10] =	ssyncset.done $0x0  }
0x93: {  	s23 =	rddreg [dreg:$0x10];
	[sflag:s10] =	ssyncadd.s32 $0xFFFFFD80  }
0x94: {  	[tilespmem:s9], [sflag:$0x3] =	stream.linear.gather [hbm4b:s23+s17], $0x280, $0x38;
	[tilespmem:$0x5EB0] =	vst v63  }
0x95: {  	_ =	swait.ge [sflag:s10], $0x280  }
0x96: {  	[sflag:s10] =	ssyncset.done $0x0  }
0x97: {  	[sflag:s10] =	ssyncadd.s32 $0xFFFFFD80  }
0x98: {  	[spmem:s2] =	stream.linear.scatter [tilespmem:s9], [sflag:$0x3], $0x280, $0x38;
	[tilespmem:$0x5EB0] =	vst v63  }
0x99: {  	_ =	swait.ge [sflag:s10], $0x280  }
0x9a: {  	[sflag:s10] =	ssyncset.done $0x0  }
0x9b: {  	s25 =	rddreg [dreg:$0x11];
	[sflag:s10] =	ssyncadd.s32 $0xFFFFFD80  }
0x9c: {  	[tilespmem:s9], [sflag:$0x3] =	stream.linear.gather [hbm4b:s25+s17], $0x280, $0x38;
	[tilespmem:$0x5EB0] =	vst v63  }
0x9d: {  	_ =	swait.ge [sflag:s10], $0x280  }
0x9e: {  	[sflag:s10] =	ssyncset.done $0x0  }
0x9f: {  	[sflag:s10] =	ssyncadd.s32 $0xFFFFFD80  }
0xa0: {  	[spmem:s3] =	stream.linear.scatter [tilespmem:s9], [sflag:$0x3], $0x280, $0x38;
	[tilespmem:$0x5EB0] =	vst v63  }
0xa1: {  	_ =	swait.ge [sflag:s10], $0x280  }
0xa2: {  	s7 =	simm.s32 @!p0 $0x0;
	[sflag:s10] =	ssyncset.done $0x0  }
0xa3: {  	s22 =	simm.s32 @!p0 $0x4FB0;
	s20 =	rddreg [dreg:$0x12];
	[sflag:s10] =	ssyncadd.s32 $0xFFFFFD80  }
0xa4: {  	[tilespmem:s22], [sflag:$0x3] =	stream.linear.gather @!p0 [hbm4b:s20+s7], $0x280, $0x38;
	[tilespmem:$0x5EB0] =	vst v63  }
0xa5: {  	s7 =	simm.s32 @!p0 $0x3  }
0xa6: {  	_ =	swait.ge @!p0 [sflag:s7], $0x280  }
0xa7: {  	[sflag:s7] =	ssyncset.done @!p0 $0x0  }
0xa8: {  	[sflag:s7] =	ssyncadd.s32 @!p0 $0xFFFFFD80  }
0xa9: {  	[spmem:s4] =	stream.linear.scatter @!p0 [tilespmem:s22], [sflag:$0x3], $0x280, $0x38;
	[tilespmem:$0x5EB0] =	vst v63  }
0xaa: {  	_ =	swait.ge @!p0 [sflag:s7], $0x280  }
0xab: {  	[sflag:s7] =	ssyncset.done @!p0 $0x0  }
0xac: {  	[sflag:s7] =	ssyncadd.s32 @!p0 $0xFFFFFD80  }
0xad: {  	[bflag:$0x0] =	sbarrier.arrive $0xFFFF  }
0xae: {  	[tilespmem:s11], [sflag:$0x3] =	stream.linear.gather [hbm4b:s5+s17], $0x28A0, $0x38;
	[tilespmem:$0x5EB0] =	vst v63  }
0xaf: {  	_ =	swait.ge [sflag:s10], $0x28A0  }
0xb0: {  	[sflag:s10] =	ssyncset.done $0x0  }
0xb1: {  	[sflag:s10] =	ssyncadd.s32 $0xFFFFD760  }
0xb2: {  	[tilespmem:s13], [sflag:$0x3] =	stream.indirect.gather [spmem:s19], $0x10, s11, s12, $0xb8;
	[tilespmem:$0x5EB0] =	vst v63  }
0xb3: {  	_ =	swait.ge [sflag:s10], $0x640  }
0xb4: {  	[sflag:s10] =	ssyncset.done $0x0  }
0xb5: {  	[sflag:s10] =	ssyncadd.s32 $0xFFFFF9C0  }
0xb6: {  	[hbm4b:s26+s17] =	stream.linear.scatter [tilespmem:s13], [sflag:$0x1], $0x640, $0x38;
	[tilespmem:$0x5EB0] =	vst v63  }
0xb7: {  	s20 =	simm.s32 $0x2778  }
0xb8: {  	[tilespmem:s14], [sflag:$0x3] =	stream.indirect.gather [spmem:s19], $0x10, s20, s12, $0xb8;
	[tilespmem:$0x5EB0] =	vst v63  }
0xb9: {  	_ =	swait.ge [sflag:s10], $0x640  }
0xba: {  	[sflag:s10] =	ssyncset.done $0x0  }
0xbb: {  	[sflag:s10] =	ssyncadd.s32 $0xFFFFF9C0  }
0xbc: {  	[hbm4b:s8+s17] =	stream.linear.scatter [tilespmem:s14], [sflag:$0x2], $0x640, $0x38;
	[tilespmem:$0x5EB0] =	vst v63  }
0xbd: {  	_ =	swait.ge [sflag:s15], $0x640  }
0xbe: {  	[sflag:s15] =	ssyncset.done $0x0  }
0xbf: {  	s22 =	simm.s32 $0x27E0;
	[sflag:s15] =	ssyncadd.s32 $0xFFFFF9C0  }
0xc0: {  	[tilespmem:s13], [sflag:$0x3] =	stream.indirect.gather [spmem:s19], $0x10, s22, s12, $0xb8;
	[tilespmem:$0x5EB0] =	vst v63  }
0xc1: {  	_ =	swait.ge [sflag:s10], $0x640  }
0xc2: {  	[sflag:s10] =	ssyncset.done $0x0  }
0xc3: {  	s23 =	sadd.s32 $0xFFFFFF38, s24;
	[sflag:s10] =	ssyncadd.s32 $0xFFFFF9C0  }
0xc4: {  	[hbm4b:s23+s17] =	stream.linear.scatter [tilespmem:s13], [sflag:$0x1], $0x640, $0x38;
	[tilespmem:$0x5EB0] =	vst v63  }
0xc5: {  	_ =	swait.ge [sflag:s16], $0x640  }
0xc6: {  	[sflag:s16] =	ssyncset.done $0x0  }
0xc7: {  	s25 =	simm.s32 $0x2848;
	[sflag:s16] =	ssyncadd.s32 $0xFFFFF9C0  }
0xc8: {  	[tilespmem:s14], [sflag:$0x3] =	stream.indirect.gather [spmem:s19], $0x10, s25, s12, $0xb8;
	[tilespmem:$0x5EB0] =	vst v63  }
0xc9: {  	_ =	swait.ge [sflag:s10], $0x640  }
0xca: {  	s7 =	smov.u32 s24;
	[sflag:s10] =	ssyncset.done $0x0  }
0xcb: {  	s22 =	simm.s32 $0x340;
	s23 =	sadd.s32 $0x190, s24;
	[sflag:s10] =	ssyncadd.s32 $0xFFFFF9C0  }
.LBB2_2:
0xcc: {  	[hbm4b:s7+s17] =	stream.linear.scatter [tilespmem:s14], [sflag:$0x2], $0x640, $0x38;
	[tilespmem:$0x5EB0] =	vst v63  }
0xcd: {  	s20 =	smov.u32 s22;
	s7 =	smov.u32 s23  }
0xce: {  	p1 =	sne.s32 s22, $0x9C00;
	s22 =	sadd.s32 $0x340, s22;
	_ =	swait.ge [sflag:s15], $0x640  }
0xcf: {  	s20 =	sshra.s32 s20, $0x2;
	[sflag:s15] =	ssyncset.done $0x0  }
0xd0: {  	s25 =	sadd.s32 $0x27E0, s20;
	[sflag:s15] =	ssyncadd.s32 $0xFFFFF9C0  }
0xd1: {  	[tilespmem:s13], [sflag:$0x3] =	stream.indirect.gather [spmem:s19], $0x10, s25, s12, $0xb8;
	[tilespmem:$0x5EB0] =	vst v63  }
0xd2: {  	_ =	swait.ge [sflag:s10], $0x640  }
0xd3: {  	[sflag:s10] =	ssyncset.done $0x0  }
0xd4: {  	s25 =	sadd.s32 $0xFFFFFF38, s23;
	[sflag:s10] =	ssyncadd.s32 $0xFFFFF9C0  }
0xd5: {  	[hbm4b:s25+s17] =	stream.linear.scatter [tilespmem:s13], [sflag:$0x1], $0x640, $0x38;
	[tilespmem:$0x5EB0] =	vst v63  }
0xd6: {  	_ =	swait.ge [sflag:s16], $0x640  }
0xd7: {  	[sflag:s16] =	ssyncset.done $0x0  }
.Ltmp0:
0xd8: {  	s20 =	sadd.s32 $0x2848, s20;
	[sflag:s16] =	ssyncadd.s32 $0xFFFFF9C0;
	(pc) =	sbr.rel @p1 .LBB2_2-.Ltmp0, $4  }
0xd9: {  	[tilespmem:s14], [sflag:$0x3] =	stream.indirect.gather [spmem:s19], $0x10, s20, s12, $0xb8;
	[tilespmem:$0x5EB0] =	vst v63  }
0xda: {  	_ =	swait.ge [sflag:s10], $0x640  }
0xdb: {  	[sflag:s10] =	ssyncset.done $0x0  }
0xdc: {  	s23 =	sadd.s32 $0x190, s23;
	[sflag:s10] =	ssyncadd.s32 $0xFFFFF9C0  }
0xdd: {  	[hbm4b:s7+s17] =	stream.linear.scatter [tilespmem:s14], [sflag:$0x2], $0x640, $0x38;
	[tilespmem:$0x5EB0] =	vst v63  }
0xde: {  	s21 =	sadd.s32 $0x1, s21  }
0xdf: {  	_ =	swait.ge [sflag:s15], $0x640;
	p1 =	sne.s32 s21, s6  }
.Ltmp1:
0xe0: {  	[sflag:s15] =	ssyncset.done $0x0;
	(pc) =	sbr.rel @p1 .LBB2_1-.Ltmp1, $4  }
0xe1: {  	[sflag:s15] =	ssyncadd.s32 $0xFFFFF9C0  }
0xe2: {  	_ =	swait.ge [sflag:s16], $0x640  }
0xe3: {  	[sflag:s16] =	ssyncset.done $0x0  }
0xe4: {  	[sflag:s16] =	ssyncadd.s32 $0xFFFFF9C0  }
0xe5: {  	_ =	sfence.sel $0x180000  }
0xe6: {  	[bflag:$0x0] =	sbarrier.arrive $0xFFFF  }
0xe7: {  	_ =	strace $0x90000047  }
0xe8: {  	s0 =	stileid.u32;
	[bflag:$0x2] =	sbarrier.arrive $0xFFFF  }
0xe9: {  	p0 =	sne.s32 s0, $0x0;
	s0 =	rddreg [dreg:$0x2]  }
0xea: {  	s0 =	sadd.s32 @!p0 $0x100000, s0  }
0xeb: {  	[sflag:s0] =	ssyncadd.tile.s32 @!p0 $0x1;
	_ =	shalt  }
.Lfunc_end2:
_tile_overlayer_lowered:
.L_overlay_start_2:
0xec: {  	(tag) =	ssettag $0x2  }
0xed: {  	s0 =	rddreg [dreg:$0x0];
	s2 =	stileid.u32  }
0xee: {  	s1 =	rddreg [dreg:$0x1];
	p0 =	sne.s32 s2, $0x0  }
0xef: {  	s3 =	rddreg [dreg:$0x2];
	[bflag:$0x3] =	sbarrier.arrive $0xFFFF;
	s2 =	simm.s32 @!p0 $0x1C03  }
0xf0: {  	[timem:s3], [sflag:s2] =	dma.local @!p0 [hbm:s0], s1  }
0xf1: {  	s0 =	simm.s32 @!p0 $0x3  }
0xf2: {  	_ =	swait.ge @!p0 [sflag:s0], s1  }
0xf3: {  	s1 =	ssub.s32 @!p0 $0x0, s1;
	[sflag:s0] =	ssyncset.done @!p0 $0x0  }
0xf4: {  	[sflag:s0] =	ssyncadd.s32 @!p0 s1  }
0xf5: {  	[bflag:$0x3] =	sbarrier.arrive $0xFFFF  }
0xf6: {  	_ =	shalt  }

// kernel: kernel.9.cloned.1.call-start
scs
__scs_entry_jumppad:
0x0: {  	(pc) =	sbr.rel $0x88, $3  }
0x1: {  	(tag) =	ssettag $0x0;
	lr =	simm.s32 $0x1  }
0x2: {  	[smem:$0x3F96] =	sst lr;
	_ =	strace $0xD0000000  }
0x3: {  	_ = 	snop  }
0x4: {  	_ = 	snop  }
0x5: {  	_ = 	snop  }
0x6: {  	_ = 	snop  }
0x7: {  	_ = 	snop  }
__scs_overlays_trampoline_lowered:
0x8: {  	[smem:$0x3FA5] =	sst s0  }
0x9: {  	[smem:$0x3FA6] =	sst s1  }
0xa: {  	[smem:$0x3FA7] =	sst s2  }
0xb: {  	[smem:$0x3FA8] =	sst s3  }
0xc: {  	[smem:$0x3FA9] =	sst s4  }
0xd: {  	[smem:$0x3FAA] =	sst s5  }
0xe: {  	[smem:$0x3FAB] =	sst s6  }
0xf: {  	[smem:$0x3FAC] =	sst s7  }
0x10: {  	[smem:$0x3FAD] =	sst s8  }
0x11: {  	[smem:$0x3FAE] =	sst s9;
	s0 =	simm.s32 @!p0 $0x0  }
0x12: {  	s1 =	sld [smem:$0x3F94];
	s0 =	simm.s32 @p0 $0x1  }
0x13: {  	[smem:$0x3FAF] =	sst s0;
	s0 =	simm.s32 @!p1 $0x0  }
0x14: {  	s2 =	sld [smem:$0x3F93];
	s0 =	simm.s32 @p1 $0x1  }
0x15: {  	[smem:$0x3FB0] =	sst s0;
	s0 =	simm.s32 @!p2 $0x0  }
0x16: {  	s3 =	sld [smem:$0x3FDB];
	s0 =	simm.s32 @p2 $0x1  }
0x17: {  	s4 =	simm.s32 $0x1BF5;
	[smem:$0x3FB2] =	sst s0  }
0x18: {  	s0 =	sld [smem:$0x3F95];
	_ =	swait.ge [sflag:s4], $0x0  }
0x19: {  	s7 =	sld [smem:$0x3F96]  }
0x1a: {  	s8 =	sadd.s32 $0xFFFFE003, lr  }
0x1b: {  	s9 =	sadd.s32 $0xFFFFFEF7, lr;
	s5 =	simm.s32 $0xFFFFFFFF;
	p2 =	slt.u32 s8, $0xFFFFF086  }
0x1c: {  	p1 =	slt.u32 s9, $0xF7A;
	s5 =	simm.s32 @!p2 $0x0  }
0x1d: {  	s5 =	simm.s32 @p1 $0x1;
	p0 =	seq.s32 s7, s2  }
0x1e: {  	s7 =	smul.u32 @!p0 $0xF7A, s2;
	p2 =	seq.s32 @!p0 s5, $0x0  }
0x1f: {  	s9 =	smul.u32 $0xF7A, s1;
	s8 =	simm.s32 @!p0 $0x1BF5;
	p2 =	por !p2, p0  }
0x20: {  	[sflag:s8] =	ssyncset.s32 @!p0 $0xFFFFF086;
	s6 =	sadd.s32 @!p0 s3, s7;
	s7 =	simm.s32 @!p0 $0x108  }
0x21: {  	s3 =	sadd.s32 s3, s9;
	s6 =	sadd.s32 @!p0 $0x88, s6;
	s7 =	simm.s32 @p2 $0x1082  }
0x22: {  	[simem:s7], [sflag:s8] =	dma.local @!p0 [hbm:s6], $0xF7A  }
0x23: {  	s9 =	sor.u32 $0xD0000000, s2;
	s6 =	simm.s32 $0x108;
	_ =	swait.ge @!p0 [sflag:s8], $0x0  }
0x24: {  	s3 =	sadd.s32 $0x88, s3;
	s6 =	simm.s32 @!p1 $0x1082;
	[sflag:s4] =	ssyncset.s32 $0xFFFFF086  }
0x25: {  	[simem:s6], [sflag:s4] =	dma.local [hbm:s3], $0xF7A  }
0x26: {  	[smem:$0x3F96] =	sst s1;
	(tag) =	ssettag s2;
	_ =	strace s9  }
0x27: {  	s1 =	sld [smem:$0x3FA6]  }
0x28: {  	s2 =	sld [smem:$0x3FA7]  }
0x29: {  	s4 =	sld [smem:$0x3FA9]  }
0x2a: {  	p0 =	seq.s32 s5, $0x0;
	s5 =	sld [smem:$0x3FAA]  }
0x2b: {  	s6 =	sld [smem:$0x3FAB]  }
0x2c: {  	s7 =	sld [smem:$0x3FAC]  }
0x2d: {  	s3 =	simm.s32 $0x108;
	s8 =	sld [smem:$0x3FAD]  }
0x2e: {  	s3 =	simm.s32 @!p0 $0x1082;
	s9 =	sld [smem:$0x3FAE]  }
0x2f: {  	lr =	sadd.s32 s0, s3;
	s0 =	sld [smem:$0x3FA5]  }
0x30: {  	s3 =	sld [smem:$0x3FA8]  }
0x31: {  	[smem:$0x3FB1] =	sst s10  }
0x32: {  	s10 =	sld [smem:$0x3FAF];
	_ =	sdelay $0x3  }
0x33: {  	p0 =	seq.s32 s10, $0x1;
	s10 =	sld [smem:$0x3FB1];
	_ =	sdelay $0x3  }
0x34: {  	[smem:$0x3FB1] =	sst s10  }
0x35: {  	s10 =	sld [smem:$0x3FB0];
	_ =	sdelay $0x3  }
0x36: {  	p1 =	seq.s32 s10, $0x1;
	s10 =	sld [smem:$0x3FB1];
	_ =	sdelay $0x3  }
0x37: {  	[smem:$0x3FB1] =	sst s10  }
0x38: {  	s10 =	sld [smem:$0x3FB2]  }
0x39: {  	_ = 	snop;
	(pc) =	sbr.ind lr, $3  }
0x3a: {  	_ = 	snop  }
0x3b: {  	_ = 	snop  }
0x3c: {  	p2 =	seq.s32 s10, $0x1;
	s10 =	sld [smem:$0x3FB1]  }
0x3d: {  	_ =	shalt  }
0x3e: {  	_ =	shalt  }
0x3f: {  	_ =	shalt  }
0x40: {  	_ =	shalt  }
0x41: {  	_ =	shalt  }
0x42: {  	_ =	shalt  }
0x43: {  	_ =	shalt  }
0x44: {  	_ =	shalt  }
0x45: {  	_ =	shalt  }
0x46: {  	_ =	shalt  }
0x47: {  	_ =	shalt  }
0x48: {  	_ =	shalt  }
0x49: {  	_ =	shalt  }
0x4a: {  	_ =	shalt  }
0x4b: {  	_ =	shalt  }
0x4c: {  	_ =	shalt  }
0x4d: {  	_ =	shalt  }
0x4e: {  	_ =	shalt  }
0x4f: {  	_ =	shalt  }
0x50: {  	_ =	shalt  }
0x51: {  	_ =	shalt  }
0x52: {  	_ =	shalt  }
0x53: {  	_ =	shalt  }
0x54: {  	_ =	shalt  }
0x55: {  	_ =	shalt  }
0x56: {  	_ =	shalt  }
0x57: {  	_ =	shalt  }
0x58: {  	_ =	shalt  }
0x59: {  	_ =	shalt  }
0x5a: {  	_ =	shalt  }
0x5b: {  	_ =	shalt  }
0x5c: {  	_ =	shalt  }
0x5d: {  	_ =	shalt  }
0x5e: {  	_ =	shalt  }
0x5f: {  	_ =	shalt  }
0x60: {  	_ =	shalt  }
0x61: {  	_ =	shalt  }
0x62: {  	_ =	shalt  }
0x63: {  	_ =	shalt  }
0x64: {  	_ =	shalt  }
0x65: {  	_ =	shalt  }
0x66: {  	_ =	shalt  }
0x67: {  	_ =	shalt  }
0x68: {  	_ =	shalt  }
0x69: {  	_ =	shalt  }
0x6a: {  	_ =	shalt  }
0x6b: {  	_ =	shalt  }
0x6c: {  	_ =	shalt  }
0x6d: {  	_ =	shalt  }
0x6e: {  	_ =	shalt  }
0x6f: {  	_ =	shalt  }
0x70: {  	_ =	shalt  }
0x71: {  	_ =	shalt  }
0x72: {  	_ =	shalt  }
0x73: {  	_ =	shalt  }
0x74: {  	_ =	shalt  }
0x75: {  	_ =	shalt  }
0x76: {  	_ =	shalt  }
0x77: {  	_ =	shalt  }
0x78: {  	_ =	shalt  }
0x79: {  	_ =	shalt  }
0x7a: {  	_ =	shalt  }
0x7b: {  	_ =	shalt  }
0x7c: {  	_ =	shalt  }
0x7d: {  	_ =	shalt  }
0x7e: {  	_ =	shalt  }
0x7f: {  	_ =	shalt  }
0x80: {  	_ =	shalt  }
0x81: {  	_ =	shalt  }
0x82: {  	_ =	shalt  }
0x83: {  	_ =	shalt  }
0x84: {  	_ =	shalt  }
0x85: {  	_ =	shalt  }
0x86: {  	_ =	shalt  }
0x87: {  	_ =	shalt  }
.Lfunc_end0:
.L_simem_size_0:
called_computation.1_lowered:
.L_overlay_start_0:
0x88: {  	s2 =	sld [smem:$0x3FD9]  }
0x89: {  	s3 =	sld [smem:$0x3FFE];
	_ =	sdelay $0x1  }
0x8a: {  	s1 =	srdreg.scid  }
0x8b: {  	s0 =	sand.u32 $0x1, s1  }
0x8c: {  	s17 =	sshll.u32 s0, $0xA;
	s2 =	sadd.s32 s3, s2  }
0x8d: {  	s2 =	sadd.s32 s2, s17  }
0x8e: {  	[smem:$0x3FBD] =	sst s2  }
0x8f: {  	_ = 	snop  }
0x90: {  	s2 =	sld [smem:$0x3FC8];
	(tm) =	ssettm $0x1  }
0x91: {  	s18 =	sld [smem:$0x3FFB];
	_ =	sdelay $0x3  }
0x92: {  	_ =	strace s18  }
0x93: {  	s3 =	sld [smem:$0x3FFC];
	_ =	sdelay $0x3  }
0x94: {  	_ =	strace s3  }
0x95: {  	s3 =	sld [smem:$0x3FFD];
	_ =	sdelay $0x3  }
0x96: {  	_ =	strace s3  }
0x97: {  	_ =	strace $0x8FFFFFFF  }
0x98: {  	s19 =	sld [smem:$0x3FDB];
	_ =	sdelay $0x1  }
0x99: {  	s4 =	simm.s32 $_scs_section_size  }
0x9a: {  	s5 =	simm.s32 $_size__tile_overlayer_lowered;
	s6 =	simm.s32 $_tile_overlayer_lowered  }
0x9b: {  	s22 =	simm.s32 $0x1BFF;
	s21 =	sshll.u32 s6, $0x1;
	s3 =	sadd.s32 s4, s19  }
0x9c: {  	s7 =	simm.s32 $0x0;
	s20 =	sshll.u32 s5, $0x1;
	s5 =	sadd.s32 s21, s3  }
0x9d: {  	[timem:s7], [sflag:s22] =	dma.local [hbm:s5], s20  }
0x9e: {  	_ =	swait.ge [sflag:s22], s20  }
0x9f: {  	s4 =	ssub.s32 $0x0, s20;
	[sflag:s22] =	ssyncset.done $0x0  }
0xa0: {  	[sflag:s22] =	ssyncadd.s32 s4;
	_ =	sdelay $0x1  }
0xa1: {  	s23 =	simm.s32 $0x1B8B  }
0xa2: {  	_ =	swait.ge [sflag:s23], $0x1  }
0xa3: {  	[sflag:s23] =	ssyncset.done $0x0  }
0xa4: {  	s25 =	simm.s32 $0x1B8E;
	s24 =	sld [smem:$0x3FFE];
	[sflag:s23] =	ssyncadd.s32 $0xFFFFFFFF  }
0xa5: {  	s26 =	simm.s32 $execute0_lowered;
	[smem:$0x3FD2] =	sst s25  }
0xa6: {  	s5 =	sshll.u32 s26, $0x1;
	_ =	strace $0x80000049;
	[dreg:$0x1] =	wrdreg $0xFFFFFFFF  }
0xa7: {  	s28 =	simm.s32 $_size_execute0_lowered;
	s3 =	sadd.s32 s3, s5;
	[dreg:$0x0] =	wrdreg $0x0  }
0xa8: {  	s5 =	sshll.u32 s28, $0x1;
	[dreg:$0x2] =	wrdreg s3  }
0xa9: {  	[dreg:$0x3] =	wrdreg s5  }
0xaa: {  	[dreg:$0x4] =	wrdreg $0xC0  }
0xab: {  	_ =	task [dreg:s7], $0x5FFFF  }
0xac: {  	[dreg:$0x1] =	wrdreg $0xFFFFFFFF  }
0xad: {  	[dreg:$0x0] =	wrdreg $0x60  }
0xae: {  	[dreg:$0x2] =	wrdreg s2  }
0xaf: {  	[dreg:$0x3] =	wrdreg s24  }
0xb0: {  	[dreg:$0x4] =	wrdreg $0x0  }
0xb1: {  	[dreg:$0x5] =	wrdreg $0x9  }
0xb2: {  	_ =	task.clear_ibuf [dreg:s7], $0x6FFFF;
	_ =	strace $0x90000049  }
0xb3: {  	s29 =	simm.s32 $0x9;
	_ =	strace $0x8000004B  }
0xb4: {  	_ =	swait.ge [sflag:s29], $0x1  }
0xb5: {  	[sflag:s29] =	ssyncadd.s32 $0xFFFFFFFF  }
0xb6: {  	_ =	strace $0x9000004B  }
0xb7: {  	_ =	sfence  }
0xb8: {  	s30 =	sld [smem:$0x0];
	_ =	sdelay $0x2  }
0xb9: {  	s31 =	sshll.u32 s1, $0xD;
	s1 =	sshrl.u32 s1, $0x2  }
0xba: {  	s3 =	sand.u32 $0x4000, s31;
	s1 =	sadd.s32 s1, s30  }
0xbb: {  	s0 =	sor.u32 s3, s0;
	s1 =	sshll.u32 s1, $0x11  }
0xbc: {  	s0 =	sor.u32 s1, s0  }
0xbd: {  	s0 =	sadd.s32 $0x8F2B, s0  }
0xbe: {  	[sflag:s0] =	ssyncadd.remote.s32 $0x1  }
0xbf: {  	_ =	sfence.sel $0xFFFF  }
0xc0: {  	[dreg:$0x0] =	wrdreg $0xFFFFFFFF;
	(pc) =	sbr.abs _section_cstart, $3  }
0xc1: {  	[dreg:$0x1] =	wrdreg $0xFFFFFFFF  }
0xc2: {  	_ =	task.clear_ibuf [dreg:s7], $0x2FFFF;
	_ =	strace $0x9FFFFFFF  }
0xc3: {  	(tm) =	ssettm $0x7FFFFFFF  }
tec
execute0_lowered:
.L_overlay_start_1:
0x0: {  	(tag) =	ssettag $0x1  }
0x1: {  	s4 =	rddreg [dreg:$0x1];
	s1 =	simm.s32 $0x0;
	s0 =	srdreg.scid  }
0x2: {  	s10 =	stileid.u32;
	[smem:$0x7FF] =	sst s1  }
0x3: {  	s3 =	sor.u32 $0x10, s10;
	s30 =	sadd.s32 $0x16A00, s4;
	s4 =	smul.u32 $0x1400, s10  }
0x4: {  	s0 =	sand.u32 $0x1, s0;
	s2 =	sshll.u32 s10, $0x1;
	s5 =	smul.u32 $0x5000, s3  }
0x5: {  	s21 =	sor.u32 $0x20, s10;
	s28 =	sor.u32 $0x30, s10;
	s18 =	smul.u32 $0x138800, s0  }
0x6: {  	s25 =	sor.u32 $0x50, s10;
	s22 =	sor.u32 $0x60, s10;
	s8 =	smul.u32 $0x1400, s28  }
0x7: {  	s23 =	sor.u32 $0x70, s10;
	s31 =	sor.u32 $0x80, s10;
	s15 =	smul.u32 $0x1400, s25  }
0x8: {  	s12 =	sor.u32 s0, s2;
	s20 =	smul.u32 $0x1400, s22;
	[smem:$0x7EC] =	sst s4  }
0x9: {  	s26 =	ssub.s32 $0x2, s0;
	s24 =	smul.u32 $0x1400, s23;
	[smem:$0x7E3] =	sst s5  }
0xa: {  	s28 =	smul.u32 $0x5000, s28;
	s6 =	sshrl.u32 s26, $0x1;
	[smem:$0x7EF] =	sst s8  }
0xb: {  	s2 =	ssub.s32 s26, s6;
	s26 =	sor.u32 $0x40, s10;
	[smem:$0x7F1] =	sst s15  }
0xc: {  	s0 =	sadd.s32 s4, s18;
	s5 =	smul.u32 $0x1400, s3;
	[smem:$0x7F2] =	sst s20  }
0xd: {  	s6 =	smul.u32 $0x1400, s21;
	s14 =	sadd.s32 s18, s8;
	[smem:$0x7F3] =	sst s24  }
0xe: {  	s19 =	sadd.s32 s18, s15;
	s8 =	sor.u32 $0x90, s10;
	[smem:$0x7F4] =	sst s2  }
0xf: {  	s0 =	sshrl.u32 s0, $0x3;
	s11 =	smul.u32 $0x1400, s26;
	[smem:$0x7ED] =	sst s5  }
0x10: {  	s2 =	sshrl.u32 s14, $0x3;
	s14 =	sadd.s32 s18, s24;
	[smem:$0x7EE] =	sst s6  }
0x11: {  	s0 =	sadd.s32 s30, s0;
	s7 =	sadd.s32 s18, s5;
	s9 =	sadd.s32 s18, s6  }
0x12: {  	s16 =	sadd.s32 s30, s2;
	s2 =	sadd.s32 s18, s20;
	[dreg:$0x4] =	wrdreg s0  }
0x13: {  	s0 =	sshrl.u32 s7, $0x3;
	[smem:$0x7F0] =	sst s11;
	s13 =	sshrl.u32 s9, $0x3  }
0x14: {  	s3 =	sadd.s32 s18, s11;
	[dreg:$0x7] =	wrdreg s16;
	s16 =	smul.u32 $0x1400, s31  }
0x15: {  	s9 =	sor.u32 $0xA0, s10;
	s7 =	sor.u32 $0xB0, s10;
	s0 =	sadd.s32 s30, s0  }
0x16: {  	s17 =	sshrl.u32 s3, $0x3;
	[dreg:$0x5] =	wrdreg s0;
	s0 =	sadd.s32 s30, s13  }
0x17: {  	s15 =	sadd.s32 s18, s16;
	s13 =	smul.u32 $0x1400, s8;
	[dreg:$0x6] =	wrdreg s0  }
0x18: {  	s0 =	sadd.s32 s30, s17;
	s17 =	sshrl.u32 s14, $0x3;
	s15 =	sshrl.u32 s15, $0x3  }
0x19: {  	s14 =	smul.u32 $0x1400, s9;
	[dreg:$0x8] =	wrdreg s0;
	s0 =	sshrl.u32 s19, $0x3  }
0x1a: {  	s3 =	sadd.s32 s30, s17;
	s4 =	sadd.s32 s30, s15;
	s5 =	sadd.s32 s18, s13  }
0x1b: {  	s15 =	smul.u32 $0x1400, s7;
	s0 =	sadd.s32 s30, s0;
	[dreg:$0xb] =	wrdreg s3  }
0x1c: {  	[dreg:$0xc] =	wrdreg s4;
	s6 =	sadd.s32 s18, s14;
	s19 =	sshrl.u32 s5, $0x3  }
0x1d: {  	s4 =	sor.u32 $0xC0, s10;
	s5 =	sor.u32 $0xE0, s10;
	[dreg:$0x9] =	wrdreg s0  }
0x1e: {  	s0 =	sshrl.u32 s2, $0x3;
	s17 =	sshrl.u32 s6, $0x3;
	s11 =	sadd.s32 s30, s19  }
0x1f: {  	s6 =	sor.u32 $0xD0, s10;
	s20 =	sadd.s32 s18, s15;
	s0 =	sadd.s32 s30, s0  }
0x20: {  	[dreg:$0xd] =	wrdreg s11;
	s19 =	sadd.s32 s30, s17;
	s17 =	smul.u32 $0x1400, s4  }
0x21: {  	[dreg:$0xe] =	wrdreg s19;
	s19 =	sshrl.u32 s20, $0x3;
	s20 =	smul.u32 $0x1400, s6  }
0x22: {  	[dreg:$0xa] =	wrdreg s0;
	s24 =	sadd.s32 s30, s19;
	s0 =	sadd.s32 s18, s17  }
0x23: {  	[dreg:$0xf] =	wrdreg s24;
	s24 =	smul.u32 $0x1400, s5;
	s29 =	sadd.s32 s18, s20  }
0x24: {  	s11 =	sor.u32 $0xF0, s10;
	s19 =	sshrl.u32 s0, $0x3;
	s2 =	sshrl.u32 s29, $0x3  }
0x25: {  	s29 =	smul.u32 $0x1400, s11;
	s19 =	sadd.s32 s30, s19;
	s3 =	sadd.s32 s18, s24  }
0x26: {  	[dreg:$0x10] =	wrdreg s19;
	s0 =	sadd.s32 s30, s2;
	s19 =	sshrl.u32 s3, $0x3  }
0x27: {  	[dreg:$0x11] =	wrdreg s0;
	s2 =	sadd.s32 s18, s29;
	s0 =	sadd.s32 s30, s19  }
0x28: {  	s25 =	smul.u32 $0x5000, s25;
	[dreg:$0x12] =	wrdreg s0;
	s0 =	sshrl.u32 s2, $0x3  }
0x29: {  	s22 =	smul.u32 $0x5000, s22;
	s18 =	rddreg [dreg:$0x0];
	s0 =	sadd.s32 s30, s0  }
0x2a: {  	s2 =	smul.u32 $0x4E2, s12;
	[dreg:$0x13] =	wrdreg s0  }
0x2b: {  	s19 =	rddreg [dreg:$0x2];
	s30 =	smul.u32 $0x5000, s21;
	_ =	strace $0x8000004A  }
0x2c: {  	s0 =	smul.u32 $0x5000, s10;
	s3 =	rddreg [dreg:$0x1]  }
0x2d: {  	s2 =	sadd.s32 s2, s3;
	s21 =	sadd.s32 $0xF68200, s3;
	s3 =	sld [smem:$0x7E3]  }
0x2e: {  	s23 =	smul.u32 $0x5000, s23;
	s0 =	sshrl.u32 s0, $0x2  }
0x2f: {  	s25 =	sshrl.u32 s25, $0x2;
	s26 =	smul.u32 $0x5000, s26;
	s0 =	sadd.s32 s0, s19  }
0x30: {  	s8 =	smul.u32 $0x5000, s8;
	[dreg:$0x14] =	wrdreg s0;
	s0 =	sshrl.u32 s3, $0x2  }
0x31: {  	s9 =	smul.u32 $0x5000, s9;
	s3 =	sshrl.u32 s30, $0x2;
	s0 =	sadd.s32 s0, s19  }
0x32: {  	s7 =	smul.u32 $0x5000, s7;
	[dreg:$0x15] =	wrdreg s0;
	s0 =	sadd.s32 s3, s19  }
0x33: {  	s6 =	smul.u32 $0x5000, s6;
	s3 =	sshrl.u32 s28, $0x2;
	[dreg:$0x16] =	wrdreg s0  }
0x34: {  	s0 =	sadd.s32 s3, s19;
	s3 =	sshrl.u32 s26, $0x2;
	s26 =	smul.u32 $0x5000, s31  }
0x35: {  	[dreg:$0x17] =	wrdreg s0;
	s0 =	sadd.s32 s3, s19;
	s3 =	sshrl.u32 s22, $0x2  }
0x36: {  	s22 =	sshrl.u32 s23, $0x2;
	[dreg:$0x18] =	wrdreg s0;
	s0 =	sadd.s32 s25, s19  }
0x37: {  	[dreg:$0x19] =	wrdreg s0;
	s0 =	sadd.s32 s3, s19;
	s3 =	sshrl.u32 s7, $0x2  }
0x38: {  	s7 =	smul.u32 $0x5000, s11;
	[dreg:$0x1a] =	wrdreg s0;
	s0 =	sadd.s32 s22, s19  }
0x39: {  	s23 =	sshrl.u32 s26, $0x2;
	s11 =	smul.u32 $0x138800, s12;
	[dreg:$0x1b] =	wrdreg s0  }
0x3a: {  	s0 =	sadd.s32 s23, s19;
	s22 =	sshrl.u32 s7, $0x2;
	s7 =	sld [smem:$0x7EC]  }
0x3b: {  	s25 =	sshrl.u32 s8, $0x2;
	s23 =	smul.u32 $0x27100, s12;
	[dreg:$0x1c] =	wrdreg s0  }
0x3c: {  	s0 =	sadd.s32 s25, s19;
	s25 =	sshrl.u32 s11, $0x3;
	s11 =	sld [smem:$0x7EF]  }
0x3d: {  	s26 =	sshrl.u32 s9, $0x2;
	s8 =	sshrl.u32 s6, $0x2;
	[dreg:$0x1d] =	wrdreg s0  }
0x3e: {  	s0 =	sadd.s32 s26, s19;
	s6 =	sadd.s32 s21, s23;
	s23 =	sld [smem:$0x7F2]  }
0x3f: {  	s26 =	sadd.s32 $0xCC00, s2;
	[dreg:$0x1e] =	wrdreg s0  }
0x40: {  	s4 =	smul.u32 $0x5000, s4;
	s2 =	sadd.s32 $0x2E00, s2;
	[smem:$0x7E8] =	sst s26  }
0x41: {  	s5 =	smul.u32 $0x5000, s5;
	[smem:$0x7E9] =	sst s2  }
0x42: {  	p0 =	sgt.u32 s10, $0x9;
	s4 =	sshrl.u32 s4, $0x2;
	[smem:$0x7EA] =	sst s6  }
0x43: {  	s9 =	sshrl.u32 s5, $0x2;
	s0 =	sadd.s32 s3, s19;
	s26 =	sld [smem:$0x7F4]  }
0x44: {  	[dreg:$0x1f] =	wrdreg s0;
	s0 =	sadd.s32 s4, s19;
	s4 =	smul.u32 $0xFA, s12  }
0x45: {  	s5 =	sadd.s32 s11, s19;
	s12 =	sld [smem:$0x7F0];
	s11 =	sadd.s32 s13, s19  }
0x46: {  	s13 =	sadd.s32 s15, s19;
	s15 =	sadd.s32 s20, s19;
	[smem:$0x7E4] =	sst s0  }
0x47: {  	s20 =	sadd.s32 s29, s19;
	s0 =	sadd.s32 s8, s19;
	s8 =	sld [smem:$0x7ED]  }
0x48: {  	s29 =	sshrl.u32 s13, $0x3;
	s31 =	sshrl.u32 s15, $0x3;
	[smem:$0x7E5] =	sst s0  }
0x49: {  	s13 =	simm.s32 $0x0;
	s0 =	sadd.s32 s9, s19;
	s9 =	sld [smem:$0x7EE]  }
0x4a: {  	[smem:$0x7E6] =	sst s0;
	s0 =	sadd.s32 s22, s19;
	s6 =	sadd.s32 s12, s19  }
0x4b: {  	s22 =	sld [smem:$0x7F1];
	s12 =	sadd.s32 s14, s19;
	s14 =	sadd.s32 s17, s19  }
0x4c: {  	s17 =	smax.u32 s26, $0x1;
	[smem:$0x7E7] =	sst s0;
	s0 =	sadd.s32 s21, s25  }
0x4d: {  	s2 =	sadd.s32 s8, s19;
	s8 =	sadd.s32 s23, s19;
	s25 =	sld [smem:$0x7F3]  }
0x4e: {  	[smem:$0x7F5] =	sst s17;
	s17 =	sshrl.u32 s5, $0x3;
	s23 =	sshrl.u32 s6, $0x3  }
0x4f: {  	s28 =	sshrl.u32 s12, $0x3;
	s30 =	sshrl.u32 s14, $0x3;
	s6 =	simm.s32 $0x28  }
0x50: {  	s5 =	simm.s32 $0x4;
	s12 =	simm.s32 $0x5;
	[smem:$0x7F9] =	sst s17  }
0x51: {  	s0 =	sadd.s32 $0x280, s0;
	s3 =	sadd.s32 s9, s19;
	[smem:$0x7FA] =	sst s23  }
0x52: {  	s2 =	sshrl.u32 s2, $0x3;
	[smem:$0x7EB] =	sst s0;
	s0 =	sadd.s32 s7, s19  }
0x53: {  	s7 =	sadd.s32 s22, s19;
	s22 =	sadd.s32 s16, s19;
	s16 =	sadd.s32 s24, s19  }
0x54: {  	[smem:$0x7F7] =	sst s2;
	s10 =	sshrl.u32 s3, $0x3;
	s2 =	simm.s32 $0x1D6A0  }
0x55: {  	s3 =	simm.s32 $0x6;
	s9 =	sadd.s32 s25, s19;
	s0 =	sshrl.u32 s0, $0x3  }
0x56: {  	[smem:$0x7F8] =	sst s10;
	s24 =	sshrl.u32 s7, $0x3;
	s25 =	sshrl.u32 s8, $0x3  }
.Ltmp0:
0x57: {  	s17 =	sshrl.u32 s16, $0x3;
	[smem:$0x7F6] =	sst s0;
	(pc) =	sbr.rel .LBB2_1-.Ltmp0, $4  }
0x58: {  	s7 =	simm.s32 $0x19AA0;
	s8 =	simm.s32 $0x1C2A0;
	[smem:$0x7FB] =	sst s24  }
0x59: {  	s10 =	simm.s32 $0x3;
	[smem:$0x7FC] =	sst s25;
	s26 =	sshrl.u32 s9, $0x3  }
0x5a: {  	s25 =	sshrl.u32 s22, $0x3;
	s0 =	sshrl.u32 @!p0 s20, $0x3;
	s9 =	simm.s32 $0x1  }
0x5b: {  	v0 =	vimm.f32 $0.0e+00;
	[smem:$0x7FD] =	sst s26;
	s26 =	sshrl.u32 s11, $0x3;
	s11 =	simm.s32 $0x2  }
.LBB2_10:
0x5c: {  	_ =	swait.ge [sflag:s12], $0x1400  }
0x5d: {  	[sflag:s12] =	ssyncset.done $0x0  }
0x5e: {  	[sflag:s12] =	ssyncadd.s32 $0xFFFFEC00  }
0x5f: {  	[bflag:$0x0] =	sbarrier.arrive $0xFFFF  }
0x60: {  	s14 =	stileid.u32;
	s16 =	sld [smem:$0x7F6]  }
0x61: {  	s14 =	sshll.u32 s14, $0x6  }
0x62: {  	s14 =	sor.u32 $0x1C06, s14;
	s15 =	rddreg [dreg:$0x4]  }
0x63: {  	[hbm:s15], [sflag:s14] =	dma.local [spmem:s16], $0x280  }
0x64: {  	_ =	swait.ge [sflag:s3], $0x280  }
0x65: {  	s22 =	sld [smem:$0x7F7]  }
0x66: {  	[sflag:s3] =	ssyncset.done $0x0  }
0x67: {  	s20 =	rddreg [dreg:$0x5];
	[sflag:s3] =	ssyncadd.s32 $0xFFFFFD80  }
0x68: {  	[hbm:s20], [sflag:s14] =	dma.local [spmem:s22], $0x280  }
0x69: {  	_ =	swait.ge [sflag:s3], $0x280  }
0x6a: {  	s24 =	sld [smem:$0x7F8]  }
0x6b: {  	[sflag:s3] =	ssyncset.done $0x0  }
0x6c: {  	s23 =	rddreg [dreg:$0x6];
	[sflag:s3] =	ssyncadd.s32 $0xFFFFFD80  }
0x6d: {  	[hbm:s23], [sflag:s14] =	dma.local [spmem:s24], $0x280  }
0x6e: {  	_ =	swait.ge [sflag:s3], $0x280  }
0x6f: {  	s22 =	sld [smem:$0x7F9]  }
0x70: {  	[sflag:s3] =	ssyncset.done $0x0  }
0x71: {  	s20 =	rddreg [dreg:$0x7];
	[sflag:s3] =	ssyncadd.s32 $0xFFFFFD80  }
0x72: {  	[hbm:s20], [sflag:s14] =	dma.local [spmem:s22], $0x280  }
0x73: {  	_ =	swait.ge [sflag:s3], $0x280  }
0x74: {  	s24 =	sld [smem:$0x7FA]  }
0x75: {  	[sflag:s3] =	ssyncset.done $0x0  }
0x76: {  	s23 =	rddreg [dreg:$0x8];
	[sflag:s3] =	ssyncadd.s32 $0xFFFFFD80  }
0x77: {  	[hbm:s23], [sflag:s14] =	dma.local [spmem:s24], $0x280  }
0x78: {  	_ =	swait.ge [sflag:s3], $0x280  }
0x79: {  	s22 =	sld [smem:$0x7FB]  }
0x7a: {  	[sflag:s3] =	ssyncset.done $0x0  }
0x7b: {  	s20 =	rddreg [dreg:$0x9];
	[sflag:s3] =	ssyncadd.s32 $0xFFFFFD80  }
0x7c: {  	[hbm:s20], [sflag:s14] =	dma.local [spmem:s22], $0x280  }
0x7d: {  	_ =	swait.ge [sflag:s3], $0x280  }
0x7e: {  	s24 =	sld [smem:$0x7FC]  }
0x7f: {  	[sflag:s3] =	ssyncset.done $0x0  }
0x80: {  	s23 =	rddreg [dreg:$0xa];
	[sflag:s3] =	ssyncadd.s32 $0xFFFFFD80  }
0x81: {  	[hbm:s23], [sflag:s14] =	dma.local [spmem:s24], $0x280  }
0x82: {  	_ =	swait.ge [sflag:s3], $0x280  }
0x83: {  	s20 =	sld [smem:$0x7FD]  }
0x84: {  	[sflag:s3] =	ssyncset.done $0x0  }
0x85: {  	s16 =	rddreg [dreg:$0xb];
	[sflag:s3] =	ssyncadd.s32 $0xFFFFFD80  }
0x86: {  	[hbm:s16], [sflag:s14] =	dma.local [spmem:s20], $0x280  }
0x87: {  	_ =	swait.ge [sflag:s3], $0x280  }
0x88: {  	[sflag:s3] =	ssyncset.done $0x0  }
0x89: {  	s22 =	rddreg [dreg:$0xc];
	[sflag:s3] =	ssyncadd.s32 $0xFFFFFD80  }
0x8a: {  	[hbm:s22], [sflag:s14] =	dma.local [spmem:s25], $0x280  }
0x8b: {  	_ =	swait.ge [sflag:s3], $0x280  }
0x8c: {  	[sflag:s3] =	ssyncset.done $0x0  }
0x8d: {  	s23 =	rddreg [dreg:$0xd];
	[sflag:s3] =	ssyncadd.s32 $0xFFFFFD80  }
0x8e: {  	[hbm:s23], [sflag:s14] =	dma.local [spmem:s26], $0x280  }
0x8f: {  	_ =	swait.ge [sflag:s3], $0x280  }
0x90: {  	[sflag:s3] =	ssyncset.done $0x0  }
0x91: {  	s24 =	rddreg [dreg:$0xe];
	[sflag:s3] =	ssyncadd.s32 $0xFFFFFD80  }
0x92: {  	[hbm:s24], [sflag:s14] =	dma.local [spmem:s28], $0x280  }
0x93: {  	_ =	swait.ge [sflag:s3], $0x280  }
0x94: {  	[sflag:s3] =	ssyncset.done $0x0  }
0x95: {  	s16 =	rddreg [dreg:$0xf];
	[sflag:s3] =	ssyncadd.s32 $0xFFFFFD80  }
0x96: {  	[hbm:s16], [sflag:s14] =	dma.local [spmem:s29], $0x280  }
0x97: {  	_ =	swait.ge [sflag:s3], $0x280  }
0x98: {  	[sflag:s3] =	ssyncset.done $0x0  }
0x99: {  	s20 =	rddreg [dreg:$0x10];
	[sflag:s3] =	ssyncadd.s32 $0xFFFFFD80  }
0x9a: {  	[hbm:s20], [sflag:s14] =	dma.local [spmem:s30], $0x280  }
0x9b: {  	_ =	swait.ge [sflag:s3], $0x280  }
0x9c: {  	[sflag:s3] =	ssyncset.done $0x0  }
0x9d: {  	s22 =	rddreg [dreg:$0x11];
	[sflag:s3] =	ssyncadd.s32 $0xFFFFFD80  }
0x9e: {  	[hbm:s22], [sflag:s14] =	dma.local [spmem:s31], $0x280  }
0x9f: {  	_ =	swait.ge [sflag:s3], $0x280  }
0xa0: {  	[sflag:s3] =	ssyncset.done $0x0  }
0xa1: {  	s23 =	rddreg [dreg:$0x12];
	[sflag:s3] =	ssyncadd.s32 $0xFFFFFD80  }
0xa2: {  	[hbm:s23], [sflag:s14] =	dma.local [spmem:s17], $0x280  }
0xa3: {  	_ =	swait.ge [sflag:s3], $0x280  }
0xa4: {  	[sflag:s3] =	ssyncset.done $0x0  }
0xa5: {  	s15 =	rddreg [dreg:$0x13];
	[sflag:s3] =	ssyncadd.s32 $0xFFFFFD80  }
0xa6: {  	[hbm:s15], [sflag:s14] =	dma.local @!p0 [spmem:s0], $0x280  }
0xa7: {  	s14 =	simm.s32 @!p0 $0x6  }
0xa8: {  	_ =	swait.ge @!p0 [sflag:s14], $0x280  }
0xa9: {  	s24 =	sld [smem:$0x7F5];
	_ =	sdelay $0x1  }
0xaa: {  	s13 =	sadd.s32 $0x1, s13  }
0xab: {  	p1 =	sne.s32 s13, s24  }
.Ltmp1:
0xac: {  	_ = 	snop;
	(pc) =	sbr.rel @!p1 .LBB2_11-.Ltmp1, $3  }
0xad: {  	_ =	sdelay $0x1  }
0xae: {  	[sflag:s14] =	ssyncset.done @!p0 $0x0  }
0xaf: {  	[sflag:s14] =	ssyncadd.s32 @!p0 $0xFFFFFD80  }
.LBB2_1:
0xb0: {  	s14 =	simm.s32 $0x0;
	s15 =	simm.s32 $0x200  }
.LBB2_2:
0xb1: {  	p1 =	sne.s32 s15, $0x4E00;
	[tilespmem:s14+$0x1D710] =	vst v0  }
0xb2: {  	[tilespmem:s14+$0x1D6A0] =	vst v0  }
0xb3: {  	[tilespmem:s14+$0x1D6B0] =	vst v0  }
.Ltmp2:
0xb4: {  	[tilespmem:s14+$0x1D6C0] =	vst v0;
	(pc) =	sbr.rel @p1 .LBB2_2-.Ltmp2, $4  }
0xb5: {  	[tilespmem:s14+$0x1D6D0] =	vst v0  }
0xb6: {  	[tilespmem:s14+$0x1D6E0] =	vst v0  }
0xb7: {  	[tilespmem:s14+$0x1D6F0] =	vst v0  }
0xb8: {  	[tilespmem:s14+$0x1D700] =	vst v0;
	s14 =	sshra.s32 s15, $0x2;
	s15 =	sadd.s32 $0x200, s15  }
0xb9: {  	[tilespmem:s14+$0x1D710] =	vst v0  }
0xba: {  	[tilespmem:s14+$0x1D6A0] =	vst v0  }
0xbb: {  	[tilespmem:s14+$0x1D6B0] =	vst v0  }
0xbc: {  	[tilespmem:s14+$0x1D6C0] =	vst v0  }
0xbd: {  	[tilespmem:s14+$0x1D6D0] =	vst v0  }
0xbe: {  	[tilespmem:s14+$0x1D6E0] =	vst v0  }
0xbf: {  	[tilespmem:s14+$0x1D6F0] =	vst v0  }
0xc0: {  	[tilespmem:s14+$0x1D700] =	vst v0;
	s15 =	rddreg [dreg:$0x14]  }
0xc1: {  	[spmem:s15] =	stream.linear.scatter [tilespmem:s2], [sflag:$0x6], $0x1400, $0x38;
	[tilespmem:$0x1EAA0] =	vst v63  }
0xc2: {  	_ =	swait.ge [sflag:s3], $0x1400  }
0xc3: {  	[sflag:s3] =	ssyncset.done $0x0  }
0xc4: {  	s16 =	rddreg [dreg:$0x15];
	[sflag:s3] =	ssyncadd.s32 $0xFFFFEC00  }
0xc5: {  	[spmem:s16] =	stream.linear.scatter [tilespmem:s2], [sflag:$0x6], $0x1400, $0x38;
	[tilespmem:$0x1EAA0] =	vst v63  }
0xc6: {  	_ =	swait.ge [sflag:s3], $0x1400  }
0xc7: {  	[sflag:s3] =	ssyncset.done $0x0  }
0xc8: {  	s20 =	rddreg [dreg:$0x16];
	[sflag:s3] =	ssyncadd.s32 $0xFFFFEC00  }
0xc9: {  	[spmem:s20] =	stream.linear.scatter [tilespmem:s2], [sflag:$0x6], $0x1400, $0x38;
	[tilespmem:$0x1EAA0] =	vst v63  }
0xca: {  	_ =	swait.ge [sflag:s3], $0x1400  }
0xcb: {  	[sflag:s3] =	ssyncset.done $0x0  }
0xcc: {  	s22 =	rddreg [dreg:$0x17];
	[sflag:s3] =	ssyncadd.s32 $0xFFFFEC00  }
0xcd: {  	[spmem:s22] =	stream.linear.scatter [tilespmem:s2], [sflag:$0x6], $0x1400, $0x38;
	[tilespmem:$0x1EAA0] =	vst v63  }
0xce: {  	_ =	swait.ge [sflag:s3], $0x1400  }
0xcf: {  	[sflag:s3] =	ssyncset.done $0x0  }
0xd0: {  	s23 =	rddreg [dreg:$0x18];
	[sflag:s3] =	ssyncadd.s32 $0xFFFFEC00  }
0xd1: {  	[spmem:s23] =	stream.linear.scatter [tilespmem:s2], [sflag:$0x6], $0x1400, $0x38;
	[tilespmem:$0x1EAA0] =	vst v63  }
0xd2: {  	_ =	swait.ge [sflag:s3], $0x1400  }
0xd3: {  	[sflag:s3] =	ssyncset.done $0x0  }
0xd4: {  	s24 =	rddreg [dreg:$0x19];
	[sflag:s3] =	ssyncadd.s32 $0xFFFFEC00  }
0xd5: {  	[spmem:s24] =	stream.linear.scatter [tilespmem:s2], [sflag:$0x6], $0x1400, $0x38;
	[tilespmem:$0x1EAA0] =	vst v63  }
0xd6: {  	_ =	swait.ge [sflag:s3], $0x1400  }
0xd7: {  	[sflag:s3] =	ssyncset.done $0x0  }
0xd8: {  	s15 =	rddreg [dreg:$0x1a];
	[sflag:s3] =	ssyncadd.s32 $0xFFFFEC00  }
0xd9: {  	[spmem:s15] =	stream.linear.scatter [tilespmem:s2], [sflag:$0x6], $0x1400, $0x38;
	[tilespmem:$0x1EAA0] =	vst v63  }
0xda: {  	_ =	swait.ge [sflag:s3], $0x1400  }
0xdb: {  	[sflag:s3] =	ssyncset.done $0x0  }
0xdc: {  	s16 =	rddreg [dreg:$0x1b];
	[sflag:s3] =	ssyncadd.s32 $0xFFFFEC00  }
0xdd: {  	[spmem:s16] =	stream.linear.scatter [tilespmem:s2], [sflag:$0x6], $0x1400, $0x38;
	[tilespmem:$0x1EAA0] =	vst v63  }
0xde: {  	_ =	swait.ge [sflag:s3], $0x1400  }
0xdf: {  	[sflag:s3] =	ssyncset.done $0x0  }
0xe0: {  	s20 =	rddreg [dreg:$0x1c];
	[sflag:s3] =	ssyncadd.s32 $0xFFFFEC00  }
0xe1: {  	[spmem:s20] =	stream.linear.scatter [tilespmem:s2], [sflag:$0x6], $0x1400, $0x38;
	[tilespmem:$0x1EAA0] =	vst v63  }
0xe2: {  	_ =	swait.ge [sflag:s3], $0x1400  }
0xe3: {  	[sflag:s3] =	ssyncset.done $0x0  }
0xe4: {  	s22 =	rddreg [dreg:$0x1d];
	[sflag:s3] =	ssyncadd.s32 $0xFFFFEC00  }
0xe5: {  	[spmem:s22] =	stream.linear.scatter [tilespmem:s2], [sflag:$0x6], $0x1400, $0x38;
	[tilespmem:$0x1EAA0] =	vst v63  }
0xe6: {  	_ =	swait.ge [sflag:s3], $0x1400  }
0xe7: {  	[sflag:s3] =	ssyncset.done $0x0  }
0xe8: {  	s23 =	rddreg [dreg:$0x1e];
	[sflag:s3] =	ssyncadd.s32 $0xFFFFEC00  }
0xe9: {  	[spmem:s23] =	stream.linear.scatter [tilespmem:s2], [sflag:$0x6], $0x1400, $0x38;
	[tilespmem:$0x1EAA0] =	vst v63  }
0xea: {  	_ =	swait.ge [sflag:s3], $0x1400  }
0xeb: {  	[sflag:s3] =	ssyncset.done $0x0  }
0xec: {  	s24 =	rddreg [dreg:$0x1f];
	[sflag:s3] =	ssyncadd.s32 $0xFFFFEC00  }
0xed: {  	[spmem:s24] =	stream.linear.scatter [tilespmem:s2], [sflag:$0x6], $0x1400, $0x38;
	[tilespmem:$0x1EAA0] =	vst v63  }
0xee: {  	_ =	swait.ge [sflag:s3], $0x1400  }
0xef: {  	s15 =	sld [smem:$0x7E4]  }
0xf0: {  	[sflag:s3] =	ssyncset.done $0x0  }
0xf1: {  	[sflag:s3] =	ssyncadd.s32 $0xFFFFEC00  }
0xf2: {  	[spmem:s15] =	stream.linear.scatter [tilespmem:s2], [sflag:$0x6], $0x1400, $0x38;
	[tilespmem:$0x1EAA0] =	vst v63  }
0xf3: {  	_ =	swait.ge [sflag:s3], $0x1400  }
0xf4: {  	s16 =	sld [smem:$0x7E5]  }
0xf5: {  	[sflag:s3] =	ssyncset.done $0x0  }
0xf6: {  	[sflag:s3] =	ssyncadd.s32 $0xFFFFEC00  }
0xf7: {  	[spmem:s16] =	stream.linear.scatter [tilespmem:s2], [sflag:$0x6], $0x1400, $0x38;
	[tilespmem:$0x1EAA0] =	vst v63  }
0xf8: {  	_ =	swait.ge [sflag:s3], $0x1400  }
0xf9: {  	s20 =	sld [smem:$0x7E6]  }
0xfa: {  	[sflag:s3] =	ssyncset.done $0x0  }
0xfb: {  	[sflag:s3] =	ssyncadd.s32 $0xFFFFEC00  }
0xfc: {  	[spmem:s20] =	stream.linear.scatter [tilespmem:s2], [sflag:$0x6], $0x1400, $0x38;
	[tilespmem:$0x1EAA0] =	vst v63  }
0xfd: {  	_ =	swait.ge [sflag:s3], $0x1400  }
0xfe: {  	s15 =	sld [smem:$0x7E7]  }
0xff: {  	[sflag:s3] =	ssyncset.done $0x0  }
0x100: {  	s14 =	simm.s32 @!p0 $0x1D6A0;
	[sflag:s3] =	ssyncadd.s32 $0xFFFFEC00  }
0x101: {  	[spmem:s15] =	stream.linear.scatter @!p0 [tilespmem:s14], [sflag:$0x6], $0x1400, $0x38;
	[tilespmem:$0x1EAA0] =	vst v63  }
0x102: {  	s14 =	simm.s32 @!p0 $0x6  }
0x103: {  	_ =	swait.ge @!p0 [sflag:s14], $0x1400  }
0x104: {  	[sflag:s14] =	ssyncset.done @!p0 $0x0  }
0x105: {  	[sflag:s14] =	ssyncadd.s32 @!p0 $0xFFFFEC00  }
0x106: {  	[bflag:$0x0] =	sbarrier.arrive $0xFFFF  }
0x107: {  	s22 =	sld [smem:$0x7E8];
	_ =	sdelay $0x1  }
0x108: {  	s16 =	simm.s32 $0x13880;
	s14 =	simm.s32 $0x0  }
0x109: {  	[tilespmem:s16], [sflag:$0x6] =	stream.linear.gather [hbm4b:s22+s14], $0x2710, $0x38;
	[tilespmem:$0x1EAA0] =	vst v63  }
0x10a: {  	_ =	swait.ge [sflag:s3], $0x2710  }
0x10b: {  	s23 =	sld [smem:$0x7E9]  }
0x10c: {  	[sflag:s3] =	ssyncset.done $0x0  }
0x10d: {  	s20 =	simm.s32 $0x15F90;
	[sflag:s3] =	ssyncadd.s32 $0xFFFFD8F0  }
0x10e: {  	[tilespmem:s20], [sflag:$0x6] =	stream.linear.gather [hbm4b:s23+s14], $0x2710, $0x38;
	[tilespmem:$0x1EAA0] =	vst v63  }
0x10f: {  	_ =	swait.ge [sflag:s3], $0x2710  }
0x110: {  	[sflag:s3] =	ssyncset.done $0x0  }
0x111: {  	s24 =	simm.s32 $0x186A0;
	s20 =	sld [smem:$0x7EA];
	[sflag:s3] =	ssyncadd.s32 $0xFFFFD8F0  }
0x112: {  	[tilespmem:s24], [sflag:$0x1] =	stream.indirect.gather [hbm4b:s18+s6], $0x80, s16, s6, $0xb8;
	[tilespmem:$0x1EAA0] =	vst v63  }
0x113: {  	s22 =	simm.s32 $0x1AEA0  }
0x114: {  	[tilespmem:s22], [sflag:$0x3] =	stream.linear.gather [hbm4b:s20+s14], $0x1400, $0x38;
	[tilespmem:$0x1EAA0] =	vst v63  }
0x115: {  	s23 =	simm.s32 $0x138A8;
	s24 =	sld [smem:$0x7EB]  }
0x116: {  	[tilespmem:s7], [sflag:$0x2] =	stream.indirect.gather [hbm4b:s18+s6], $0x80, s23, s6, $0xb8;
	[tilespmem:$0x1EAA0] =	vst v63  }
0x117: {  	_ = 	snop  }
0x118: {  	[tilespmem:s8], [sflag:$0x4] =	stream.linear.gather [hbm4b:s24+s14], $0x1400, $0x38;
	[tilespmem:$0x1EAA0] =	vst v63  }
.LBB2_4:
0x119: {  	_ =	swait.ge [sflag:s9], $0x1400  }
0x11a: {  	[sflag:s9] =	ssyncset.done $0x0  }
0x11b: {  	[sflag:s9] =	ssyncadd.s32 $0xFFFFEC00  }
0x11c: {  	_ =	swait.ge [sflag:s10], $0x1400  }
0x11d: {  	p1 =	seq.s32 s14, $0x0;
	[sflag:s10] =	ssyncset.done $0x0  }
0x11e: {  	s15 =	simm.s32 @!p1 $0x5;
	[sflag:s10] =	ssyncadd.s32 $0xFFFFEC00  }
0x11f: {  	_ =	swait.ge @!p1 [sflag:s15], $0x1400  }
0x120: {  	[sflag:s15] =	ssyncset.done @!p1 $0x0  }
0x121: {  	s16 =	simm.s32 $0x270;
	[sflag:s15] =	ssyncadd.s32 @!p1 $0xFFFFEC00  }
0x122: {  	v1 =	vld [tilespmem:s16+$0x1AEA0]  }
0x123: {  	v2 =	vld [tilespmem:s16+$0x186A0]  }
0x124: {  	v3 =	vld [tilespmem:s16+$0x1AC30]  }
0x125: {  	v4 =	vld [tilespmem:s16+$0x18430]  }
0x126: {  	v5 =	vld [tilespmem:s16+$0x1AC40]  }
0x127: {  	v6 =	vld [tilespmem:s16+$0x18440]  }
0x128: {  	v7 =	vld [tilespmem:s16+$0x1AC50]  }
0x129: {  	v8 =	vld [tilespmem:s16+$0x1AC60]  }
0x12a: {  	v1 =	vmul.f32 v2, v1;
	v2 =	vld [tilespmem:s16+$0x18450]  }
0x12b: {  	v3 =	vmul.f32 v4, v3;
	v4 =	vld [tilespmem:s16+$0x1AC70]  }
0x12c: {  	[tilespmem:s16+$0x1D6A0] =	vst v1;
	v1 =	vld [tilespmem:s16+$0x18460]  }
0x12d: {  	[tilespmem:s16+$0x1D430] =	vst v3;
	v3 =	vmul.f32 v6, v5;
	v5 =	vld [tilespmem:s16+$0x18470]  }
0x12e: {  	v6 =	vld [tilespmem:s16+$0x18480]  }
0x12f: {  	[tilespmem:s16+$0x1D440] =	vst v3;
	v3 =	vld [tilespmem:s16+$0x1AC80];
	v2 =	vmul.f32 v2, v7  }
0x130: {  	v7 =	vld [tilespmem:s16+$0x18490]  }
0x131: {  	[tilespmem:s16+$0x1D450] =	vst v2;
	v1 =	vmul.f32 v1, v8;
	v2 =	vld [tilespmem:s16+$0x1AC90]  }
0x132: {  	v8 =	vld [tilespmem:s16+$0x18660]  }
0x133: {  	[tilespmem:s16+$0x1D460] =	vst v1;
	v1 =	vmul.f32 v5, v4;
	v4 =	vld [tilespmem:s16+$0x1ACA0]  }
0x134: {  	v5 =	vld [tilespmem:s16+$0x184A0]  }
0x135: {  	[tilespmem:s16+$0x1D470] =	vst v1;
	v1 =	vmul.f32 v6, v3;
	v3 =	vld [tilespmem:s16+$0x1ACB0]  }
0x136: {  	v6 =	vld [tilespmem:s16+$0x184B0]  }
0x137: {  	[tilespmem:s16+$0x1D480] =	vst v1;
	v1 =	vmul.f32 v7, v2;
	v2 =	vld [tilespmem:s16+$0x1ACC0]  }
0x138: {  	v7 =	vld [tilespmem:s16+$0x184C0]  }
0x139: {  	[tilespmem:s16+$0x1D490] =	vst v1;
	v1 =	vmul.f32 v5, v4;
	v4 =	vld [tilespmem:s16+$0x1ACD0]  }
0x13a: {  	v5 =	vld [tilespmem:s16+$0x184D0]  }
0x13b: {  	[tilespmem:s16+$0x1D4A0] =	vst v1;
	v1 =	vmul.f32 v6, v3;
	v3 =	vld [tilespmem:s16+$0x1ACE0]  }
0x13c: {  	v6 =	vld [tilespmem:s16+$0x184E0]  }
0x13d: {  	[tilespmem:s16+$0x1D4B0] =	vst v1;
	v1 =	vmul.f32 v7, v2;
	v2 =	vld [tilespmem:s16+$0x1ACF0]  }
0x13e: {  	v7 =	vld [tilespmem:s16+$0x184F0]  }
0x13f: {  	[tilespmem:s16+$0x1D4C0] =	vst v1;
	v1 =	vmul.f32 v5, v4;
	v4 =	vld [tilespmem:s16+$0x1AD00]  }
0x140: {  	v5 =	vld [tilespmem:s16+$0x18500]  }
0x141: {  	[tilespmem:s16+$0x1D4D0] =	vst v1;
	v1 =	vmul.f32 v6, v3;
	v3 =	vld [tilespmem:s16+$0x1AD10]  }
0x142: {  	v6 =	vld [tilespmem:s16+$0x18510]  }
0x143: {  	[tilespmem:s16+$0x1D4E0] =	vst v1;
	v1 =	vmul.f32 v7, v2;
	v2 =	vld [tilespmem:s16+$0x1AD20]  }
0x144: {  	v7 =	vld [tilespmem:s16+$0x18520]  }
0x145: {  	[tilespmem:s16+$0x1D4F0] =	vst v1;
	v1 =	vmul.f32 v5, v4;
	v4 =	vld [tilespmem:s16+$0x1AD30]  }
0x146: {  	v5 =	vld [tilespmem:s16+$0x18530]  }
0x147: {  	[tilespmem:s16+$0x1D500] =	vst v1;
	v1 =	vmul.f32 v6, v3;
	v3 =	vld [tilespmem:s16+$0x1AD40]  }
0x148: {  	v6 =	vld [tilespmem:s16+$0x18540]  }
0x149: {  	[tilespmem:s16+$0x1D510] =	vst v1;
	v1 =	vmul.f32 v7, v2;
	v2 =	vld [tilespmem:s16+$0x1AD50]  }
0x14a: {  	v7 =	vld [tilespmem:s16+$0x18550]  }
0x14b: {  	[tilespmem:s16+$0x1D520] =	vst v1;
	v1 =	vmul.f32 v5, v4;
	v4 =	vld [tilespmem:s16+$0x1AD60]  }
0x14c: {  	v5 =	vld [tilespmem:s16+$0x18560]  }
0x14d: {  	[tilespmem:s16+$0x1D530] =	vst v1;
	v1 =	vmul.f32 v6, v3;
	v3 =	vld [tilespmem:s16+$0x1AD70]  }
0x14e: {  	v6 =	vld [tilespmem:s16+$0x18570]  }
0x14f: {  	[tilespmem:s16+$0x1D540] =	vst v1;
	v1 =	vmul.f32 v7, v2;
	v2 =	vld [tilespmem:s16+$0x1AD80]  }
0x150: {  	v7 =	vld [tilespmem:s16+$0x18580]  }
0x151: {  	[tilespmem:s16+$0x1D550] =	vst v1;
	v1 =	vmul.f32 v5, v4;
	v4 =	vld [tilespmem:s16+$0x1AD90]  }
0x152: {  	v5 =	vld [tilespmem:s16+$0x18590]  }
0x153: {  	[tilespmem:s16+$0x1D560] =	vst v1;
	v1 =	vmul.f32 v6, v3;
	v3 =	vld [tilespmem:s16+$0x1ADA0]  }
0x154: {  	v6 =	vld [tilespmem:s16+$0x185A0]  }
0x155: {  	[tilespmem:s16+$0x1D570] =	vst v1;
	v1 =	vmul.f32 v7, v2;
	v2 =	vld [tilespmem:s16+$0x1ADB0]  }
0x156: {  	v7 =	vld [tilespmem:s16+$0x185B0]  }
0x157: {  	[tilespmem:s16+$0x1D580] =	vst v1;
	v1 =	vmul.f32 v5, v4;
	v4 =	vld [tilespmem:s16+$0x1ADC0]  }
0x158: {  	v5 =	vld [tilespmem:s16+$0x185C0]  }
0x159: {  	[tilespmem:s16+$0x1D590] =	vst v1;
	v1 =	vmul.f32 v6, v3;
	v3 =	vld [tilespmem:s16+$0x1ADD0]  }
0x15a: {  	v6 =	vld [tilespmem:s16+$0x185D0]  }
0x15b: {  	[tilespmem:s16+$0x1D5A0] =	vst v1;
	v1 =	vmul.f32 v7, v2;
	v2 =	vld [tilespmem:s16+$0x1ADE0]  }
0x15c: {  	v7 =	vld [tilespmem:s16+$0x185E0]  }
0x15d: {  	[tilespmem:s16+$0x1D5B0] =	vst v1;
	v1 =	vmul.f32 v5, v4;
	v4 =	vld [tilespmem:s16+$0x1ADF0]  }
0x15e: {  	v5 =	vld [tilespmem:s16+$0x185F0]  }
0x15f: {  	[tilespmem:s16+$0x1D5C0] =	vst v1;
	v1 =	vmul.f32 v6, v3;
	v3 =	vld [tilespmem:s16+$0x1AE00]  }
0x160: {  	v6 =	vld [tilespmem:s16+$0x18600]  }
0x161: {  	[tilespmem:s16+$0x1D5D0] =	vst v1;
	v1 =	vmul.f32 v7, v2;
	v2 =	vld [tilespmem:s16+$0x1AE10]  }
0x162: {  	v7 =	vld [tilespmem:s16+$0x18610]  }
0x163: {  	[tilespmem:s16+$0x1D5E0] =	vst v1;
	v1 =	vmul.f32 v5, v4;
	v4 =	vld [tilespmem:s16+$0x1AE20]  }
0x164: {  	v5 =	vld [tilespmem:s16+$0x18620]  }
0x165: {  	[tilespmem:s16+$0x1D5F0] =	vst v1;
	v1 =	vmul.f32 v6, v3;
	v3 =	vld [tilespmem:s16+$0x1AE30]  }
0x166: {  	v6 =	vld [tilespmem:s16+$0x18630]  }
0x167: {  	[tilespmem:s16+$0x1D600] =	vst v1;
	v1 =	vmul.f32 v7, v2;
	v2 =	vld [tilespmem:s16+$0x1AE40]  }
0x168: {  	v7 =	vld [tilespmem:s16+$0x18640]  }
0x169: {  	[tilespmem:s16+$0x1D610] =	vst v1;
	v1 =	vmul.f32 v5, v4;
	v4 =	vld [tilespmem:s16+$0x1AE50]  }
0x16a: {  	v5 =	vld [tilespmem:s16+$0x18650]  }
0x16b: {  	[tilespmem:s16+$0x1D620] =	vst v1;
	v1 =	vmul.f32 v6, v3;
	v6 =	vld [tilespmem:s16+$0x1AE60]  }
0x16c: {  	v9 =	vld [tilespmem:s16+$0x18670]  }
0x16d: {  	[tilespmem:s16+$0x1D630] =	vst v1;
	v1 =	vmul.f32 v7, v2;
	v7 =	vld [tilespmem:s16+$0x1AE70]  }
0x16e: {  	v3 =	vld [tilespmem:s16+$0x1AE80]  }
0x16f: {  	[tilespmem:s16+$0x1D640] =	vst v1;
	v1 =	vmul.f32 v5, v4;
	v4 =	vld [tilespmem:s16+$0x18680]  }
0x170: {  	v5 =	vld [tilespmem:s16+$0x18690];
	v6 =	vmul.f32 v8, v6  }
0x171: {  	s22 =	simm.s32 $0x4F0;
	[tilespmem:s16+$0x1D650] =	vst v1;
	v1 =	vld [tilespmem:s16+$0x1AE90]  }
0x172: {  	s20 =	simm.s32 $0x1DC0;
	s15 =	sshll.u32 s14, $0x1;
	v2 =	vld [tilespmem:s22+$0x1AEA0];
	[tilespmem:s16+$0x1D660] =	vst v6;
	v6 =	vmul.f32 v9, v7  }
.LBB2_5:
0x173: {  	p1 =	sne.s32 s20, $0x4FC0;
	v7 =	vld [tilespmem:s22+$0x186A0]  }
0x174: {  	v8 =	vld [tilespmem:s22+$0x1AC30];
	[tilespmem:s16+$0x1D670] =	vst v6;
	v3 =	vmul.f32 v4, v3  }
0x175: {  	v4 =	vld [tilespmem:s22+$0x18430]  }
0x176: {  	v6 =	vld [tilespmem:s22+$0x1AC40];
	[tilespmem:s16+$0x1D680] =	vst v3;
	v1 =	vmul.f32 v5, v1  }
0x177: {  	v3 =	vld [tilespmem:s22+$0x18440]  }
0x178: {  	v5 =	vld [tilespmem:s22+$0x1AC50];
	v2 =	vmul.f32 v7, v2;
	[tilespmem:s16+$0x1D690] =	vst v1;
	s16 =	smov.u32 s22  }
0x179: {  	v1 =	vld [tilespmem:s16+$0x18450]  }
0x17a: {  	v4 =	vmul.f32 v4, v8;
	v7 =	vld [tilespmem:s16+$0x1AC60];
	[tilespmem:s16+$0x1D6A0] =	vst v2  }
0x17b: {  	v2 =	vld [tilespmem:s16+$0x18460]  }
0x17c: {  	[tilespmem:s16+$0x1D430] =	vst v4;
	v3 =	vmul.f32 v3, v6;
	v4 =	vld [tilespmem:s16+$0x1AC70]  }
0x17d: {  	v6 =	vld [tilespmem:s16+$0x18470]  }
0x17e: {  	[tilespmem:s16+$0x1D440] =	vst v3;
	v1 =	vmul.f32 v1, v5;
	v3 =	vld [tilespmem:s16+$0x1AC80]  }
0x17f: {  	v5 =	vld [tilespmem:s16+$0x18480]  }
0x180: {  	[tilespmem:s16+$0x1D450] =	vst v1;
	v1 =	vmul.f32 v2, v7;
	v2 =	vld [tilespmem:s16+$0x1AC90]  }
0x181: {  	v7 =	vld [tilespmem:s16+$0x18490]  }
0x182: {  	[tilespmem:s16+$0x1D460] =	vst v1;
	v1 =	vmul.f32 v6, v4;
	v4 =	vld [tilespmem:s16+$0x1ACA0]  }
0x183: {  	v6 =	vld [tilespmem:s16+$0x184A0]  }
0x184: {  	[tilespmem:s16+$0x1D470] =	vst v1;
	v1 =	vmul.f32 v5, v3;
	v3 =	vld [tilespmem:s16+$0x1ACB0]  }
0x185: {  	v5 =	vld [tilespmem:s16+$0x184B0]  }
0x186: {  	[tilespmem:s16+$0x1D480] =	vst v1;
	v1 =	vmul.f32 v7, v2;
	v2 =	vld [tilespmem:s16+$0x1ACC0]  }
0x187: {  	v7 =	vld [tilespmem:s16+$0x184C0]  }
0x188: {  	[tilespmem:s16+$0x1D490] =	vst v1;
	v1 =	vmul.f32 v6, v4;
	v4 =	vld [tilespmem:s16+$0x1ACD0]  }
0x189: {  	v6 =	vld [tilespmem:s16+$0x184D0]  }
0x18a: {  	[tilespmem:s16+$0x1D4A0] =	vst v1;
	v1 =	vmul.f32 v5, v3;
	v3 =	vld [tilespmem:s16+$0x1ACE0]  }
0x18b: {  	v5 =	vld [tilespmem:s16+$0x184E0]  }
0x18c: {  	[tilespmem:s16+$0x1D4B0] =	vst v1;
	v1 =	vmul.f32 v7, v2;
	v2 =	vld [tilespmem:s16+$0x1ACF0]  }
0x18d: {  	v7 =	vld [tilespmem:s16+$0x184F0]  }
0x18e: {  	[tilespmem:s16+$0x1D4C0] =	vst v1;
	v1 =	vmul.f32 v6, v4;
	v4 =	vld [tilespmem:s16+$0x1AD00]  }
0x18f: {  	v6 =	vld [tilespmem:s16+$0x18500]  }
0x190: {  	[tilespmem:s16+$0x1D4D0] =	vst v1;
	v1 =	vmul.f32 v5, v3;
	v3 =	vld [tilespmem:s16+$0x1AD10]  }
0x191: {  	v5 =	vld [tilespmem:s16+$0x18510]  }
0x192: {  	[tilespmem:s16+$0x1D4E0] =	vst v1;
	v1 =	vmul.f32 v7, v2;
	v2 =	vld [tilespmem:s16+$0x1AD20]  }
0x193: {  	v7 =	vld [tilespmem:s16+$0x18520]  }
0x194: {  	[tilespmem:s16+$0x1D4F0] =	vst v1;
	v1 =	vmul.f32 v6, v4;
	v4 =	vld [tilespmem:s16+$0x1AD30]  }
0x195: {  	v6 =	vld [tilespmem:s16+$0x18530]  }
0x196: {  	[tilespmem:s16+$0x1D500] =	vst v1;
	v1 =	vmul.f32 v5, v3;
	v3 =	vld [tilespmem:s16+$0x1AD40]  }
0x197: {  	v5 =	vld [tilespmem:s16+$0x18540]  }
0x198: {  	[tilespmem:s16+$0x1D510] =	vst v1;
	v1 =	vmul.f32 v7, v2;
	v2 =	vld [tilespmem:s16+$0x1AD50]  }
0x199: {  	v7 =	vld [tilespmem:s16+$0x18550]  }
0x19a: {  	[tilespmem:s16+$0x1D520] =	vst v1;
	v1 =	vmul.f32 v6, v4;
	v4 =	vld [tilespmem:s16+$0x1AD60]  }
0x19b: {  	v6 =	vld [tilespmem:s16+$0x18560]  }
0x19c: {  	[tilespmem:s16+$0x1D530] =	vst v1;
	v1 =	vmul.f32 v5, v3;
	v3 =	vld [tilespmem:s16+$0x1AD70]  }
0x19d: {  	v5 =	vld [tilespmem:s16+$0x18570]  }
0x19e: {  	[tilespmem:s16+$0x1D540] =	vst v1;
	v1 =	vmul.f32 v7, v2;
	v2 =	vld [tilespmem:s16+$0x1AD80]  }
0x19f: {  	v7 =	vld [tilespmem:s16+$0x18580]  }
0x1a0: {  	[tilespmem:s16+$0x1D550] =	vst v1;
	v1 =	vmul.f32 v6, v4;
	v4 =	vld [tilespmem:s16+$0x1AD90]  }
0x1a1: {  	v6 =	vld [tilespmem:s16+$0x18590]  }
0x1a2: {  	[tilespmem:s16+$0x1D560] =	vst v1;
	v1 =	vmul.f32 v5, v3;
	v3 =	vld [tilespmem:s16+$0x1ADA0]  }
0x1a3: {  	v5 =	vld [tilespmem:s16+$0x185A0]  }
0x1a4: {  	[tilespmem:s16+$0x1D570] =	vst v1;
	v1 =	vmul.f32 v7, v2;
	v2 =	vld [tilespmem:s16+$0x1ADB0]  }
0x1a5: {  	v7 =	vld [tilespmem:s16+$0x185B0]  }
0x1a6: {  	[tilespmem:s16+$0x1D580] =	vst v1;
	v1 =	vmul.f32 v6, v4;
	v4 =	vld [tilespmem:s16+$0x1ADC0]  }
0x1a7: {  	v6 =	vld [tilespmem:s16+$0x185C0]  }
0x1a8: {  	[tilespmem:s16+$0x1D590] =	vst v1;
	v1 =	vmul.f32 v5, v3;
	v3 =	vld [tilespmem:s16+$0x1ADD0]  }
0x1a9: {  	v5 =	vld [tilespmem:s16+$0x185D0]  }
0x1aa: {  	[tilespmem:s16+$0x1D5A0] =	vst v1;
	v1 =	vmul.f32 v7, v2;
	v2 =	vld [tilespmem:s16+$0x1ADE0]  }
0x1ab: {  	v7 =	vld [tilespmem:s16+$0x185E0]  }
0x1ac: {  	[tilespmem:s16+$0x1D5B0] =	vst v1;
	v1 =	vmul.f32 v6, v4;
	v4 =	vld [tilespmem:s16+$0x1ADF0]  }
0x1ad: {  	v6 =	vld [tilespmem:s16+$0x185F0]  }
0x1ae: {  	[tilespmem:s16+$0x1D5C0] =	vst v1;
	v1 =	vmul.f32 v5, v3;
	v3 =	vld [tilespmem:s16+$0x1AE00]  }
0x1af: {  	v5 =	vld [tilespmem:s16+$0x18600]  }
0x1b0: {  	[tilespmem:s16+$0x1D5D0] =	vst v1;
	v1 =	vmul.f32 v7, v2;
	v2 =	vld [tilespmem:s16+$0x1AE10]  }
0x1b1: {  	v7 =	vld [tilespmem:s16+$0x18610]  }
0x1b2: {  	[tilespmem:s16+$0x1D5E0] =	vst v1;
	v1 =	vmul.f32 v6, v4;
	v4 =	vld [tilespmem:s16+$0x1AE20]  }
0x1b3: {  	v6 =	vld [tilespmem:s16+$0x18620]  }
0x1b4: {  	[tilespmem:s16+$0x1D5F0] =	vst v1;
	v1 =	vmul.f32 v5, v3;
	v3 =	vld [tilespmem:s16+$0x1AE30]  }
0x1b5: {  	v5 =	vld [tilespmem:s16+$0x18630]  }
0x1b6: {  	[tilespmem:s16+$0x1D600] =	vst v1;
	v1 =	vmul.f32 v7, v2;
	v2 =	vld [tilespmem:s16+$0x1AE40]  }
0x1b7: {  	v7 =	vld [tilespmem:s16+$0x18640]  }
0x1b8: {  	[tilespmem:s16+$0x1D610] =	vst v1;
	v1 =	vmul.f32 v6, v4;
	v4 =	vld [tilespmem:s16+$0x1AE50]  }
0x1b9: {  	v6 =	vld [tilespmem:s16+$0x18650]  }
0x1ba: {  	[tilespmem:s16+$0x1D620] =	vst v1;
	v1 =	vmul.f32 v5, v3;
	v5 =	vld [tilespmem:s16+$0x1AE60]  }
0x1bb: {  	v8 =	vld [tilespmem:s16+$0x18660]  }
0x1bc: {  	[tilespmem:s16+$0x1D630] =	vst v1;
	v1 =	vmul.f32 v7, v2;
	v7 =	vld [tilespmem:s16+$0x1AE70]  }
0x1bd: {  	v9 =	vld [tilespmem:s16+$0x18670]  }
.Ltmp3:
0x1be: {  	[tilespmem:s16+$0x1D640] =	vst v1;
	v1 =	vmul.f32 v6, v4;
	v3 =	vld [tilespmem:s16+$0x1AE80];
	(pc) =	sbr.rel @p1 .LBB2_5-.Ltmp3, $4  }
0x1bf: {  	v4 =	vld [tilespmem:s16+$0x18680]  }
0x1c0: {  	[tilespmem:s16+$0x1D650] =	vst v1;
	v6 =	vmul.f32 v8, v5;
	v1 =	vld [tilespmem:s16+$0x1AE90]  }
0x1c1: {  	s22 =	sshra.s32 s20, $0x2;
	v5 =	vld [tilespmem:s16+$0x18690]  }
0x1c2: {  	s20 =	sadd.s32 $0xA00, s20;
	v2 =	vld [tilespmem:s22+$0x1AEA0];
	[tilespmem:s16+$0x1D660] =	vst v6;
	v6 =	vmul.f32 v9, v7  }
0x1c3: {  	v7 =	vld [tilespmem:s22+$0x186A0]  }
0x1c4: {  	v8 =	vld [tilespmem:s22+$0x1AC30];
	[tilespmem:s16+$0x1D670] =	vst v6;
	v3 =	vmul.f32 v4, v3  }
0x1c5: {  	v4 =	vld [tilespmem:s22+$0x18430]  }
0x1c6: {  	v6 =	vld [tilespmem:s22+$0x1AC40];
	[tilespmem:s16+$0x1D680] =	vst v3;
	v1 =	vmul.f32 v5, v1  }
0x1c7: {  	v3 =	vld [tilespmem:s22+$0x18440]  }
0x1c8: {  	v5 =	vld [tilespmem:s22+$0x1AC50];
	[tilespmem:s16+$0x1D690] =	vst v1  }
0x1c9: {  	v1 =	vmul.f32 v7, v2;
	v2 =	vld [tilespmem:s22+$0x18450]  }
0x1ca: {  	v7 =	vld [tilespmem:s22+$0x1AC60]  }
0x1cb: {  	v4 =	vmul.f32 v4, v8;
	[tilespmem:s22+$0x1D6A0] =	vst v1;
	v1 =	vld [tilespmem:s22+$0x18460]  }
0x1cc: {  	v8 =	vld [tilespmem:s22+$0x18690]  }
0x1cd: {  	[tilespmem:s22+$0x1D430] =	vst v4;
	v3 =	vmul.f32 v3, v6;
	v4 =	vld [tilespmem:s22+$0x1AC70]  }
0x1ce: {  	v6 =	vld [tilespmem:s22+$0x18470]  }
0x1cf: {  	[tilespmem:s22+$0x1D440] =	vst v3;
	v3 =	vld [tilespmem:s22+$0x1AC80]  }
0x1d0: {  	v2 =	vmul.f32 v2, v5;
	v5 =	vld [tilespmem:s22+$0x18480]  }
0x1d1: {  	v1 =	vmul.f32 v1, v7;
	v7 =	vld [tilespmem:s22+$0x18490]  }
0x1d2: {  	[tilespmem:s22+$0x1D450] =	vst v2;
	v2 =	vld [tilespmem:s22+$0x1AC90]  }
0x1d3: {  	[tilespmem:s22+$0x1D460] =	vst v1;
	v1 =	vmul.f32 v6, v4;
	v4 =	vld [tilespmem:s22+$0x1ACA0]  }
0x1d4: {  	v6 =	vld [tilespmem:s22+$0x184A0]  }
0x1d5: {  	[tilespmem:s22+$0x1D470] =	vst v1;
	v1 =	vmul.f32 v5, v3;
	v3 =	vld [tilespmem:s22+$0x1ACB0]  }
0x1d6: {  	v5 =	vld [tilespmem:s22+$0x184B0]  }
0x1d7: {  	[tilespmem:s22+$0x1D480] =	vst v1;
	v1 =	vmul.f32 v7, v2;
	v2 =	vld [tilespmem:s22+$0x1ACC0]  }
0x1d8: {  	v7 =	vld [tilespmem:s22+$0x184C0]  }
0x1d9: {  	[tilespmem:s22+$0x1D490] =	vst v1;
	v1 =	vmul.f32 v6, v4;
	v4 =	vld [tilespmem:s22+$0x1ACD0]  }
0x1da: {  	v6 =	vld [tilespmem:s22+$0x184D0]  }
0x1db: {  	[tilespmem:s22+$0x1D4A0] =	vst v1;
	v1 =	vmul.f32 v5, v3;
	v3 =	vld [tilespmem:s22+$0x1ACE0]  }
0x1dc: {  	v5 =	vld [tilespmem:s22+$0x184E0]  }
0x1dd: {  	[tilespmem:s22+$0x1D4B0] =	vst v1;
	v1 =	vmul.f32 v7, v2;
	v2 =	vld [tilespmem:s22+$0x1ACF0]  }
0x1de: {  	v7 =	vld [tilespmem:s22+$0x184F0]  }
0x1df: {  	[tilespmem:s22+$0x1D4C0] =	vst v1;
	v1 =	vmul.f32 v6, v4;
	v4 =	vld [tilespmem:s22+$0x1AD00]  }
0x1e0: {  	v6 =	vld [tilespmem:s22+$0x18500]  }
0x1e1: {  	[tilespmem:s22+$0x1D4D0] =	vst v1;
	v1 =	vmul.f32 v5, v3;
	v3 =	vld [tilespmem:s22+$0x1AD10]  }
0x1e2: {  	v5 =	vld [tilespmem:s22+$0x18510]  }
0x1e3: {  	[tilespmem:s22+$0x1D4E0] =	vst v1;
	v1 =	vmul.f32 v7, v2;
	v2 =	vld [tilespmem:s22+$0x1AD20]  }
0x1e4: {  	v7 =	vld [tilespmem:s22+$0x18520]  }
0x1e5: {  	[tilespmem:s22+$0x1D4F0] =	vst v1;
	v1 =	vmul.f32 v6, v4;
	v4 =	vld [tilespmem:s22+$0x1AD30]  }
0x1e6: {  	v6 =	vld [tilespmem:s22+$0x18530]  }
0x1e7: {  	[tilespmem:s22+$0x1D500] =	vst v1;
	v1 =	vmul.f32 v5, v3;
	v3 =	vld [tilespmem:s22+$0x1AD40]  }
0x1e8: {  	v5 =	vld [tilespmem:s22+$0x18540]  }
0x1e9: {  	[tilespmem:s22+$0x1D510] =	vst v1;
	v1 =	vmul.f32 v7, v2;
	v2 =	vld [tilespmem:s22+$0x1AD50]  }
0x1ea: {  	v7 =	vld [tilespmem:s22+$0x18550]  }
0x1eb: {  	[tilespmem:s22+$0x1D520] =	vst v1;
	v1 =	vmul.f32 v6, v4;
	v4 =	vld [tilespmem:s22+$0x1AD60]  }
0x1ec: {  	v6 =	vld [tilespmem:s22+$0x18560]  }
0x1ed: {  	[tilespmem:s22+$0x1D530] =	vst v1;
	v1 =	vmul.f32 v5, v3;
	v3 =	vld [tilespmem:s22+$0x1AD70]  }
0x1ee: {  	v5 =	vld [tilespmem:s22+$0x18570]  }
0x1ef: {  	[tilespmem:s22+$0x1D540] =	vst v1;
	v1 =	vmul.f32 v7, v2;
	v2 =	vld [tilespmem:s22+$0x1AD80]  }
0x1f0: {  	v7 =	vld [tilespmem:s22+$0x18580]  }
0x1f1: {  	[tilespmem:s22+$0x1D550] =	vst v1;
	v1 =	vmul.f32 v6, v4;
	v4 =	vld [tilespmem:s22+$0x1AD90]  }
0x1f2: {  	v6 =	vld [tilespmem:s22+$0x18590]  }
0x1f3: {  	[tilespmem:s22+$0x1D560] =	vst v1;
	v1 =	vmul.f32 v5, v3;
	v3 =	vld [tilespmem:s22+$0x1ADA0]  }
0x1f4: {  	v5 =	vld [tilespmem:s22+$0x185A0]  }
0x1f5: {  	[tilespmem:s22+$0x1D570] =	vst v1;
	v1 =	vmul.f32 v7, v2;
	v2 =	vld [tilespmem:s22+$0x1ADB0]  }
0x1f6: {  	v7 =	vld [tilespmem:s22+$0x185B0]  }
0x1f7: {  	[tilespmem:s22+$0x1D580] =	vst v1;
	v1 =	vmul.f32 v6, v4;
	v4 =	vld [tilespmem:s22+$0x1ADC0]  }
0x1f8: {  	v6 =	vld [tilespmem:s22+$0x185C0]  }
0x1f9: {  	[tilespmem:s22+$0x1D590] =	vst v1;
	v1 =	vmul.f32 v5, v3;
	v3 =	vld [tilespmem:s22+$0x1ADD0]  }
0x1fa: {  	v5 =	vld [tilespmem:s22+$0x185D0]  }
0x1fb: {  	[tilespmem:s22+$0x1D5A0] =	vst v1;
	v1 =	vmul.f32 v7, v2;
	v2 =	vld [tilespmem:s22+$0x1ADE0]  }
0x1fc: {  	v7 =	vld [tilespmem:s22+$0x185E0]  }
0x1fd: {  	[tilespmem:s22+$0x1D5B0] =	vst v1;
	v1 =	vmul.f32 v6, v4;
	v4 =	vld [tilespmem:s22+$0x1ADF0]  }
0x1fe: {  	v6 =	vld [tilespmem:s22+$0x185F0]  }
0x1ff: {  	[tilespmem:s22+$0x1D5C0] =	vst v1;
	v1 =	vmul.f32 v5, v3;
	v3 =	vld [tilespmem:s22+$0x1AE00]  }
0x200: {  	v5 =	vld [tilespmem:s22+$0x18600]  }
0x201: {  	[tilespmem:s22+$0x1D5D0] =	vst v1;
	v1 =	vmul.f32 v7, v2;
	v2 =	vld [tilespmem:s22+$0x1AE10]  }
0x202: {  	v7 =	vld [tilespmem:s22+$0x18610]  }
0x203: {  	[tilespmem:s22+$0x1D5E0] =	vst v1;
	v1 =	vmul.f32 v6, v4;
	v4 =	vld [tilespmem:s22+$0x1AE20]  }
0x204: {  	v6 =	vld [tilespmem:s22+$0x18620]  }
0x205: {  	[tilespmem:s22+$0x1D5F0] =	vst v1;
	v1 =	vmul.f32 v5, v3;
	v3 =	vld [tilespmem:s22+$0x1AE30]  }
0x206: {  	v5 =	vld [tilespmem:s22+$0x18630]  }
0x207: {  	[tilespmem:s22+$0x1D600] =	vst v1;
	v1 =	vmul.f32 v7, v2;
	v2 =	vld [tilespmem:s22+$0x1AE40]  }
0x208: {  	v7 =	vld [tilespmem:s22+$0x18640]  }
0x209: {  	[tilespmem:s22+$0x1D610] =	vst v1;
	v1 =	vmul.f32 v6, v4;
	v4 =	vld [tilespmem:s22+$0x1AE50]  }
0x20a: {  	v6 =	vld [tilespmem:s22+$0x18650]  }
0x20b: {  	[tilespmem:s22+$0x1D620] =	vst v1;
	v1 =	vmul.f32 v5, v3;
	v3 =	vld [tilespmem:s22+$0x1AE60]  }
0x20c: {  	v5 =	vld [tilespmem:s22+$0x18660]  }
0x20d: {  	[tilespmem:s22+$0x1D630] =	vst v1;
	v1 =	vmul.f32 v7, v2;
	v2 =	vld [tilespmem:s22+$0x1AE70]  }
0x20e: {  	v7 =	vld [tilespmem:s22+$0x18670]  }
0x20f: {  	[tilespmem:s22+$0x1D640] =	vst v1;
	v1 =	vmul.f32 v6, v4;
	v4 =	vld [tilespmem:s22+$0x1AE80]  }
0x210: {  	v6 =	vld [tilespmem:s22+$0x18680]  }
0x211: {  	[tilespmem:s22+$0x1D650] =	vst v1;
	v1 =	vld [tilespmem:s22+$0x1AE90];
	_ =	sdelay $0x1  }
0x212: {  	v3 =	vmul.f32 v5, v3  }
0x213: {  	s23 =	smul.u32 $0x140, s14;
	p1 =	seq.s32 s14, $0x7C;
	v2 =	vmul.f32 v7, v2  }
0x214: {  	s20 =	sadd.s32 @!p1 $0x2, s15;
	[tilespmem:s22+$0x1D660] =	vst v3;
	v3 =	vmul.f32 v6, v4  }
0x215: {  	s16 =	sshra.s32 s23, $0x2;
	s23 =	smul.u32 @!p1 $0xA0, s20;
	[tilespmem:s22+$0x1D670] =	vst v2;
	v1 =	vmul.f32 v8, v1  }
0x216: {  	s20 =	sadd.s32 @!p1 s4, s20;
	[tilespmem:s22+$0x1D680] =	vst v3  }
0x217: {  	s24 =	sadd.s32 $0x15F90, s16;
	s20 =	smul.u32 @!p1 $0x280, s20;
	[tilespmem:s22+$0x1D690] =	vst v1;
	s22 =	sshra.s32 @!p1 s23, $0x2  }
0x218: {  	[spmem:s19] =	stream.indirect.scatter.add.f32 [tilespmem:s2], [sflag:$0x5], $0x80, s24, s6, $0xb8;
	[tilespmem:$0x1EAA0] =	vst v63  }
0x219: {  	s23 =	simm.s32 @!p1 $0x28;
	s22 =	sadd.s32 @!p1 $0x13880, s22;
	s24 =	simm.s32 @!p1 $0x186A0  }
0x21a: {  	[tilespmem:s24], [sflag:$0x1] =	stream.indirect.gather @!p1 [hbm4b:s18+s23], $0x80, s22, s23, $0xb8;
	[tilespmem:$0x1EAA0] =	vst v63  }
0x21b: {  	s20 =	sadd.s32 @!p1 s21, s20;
	s22 =	simm.s32 @!p1 $0x0;
	s23 =	simm.s32 @!p1 $0x1AEA0  }
0x21c: {  	[tilespmem:s23], [sflag:$0x3] =	stream.linear.gather @!p1 [hbm4b:s20+s22], $0x1400, $0x38;
	[tilespmem:$0x1EAA0] =	vst v63  }
0x21d: {  	_ =	swait.ge [sflag:s11], $0x1400  }
0x21e: {  	[sflag:s11] =	ssyncset.done $0x0  }
0x21f: {  	[sflag:s11] =	ssyncadd.s32 $0xFFFFEC00  }
0x220: {  	_ =	swait.ge [sflag:s5], $0x1400  }
0x221: {  	[sflag:s5] =	ssyncset.done $0x0  }
0x222: {  	[sflag:s5] =	ssyncadd.s32 $0xFFFFEC00  }
0x223: {  	_ =	swait.ge [sflag:s12], $0x1400  }
0x224: {  	[sflag:s12] =	ssyncset.done $0x0  }
0x225: {  	s20 =	simm.s32 $0x0;
	[sflag:s12] =	ssyncadd.s32 $0xFFFFEC00  }
0x226: {  	v1 =	vld [tilespmem:s20+$0x1C510]  }
0x227: {  	v2 =	vld [tilespmem:s20+$0x19D10]  }
0x228: {  	v3 =	vld [tilespmem:s20+$0x1C2A0]  }
0x229: {  	v4 =	vld [tilespmem:s20+$0x19AA0]  }
0x22a: {  	v5 =	vld [tilespmem:s20+$0x1C2B0]  }
0x22b: {  	v6 =	vld [tilespmem:s20+$0x19AB0]  }
0x22c: {  	v7 =	vld [tilespmem:s20+$0x1C2C0]  }
0x22d: {  	v8 =	vld [tilespmem:s20+$0x1C2D0]  }
0x22e: {  	v1 =	vmul.f32 v2, v1;
	v2 =	vld [tilespmem:s20+$0x19AC0]  }
0x22f: {  	v3 =	vmul.f32 v4, v3;
	v4 =	vld [tilespmem:s20+$0x1C2E0]  }
0x230: {  	[tilespmem:s20+$0x1D910] =	vst v1;
	v1 =	vld [tilespmem:s20+$0x19AD0]  }
0x231: {  	[tilespmem:s20+$0x1D6A0] =	vst v3;
	v3 =	vmul.f32 v6, v5;
	v5 =	vld [tilespmem:s20+$0x19AE0]  }
0x232: {  	v6 =	vld [tilespmem:s20+$0x19AF0]  }
0x233: {  	[tilespmem:s20+$0x1D6B0] =	vst v3;
	v3 =	vld [tilespmem:s20+$0x1C2F0];
	v2 =	vmul.f32 v2, v7  }
0x234: {  	v7 =	vld [tilespmem:s20+$0x19B00]  }
0x235: {  	[tilespmem:s20+$0x1D6C0] =	vst v2;
	v1 =	vmul.f32 v1, v8;
	v2 =	vld [tilespmem:s20+$0x1C300]  }
0x236: {  	v8 =	vld [tilespmem:s20+$0x19CD0]  }
0x237: {  	[tilespmem:s20+$0x1D6D0] =	vst v1;
	v1 =	vmul.f32 v5, v4;
	v4 =	vld [tilespmem:s20+$0x1C310]  }
0x238: {  	v5 =	vld [tilespmem:s20+$0x19B10]  }
0x239: {  	[tilespmem:s20+$0x1D6E0] =	vst v1;
	v1 =	vmul.f32 v6, v3;
	v3 =	vld [tilespmem:s20+$0x1C320]  }
0x23a: {  	v6 =	vld [tilespmem:s20+$0x19B20]  }
0x23b: {  	[tilespmem:s20+$0x1D6F0] =	vst v1;
	v1 =	vmul.f32 v7, v2;
	v2 =	vld [tilespmem:s20+$0x1C330]  }
0x23c: {  	v7 =	vld [tilespmem:s20+$0x19B30]  }
0x23d: {  	[tilespmem:s20+$0x1D700] =	vst v1;
	v1 =	vmul.f32 v5, v4;
	v4 =	vld [tilespmem:s20+$0x1C340]  }
0x23e: {  	v5 =	vld [tilespmem:s20+$0x19B40]  }
0x23f: {  	[tilespmem:s20+$0x1D710] =	vst v1;
	v1 =	vmul.f32 v6, v3;
	v3 =	vld [tilespmem:s20+$0x1C350]  }
0x240: {  	v6 =	vld [tilespmem:s20+$0x19B50]  }
0x241: {  	[tilespmem:s20+$0x1D720] =	vst v1;
	v1 =	vmul.f32 v7, v2;
	v2 =	vld [tilespmem:s20+$0x1C360]  }
0x242: {  	v7 =	vld [tilespmem:s20+$0x19B60]  }
0x243: {  	[tilespmem:s20+$0x1D730] =	vst v1;
	v1 =	vmul.f32 v5, v4;
	v4 =	vld [tilespmem:s20+$0x1C370]  }
0x244: {  	v5 =	vld [tilespmem:s20+$0x19B70]  }
0x245: {  	[tilespmem:s20+$0x1D740] =	vst v1;
	v1 =	vmul.f32 v6, v3;
	v3 =	vld [tilespmem:s20+$0x1C380]  }
0x246: {  	v6 =	vld [tilespmem:s20+$0x19B80]  }
0x247: {  	[tilespmem:s20+$0x1D750] =	vst v1;
	v1 =	vmul.f32 v7, v2;
	v2 =	vld [tilespmem:s20+$0x1C390]  }
0x248: {  	v7 =	vld [tilespmem:s20+$0x19B90]  }
0x249: {  	[tilespmem:s20+$0x1D760] =	vst v1;
	v1 =	vmul.f32 v5, v4;
	v4 =	vld [tilespmem:s20+$0x1C3A0]  }
0x24a: {  	v5 =	vld [tilespmem:s20+$0x19BA0]  }
0x24b: {  	[tilespmem:s20+$0x1D770] =	vst v1;
	v1 =	vmul.f32 v6, v3;
	v3 =	vld [tilespmem:s20+$0x1C3B0]  }
0x24c: {  	v6 =	vld [tilespmem:s20+$0x19BB0]  }
0x24d: {  	[tilespmem:s20+$0x1D780] =	vst v1;
	v1 =	vmul.f32 v7, v2;
	v2 =	vld [tilespmem:s20+$0x1C3C0]  }
0x24e: {  	v7 =	vld [tilespmem:s20+$0x19BC0]  }
0x24f: {  	[tilespmem:s20+$0x1D790] =	vst v1;
	v1 =	vmul.f32 v5, v4;
	v4 =	vld [tilespmem:s20+$0x1C3D0]  }
0x250: {  	v5 =	vld [tilespmem:s20+$0x19BD0]  }
0x251: {  	[tilespmem:s20+$0x1D7A0] =	vst v1;
	v1 =	vmul.f32 v6, v3;
	v3 =	vld [tilespmem:s20+$0x1C3E0]  }
0x252: {  	v6 =	vld [tilespmem:s20+$0x19BE0]  }
0x253: {  	[tilespmem:s20+$0x1D7B0] =	vst v1;
	v1 =	vmul.f32 v7, v2;
	v2 =	vld [tilespmem:s20+$0x1C3F0]  }
0x254: {  	v7 =	vld [tilespmem:s20+$0x19BF0]  }
0x255: {  	[tilespmem:s20+$0x1D7C0] =	vst v1;
	v1 =	vmul.f32 v5, v4;
	v4 =	vld [tilespmem:s20+$0x1C400]  }
0x256: {  	v5 =	vld [tilespmem:s20+$0x19C00]  }
0x257: {  	[tilespmem:s20+$0x1D7D0] =	vst v1;
	v1 =	vmul.f32 v6, v3;
	v3 =	vld [tilespmem:s20+$0x1C410]  }
0x258: {  	v6 =	vld [tilespmem:s20+$0x19C10]  }
0x259: {  	[tilespmem:s20+$0x1D7E0] =	vst v1;
	v1 =	vmul.f32 v7, v2;
	v2 =	vld [tilespmem:s20+$0x1C420]  }
0x25a: {  	v7 =	vld [tilespmem:s20+$0x19C20]  }
0x25b: {  	[tilespmem:s20+$0x1D7F0] =	vst v1;
	v1 =	vmul.f32 v5, v4;
	v4 =	vld [tilespmem:s20+$0x1C430]  }
0x25c: {  	v5 =	vld [tilespmem:s20+$0x19C30]  }
0x25d: {  	[tilespmem:s20+$0x1D800] =	vst v1;
	v1 =	vmul.f32 v6, v3;
	v3 =	vld [tilespmem:s20+$0x1C440]  }
0x25e: {  	v6 =	vld [tilespmem:s20+$0x19C40]  }
0x25f: {  	[tilespmem:s20+$0x1D810] =	vst v1;
	v1 =	vmul.f32 v7, v2;
	v2 =	vld [tilespmem:s20+$0x1C450]  }
0x260: {  	v7 =	vld [tilespmem:s20+$0x19C50]  }
0x261: {  	[tilespmem:s20+$0x1D820] =	vst v1;
	v1 =	vmul.f32 v5, v4;
	v4 =	vld [tilespmem:s20+$0x1C460]  }
0x262: {  	v5 =	vld [tilespmem:s20+$0x19C60]  }
0x263: {  	[tilespmem:s20+$0x1D830] =	vst v1;
	v1 =	vmul.f32 v6, v3;
	v3 =	vld [tilespmem:s20+$0x1C470]  }
0x264: {  	v6 =	vld [tilespmem:s20+$0x19C70]  }
0x265: {  	[tilespmem:s20+$0x1D840] =	vst v1;
	v1 =	vmul.f32 v7, v2;
	v2 =	vld [tilespmem:s20+$0x1C480]  }
0x266: {  	v7 =	vld [tilespmem:s20+$0x19C80]  }
0x267: {  	[tilespmem:s20+$0x1D850] =	vst v1;
	v1 =	vmul.f32 v5, v4;
	v4 =	vld [tilespmem:s20+$0x1C490]  }
0x268: {  	v5 =	vld [tilespmem:s20+$0x19C90]  }
0x269: {  	[tilespmem:s20+$0x1D860] =	vst v1;
	v1 =	vmul.f32 v6, v3;
	v3 =	vld [tilespmem:s20+$0x1C4A0]  }
0x26a: {  	v6 =	vld [tilespmem:s20+$0x19CA0]  }
0x26b: {  	[tilespmem:s20+$0x1D870] =	vst v1;
	v1 =	vmul.f32 v7, v2;
	v2 =	vld [tilespmem:s20+$0x1C4B0]  }
0x26c: {  	v7 =	vld [tilespmem:s20+$0x19CB0]  }
0x26d: {  	[tilespmem:s20+$0x1D880] =	vst v1;
	v1 =	vmul.f32 v5, v4;
	v4 =	vld [tilespmem:s20+$0x1C4C0]  }
0x26e: {  	v5 =	vld [tilespmem:s20+$0x19CC0]  }
0x26f: {  	[tilespmem:s20+$0x1D890] =	vst v1;
	v1 =	vmul.f32 v6, v3;
	v6 =	vld [tilespmem:s20+$0x1C4D0]  }
0x270: {  	v9 =	vld [tilespmem:s20+$0x19CE0]  }
0x271: {  	[tilespmem:s20+$0x1D8A0] =	vst v1;
	v1 =	vmul.f32 v7, v2;
	v7 =	vld [tilespmem:s20+$0x1C4E0]  }
0x272: {  	v3 =	vld [tilespmem:s20+$0x1C4F0]  }
0x273: {  	[tilespmem:s20+$0x1D8B0] =	vst v1;
	v1 =	vmul.f32 v5, v4;
	v4 =	vld [tilespmem:s20+$0x19CF0]  }
0x274: {  	v5 =	vld [tilespmem:s20+$0x19D00];
	v6 =	vmul.f32 v8, v6  }
0x275: {  	s23 =	simm.s32 $0x280;
	[tilespmem:s20+$0x1D8C0] =	vst v1;
	v1 =	vld [tilespmem:s20+$0x1C500]  }
0x276: {  	s22 =	simm.s32 $0x1400;
	v2 =	vld [tilespmem:s23+$0x1C510];
	[tilespmem:s20+$0x1D8D0] =	vst v6;
	v6 =	vmul.f32 v9, v7  }
.LBB2_7:
0x277: {  	p2 =	sne.s32 s22, $0x4600;
	v7 =	vld [tilespmem:s23+$0x19D10]  }
0x278: {  	v8 =	vld [tilespmem:s23+$0x1C2A0];
	[tilespmem:s20+$0x1D8E0] =	vst v6;
	v3 =	vmul.f32 v4, v3  }
0x279: {  	v4 =	vld [tilespmem:s23+$0x19AA0]  }
0x27a: {  	v6 =	vld [tilespmem:s23+$0x1C2B0];
	[tilespmem:s20+$0x1D8F0] =	vst v3;
	v1 =	vmul.f32 v5, v1  }
0x27b: {  	v3 =	vld [tilespmem:s23+$0x19AB0]  }
0x27c: {  	v5 =	vld [tilespmem:s23+$0x1C2C0];
	v2 =	vmul.f32 v7, v2;
	[tilespmem:s20+$0x1D900] =	vst v1;
	s20 =	smov.u32 s23  }
0x27d: {  	v1 =	vld [tilespmem:s20+$0x19AC0]  }
0x27e: {  	v4 =	vmul.f32 v4, v8;
	v7 =	vld [tilespmem:s20+$0x1C2D0];
	[tilespmem:s20+$0x1D910] =	vst v2  }
0x27f: {  	v2 =	vld [tilespmem:s20+$0x19AD0]  }
0x280: {  	[tilespmem:s20+$0x1D6A0] =	vst v4;
	v3 =	vmul.f32 v3, v6;
	v4 =	vld [tilespmem:s20+$0x1C2E0]  }
0x281: {  	v6 =	vld [tilespmem:s20+$0x19AE0]  }
0x282: {  	[tilespmem:s20+$0x1D6B0] =	vst v3;
	v1 =	vmul.f32 v1, v5;
	v3 =	vld [tilespmem:s20+$0x1C2F0]  }
0x283: {  	v5 =	vld [tilespmem:s20+$0x19AF0]  }
0x284: {  	[tilespmem:s20+$0x1D6C0] =	vst v1;
	v1 =	vmul.f32 v2, v7;
	v2 =	vld [tilespmem:s20+$0x1C300]  }
0x285: {  	v7 =	vld [tilespmem:s20+$0x19B00]  }
0x286: {  	[tilespmem:s20+$0x1D6D0] =	vst v1;
	v1 =	vmul.f32 v6, v4;
	v4 =	vld [tilespmem:s20+$0x1C310]  }
0x287: {  	v6 =	vld [tilespmem:s20+$0x19B10]  }
0x288: {  	[tilespmem:s20+$0x1D6E0] =	vst v1;
	v1 =	vmul.f32 v5, v3;
	v3 =	vld [tilespmem:s20+$0x1C320]  }
0x289: {  	v5 =	vld [tilespmem:s20+$0x19B20]  }
0x28a: {  	[tilespmem:s20+$0x1D6F0] =	vst v1;
	v1 =	vmul.f32 v7, v2;
	v2 =	vld [tilespmem:s20+$0x1C330]  }
0x28b: {  	v7 =	vld [tilespmem:s20+$0x19B30]  }
0x28c: {  	[tilespmem:s20+$0x1D700] =	vst v1;
	v1 =	vmul.f32 v6, v4;
	v4 =	vld [tilespmem:s20+$0x1C340]  }
0x28d: {  	v6 =	vld [tilespmem:s20+$0x19B40]  }
0x28e: {  	[tilespmem:s20+$0x1D710] =	vst v1;
	v1 =	vmul.f32 v5, v3;
	v3 =	vld [tilespmem:s20+$0x1C350]  }
0x28f: {  	v5 =	vld [tilespmem:s20+$0x19B50]  }
0x290: {  	[tilespmem:s20+$0x1D720] =	vst v1;
	v1 =	vmul.f32 v7, v2;
	v2 =	vld [tilespmem:s20+$0x1C360]  }
0x291: {  	v7 =	vld [tilespmem:s20+$0x19B60]  }
0x292: {  	[tilespmem:s20+$0x1D730] =	vst v1;
	v1 =	vmul.f32 v6, v4;
	v4 =	vld [tilespmem:s20+$0x1C370]  }
0x293: {  	v6 =	vld [tilespmem:s20+$0x19B70]  }
0x294: {  	[tilespmem:s20+$0x1D740] =	vst v1;
	v1 =	vmul.f32 v5, v3;
	v3 =	vld [tilespmem:s20+$0x1C380]  }
0x295: {  	v5 =	vld [tilespmem:s20+$0x19B80]  }
0x296: {  	[tilespmem:s20+$0x1D750] =	vst v1;
	v1 =	vmul.f32 v7, v2;
	v2 =	vld [tilespmem:s20+$0x1C390]  }
0x297: {  	v7 =	vld [tilespmem:s20+$0x19B90]  }
0x298: {  	[tilespmem:s20+$0x1D760] =	vst v1;
	v1 =	vmul.f32 v6, v4;
	v4 =	vld [tilespmem:s20+$0x1C3A0]  }
0x299: {  	v6 =	vld [tilespmem:s20+$0x19BA0]  }
0x29a: {  	[tilespmem:s20+$0x1D770] =	vst v1;
	v1 =	vmul.f32 v5, v3;
	v3 =	vld [tilespmem:s20+$0x1C3B0]  }
0x29b: {  	v5 =	vld [tilespmem:s20+$0x19BB0]  }
0x29c: {  	[tilespmem:s20+$0x1D780] =	vst v1;
	v1 =	vmul.f32 v7, v2;
	v2 =	vld [tilespmem:s20+$0x1C3C0]  }
0x29d: {  	v7 =	vld [tilespmem:s20+$0x19BC0]  }
0x29e: {  	[tilespmem:s20+$0x1D790] =	vst v1;
	v1 =	vmul.f32 v6, v4;
	v4 =	vld [tilespmem:s20+$0x1C3D0]  }
0x29f: {  	v6 =	vld [tilespmem:s20+$0x19BD0]  }
0x2a0: {  	[tilespmem:s20+$0x1D7A0] =	vst v1;
	v1 =	vmul.f32 v5, v3;
	v3 =	vld [tilespmem:s20+$0x1C3E0]  }
0x2a1: {  	v5 =	vld [tilespmem:s20+$0x19BE0]  }
0x2a2: {  	[tilespmem:s20+$0x1D7B0] =	vst v1;
	v1 =	vmul.f32 v7, v2;
	v2 =	vld [tilespmem:s20+$0x1C3F0]  }
0x2a3: {  	v7 =	vld [tilespmem:s20+$0x19BF0]  }
0x2a4: {  	[tilespmem:s20+$0x1D7C0] =	vst v1;
	v1 =	vmul.f32 v6, v4;
	v4 =	vld [tilespmem:s20+$0x1C400]  }
0x2a5: {  	v6 =	vld [tilespmem:s20+$0x19C00]  }
0x2a6: {  	[tilespmem:s20+$0x1D7D0] =	vst v1;
	v1 =	vmul.f32 v5, v3;
	v3 =	vld [tilespmem:s20+$0x1C410]  }
0x2a7: {  	v5 =	vld [tilespmem:s20+$0x19C10]  }
0x2a8: {  	[tilespmem:s20+$0x1D7E0] =	vst v1;
	v1 =	vmul.f32 v7, v2;
	v2 =	vld [tilespmem:s20+$0x1C420]  }
0x2a9: {  	v7 =	vld [tilespmem:s20+$0x19C20]  }
0x2aa: {  	[tilespmem:s20+$0x1D7F0] =	vst v1;
	v1 =	vmul.f32 v6, v4;
	v4 =	vld [tilespmem:s20+$0x1C430]  }
0x2ab: {  	v6 =	vld [tilespmem:s20+$0x19C30]  }
0x2ac: {  	[tilespmem:s20+$0x1D800] =	vst v1;
	v1 =	vmul.f32 v5, v3;
	v3 =	vld [tilespmem:s20+$0x1C440]  }
0x2ad: {  	v5 =	vld [tilespmem:s20+$0x19C40]  }
0x2ae: {  	[tilespmem:s20+$0x1D810] =	vst v1;
	v1 =	vmul.f32 v7, v2;
	v2 =	vld [tilespmem:s20+$0x1C450]  }
0x2af: {  	v7 =	vld [tilespmem:s20+$0x19C50]  }
0x2b0: {  	[tilespmem:s20+$0x1D820] =	vst v1;
	v1 =	vmul.f32 v6, v4;
	v4 =	vld [tilespmem:s20+$0x1C460]  }
0x2b1: {  	v6 =	vld [tilespmem:s20+$0x19C60]  }
0x2b2: {  	[tilespmem:s20+$0x1D830] =	vst v1;
	v1 =	vmul.f32 v5, v3;
	v3 =	vld [tilespmem:s20+$0x1C470]  }
0x2b3: {  	v5 =	vld [tilespmem:s20+$0x19C70]  }
0x2b4: {  	[tilespmem:s20+$0x1D840] =	vst v1;
	v1 =	vmul.f32 v7, v2;
	v2 =	vld [tilespmem:s20+$0x1C480]  }
0x2b5: {  	v7 =	vld [tilespmem:s20+$0x19C80]  }
0x2b6: {  	[tilespmem:s20+$0x1D850] =	vst v1;
	v1 =	vmul.f32 v6, v4;
	v4 =	vld [tilespmem:s20+$0x1C490]  }
0x2b7: {  	v6 =	vld [tilespmem:s20+$0x19C90]  }
0x2b8: {  	[tilespmem:s20+$0x1D860] =	vst v1;
	v1 =	vmul.f32 v5, v3;
	v3 =	vld [tilespmem:s20+$0x1C4A0]  }
0x2b9: {  	v5 =	vld [tilespmem:s20+$0x19CA0]  }
0x2ba: {  	[tilespmem:s20+$0x1D870] =	vst v1;
	v1 =	vmul.f32 v7, v2;
	v2 =	vld [tilespmem:s20+$0x1C4B0]  }
0x2bb: {  	v7 =	vld [tilespmem:s20+$0x19CB0]  }
0x2bc: {  	[tilespmem:s20+$0x1D880] =	vst v1;
	v1 =	vmul.f32 v6, v4;
	v4 =	vld [tilespmem:s20+$0x1C4C0]  }
0x2bd: {  	v6 =	vld [tilespmem:s20+$0x19CC0]  }
0x2be: {  	[tilespmem:s20+$0x1D890] =	vst v1;
	v1 =	vmul.f32 v5, v3;
	v5 =	vld [tilespmem:s20+$0x1C4D0]  }
0x2bf: {  	v8 =	vld [tilespmem:s20+$0x19CD0]  }
0x2c0: {  	[tilespmem:s20+$0x1D8A0] =	vst v1;
	v1 =	vmul.f32 v7, v2;
	v7 =	vld [tilespmem:s20+$0x1C4E0]  }
0x2c1: {  	v9 =	vld [tilespmem:s20+$0x19CE0]  }
.Ltmp4:
0x2c2: {  	[tilespmem:s20+$0x1D8B0] =	vst v1;
	v1 =	vmul.f32 v6, v4;
	v3 =	vld [tilespmem:s20+$0x1C4F0];
	(pc) =	sbr.rel @p2 .LBB2_7-.Ltmp4, $4  }
0x2c3: {  	v4 =	vld [tilespmem:s20+$0x19CF0]  }
0x2c4: {  	[tilespmem:s20+$0x1D8C0] =	vst v1;
	v6 =	vmul.f32 v8, v5;
	v1 =	vld [tilespmem:s20+$0x1C500]  }
0x2c5: {  	s23 =	sshra.s32 s22, $0x2;
	v5 =	vld [tilespmem:s20+$0x19D00]  }
0x2c6: {  	s22 =	sadd.s32 $0xA00, s22;
	v2 =	vld [tilespmem:s23+$0x1C510];
	[tilespmem:s20+$0x1D8D0] =	vst v6;
	v6 =	vmul.f32 v9, v7  }
0x2c7: {  	v7 =	vld [tilespmem:s23+$0x19D10]  }
0x2c8: {  	v8 =	vld [tilespmem:s23+$0x1C2A0];
	[tilespmem:s20+$0x1D8E0] =	vst v6;
	v3 =	vmul.f32 v4, v3  }
0x2c9: {  	v14 =	vld [tilespmem:s23+$0x19AA0]  }
0x2ca: {  	v6 =	vld [tilespmem:s23+$0x1C2B0];
	[tilespmem:s20+$0x1D8F0] =	vst v3;
	v1 =	vmul.f32 v5, v1  }
0x2cb: {  	v3 =	vld [tilespmem:s23+$0x19AB0]  }
0x2cc: {  	v15 =	vld [tilespmem:s23+$0x1C2C0];
	[tilespmem:s20+$0x1D900] =	vst v1  }
0x2cd: {  	v1 =	vmul.f32 v7, v2;
	v2 =	vld [tilespmem:s23+$0x19AC0]  }
0x2ce: {  	v16 =	vld [tilespmem:s23+$0x1C2D0]  }
0x2cf: {  	v17 =	vld [tilespmem:s23+$0x1C2E0]  }
0x2d0: {  	[tilespmem:s23+$0x1D910] =	vst v1;
	v1 =	vld [tilespmem:s23+$0x19AD0]  }
0x2d1: {  	v18 =	vld [tilespmem:s23+$0x19AE0]  }
0x2d2: {  	v19 =	vld [tilespmem:s23+$0x19AF0];
	v3 =	vmul.f32 v3, v6  }
0x2d3: {  	v20 =	vld [tilespmem:s23+$0x19B00]  }
0x2d4: {  	[tilespmem:s23+$0x1D6B0] =	vst v3;
	v2 =	vmul.f32 v2, v15;
	v3 =	vld [tilespmem:s23+$0x1C2F0]  }
0x2d5: {  	v21 =	vld [tilespmem:s23+$0x1C310];
	v1 =	vmul.f32 v1, v16  }
0x2d6: {  	[tilespmem:s23+$0x1D6C0] =	vst v2;
	v2 =	vld [tilespmem:s23+$0x1C300]  }
0x2d7: {  	v22 =	vld [tilespmem:s23+$0x19B10];
	[tilespmem:s23+$0x1D6D0] =	vst v1;
	v1 =	vmul.f32 v18, v17  }
0x2d8: {  	v23 =	vld [tilespmem:s23+$0x19B20]  }
0x2d9: {  	v24 =	vld [tilespmem:s23+$0x19B30];
	[tilespmem:s23+$0x1D6E0] =	vst v1;
	v1 =	vmul.f32 v19, v3  }
0x2da: {  	v3 =	vld [tilespmem:s23+$0x1C320]  }
0x2db: {  	v25 =	vld [tilespmem:s23+$0x1C340];
	[tilespmem:s23+$0x1D6F0] =	vst v1;
	v1 =	vmul.f32 v20, v2  }
0x2dc: {  	v2 =	vld [tilespmem:s23+$0x1C330]  }
0x2dd: {  	v26 =	vld [tilespmem:s23+$0x19B40];
	[tilespmem:s23+$0x1D700] =	vst v1;
	v1 =	vmul.f32 v22, v21  }
0x2de: {  	v27 =	vld [tilespmem:s23+$0x19B50]  }
0x2df: {  	v28 =	vld [tilespmem:s23+$0x19B60];
	[tilespmem:s23+$0x1D710] =	vst v1;
	v1 =	vmul.f32 v23, v3  }
0x2e0: {  	v3 =	vld [tilespmem:s23+$0x1C350]  }
0x2e1: {  	v29 =	vld [tilespmem:s23+$0x1C370];
	[tilespmem:s23+$0x1D720] =	vst v1;
	v1 =	vmul.f32 v24, v2  }
0x2e2: {  	v2 =	vld [tilespmem:s23+$0x1C360]  }
0x2e3: {  	v30 =	vld [tilespmem:s23+$0x19B70];
	[tilespmem:s23+$0x1D730] =	vst v1;
	v1 =	vmul.f32 v26, v25  }
0x2e4: {  	v31 =	vld [tilespmem:s23+$0x19B80]  }
0x2e5: {  	v32 =	vld [tilespmem:s23+$0x19B90];
	[tilespmem:s23+$0x1D740] =	vst v1;
	v1 =	vmul.f32 v27, v3  }
0x2e6: {  	v3 =	vld [tilespmem:s23+$0x1C380]  }
0x2e7: {  	v33 =	vld [tilespmem:s23+$0x1C3A0];
	[tilespmem:s23+$0x1D750] =	vst v1;
	v1 =	vmul.f32 v28, v2  }
0x2e8: {  	v2 =	vld [tilespmem:s23+$0x1C390]  }
0x2e9: {  	v34 =	vld [tilespmem:s23+$0x19BA0];
	[tilespmem:s23+$0x1D760] =	vst v1;
	v1 =	vmul.f32 v30, v29  }
0x2ea: {  	v35 =	vld [tilespmem:s23+$0x19BB0]  }
0x2eb: {  	v36 =	vld [tilespmem:s23+$0x19BC0];
	[tilespmem:s23+$0x1D770] =	vst v1;
	v1 =	vmul.f32 v31, v3  }
0x2ec: {  	v3 =	vld [tilespmem:s23+$0x1C3B0]  }
0x2ed: {  	v37 =	vld [tilespmem:s23+$0x1C3D0];
	[tilespmem:s23+$0x1D780] =	vst v1;
	v1 =	vmul.f32 v32, v2  }
0x2ee: {  	v2 =	vld [tilespmem:s23+$0x1C3C0]  }
0x2ef: {  	v38 =	vld [tilespmem:s23+$0x19BD0];
	[tilespmem:s23+$0x1D790] =	vst v1;
	v1 =	vmul.f32 v34, v33  }
0x2f0: {  	v39 =	vld [tilespmem:s23+$0x19BE0]  }
0x2f1: {  	v40 =	vld [tilespmem:s23+$0x19BF0];
	[tilespmem:s23+$0x1D7A0] =	vst v1;
	v1 =	vmul.f32 v35, v3  }
0x2f2: {  	v3 =	vld [tilespmem:s23+$0x1C3E0]  }
0x2f3: {  	v41 =	vld [tilespmem:s23+$0x1C400];
	[tilespmem:s23+$0x1D7B0] =	vst v1;
	v1 =	vmul.f32 v36, v2  }
0x2f4: {  	v2 =	vld [tilespmem:s23+$0x1C3F0]  }
0x2f5: {  	v42 =	vld [tilespmem:s23+$0x19C00];
	[tilespmem:s23+$0x1D7C0] =	vst v1;
	v1 =	vmul.f32 v38, v37  }
0x2f6: {  	v43 =	vld [tilespmem:s23+$0x19C10]  }
0x2f7: {  	v44 =	vld [tilespmem:s23+$0x19C20];
	[tilespmem:s23+$0x1D7D0] =	vst v1;
	v1 =	vmul.f32 v39, v3  }
0x2f8: {  	v3 =	vld [tilespmem:s23+$0x1C410]  }
0x2f9: {  	v45 =	vld [tilespmem:s23+$0x1C430];
	[tilespmem:s23+$0x1D7E0] =	vst v1;
	v1 =	vmul.f32 v40, v2  }
0x2fa: {  	v2 =	vld [tilespmem:s23+$0x1C420]  }
0x2fb: {  	v46 =	vld [tilespmem:s23+$0x19C30];
	[tilespmem:s23+$0x1D7F0] =	vst v1;
	v1 =	vmul.f32 v42, v41  }
0x2fc: {  	v47 =	vld [tilespmem:s23+$0x19C40]  }
0x2fd: {  	v48 =	vld [tilespmem:s23+$0x19C50];
	[tilespmem:s23+$0x1D800] =	vst v1;
	v1 =	vmul.f32 v43, v3  }
0x2fe: {  	v3 =	vld [tilespmem:s23+$0x1C440]  }
0x2ff: {  	v49 =	vld [tilespmem:s23+$0x1C460];
	[tilespmem:s23+$0x1D810] =	vst v1;
	v1 =	vmul.f32 v44, v2  }
0x300: {  	v2 =	vld [tilespmem:s23+$0x1C450]  }
0x301: {  	v50 =	vld [tilespmem:s23+$0x19C60];
	[tilespmem:s23+$0x1D820] =	vst v1;
	v1 =	vmul.f32 v46, v45  }
0x302: {  	v51 =	vld [tilespmem:s23+$0x19C70]  }
0x303: {  	v52 =	vld [tilespmem:s23+$0x19C80];
	[tilespmem:s23+$0x1D830] =	vst v1;
	v1 =	vmul.f32 v47, v3  }
0x304: {  	v3 =	vld [tilespmem:s23+$0x1C470]  }
0x305: {  	v53 =	vld [tilespmem:s23+$0x1C490];
	[tilespmem:s23+$0x1D840] =	vst v1;
	v1 =	vmul.f32 v48, v2  }
0x306: {  	v2 =	vld [tilespmem:s23+$0x1C480]  }
0x307: {  	v54 =	vld [tilespmem:s23+$0x19C90];
	[tilespmem:s23+$0x1D850] =	vst v1;
	v1 =	vmul.f32 v50, v49  }
0x308: {  	v55 =	vld [tilespmem:s23+$0x19CA0]  }
0x309: {  	v56 =	vld [tilespmem:s23+$0x19CB0];
	[tilespmem:s23+$0x1D860] =	vst v1;
	v1 =	vmul.f32 v51, v3  }
0x30a: {  	v3 =	vld [tilespmem:s23+$0x1C4A0]  }
0x30b: {  	v57 =	vld [tilespmem:s23+$0x1C4C0];
	[tilespmem:s23+$0x1D870] =	vst v1;
	v1 =	vmul.f32 v52, v2  }
0x30c: {  	v2 =	vld [tilespmem:s23+$0x1C4B0]  }
0x30d: {  	v58 =	vld [tilespmem:s23+$0x19CC0];
	[tilespmem:s23+$0x1D880] =	vst v1;
	v1 =	vmul.f32 v54, v53  }
0x30e: {  	v59 =	vld [tilespmem:s23+$0x19CD0]  }
0x30f: {  	v60 =	vld [tilespmem:s23+$0x19CE0];
	[tilespmem:s23+$0x1D890] =	vst v1;
	v1 =	vmul.f32 v55, v3  }
0x310: {  	v61 =	vld [tilespmem:s23+$0x1C4F0]  }
0x311: {  	v62 =	vld [tilespmem:s23+$0x19CF0];
	[tilespmem:s23+$0x1D8A0] =	vst v1;
	v1 =	vmul.f32 v56, v2  }
0x312: {  	v3 =	vld [tilespmem:s23+$0x1C4D0]  }
0x313: {  	v2 =	vld [tilespmem:s23+$0x1C4E0];
	[tilespmem:s23+$0x1D8B0] =	vst v1;
	v1 =	vmul.f32 v58, v57  }
0x314: {  	v63 =	vld [tilespmem:s23+$0x19D00]  }
0x315: {  	[tilespmem:s23+$0x1D8C0] =	vst v1;
	v1 =	vld [tilespmem:s23+$0x1C500]  }
0x316: {  	v4 =	vmul.f32 v14, v8  }
0x317: {  	v3 =	vmul.f32 v59, v3  }
0x318: {  	[tilespmem:s23+$0x1D6A0] =	vst v4;
	v2 =	vmul.f32 v60, v2  }
.Ltmp5:
0x319: {  	[tilespmem:s23+$0x1D8D0] =	vst v3;
	v3 =	vmul.f32 v62, v61;
	(pc) =	sbr.rel @p1 .LBB2_10-.Ltmp5, $4  }
0x31a: {  	[tilespmem:s23+$0x1D8E0] =	vst v2;
	v1 =	vmul.f32 v63, v1  }
0x31b: {  	[tilespmem:s23+$0x1D8F0] =	vst v3  }
0x31c: {  	s16 =	sadd.s32 $0x15FB8, s16;
	[tilespmem:s23+$0x1D900] =	vst v1  }
0x31d: {  	[spmem:s19] =	stream.indirect.scatter.add.f32 [tilespmem:s2], [sflag:$0x5], $0x80, s16, s6, $0xb8;
	[tilespmem:$0x1EAA0] =	vst v63  }
0x31e: {  	s15 =	sadd.s32 $0x3, s15  }
0x31f: {  	s16 =	smul.u32 $0xA0, s15;
	_ =	sdelay $0x1  }
.Ltmp6:
0x320: {  	s15 =	sadd.s32 s4, s15;
	s16 =	sshra.s32 s16, $0x2;
	(pc) =	sbr.rel .LBB2_4-.Ltmp6, $4  }
0x321: {  	s15 =	smul.u32 $0x280, s15;
	s16 =	sadd.s32 $0x13880, s16  }
0x322: {  	[tilespmem:s7], [sflag:$0x2] =	stream.indirect.gather [hbm4b:s18+s6], $0x80, s16, s6, $0xb8;
	[tilespmem:$0x1EAA0] =	vst v63  }
0x323: {  	s14 =	sadd.s32 $0x1, s14;
	s15 =	sadd.s32 s21, s15  }
0x324: {  	[tilespmem:s8], [sflag:$0x4] =	stream.linear.gather [hbm4b:s15+s1], $0x1400, $0x38;
	[tilespmem:$0x1EAA0] =	vst v63  }
.LBB2_11:
0x325: {  	_ =	sfence.sel $0x180000  }
0x326: {  	[bflag:$0x0] =	sbarrier.arrive $0xFFFF  }
0x327: {  	_ =	strace $0x9000004A  }
0x328: {  	s0 =	stileid.u32;
	[bflag:$0x2] =	sbarrier.arrive $0xFFFF  }
0x329: {  	p0 =	sne.s32 s0, $0x0;
	s0 =	rddreg [dreg:$0x3]  }
0x32a: {  	s0 =	sadd.s32 @!p0 $0x100000, s0  }
0x32b: {  	[sflag:s0] =	ssyncadd.tile.s32 @!p0 $0x1;
	_ =	shalt  }
.Lfunc_end2:
_tile_overlayer_lowered:
.L_overlay_start_2:
0x32c: {  	(tag) =	ssettag $0x2  }
0x32d: {  	s0 =	rddreg [dreg:$0x0];
	s2 =	stileid.u32  }
0x32e: {  	s1 =	rddreg [dreg:$0x1];
	p0 =	sne.s32 s2, $0x0  }
0x32f: {  	s3 =	rddreg [dreg:$0x2];
	[bflag:$0x3] =	sbarrier.arrive $0xFFFF;
	s2 =	simm.s32 @!p0 $0x1C06  }
0x330: {  	[timem:s3], [sflag:s2] =	dma.local @!p0 [hbm:s0], s1  }
0x331: {  	s0 =	simm.s32 @!p0 $0x6  }
0x332: {  	_ =	swait.ge @!p0 [sflag:s0], s1  }
0x333: {  	s1 =	ssub.s32 @!p0 $0x0, s1;
	[sflag:s0] =	ssyncset.done @!p0 $0x0  }
0x334: {  	[sflag:s0] =	ssyncadd.s32 @!p0 s1  }
0x335: {  	[bflag:$0x3] =	sbarrier.arrive $0xFFFF  }
0x336: {  	_ =	shalt  }

</sc_bundles>
